<compile_context>
chip_gen: v7x
topology: tpu7x:2x2x1
jax: 0.10.2.dev20260603
libtpu: 0.0.44.dev20260713+nightly
codegen_flags: <defaults>
</compile_context>

<pallas_src>
import jax
import jax.numpy as jnp
from jax import lax
from jax.experimental import pallas as pl
from jax.experimental.pallas import tpu as pltpu
from jax.experimental.pallas import tpu_sc as plsc

B, E, N, D = 256, 512, 256, 128
NC, NS = 2, 16
NW = NC * NS
BPW = B // NW
ICHUNK = 128
NCH = E // ICHUNK
LANES = 16
ZROWS = 64


def _sc_body(msg_hbm, idx_hbm, out_hbm, msg_v, idx_v, zero_v, acc_sh,
             sem_zero, sem_msg, sem_store0, sem_store1):
    cid = lax.axis_index("c")
    sid = lax.axis_index("s")
    wid = sid * NC + cid
    b0 = wid * BPW
    sem_store = (sem_store0, sem_store1)

    def _zrow(r, _):
        for j in range(D // LANES):
            zero_v[r, pl.ds(j * LANES, LANES)] = jnp.zeros(
                (LANES,), jnp.float32)
        return _
    lax.fori_loop(0, ZROWS, _zrow, None)

    def zero_slab(p):
        slab = sid * 2 + p
        return [
            pltpu.async_copy(
                zero_v, acc_sh.at[slab, pl.ds(z * ZROWS, ZROWS)], sem_zero)
            for z in range(N // ZROWS)
        ]

    def load_chunk(i, j):
        return pltpu.async_copy(
            msg_hbm.at[b0 + i, pl.ds(j * ICHUNK, ICHUNK)], msg_v, sem_msg)

    zpend = [None, None]
    zpend[0] = zero_slab(0)
    spend = [None, None]
    mpend = load_chunk(0, 0)

    for i in range(BPW):
        p = i & 1
        slab = sid * 2 + p
        pltpu.sync_copy(idx_hbm.at[b0 + i], idx_v)
        mpend.wait()
        for d in zpend[p]:
            d.wait()
        zpend[p] = None
        for j in range(NCH):
            pltpu.sync_copy(
                msg_v, acc_sh.at[slab].at[idx_v.at[j]], add=True)
            if j + 1 < NCH:
                pltpu.sync_copy(
                    msg_hbm.at[b0 + i, pl.ds((j + 1) * ICHUNK, ICHUNK)],
                    msg_v)
        pltpu.sync_copy(zero_v.at[0], acc_sh.at[slab, 0])
        spend[p] = pltpu.async_copy(
            acc_sh.at[slab], out_hbm.at[b0 + i], sem_store[p])
        if i + 1 < BPW:
            q = p ^ 1
            if spend[q] is not None:
                spend[q].wait()
                spend[q] = None
            zpend[q] = zero_slab(q)
            mpend = load_chunk(i + 1, 0)
    for q in (0, 1):
        if spend[q] is not None:
            spend[q].wait()


@jax.jit
def kernel(messages, tgt_idx, atom_ref):
    del atom_ref
    idx3 = tgt_idx.reshape(B, NCH, ICHUNK)
    run = pl.kernel(
        _sc_body,
        out_type=jax.ShapeDtypeStruct((B, N, D), jnp.float32),
        mesh=plsc.VectorSubcoreMesh(
            core_axis_name="c", subcore_axis_name="s"),
        scratch_types=[
            pltpu.VMEM((ICHUNK, D), jnp.float32),
            pltpu.VMEM((NCH, ICHUNK), jnp.int32),
            pltpu.VMEM((ZROWS, D), jnp.float32),
            pltpu.VMEM_SHARED((NS * 2, N, D), jnp.float32),
            pltpu.SemaphoreType.DMA,
            pltpu.SemaphoreType.DMA,
            pltpu.SemaphoreType.DMA,
            pltpu.SemaphoreType.DMA,
        ],
    )
    return run(messages, idx3)

# --- scband reference (transcript-rebuilt; emitter-appended) ---
"""Pipeline reference for scband-reduce-19902878449960 (READ-ONLY COPY).

The authoritative reference and input builder live on the scoring server;
editing this copy changes nothing except your own understanding.
"""

import jax, jax.numpy as jnp
import numpy as np


def setup_inputs(seed: int = 0) -> dict:
    key = jax.random.key(seed)
    k1, k2, k3 = jax.random.split(key, 3)
    B, E, N, D = 256, 512, 256, 128
    messages = jax.random.normal(k1, (B, E, D), dtype=jnp.float32)
    tgt_idx = jax.random.randint(k2, (B, E), 0, N, dtype=jnp.int32)
    atom_ref = jax.random.normal(k3, (B, N, D), dtype=jnp.float32)
    return {"messages": messages, "tgt_idx": tgt_idx, "atom_ref": atom_ref}


def reference(messages, tgt_idx, atom_ref):
    # Faithful translation of the Keras Reduce layer:
    #   scatter-add messages[b, e, :] into aggregated[b, tgt_idx[b, e], :],
    #   skipping padded edges where tgt_idx == 0.
    # Masking the message to zero before the scatter is mathematically
    # identical to dropping it (tf.boolean_mask + tf.scatter_nd): the padded
    # rows contribute exact zeros at slot 0 instead of being removed.
    B, E, D = messages.shape
    N = atom_ref.shape[1]
    valid = (tgt_idx > 0)
    msg = messages * valid[..., None].astype(messages.dtype)
    batch_idx = jnp.arange(B, dtype=tgt_idx.dtype)[:, None]  # [B,1]
    flat_idx = (batch_idx * N + tgt_idx).reshape(-1)          # [B*E]
    flat_msg = msg.reshape(-1, D)                             # [B*E, D]
    agg = jax.ops.segment_sum(flat_msg, flat_idx, num_segments=B * N)
    return agg.reshape(B, N, D)

if __name__ == "__main__":
    import jax
    _d = setup_inputs()
    print(jax.jit(kernel)(*tuple(_d.values())))

</pallas_src>

<mosaic_0001>
#map = affine_map<(d0, d1) -> (0, 0, 0)>
module attributes {stable_mosaic.version = 14 : i64} {
  func.func @_sc_body(%arg0: i32, %arg1: i32, %arg2: memref<256x512x128xf32, #tpu.memory_space<hbm>>, %arg3: memref<256x4x128xi32, #tpu.memory_space<hbm>>, %arg4: memref<256x256x128xf32, #tpu.memory_space<hbm>>, %arg5: memref<128x128xf32, #tpu.memory_space<vmem>>, %arg6: memref<4x128xi32, #tpu.memory_space<vmem>>, %arg7: memref<64x128xf32, #tpu.memory_space<vmem>>, %arg8: memref<32x256x128xf32, #tpu.memory_space<vmem_shared>>, %arg9: memref<!tpu.dma_semaphore, #tpu.memory_space<semaphore_mem>>, %arg10: memref<!tpu.dma_semaphore, #tpu.memory_space<semaphore_mem>>, %arg11: memref<!tpu.dma_semaphore, #tpu.memory_space<semaphore_mem>>, %arg12: memref<!tpu.dma_semaphore, #tpu.memory_space<semaphore_mem>>) attributes {dimension_semantics = [#tpu.dimension_semantics<core_parallel>, #tpu.dimension_semantics<subcore_parallel>], iteration_bounds = array<i64: 2, 16>, scalar_prefetch = 0 : i64, scratch_operands = 8 : i64, tpu.core_type = #tpu.core_type<sc_vector_subcore>, window_params = [{transform_indices = #map}, {transform_indices = #map}, {transform_indices = #map}]} {
    %mul3A = arith.constant 2 : i32
    %mul3A_0 = arith.muli %arg1, %mul3A : i32
    %add3A = arith.addi %mul3A_0, %arg0 : i32
    %mul3A_1 = arith.constant 8 : i32
    %mul3A_2 = arith.muli %add3A, %mul3A_1 : i32
    %scan3A = arith.constant 0 : i32
    %scan3A_3 = arith.constant 64 : i32
    %scan3A_4 = arith.addi %scan3A, %scan3A_3 : i32
    %scan3A_5 = arith.constant 1 : i32
    scf.for %scan3A_980 = %scan3A to %scan3A_4 step %scan3A_5  : i32 {
      %broadcast_in_dim3A = arith.constant 0.000000e+00 : f32
      %broadcast_in_dim3A_981 = vector.broadcast %broadcast_in_dim3A : f32 to vector<16xf32>
      %swap3A = arith.index_cast %scan3A_980 : i32 to index
      %swap3A_982 = arith.constant 0 : index
      %swap3A_983 = tpu.vector_load %arg7[%swap3A, %swap3A_982] {strides = array<i32>} : memref<64x128xf32, #tpu.memory_space<vmem>>, vector<1x16xf32>,
      %swap3A_984 = vector.shape_cast %swap3A_983 : vector<1x16xf32> to vector<16xf32>
      %swap3A_985 = vector.shape_cast %broadcast_in_dim3A_981 : vector<16xf32> to vector<1x16xf32>
      tpu.vector_store %arg7[%swap3A, %swap3A_982], %swap3A_985 {strides = array<i32>} : memref<64x128xf32, #tpu.memory_space<vmem>>, vector<1x16xf32>,
      %broadcast_in_dim3A_986 = arith.constant 0.000000e+00 : f32
      %broadcast_in_dim3A_987 = vector.broadcast %broadcast_in_dim3A_986 : f32 to vector<16xf32>
      %swap3A_988 = arith.index_cast %scan3A_980 : i32 to index
      %swap3A_989 = arith.constant 16 : index
      %swap3A_990 = tpu.vector_load %arg7[%swap3A_988, %swap3A_989] {strides = array<i32>} : memref<64x128xf32, #tpu.memory_space<vmem>>, vector<1x16xf32>,
      %swap3A_991 = vector.shape_cast %swap3A_990 : vector<1x16xf32> to vector<16xf32>
      %swap3A_992 = vector.shape_cast %broadcast_in_dim3A_987 : vector<16xf32> to vector<1x16xf32>
      tpu.vector_store %arg7[%swap3A_988, %swap3A_989], %swap3A_992 {strides = array<i32>} : memref<64x128xf32, #tpu.memory_space<vmem>>, vector<1x16xf32>,
      %broadcast_in_dim3A_993 = arith.constant 0.000000e+00 : f32
      %broadcast_in_dim3A_994 = vector.broadcast %broadcast_in_dim3A_993 : f32 to vector<16xf32>
      %swap3A_995 = arith.index_cast %scan3A_980 : i32 to index
      %swap3A_996 = arith.constant 32 : index
      %swap3A_997 = tpu.vector_load %arg7[%swap3A_995, %swap3A_996] {strides = array<i32>} : memref<64x128xf32, #tpu.memory_space<vmem>>, vector<1x16xf32>,
      %swap3A_998 = vector.shape_cast %swap3A_997 : vector<1x16xf32> to vector<16xf32>
      %swap3A_999 = vector.shape_cast %broadcast_in_dim3A_994 : vector<16xf32> to vector<1x16xf32>
      tpu.vector_store %arg7[%swap3A_995, %swap3A_996], %swap3A_999 {strides = array<i32>} : memref<64x128xf32, #tpu.memory_space<vmem>>, vector<1x16xf32>,
      %broadcast_in_dim3A_1000 = arith.constant 0.000000e+00 : f32
      %broadcast_in_dim3A_1001 = vector.broadcast %broadcast_in_dim3A_1000 : f32 to vector<16xf32>
      %swap3A_1002 = arith.index_cast %scan3A_980 : i32 to index
      %swap3A_1003 = arith.constant 48 : index
      %swap3A_1004 = tpu.vector_load %arg7[%swap3A_1002, %swap3A_1003] {strides = array<i32>} : memref<64x128xf32, #tpu.memory_space<vmem>>, vector<1x16xf32>,
      %swap3A_1005 = vector.shape_cast %swap3A_1004 : vector<1x16xf32> to vector<16xf32>
      %swap3A_1006 = vector.shape_cast %broadcast_in_dim3A_1001 : vector<16xf32> to vector<1x16xf32>
      tpu.vector_store %arg7[%swap3A_1002, %swap3A_1003], %swap3A_1006 {strides = array<i32>} : memref<64x128xf32, #tpu.memory_space<vmem>>, vector<1x16xf32>,
      %broadcast_in_dim3A_1007 = arith.constant 0.000000e+00 : f32
      %broadcast_in_dim3A_1008 = vector.broadcast %broadcast_in_dim3A_1007 : f32 to vector<16xf32>
      %swap3A_1009 = arith.index_cast %scan3A_980 : i32 to index
      %swap3A_1010 = arith.constant 64 : index
      %swap3A_1011 = tpu.vector_load %arg7[%swap3A_1009, %swap3A_1010] {strides = array<i32>} : memref<64x128xf32, #tpu.memory_space<vmem>>, vector<1x16xf32>,
      %swap3A_1012 = vector.shape_cast %swap3A_1011 : vector<1x16xf32> to vector<16xf32>
      %swap3A_1013 = vector.shape_cast %broadcast_in_dim3A_1008 : vector<16xf32> to vector<1x16xf32>
      tpu.vector_store %arg7[%swap3A_1009, %swap3A_1010], %swap3A_1013 {strides = array<i32>} : memref<64x128xf32, #tpu.memory_space<vmem>>, vector<1x16xf32>,
      %broadcast_in_dim3A_1014 = arith.constant 0.000000e+00 : f32
      %broadcast_in_dim3A_1015 = vector.broadcast %broadcast_in_dim3A_1014 : f32 to vector<16xf32>
      %swap3A_1016 = arith.index_cast %scan3A_980 : i32 to index
      %swap3A_1017 = arith.constant 80 : index
      %swap3A_1018 = tpu.vector_load %arg7[%swap3A_1016, %swap3A_1017] {strides = array<i32>} : memref<64x128xf32, #tpu.memory_space<vmem>>, vector<1x16xf32>,
      %swap3A_1019 = vector.shape_cast %swap3A_1018 : vector<1x16xf32> to vector<16xf32>
      %swap3A_1020 = vector.shape_cast %broadcast_in_dim3A_1015 : vector<16xf32> to vector<1x16xf32>
      tpu.vector_store %arg7[%swap3A_1016, %swap3A_1017], %swap3A_1020 {strides = array<i32>} : memref<64x128xf32, #tpu.memory_space<vmem>>, vector<1x16xf32>,
      %broadcast_in_dim3A_1021 = arith.constant 0.000000e+00 : f32
      %broadcast_in_dim3A_1022 = vector.broadcast %broadcast_in_dim3A_1021 : f32 to vector<16xf32>
      %swap3A_1023 = arith.index_cast %scan3A_980 : i32 to index
      %swap3A_1024 = arith.constant 96 : index
      %swap3A_1025 = tpu.vector_load %arg7[%swap3A_1023, %swap3A_1024] {strides = array<i32>} : memref<64x128xf32, #tpu.memory_space<vmem>>, vector<1x16xf32>,
      %swap3A_1026 = vector.shape_cast %swap3A_1025 : vector<1x16xf32> to vector<16xf32>
      %swap3A_1027 = vector.shape_cast %broadcast_in_dim3A_1022 : vector<16xf32> to vector<1x16xf32>
      tpu.vector_store %arg7[%swap3A_1023, %swap3A_1024], %swap3A_1027 {strides = array<i32>} : memref<64x128xf32, #tpu.memory_space<vmem>>, vector<1x16xf32>,
      %broadcast_in_dim3A_1028 = arith.constant 0.000000e+00 : f32
      %broadcast_in_dim3A_1029 = vector.broadcast %broadcast_in_dim3A_1028 : f32 to vector<16xf32>
      %swap3A_1030 = arith.index_cast %scan3A_980 : i32 to index
      %swap3A_1031 = arith.constant 112 : index
      %swap3A_1032 = tpu.vector_load %arg7[%swap3A_1030, %swap3A_1031] {strides = array<i32>} : memref<64x128xf32, #tpu.memory_space<vmem>>, vector<1x16xf32>,
      %swap3A_1033 = vector.shape_cast %swap3A_1032 : vector<1x16xf32> to vector<16xf32>
      %swap3A_1034 = vector.shape_cast %broadcast_in_dim3A_1029 : vector<16xf32> to vector<1x16xf32>
      tpu.vector_store %arg7[%swap3A_1030, %swap3A_1031], %swap3A_1034 {strides = array<i32>} : memref<64x128xf32, #tpu.memory_space<vmem>>, vector<1x16xf32>,
    }
    %scan3A_6 = arith.constant 64 : i32
    %mul3A_7 = arith.constant 2 : i32
    %mul3A_8 = arith.muli %arg1, %mul3A_7 : i32
    %add3A_9 = arith.constant 0 : i32
    %add3A_10 = arith.addi %mul3A_8, %add3A_9 : i32
    %dma_start3A = arith.constant 0 : i32
    %dma_start3A_11 = arith.constant 0 : i32
    %dma_start3A_12 = tpu.memref_slice %arg8[%add3A_10, %dma_start3A, %dma_start3A_11] : memref<32x256x128xf32, #tpu.memory_space<vmem_shared>> -> memref<1x64x128xf32, #tpu.memory_space<vmem_shared>>
    %dma_start3A_13 = tpu.memref_squeeze %dma_start3A_12 : memref<1x64x128xf32, #tpu.memory_space<vmem_shared>> -> memref<64x128xf32, #tpu.memory_space<vmem_shared>>
    %dma_start3A_14 = arith.constant 0 : i32
    %dma_start3A_15 = arith.constant 0 : i32
    %dma_start3A_16 = tpu.memref_slice %arg8[%add3A_10, %dma_start3A_14, %dma_start3A_15] : memref<32x256x128xf32, #tpu.memory_space<vmem_shared>> -> memref<1x64x128xf32, #tpu.memory_space<vmem_shared>>
    %dma_start3A_17 = tpu.memref_squeeze %dma_start3A_16 : memref<1x64x128xf32, #tpu.memory_space<vmem_shared>> -> memref<64x128xf32, #tpu.memory_space<vmem_shared>>
    tpu.enqueue_dma source(%arg7 : memref<64x128xf32, #tpu.memory_space<vmem>>) target(%dma_start3A_17 : memref<64x128xf32, #tpu.memory_space<vmem_shared>>) target_semaphore(%arg9 : memref<!tpu.dma_semaphore, #tpu.memory_space<semaphore_mem>>)
    %dma_start3A_18 = arith.constant 64 : i32
    %dma_start3A_19 = arith.constant 0 : i32
    %dma_start3A_20 = tpu.memref_slice %arg8[%add3A_10, %dma_start3A_18, %dma_start3A_19] : memref<32x256x128xf32, #tpu.memory_space<vmem_shared>> -> memref<1x64x128xf32, #tpu.memory_space<vmem_shared>>
    %dma_start3A_21 = tpu.memref_squeeze %dma_start3A_20 : memref<1x64x128xf32, #tpu.memory_space<vmem_shared>> -> memref<64x128xf32, #tpu.memory_space<vmem_shared>>
    %dma_start3A_22 = arith.constant 64 : i32
    %dma_start3A_23 = arith.constant 0 : i32
    %dma_start3A_24 = tpu.memref_slice %arg8[%add3A_10, %dma_start3A_22, %dma_start3A_23] : memref<32x256x128xf32, #tpu.memory_space<vmem_shared>> -> memref<1x64x128xf32, #tpu.memory_space<vmem_shared>>
    %dma_start3A_25 = tpu.memref_squeeze %dma_start3A_24 : memref<1x64x128xf32, #tpu.memory_space<vmem_shared>> -> memref<64x128xf32, #tpu.memory_space<vmem_shared>>
    tpu.enqueue_dma source(%arg7 : memref<64x128xf32, #tpu.memory_space<vmem>>) target(%dma_start3A_25 : memref<64x128xf32, #tpu.memory_space<vmem_shared>>) target_semaphore(%arg9 : memref<!tpu.dma_semaphore, #tpu.memory_space<semaphore_mem>>)
    %dma_start3A_26 = arith.constant 128 : i32
    %dma_start3A_27 = arith.constant 0 : i32
    %dma_start3A_28 = tpu.memref_slice %arg8[%add3A_10, %dma_start3A_26, %dma_start3A_27] : memref<32x256x128xf32, #tpu.memory_space<vmem_shared>> -> memref<1x64x128xf32, #tpu.memory_space<vmem_shared>>
    %dma_start3A_29 = tpu.memref_squeeze %dma_start3A_28 : memref<1x64x128xf32, #tpu.memory_space<vmem_shared>> -> memref<64x128xf32, #tpu.memory_space<vmem_shared>>
    %dma_start3A_30 = arith.constant 128 : i32
    %dma_start3A_31 = arith.constant 0 : i32
    %dma_start3A_32 = tpu.memref_slice %arg8[%add3A_10, %dma_start3A_30, %dma_start3A_31] : memref<32x256x128xf32, #tpu.memory_space<vmem_shared>> -> memref<1x64x128xf32, #tpu.memory_space<vmem_shared>>
    %dma_start3A_33 = tpu.memref_squeeze %dma_start3A_32 : memref<1x64x128xf32, #tpu.memory_space<vmem_shared>> -> memref<64x128xf32, #tpu.memory_space<vmem_shared>>
    tpu.enqueue_dma source(%arg7 : memref<64x128xf32, #tpu.memory_space<vmem>>) target(%dma_start3A_33 : memref<64x128xf32, #tpu.memory_space<vmem_shared>>) target_semaphore(%arg9 : memref<!tpu.dma_semaphore, #tpu.memory_space<semaphore_mem>>)
    %dma_start3A_34 = arith.constant 192 : i32
    %dma_start3A_35 = arith.constant 0 : i32
    %dma_start3A_36 = tpu.memref_slice %arg8[%add3A_10, %dma_start3A_34, %dma_start3A_35] : memref<32x256x128xf32, #tpu.memory_space<vmem_shared>> -> memref<1x64x128xf32, #tpu.memory_space<vmem_shared>>
    %dma_start3A_37 = tpu.memref_squeeze %dma_start3A_36 : memref<1x64x128xf32, #tpu.memory_space<vmem_shared>> -> memref<64x128xf32, #tpu.memory_space<vmem_shared>>
    %dma_start3A_38 = arith.constant 192 : i32
    %dma_start3A_39 = arith.constant 0 : i32
    %dma_start3A_40 = tpu.memref_slice %arg8[%add3A_10, %dma_start3A_38, %dma_start3A_39] : memref<32x256x128xf32, #tpu.memory_space<vmem_shared>> -> memref<1x64x128xf32, #tpu.memory_space<vmem_shared>>
    %dma_start3A_41 = tpu.memref_squeeze %dma_start3A_40 : memref<1x64x128xf32, #tpu.memory_space<vmem_shared>> -> memref<64x128xf32, #tpu.memory_space<vmem_shared>>
    tpu.enqueue_dma source(%arg7 : memref<64x128xf32, #tpu.memory_space<vmem>>) target(%dma_start3A_41 : memref<64x128xf32, #tpu.memory_space<vmem_shared>>) target_semaphore(%arg9 : memref<!tpu.dma_semaphore, #tpu.memory_space<semaphore_mem>>)
    %add3A_42 = arith.constant 0 : i32
    %add3A_43 = arith.addi %mul3A_2, %add3A_42 : i32
    %dma_start3A_44 = arith.constant 0 : i32
    %dma_start3A_45 = arith.constant 0 : i32
    %dma_start3A_46 = tpu.memref_slice %arg2[%add3A_43, %dma_start3A_44, %dma_start3A_45] : memref<256x512x128xf32, #tpu.memory_space<hbm>> -> memref<1x128x128xf32, #tpu.memory_space<hbm>>
    %dma_start3A_47 = tpu.memref_squeeze %dma_start3A_46 : memref<1x128x128xf32, #tpu.memory_space<hbm>> -> memref<128x128xf32, #tpu.memory_space<hbm>>
    %dma_start3A_48 = arith.constant 0 : i32
    %dma_start3A_49 = arith.constant 0 : i32
    %dma_start3A_50 = tpu.memref_slice %arg2[%add3A_43, %dma_start3A_48, %dma_start3A_49] : memref<256x512x128xf32, #tpu.memory_space<hbm>> -> memref<1x128x128xf32, #tpu.memory_space<hbm>>
    %dma_start3A_51 = tpu.memref_squeeze %dma_start3A_50 : memref<1x128x128xf32, #tpu.memory_space<hbm>> -> memref<128x128xf32, #tpu.memory_space<hbm>>
    tpu.enqueue_dma source(%dma_start3A_51 : memref<128x128xf32, #tpu.memory_space<hbm>>) target(%arg5 : memref<128x128xf32, #tpu.memory_space<vmem>>) target_semaphore(%arg10 : memref<!tpu.dma_semaphore, #tpu.memory_space<semaphore_mem>>)
    %mul3A_52 = arith.constant 2 : i32
    %mul3A_53 = arith.muli %arg1, %mul3A_52 : i32
    %add3A_54 = arith.constant 0 : i32
    %add3A_55 = arith.addi %mul3A_53, %add3A_54 : i32
    %add3A_56 = arith.constant 0 : i32
    %add3A_57 = arith.addi %mul3A_2, %add3A_56 : i32
    "tpu.region"() ({
      %run_scoped3A_980 = tpu.sem_alloc : memref<!tpu.dma_semaphore, #tpu.memory_space<semaphore_mem>>
      %dma_start3A_981 = arith.constant 0 : i32
      %dma_start3A_982 = arith.constant 0 : i32
      %dma_start3A_983 = tpu.memref_slice %arg3[%add3A_57, %dma_start3A_981, %dma_start3A_982] : memref<256x4x128xi32, #tpu.memory_space<hbm>> -> memref<1x4x128xi32, #tpu.memory_space<hbm>>
      %dma_start3A_984 = tpu.memref_squeeze %dma_start3A_983 : memref<1x4x128xi32, #tpu.memory_space<hbm>> -> memref<4x128xi32, #tpu.memory_space<hbm>>
      %dma_start3A_985 = arith.constant 0 : i32
      %dma_start3A_986 = arith.constant 0 : i32
      %dma_start3A_987 = tpu.memref_slice %arg3[%add3A_57, %dma_start3A_985, %dma_start3A_986] : memref<256x4x128xi32, #tpu.memory_space<hbm>> -> memref<1x4x128xi32, #tpu.memory_space<hbm>>
      %dma_start3A_988 = tpu.memref_squeeze %dma_start3A_987 : memref<1x4x128xi32, #tpu.memory_space<hbm>> -> memref<4x128xi32, #tpu.memory_space<hbm>>
      tpu.enqueue_dma source(%dma_start3A_988 : memref<4x128xi32, #tpu.memory_space<hbm>>) target(%arg6 : memref<4x128xi32, #tpu.memory_space<vmem>>) target_semaphore(%run_scoped3A_980 : memref<!tpu.dma_semaphore, #tpu.memory_space<semaphore_mem>>)
      %dma_wait3A_989 = arith.constant 0 : i32
      %dma_wait3A_990 = arith.constant 0 : i32
      %dma_wait3A_991 = tpu.memref_slice %arg3[%add3A_57, %dma_wait3A_989, %dma_wait3A_990] : memref<256x4x128xi32, #tpu.memory_space<hbm>> -> memref<1x4x128xi32, #tpu.memory_space<hbm>>
      %dma_wait3A_992 = tpu.memref_squeeze %dma_wait3A_991 : memref<1x4x128xi32, #tpu.memory_space<hbm>> -> memref<4x128xi32, #tpu.memory_space<hbm>>
      %dma_wait3A_993 = arith.constant 0 : i32
      %dma_wait3A_994 = arith.constant 0 : i32
      %dma_wait3A_995 = tpu.memref_slice %arg3[%add3A_57, %dma_wait3A_993, %dma_wait3A_994] : memref<256x4x128xi32, #tpu.memory_space<hbm>> -> memref<1x4x128xi32, #tpu.memory_space<hbm>>
      %dma_wait3A_996 = tpu.memref_squeeze %dma_wait3A_995 : memref<1x4x128xi32, #tpu.memory_space<hbm>> -> memref<4x128xi32, #tpu.memory_space<hbm>>
      tpu.wait_dma2 semaphore(%run_scoped3A_980 : memref<!tpu.dma_semaphore, #tpu.memory_space<semaphore_mem>>) src(%dma_wait3A_996 : memref<4x128xi32, #tpu.memory_space<hbm>>) dst(%arg6 : memref<4x128xi32, #tpu.memory_space<vmem>>)
      tpu.yield
    }) : () -> ()
    %dma_wait3A = arith.constant 0 : i32
    %dma_wait3A_58 = arith.constant 0 : i32
    %dma_wait3A_59 = tpu.memref_slice %arg2[%add3A_43, %dma_wait3A, %dma_wait3A_58] : memref<256x512x128xf32, #tpu.memory_space<hbm>> -> memref<1x128x128xf32, #tpu.memory_space<hbm>>
    %dma_wait3A_60 = tpu.memref_squeeze %dma_wait3A_59 : memref<1x128x128xf32, #tpu.memory_space<hbm>> -> memref<128x128xf32, #tpu.memory_space<hbm>>
    %dma_wait3A_61 = arith.constant 0 : i32
    %dma_wait3A_62 = arith.constant 0 : i32
    %dma_wait3A_63 = tpu.memref_slice %arg2[%add3A_43, %dma_wait3A_61, %dma_wait3A_62] : memref<256x512x128xf32, #tpu.memory_space<hbm>> -> memref<1x128x128xf32, #tpu.memory_space<hbm>>
    %dma_wait3A_64 = tpu.memref_squeeze %dma_wait3A_63 : memref<1x128x128xf32, #tpu.memory_space<hbm>> -> memref<128x128xf32, #tpu.memory_space<hbm>>
    tpu.wait_dma2 semaphore(%arg10 : memref<!tpu.dma_semaphore, #tpu.memory_space<semaphore_mem>>) src(%dma_wait3A_64 : memref<128x128xf32, #tpu.memory_space<hbm>>) dst(%arg5 : memref<128x128xf32, #tpu.memory_space<vmem>>)
    %dma_wait3A_65 = arith.constant 0 : i32
    %dma_wait3A_66 = arith.constant 0 : i32
    %dma_wait3A_67 = tpu.memref_slice %arg8[%add3A_10, %dma_wait3A_65, %dma_wait3A_66] : memref<32x256x128xf32, #tpu.memory_space<vmem_shared>> -> memref<1x64x128xf32, #tpu.memory_space<vmem_shared>>
    %dma_wait3A_68 = tpu.memref_squeeze %dma_wait3A_67 : memref<1x64x128xf32, #tpu.memory_space<vmem_shared>> -> memref<64x128xf32, #tpu.memory_space<vmem_shared>>
    %dma_wait3A_69 = arith.constant 0 : i32
    %dma_wait3A_70 = arith.constant 0 : i32
    %dma_wait3A_71 = tpu.memref_slice %arg8[%add3A_10, %dma_wait3A_69, %dma_wait3A_70] : memref<32x256x128xf32, #tpu.memory_space<vmem_shared>> -> memref<1x64x128xf32, #tpu.memory_space<vmem_shared>>
    %dma_wait3A_72 = tpu.memref_squeeze %dma_wait3A_71 : memref<1x64x128xf32, #tpu.memory_space<vmem_shared>> -> memref<64x128xf32, #tpu.memory_space<vmem_shared>>
    tpu.wait_dma2 semaphore(%arg9 : memref<!tpu.dma_semaphore, #tpu.memory_space<semaphore_mem>>) src(%arg7 : memref<64x128xf32, #tpu.memory_space<vmem>>) dst(%dma_wait3A_72 : memref<64x128xf32, #tpu.memory_space<vmem_shared>>)
    %dma_wait3A_73 = arith.constant 64 : i32
    %dma_wait3A_74 = arith.constant 0 : i32
    %dma_wait3A_75 = tpu.memref_slice %arg8[%add3A_10, %dma_wait3A_73, %dma_wait3A_74] : memref<32x256x128xf32, #tpu.memory_space<vmem_shared>> -> memref<1x64x128xf32, #tpu.memory_space<vmem_shared>>
    %dma_wait3A_76 = tpu.memref_squeeze %dma_wait3A_75 : memref<1x64x128xf32, #tpu.memory_space<vmem_shared>> -> memref<64x128xf32, #tpu.memory_space<vmem_shared>>
    %dma_wait3A_77 = arith.constant 64 : i32
    %dma_wait3A_78 = arith.constant 0 : i32
    %dma_wait3A_79 = tpu.memref_slice %arg8[%add3A_10, %dma_wait3A_77, %dma_wait3A_78] : memref<32x256x128xf32, #tpu.memory_space<vmem_shared>> -> memref<1x64x128xf32, #tpu.memory_space<vmem_shared>>
    %dma_wait3A_80 = tpu.memref_squeeze %dma_wait3A_79 : memref<1x64x128xf32, #tpu.memory_space<vmem_shared>> -> memref<64x128xf32, #tpu.memory_space<vmem_shared>>
    tpu.wait_dma2 semaphore(%arg9 : memref<!tpu.dma_semaphore, #tpu.memory_space<semaphore_mem>>) src(%arg7 : memref<64x128xf32, #tpu.memory_space<vmem>>) dst(%dma_wait3A_80 : memref<64x128xf32, #tpu.memory_space<vmem_shared>>)
    %dma_wait3A_81 = arith.constant 128 : i32
    %dma_wait3A_82 = arith.constant 0 : i32
    %dma_wait3A_83 = tpu.memref_slice %arg8[%add3A_10, %dma_wait3A_81, %dma_wait3A_82] : memref<32x256x128xf32, #tpu.memory_space<vmem_shared>> -> memref<1x64x128xf32, #tpu.memory_space<vmem_shared>>
    %dma_wait3A_84 = tpu.memref_squeeze %dma_wait3A_83 : memref<1x64x128xf32, #tpu.memory_space<vmem_shared>> -> memref<64x128xf32, #tpu.memory_space<vmem_shared>>
    %dma_wait3A_85 = arith.constant 128 : i32
    %dma_wait3A_86 = arith.constant 0 : i32
    %dma_wait3A_87 = tpu.memref_slice %arg8[%add3A_10, %dma_wait3A_85, %dma_wait3A_86] : memref<32x256x128xf32, #tpu.memory_space<vmem_shared>> -> memref<1x64x128xf32, #tpu.memory_space<vmem_shared>>
    %dma_wait3A_88 = tpu.memref_squeeze %dma_wait3A_87 : memref<1x64x128xf32, #tpu.memory_space<vmem_shared>> -> memref<64x128xf32, #tpu.memory_space<vmem_shared>>
    tpu.wait_dma2 semaphore(%arg9 : memref<!tpu.dma_semaphore, #tpu.memory_space<semaphore_mem>>) src(%arg7 : memref<64x128xf32, #tpu.memory_space<vmem>>) dst(%dma_wait3A_88 : memref<64x128xf32, #tpu.memory_space<vmem_shared>>)
    %dma_wait3A_89 = arith.constant 192 : i32
    %dma_wait3A_90 = arith.constant 0 : i32
    %dma_wait3A_91 = tpu.memref_slice %arg8[%add3A_10, %dma_wait3A_89, %dma_wait3A_90] : memref<32x256x128xf32, #tpu.memory_space<vmem_shared>> -> memref<1x64x128xf32, #tpu.memory_space<vmem_shared>>
    %dma_wait3A_92 = tpu.memref_squeeze %dma_wait3A_91 : memref<1x64x128xf32, #tpu.memory_space<vmem_shared>> -> memref<64x128xf32, #tpu.memory_space<vmem_shared>>
    %dma_wait3A_93 = arith.constant 192 : i32
    %dma_wait3A_94 = arith.constant 0 : i32
    %dma_wait3A_95 = tpu.memref_slice %arg8[%add3A_10, %dma_wait3A_93, %dma_wait3A_94] : memref<32x256x128xf32, #tpu.memory_space<vmem_shared>> -> memref<1x64x128xf32, #tpu.memory_space<vmem_shared>>
    %dma_wait3A_96 = tpu.memref_squeeze %dma_wait3A_95 : memref<1x64x128xf32, #tpu.memory_space<vmem_shared>> -> memref<64x128xf32, #tpu.memory_space<vmem_shared>>
    tpu.wait_dma2 semaphore(%arg9 : memref<!tpu.dma_semaphore, #tpu.memory_space<semaphore_mem>>) src(%arg7 : memref<64x128xf32, #tpu.memory_space<vmem>>) dst(%dma_wait3A_96 : memref<64x128xf32, #tpu.memory_space<vmem_shared>>)
    %run_scoped3A = arith.constant 0 : i32
    "tpu.region"() ({
      %run_scoped3A_980 = tpu.sem_alloc : memref<!tpu.dma_semaphore, #tpu.memory_space<semaphore_mem>>
      %dma_start3A_981 = arith.constant 0 : i32
      %dma_start3A_982 = tpu.memref_slice %arg6[%run_scoped3A, %dma_start3A_981] : memref<4x128xi32, #tpu.memory_space<vmem>> -> memref<1x128xi32, #tpu.memory_space<vmem>>
      %dma_start3A_983 = tpu.memref_squeeze %dma_start3A_982 : memref<1x128xi32, #tpu.memory_space<vmem>> -> memref<128xi32, #tpu.memory_space<vmem>>
      %dma_start3A_984 = arith.constant 0 : i32
      %dma_start3A_985 = arith.constant 0 : i32
      %dma_start3A_986 = tpu.memref_slice %arg8[%add3A_55, %dma_start3A_984, %dma_start3A_985] : memref<32x256x128xf32, #tpu.memory_space<vmem_shared>> -> memref<1x256x128xf32, #tpu.memory_space<vmem_shared>>
      %dma_start3A_987 = tpu.memref_squeeze %dma_start3A_986 : memref<1x256x128xf32, #tpu.memory_space<vmem_shared>> -> memref<256x128xf32, #tpu.memory_space<vmem_shared>>
      %dma_start3A_988 = arith.constant 0 : i32
      %dma_start3A_989 = arith.constant 0 : i32
      %dma_start3A_990 = tpu.memref_slice %dma_start3A_987[%dma_start3A_988, %dma_start3A_989] : memref<256x128xf32, #tpu.memory_space<vmem_shared>> -> memref<256x128xf32, #tpu.memory_space<vmem_shared>>
      tpu.enqueue_indirect_dma source(%arg5 : memref<128x128xf32, #tpu.memory_space<vmem>>) target(%dma_start3A_990 : memref<256x128xf32, #tpu.memory_space<vmem_shared>>) offsets(%dma_start3A_983 : memref<128xi32, #tpu.memory_space<vmem>>) semaphore(%run_scoped3A_980 : memref<!tpu.dma_semaphore, #tpu.memory_space<semaphore_mem>>) {add = true}
      %dma_wait3A_991 = arith.constant 0 : i32
      %dma_wait3A_992 = tpu.memref_slice %arg6[%run_scoped3A, %dma_wait3A_991] : memref<4x128xi32, #tpu.memory_space<vmem>> -> memref<1x128xi32, #tpu.memory_space<vmem>>
      %dma_wait3A_993 = tpu.memref_squeeze %dma_wait3A_992 : memref<1x128xi32, #tpu.memory_space<vmem>> -> memref<128xi32, #tpu.memory_space<vmem>>
      %dma_wait3A_994 = arith.constant 0 : i32
      %dma_wait3A_995 = arith.constant 0 : i32
      %dma_wait3A_996 = tpu.memref_slice %arg8[%add3A_55, %dma_wait3A_994, %dma_wait3A_995] : memref<32x256x128xf32, #tpu.memory_space<vmem_shared>> -> memref<1x256x128xf32, #tpu.memory_space<vmem_shared>>
      %dma_wait3A_997 = tpu.memref_squeeze %dma_wait3A_996 : memref<1x256x128xf32, #tpu.memory_space<vmem_shared>> -> memref<256x128xf32, #tpu.memory_space<vmem_shared>>
      %dma_wait3A_998 = arith.constant 0 : i32
      %dma_wait3A_999 = arith.constant 0 : i32
      %dma_wait3A_1000 = tpu.memref_slice %dma_wait3A_997[%dma_wait3A_998, %dma_wait3A_999] : memref<256x128xf32, #tpu.memory_space<vmem_shared>> -> memref<256x128xf32, #tpu.memory_space<vmem_shared>>
      tpu.wait_indirect_dma semaphore(%run_scoped3A_980 : memref<!tpu.dma_semaphore, #tpu.memory_space<semaphore_mem>>) src(%arg5 : memref<128x128xf32, #tpu.memory_space<vmem>>) dst(%dma_wait3A_1000 : memref<256x128xf32, #tpu.memory_space<vmem_shared>>)
      tpu.yield
    }) : () -> ()
    %add3A_97 = arith.constant 0 : i32
    %add3A_98 = arith.addi %mul3A_2, %add3A_97 : i32
    "tpu.region"() ({
      %run_scoped3A_980 = tpu.sem_alloc : memref<!tpu.dma_semaphore, #tpu.memory_space<semaphore_mem>>
      %dma_start3A_981 = arith.constant 128 : i32
      %dma_start3A_982 = arith.constant 0 : i32
      %dma_start3A_983 = tpu.memref_slice %arg2[%add3A_98, %dma_start3A_981, %dma_start3A_982] : memref<256x512x128xf32, #tpu.memory_space<hbm>> -> memref<1x128x128xf32, #tpu.memory_space<hbm>>
      %dma_start3A_984 = tpu.memref_squeeze %dma_start3A_983 : memref<1x128x128xf32, #tpu.memory_space<hbm>> -> memref<128x128xf32, #tpu.memory_space<hbm>>
      %dma_start3A_985 = arith.constant 128 : i32
      %dma_start3A_986 = arith.constant 0 : i32
      %dma_start3A_987 = tpu.memref_slice %arg2[%add3A_98, %dma_start3A_985, %dma_start3A_986] : memref<256x512x128xf32, #tpu.memory_space<hbm>> -> memref<1x128x128xf32, #tpu.memory_space<hbm>>
      %dma_start3A_988 = tpu.memref_squeeze %dma_start3A_987 : memref<1x128x128xf32, #tpu.memory_space<hbm>> -> memref<128x128xf32, #tpu.memory_space<hbm>>
      tpu.enqueue_dma source(%dma_start3A_988 : memref<128x128xf32, #tpu.memory_space<hbm>>) target(%arg5 : memref<128x128xf32, #tpu.memory_space<vmem>>) target_semaphore(%run_scoped3A_980 : memref<!tpu.dma_semaphore, #tpu.memory_space<semaphore_mem>>)
      %dma_wait3A_989 = arith.constant 128 : i32
      %dma_wait3A_990 = arith.constant 0 : i32
      %dma_wait3A_991 = tpu.memref_slice %arg2[%add3A_98, %dma_wait3A_989, %dma_wait3A_990] : memref<256x512x128xf32, #tpu.memory_space<hbm>> -> memref<1x128x128xf32, #tpu.memory_space<hbm>>
      %dma_wait3A_992 = tpu.memref_squeeze %dma_wait3A_991 : memref<1x128x128xf32, #tpu.memory_space<hbm>> -> memref<128x128xf32, #tpu.memory_space<hbm>>
      %dma_wait3A_993 = arith.constant 128 : i32
      %dma_wait3A_994 = arith.constant 0 : i32
      %dma_wait3A_995 = tpu.memref_slice %arg2[%add3A_98, %dma_wait3A_993, %dma_wait3A_994] : memref<256x512x128xf32, #tpu.memory_space<hbm>> -> memref<1x128x128xf32, #tpu.memory_space<hbm>>
      %dma_wait3A_996 = tpu.memref_squeeze %dma_wait3A_995 : memref<1x128x128xf32, #tpu.memory_space<hbm>> -> memref<128x128xf32, #tpu.memory_space<hbm>>
      tpu.wait_dma2 semaphore(%run_scoped3A_980 : memref<!tpu.dma_semaphore, #tpu.memory_space<semaphore_mem>>) src(%dma_wait3A_996 : memref<128x128xf32, #tpu.memory_space<hbm>>) dst(%arg5 : memref<128x128xf32, #tpu.memory_space<vmem>>)
      tpu.yield
    }) : () -> ()
    %run_scoped3A_99 = arith.constant 1 : i32
    "tpu.region"() ({
      %run_scoped3A_980 = tpu.sem_alloc : memref<!tpu.dma_semaphore, #tpu.memory_space<semaphore_mem>>
      %dma_start3A_981 = arith.constant 0 : i32
      %dma_start3A_982 = tpu.memref_slice %arg6[%run_scoped3A_99, %dma_start3A_981] : memref<4x128xi32, #tpu.memory_space<vmem>> -> memref<1x128xi32, #tpu.memory_space<vmem>>
      %dma_start3A_983 = tpu.memref_squeeze %dma_start3A_982 : memref<1x128xi32, #tpu.memory_space<vmem>> -> memref<128xi32, #tpu.memory_space<vmem>>
      %dma_start3A_984 = arith.constant 0 : i32
      %dma_start3A_985 = arith.constant 0 : i32
      %dma_start3A_986 = tpu.memref_slice %arg8[%add3A_55, %dma_start3A_984, %dma_start3A_985] : memref<32x256x128xf32, #tpu.memory_space<vmem_shared>> -> memref<1x256x128xf32, #tpu.memory_space<vmem_shared>>
      %dma_start3A_987 = tpu.memref_squeeze %dma_start3A_986 : memref<1x256x128xf32, #tpu.memory_space<vmem_shared>> -> memref<256x128xf32, #tpu.memory_space<vmem_shared>>
      %dma_start3A_988 = arith.constant 0 : i32
      %dma_start3A_989 = arith.constant 0 : i32
      %dma_start3A_990 = tpu.memref_slice %dma_start3A_987[%dma_start3A_988, %dma_start3A_989] : memref<256x128xf32, #tpu.memory_space<vmem_shared>> -> memref<256x128xf32, #tpu.memory_space<vmem_shared>>
      tpu.enqueue_indirect_dma source(%arg5 : memref<128x128xf32, #tpu.memory_space<vmem>>) target(%dma_start3A_990 : memref<256x128xf32, #tpu.memory_space<vmem_shared>>) offsets(%dma_start3A_983 : memref<128xi32, #tpu.memory_space<vmem>>) semaphore(%run_scoped3A_980 : memref<!tpu.dma_semaphore, #tpu.memory_space<semaphore_mem>>) {add = true}
      %dma_wait3A_991 = arith.constant 0 : i32
      %dma_wait3A_992 = tpu.memref_slice %arg6[%run_scoped3A_99, %dma_wait3A_991] : memref<4x128xi32, #tpu.memory_space<vmem>> -> memref<1x128xi32, #tpu.memory_space<vmem>>
      %dma_wait3A_993 = tpu.memref_squeeze %dma_wait3A_992 : memref<1x128xi32, #tpu.memory_space<vmem>> -> memref<128xi32, #tpu.memory_space<vmem>>
      %dma_wait3A_994 = arith.constant 0 : i32
      %dma_wait3A_995 = arith.constant 0 : i32
      %dma_wait3A_996 = tpu.memref_slice %arg8[%add3A_55, %dma_wait3A_994, %dma_wait3A_995] : memref<32x256x128xf32, #tpu.memory_space<vmem_shared>> -> memref<1x256x128xf32, #tpu.memory_space<vmem_shared>>
      %dma_wait3A_997 = tpu.memref_squeeze %dma_wait3A_996 : memref<1x256x128xf32, #tpu.memory_space<vmem_shared>> -> memref<256x128xf32, #tpu.memory_space<vmem_shared>>
      %dma_wait3A_998 = arith.constant 0 : i32
      %dma_wait3A_999 = arith.constant 0 : i32
      %dma_wait3A_1000 = tpu.memref_slice %dma_wait3A_997[%dma_wait3A_998, %dma_wait3A_999] : memref<256x128xf32, #tpu.memory_space<vmem_shared>> -> memref<256x128xf32, #tpu.memory_space<vmem_shared>>
      tpu.wait_indirect_dma semaphore(%run_scoped3A_980 : memref<!tpu.dma_semaphore, #tpu.memory_space<semaphore_mem>>) src(%arg5 : memref<128x128xf32, #tpu.memory_space<vmem>>) dst(%dma_wait3A_1000 : memref<256x128xf32, #tpu.memory_space<vmem_shared>>)
      tpu.yield
    }) : () -> ()
    %add3A_100 = arith.constant 0 : i32
    %add3A_101 = arith.addi %mul3A_2, %add3A_100 : i32
    "tpu.region"() ({
      %run_scoped3A_980 = tpu.sem_alloc : memref<!tpu.dma_semaphore, #tpu.memory_space<semaphore_mem>>
      %dma_start3A_981 = arith.constant 256 : i32
      %dma_start3A_982 = arith.constant 0 : i32
      %dma_start3A_983 = tpu.memref_slice %arg2[%add3A_101, %dma_start3A_981, %dma_start3A_982] : memref<256x512x128xf32, #tpu.memory_space<hbm>> -> memref<1x128x128xf32, #tpu.memory_space<hbm>>
      %dma_start3A_984 = tpu.memref_squeeze %dma_start3A_983 : memref<1x128x128xf32, #tpu.memory_space<hbm>> -> memref<128x128xf32, #tpu.memory_space<hbm>>
      %dma_start3A_985 = arith.constant 256 : i32
      %dma_start3A_986 = arith.constant 0 : i32
      %dma_start3A_987 = tpu.memref_slice %arg2[%add3A_101, %dma_start3A_985, %dma_start3A_986] : memref<256x512x128xf32, #tpu.memory_space<hbm>> -> memref<1x128x128xf32, #tpu.memory_space<hbm>>
      %dma_start3A_988 = tpu.memref_squeeze %dma_start3A_987 : memref<1x128x128xf32, #tpu.memory_space<hbm>> -> memref<128x128xf32, #tpu.memory_space<hbm>>
      tpu.enqueue_dma source(%dma_start3A_988 : memref<128x128xf32, #tpu.memory_space<hbm>>) target(%arg5 : memref<128x128xf32, #tpu.memory_space<vmem>>) target_semaphore(%run_scoped3A_980 : memref<!tpu.dma_semaphore, #tpu.memory_space<semaphore_mem>>)
      %dma_wait3A_989 = arith.constant 256 : i32
      %dma_wait3A_990 = arith.constant 0 : i32
      %dma_wait3A_991 = tpu.memref_slice %arg2[%add3A_101, %dma_wait3A_989, %dma_wait3A_990] : memref<256x512x128xf32, #tpu.memory_space<hbm>> -> memref<1x128x128xf32, #tpu.memory_space<hbm>>
      %dma_wait3A_992 = tpu.memref_squeeze %dma_wait3A_991 : memref<1x128x128xf32, #tpu.memory_space<hbm>> -> memref<128x128xf32, #tpu.memory_space<hbm>>
      %dma_wait3A_993 = arith.constant 256 : i32
      %dma_wait3A_994 = arith.constant 0 : i32
      %dma_wait3A_995 = tpu.memref_slice %arg2[%add3A_101, %dma_wait3A_993, %dma_wait3A_994] : memref<256x512x128xf32, #tpu.memory_space<hbm>> -> memref<1x128x128xf32, #tpu.memory_space<hbm>>
      %dma_wait3A_996 = tpu.memref_squeeze %dma_wait3A_995 : memref<1x128x128xf32, #tpu.memory_space<hbm>> -> memref<128x128xf32, #tpu.memory_space<hbm>>
      tpu.wait_dma2 semaphore(%run_scoped3A_980 : memref<!tpu.dma_semaphore, #tpu.memory_space<semaphore_mem>>) src(%dma_wait3A_996 : memref<128x128xf32, #tpu.memory_space<hbm>>) dst(%arg5 : memref<128x128xf32, #tpu.memory_space<vmem>>)
      tpu.yield
    }) : () -> ()
    %run_scoped3A_102 = arith.constant 2 : i32
    "tpu.region"() ({
      %run_scoped3A_980 = tpu.sem_alloc : memref<!tpu.dma_semaphore, #tpu.memory_space<semaphore_mem>>
      %dma_start3A_981 = arith.constant 0 : i32
      %dma_start3A_982 = tpu.memref_slice %arg6[%run_scoped3A_102, %dma_start3A_981] : memref<4x128xi32, #tpu.memory_space<vmem>> -> memref<1x128xi32, #tpu.memory_space<vmem>>
      %dma_start3A_983 = tpu.memref_squeeze %dma_start3A_982 : memref<1x128xi32, #tpu.memory_space<vmem>> -> memref<128xi32, #tpu.memory_space<vmem>>
      %dma_start3A_984 = arith.constant 0 : i32
      %dma_start3A_985 = arith.constant 0 : i32
      %dma_start3A_986 = tpu.memref_slice %arg8[%add3A_55, %dma_start3A_984, %dma_start3A_985] : memref<32x256x128xf32, #tpu.memory_space<vmem_shared>> -> memref<1x256x128xf32, #tpu.memory_space<vmem_shared>>
      %dma_start3A_987 = tpu.memref_squeeze %dma_start3A_986 : memref<1x256x128xf32, #tpu.memory_space<vmem_shared>> -> memref<256x128xf32, #tpu.memory_space<vmem_shared>>
      %dma_start3A_988 = arith.constant 0 : i32
      %dma_start3A_989 = arith.constant 0 : i32
      %dma_start3A_990 = tpu.memref_slice %dma_start3A_987[%dma_start3A_988, %dma_start3A_989] : memref<256x128xf32, #tpu.memory_space<vmem_shared>> -> memref<256x128xf32, #tpu.memory_space<vmem_shared>>
      tpu.enqueue_indirect_dma source(%arg5 : memref<128x128xf32, #tpu.memory_space<vmem>>) target(%dma_start3A_990 : memref<256x128xf32, #tpu.memory_space<vmem_shared>>) offsets(%dma_start3A_983 : memref<128xi32, #tpu.memory_space<vmem>>) semaphore(%run_scoped3A_980 : memref<!tpu.dma_semaphore, #tpu.memory_space<semaphore_mem>>) {add = true}
      %dma_wait3A_991 = arith.constant 0 : i32
      %dma_wait3A_992 = tpu.memref_slice %arg6[%run_scoped3A_102, %dma_wait3A_991] : memref<4x128xi32, #tpu.memory_space<vmem>> -> memref<1x128xi32, #tpu.memory_space<vmem>>
      %dma_wait3A_993 = tpu.memref_squeeze %dma_wait3A_992 : memref<1x128xi32, #tpu.memory_space<vmem>> -> memref<128xi32, #tpu.memory_space<vmem>>
      %dma_wait3A_994 = arith.constant 0 : i32
      %dma_wait3A_995 = arith.constant 0 : i32
      %dma_wait3A_996 = tpu.memref_slice %arg8[%add3A_55, %dma_wait3A_994, %dma_wait3A_995] : memref<32x256x128xf32, #tpu.memory_space<vmem_shared>> -> memref<1x256x128xf32, #tpu.memory_space<vmem_shared>>
      %dma_wait3A_997 = tpu.memref_squeeze %dma_wait3A_996 : memref<1x256x128xf32, #tpu.memory_space<vmem_shared>> -> memref<256x128xf32, #tpu.memory_space<vmem_shared>>
      %dma_wait3A_998 = arith.constant 0 : i32
      %dma_wait3A_999 = arith.constant 0 : i32
      %dma_wait3A_1000 = tpu.memref_slice %dma_wait3A_997[%dma_wait3A_998, %dma_wait3A_999] : memref<256x128xf32, #tpu.memory_space<vmem_shared>> -> memref<256x128xf32, #tpu.memory_space<vmem_shared>>
      tpu.wait_indirect_dma semaphore(%run_scoped3A_980 : memref<!tpu.dma_semaphore, #tpu.memory_space<semaphore_mem>>) src(%arg5 : memref<128x128xf32, #tpu.memory_space<vmem>>) dst(%dma_wait3A_1000 : memref<256x128xf32, #tpu.memory_space<vmem_shared>>)
      tpu.yield
    }) : () -> ()
    %add3A_103 = arith.constant 0 : i32
    %add3A_104 = arith.addi %mul3A_2, %add3A_103 : i32
    "tpu.region"() ({
      %run_scoped3A_980 = tpu.sem_alloc : memref<!tpu.dma_semaphore, #tpu.memory_space<semaphore_mem>>
      %dma_start3A_981 = arith.constant 384 : i32
      %dma_start3A_982 = arith.constant 0 : i32
      %dma_start3A_983 = tpu.memref_slice %arg2[%add3A_104, %dma_start3A_981, %dma_start3A_982] : memref<256x512x128xf32, #tpu.memory_space<hbm>> -> memref<1x128x128xf32, #tpu.memory_space<hbm>>
      %dma_start3A_984 = tpu.memref_squeeze %dma_start3A_983 : memref<1x128x128xf32, #tpu.memory_space<hbm>> -> memref<128x128xf32, #tpu.memory_space<hbm>>
      %dma_start3A_985 = arith.constant 384 : i32
      %dma_start3A_986 = arith.constant 0 : i32
      %dma_start3A_987 = tpu.memref_slice %arg2[%add3A_104, %dma_start3A_985, %dma_start3A_986] : memref<256x512x128xf32, #tpu.memory_space<hbm>> -> memref<1x128x128xf32, #tpu.memory_space<hbm>>
      %dma_start3A_988 = tpu.memref_squeeze %dma_start3A_987 : memref<1x128x128xf32, #tpu.memory_space<hbm>> -> memref<128x128xf32, #tpu.memory_space<hbm>>
      tpu.enqueue_dma source(%dma_start3A_988 : memref<128x128xf32, #tpu.memory_space<hbm>>) target(%arg5 : memref<128x128xf32, #tpu.memory_space<vmem>>) target_semaphore(%run_scoped3A_980 : memref<!tpu.dma_semaphore, #tpu.memory_space<semaphore_mem>>)
      %dma_wait3A_989 = arith.constant 384 : i32
      %dma_wait3A_990 = arith.constant 0 : i32
      %dma_wait3A_991 = tpu.memref_slice %arg2[%add3A_104, %dma_wait3A_989, %dma_wait3A_990] : memref<256x512x128xf32, #tpu.memory_space<hbm>> -> memref<1x128x128xf32, #tpu.memory_space<hbm>>
      %dma_wait3A_992 = tpu.memref_squeeze %dma_wait3A_991 : memref<1x128x128xf32, #tpu.memory_space<hbm>> -> memref<128x128xf32, #tpu.memory_space<hbm>>
      %dma_wait3A_993 = arith.constant 384 : i32
      %dma_wait3A_994 = arith.constant 0 : i32
      %dma_wait3A_995 = tpu.memref_slice %arg2[%add3A_104, %dma_wait3A_993, %dma_wait3A_994] : memref<256x512x128xf32, #tpu.memory_space<hbm>> -> memref<1x128x128xf32, #tpu.memory_space<hbm>>
      %dma_wait3A_996 = tpu.memref_squeeze %dma_wait3A_995 : memref<1x128x128xf32, #tpu.memory_space<hbm>> -> memref<128x128xf32, #tpu.memory_space<hbm>>
      tpu.wait_dma2 semaphore(%run_scoped3A_980 : memref<!tpu.dma_semaphore, #tpu.memory_space<semaphore_mem>>) src(%dma_wait3A_996 : memref<128x128xf32, #tpu.memory_space<hbm>>) dst(%arg5 : memref<128x128xf32, #tpu.memory_space<vmem>>)
      tpu.yield
    }) : () -> ()
    %run_scoped3A_105 = arith.constant 3 : i32
    "tpu.region"() ({
      %run_scoped3A_980 = tpu.sem_alloc : memref<!tpu.dma_semaphore, #tpu.memory_space<semaphore_mem>>
      %dma_start3A_981 = arith.constant 0 : i32
      %dma_start3A_982 = tpu.memref_slice %arg6[%run_scoped3A_105, %dma_start3A_981] : memref<4x128xi32, #tpu.memory_space<vmem>> -> memref<1x128xi32, #tpu.memory_space<vmem>>
      %dma_start3A_983 = tpu.memref_squeeze %dma_start3A_982 : memref<1x128xi32, #tpu.memory_space<vmem>> -> memref<128xi32, #tpu.memory_space<vmem>>
      %dma_start3A_984 = arith.constant 0 : i32
      %dma_start3A_985 = arith.constant 0 : i32
      %dma_start3A_986 = tpu.memref_slice %arg8[%add3A_55, %dma_start3A_984, %dma_start3A_985] : memref<32x256x128xf32, #tpu.memory_space<vmem_shared>> -> memref<1x256x128xf32, #tpu.memory_space<vmem_shared>>
      %dma_start3A_987 = tpu.memref_squeeze %dma_start3A_986 : memref<1x256x128xf32, #tpu.memory_space<vmem_shared>> -> memref<256x128xf32, #tpu.memory_space<vmem_shared>>
      %dma_start3A_988 = arith.constant 0 : i32
      %dma_start3A_989 = arith.constant 0 : i32
      %dma_start3A_990 = tpu.memref_slice %dma_start3A_987[%dma_start3A_988, %dma_start3A_989] : memref<256x128xf32, #tpu.memory_space<vmem_shared>> -> memref<256x128xf32, #tpu.memory_space<vmem_shared>>
      tpu.enqueue_indirect_dma source(%arg5 : memref<128x128xf32, #tpu.memory_space<vmem>>) target(%dma_start3A_990 : memref<256x128xf32, #tpu.memory_space<vmem_shared>>) offsets(%dma_start3A_983 : memref<128xi32, #tpu.memory_space<vmem>>) semaphore(%run_scoped3A_980 : memref<!tpu.dma_semaphore, #tpu.memory_space<semaphore_mem>>) {add = true}
      %dma_wait3A_991 = arith.constant 0 : i32
      %dma_wait3A_992 = tpu.memref_slice %arg6[%run_scoped3A_105, %dma_wait3A_991] : memref<4x128xi32, #tpu.memory_space<vmem>> -> memref<1x128xi32, #tpu.memory_space<vmem>>
      %dma_wait3A_993 = tpu.memref_squeeze %dma_wait3A_992 : memref<1x128xi32, #tpu.memory_space<vmem>> -> memref<128xi32, #tpu.memory_space<vmem>>
      %dma_wait3A_994 = arith.constant 0 : i32
      %dma_wait3A_995 = arith.constant 0 : i32
      %dma_wait3A_996 = tpu.memref_slice %arg8[%add3A_55, %dma_wait3A_994, %dma_wait3A_995] : memref<32x256x128xf32, #tpu.memory_space<vmem_shared>> -> memref<1x256x128xf32, #tpu.memory_space<vmem_shared>>
      %dma_wait3A_997 = tpu.memref_squeeze %dma_wait3A_996 : memref<1x256x128xf32, #tpu.memory_space<vmem_shared>> -> memref<256x128xf32, #tpu.memory_space<vmem_shared>>
      %dma_wait3A_998 = arith.constant 0 : i32
      %dma_wait3A_999 = arith.constant 0 : i32
      %dma_wait3A_1000 = tpu.memref_slice %dma_wait3A_997[%dma_wait3A_998, %dma_wait3A_999] : memref<256x128xf32, #tpu.memory_space<vmem_shared>> -> memref<256x128xf32, #tpu.memory_space<vmem_shared>>
      tpu.wait_indirect_dma semaphore(%run_scoped3A_980 : memref<!tpu.dma_semaphore, #tpu.memory_space<semaphore_mem>>) src(%arg5 : memref<128x128xf32, #tpu.memory_space<vmem>>) dst(%dma_wait3A_1000 : memref<256x128xf32, #tpu.memory_space<vmem_shared>>)
      tpu.yield
    }) : () -> ()
    %run_scoped3A_106 = arith.constant 0 : i32
    %run_scoped3A_107 = arith.constant 0 : i32
    "tpu.region"() ({
      %run_scoped3A_980 = tpu.sem_alloc : memref<!tpu.dma_semaphore, #tpu.memory_space<semaphore_mem>>
      %dma_start3A_981 = arith.constant 0 : i32
      %dma_start3A_982 = tpu.memref_slice %arg7[%run_scoped3A_106, %dma_start3A_981] : memref<64x128xf32, #tpu.memory_space<vmem>> -> memref<1x128xf32, #tpu.memory_space<vmem>>
      %dma_start3A_983 = tpu.memref_squeeze %dma_start3A_982 : memref<1x128xf32, #tpu.memory_space<vmem>> -> memref<128xf32, #tpu.memory_space<vmem>>
      %dma_start3A_984 = arith.constant 0 : i32
      %dma_start3A_985 = tpu.memref_slice %arg8[%add3A_55, %run_scoped3A_107, %dma_start3A_984] : memref<32x256x128xf32, #tpu.memory_space<vmem_shared>> -> memref<1x1x128xf32, #tpu.memory_space<vmem_shared>>
      %dma_start3A_986 = tpu.memref_squeeze %dma_start3A_985 : memref<1x1x128xf32, #tpu.memory_space<vmem_shared>> -> memref<128xf32, #tpu.memory_space<vmem_shared>>
      %dma_start3A_987 = arith.constant 0 : i32
      %dma_start3A_988 = tpu.memref_slice %arg8[%add3A_55, %run_scoped3A_107, %dma_start3A_987] : memref<32x256x128xf32, #tpu.memory_space<vmem_shared>> -> memref<1x1x128xf32, #tpu.memory_space<vmem_shared>>
      %dma_start3A_989 = tpu.memref_squeeze %dma_start3A_988 : memref<1x1x128xf32, #tpu.memory_space<vmem_shared>> -> memref<128xf32, #tpu.memory_space<vmem_shared>>
      %dma_start3A_990 = arith.constant 0 : i32
      %dma_start3A_991 = tpu.memref_slice %arg7[%run_scoped3A_106, %dma_start3A_990] : memref<64x128xf32, #tpu.memory_space<vmem>> -> memref<1x128xf32, #tpu.memory_space<vmem>>
      %dma_start3A_992 = tpu.memref_squeeze %dma_start3A_991 : memref<1x128xf32, #tpu.memory_space<vmem>> -> memref<128xf32, #tpu.memory_space<vmem>>
      tpu.enqueue_dma source(%dma_start3A_992 : memref<128xf32, #tpu.memory_space<vmem>>) target(%dma_start3A_989 : memref<128xf32, #tpu.memory_space<vmem_shared>>) target_semaphore(%run_scoped3A_980 : memref<!tpu.dma_semaphore, #tpu.memory_space<semaphore_mem>>)
      %dma_wait3A_993 = arith.constant 0 : i32
      %dma_wait3A_994 = tpu.memref_slice %arg7[%run_scoped3A_106, %dma_wait3A_993] : memref<64x128xf32, #tpu.memory_space<vmem>> -> memref<1x128xf32, #tpu.memory_space<vmem>>
      %dma_wait3A_995 = tpu.memref_squeeze %dma_wait3A_994 : memref<1x128xf32, #tpu.memory_space<vmem>> -> memref<128xf32, #tpu.memory_space<vmem>>
      %dma_wait3A_996 = arith.constant 0 : i32
      %dma_wait3A_997 = tpu.memref_slice %arg8[%add3A_55, %run_scoped3A_107, %dma_wait3A_996] : memref<32x256x128xf32, #tpu.memory_space<vmem_shared>> -> memref<1x1x128xf32, #tpu.memory_space<vmem_shared>>
      %dma_wait3A_998 = tpu.memref_squeeze %dma_wait3A_997 : memref<1x1x128xf32, #tpu.memory_space<vmem_shared>> -> memref<128xf32, #tpu.memory_space<vmem_shared>>
      %dma_wait3A_999 = arith.constant 0 : i32
      %dma_wait3A_1000 = tpu.memref_slice %arg8[%add3A_55, %run_scoped3A_107, %dma_wait3A_999] : memref<32x256x128xf32, #tpu.memory_space<vmem_shared>> -> memref<1x1x128xf32, #tpu.memory_space<vmem_shared>>
      %dma_wait3A_1001 = tpu.memref_squeeze %dma_wait3A_1000 : memref<1x1x128xf32, #tpu.memory_space<vmem_shared>> -> memref<128xf32, #tpu.memory_space<vmem_shared>>
      %dma_wait3A_1002 = arith.constant 0 : i32
      %dma_wait3A_1003 = tpu.memref_slice %arg7[%run_scoped3A_106, %dma_wait3A_1002] : memref<64x128xf32, #tpu.memory_space<vmem>> -> memref<1x128xf32, #tpu.memory_space<vmem>>
      %dma_wait3A_1004 = tpu.memref_squeeze %dma_wait3A_1003 : memref<1x128xf32, #tpu.memory_space<vmem>> -> memref<128xf32, #tpu.memory_space<vmem>>
      tpu.wait_dma2 semaphore(%run_scoped3A_980 : memref<!tpu.dma_semaphore, #tpu.memory_space<semaphore_mem>>) src(%dma_wait3A_1004 : memref<128xf32, #tpu.memory_space<vmem>>) dst(%dma_wait3A_1001 : memref<128xf32, #tpu.memory_space<vmem_shared>>)
      tpu.yield
    }) : () -> ()
    %add3A_108 = arith.constant 0 : i32
    %add3A_109 = arith.addi %mul3A_2, %add3A_108 : i32
    %dma_start3A_110 = arith.constant 0 : i32
    %dma_start3A_111 = arith.constant 0 : i32
    %dma_start3A_112 = tpu.memref_slice %arg4[%add3A_109, %dma_start3A_110, %dma_start3A_111] : memref<256x256x128xf32, #tpu.memory_space<hbm>> -> memref<1x256x128xf32, #tpu.memory_space<hbm>>
    %dma_start3A_113 = tpu.memref_squeeze %dma_start3A_112 : memref<1x256x128xf32, #tpu.memory_space<hbm>> -> memref<256x128xf32, #tpu.memory_space<hbm>>
    %dma_start3A_114 = arith.constant 0 : i32
    %dma_start3A_115 = arith.constant 0 : i32
    %dma_start3A_116 = tpu.memref_slice %arg8[%add3A_55, %dma_start3A_114, %dma_start3A_115] : memref<32x256x128xf32, #tpu.memory_space<vmem_shared>> -> memref<1x256x128xf32, #tpu.memory_space<vmem_shared>>
    %dma_start3A_117 = tpu.memref_squeeze %dma_start3A_116 : memref<1x256x128xf32, #tpu.memory_space<vmem_shared>> -> memref<256x128xf32, #tpu.memory_space<vmem_shared>>
    tpu.enqueue_dma source(%dma_start3A_117 : memref<256x128xf32, #tpu.memory_space<vmem_shared>>) target(%dma_start3A_113 : memref<256x128xf32, #tpu.memory_space<hbm>>) target_semaphore(%arg11 : memref<!tpu.dma_semaphore, #tpu.memory_space<semaphore_mem>>)
    %mul3A_118 = arith.constant 2 : i32
    %mul3A_119 = arith.muli %arg1, %mul3A_118 : i32
    %add3A_120 = arith.constant 1 : i32
    %add3A_121 = arith.addi %mul3A_119, %add3A_120 : i32
    %dma_start3A_122 = arith.constant 0 : i32
    %dma_start3A_123 = arith.constant 0 : i32
    %dma_start3A_124 = tpu.memref_slice %arg8[%add3A_121, %dma_start3A_122, %dma_start3A_123] : memref<32x256x128xf32, #tpu.memory_space<vmem_shared>> -> memref<1x64x128xf32, #tpu.memory_space<vmem_shared>>
    %dma_start3A_125 = tpu.memref_squeeze %dma_start3A_124 : memref<1x64x128xf32, #tpu.memory_space<vmem_shared>> -> memref<64x128xf32, #tpu.memory_space<vmem_shared>>
    %dma_start3A_126 = arith.constant 0 : i32
    %dma_start3A_127 = arith.constant 0 : i32
    %dma_start3A_128 = tpu.memref_slice %arg8[%add3A_121, %dma_start3A_126, %dma_start3A_127] : memref<32x256x128xf32, #tpu.memory_space<vmem_shared>> -> memref<1x64x128xf32, #tpu.memory_space<vmem_shared>>
    %dma_start3A_129 = tpu.memref_squeeze %dma_start3A_128 : memref<1x64x128xf32, #tpu.memory_space<vmem_shared>> -> memref<64x128xf32, #tpu.memory_space<vmem_shared>>
    tpu.enqueue_dma source(%arg7 : memref<64x128xf32, #tpu.memory_space<vmem>>) target(%dma_start3A_129 : memref<64x128xf32, #tpu.memory_space<vmem_shared>>) target_semaphore(%arg9 : memref<!tpu.dma_semaphore, #tpu.memory_space<semaphore_mem>>)
    %dma_start3A_130 = arith.constant 64 : i32
    %dma_start3A_131 = arith.constant 0 : i32
    %dma_start3A_132 = tpu.memref_slice %arg8[%add3A_121, %dma_start3A_130, %dma_start3A_131] : memref<32x256x128xf32, #tpu.memory_space<vmem_shared>> -> memref<1x64x128xf32, #tpu.memory_space<vmem_shared>>
    %dma_start3A_133 = tpu.memref_squeeze %dma_start3A_132 : memref<1x64x128xf32, #tpu.memory_space<vmem_shared>> -> memref<64x128xf32, #tpu.memory_space<vmem_shared>>
    %dma_start3A_134 = arith.constant 64 : i32
    %dma_start3A_135 = arith.constant 0 : i32
    %dma_start3A_136 = tpu.memref_slice %arg8[%add3A_121, %dma_start3A_134, %dma_start3A_135] : memref<32x256x128xf32, #tpu.memory_space<vmem_shared>> -> memref<1x64x128xf32, #tpu.memory_space<vmem_shared>>
    %dma_start3A_137 = tpu.memref_squeeze %dma_start3A_136 : memref<1x64x128xf32, #tpu.memory_space<vmem_shared>> -> memref<64x128xf32, #tpu.memory_space<vmem_shared>>
    tpu.enqueue_dma source(%arg7 : memref<64x128xf32, #tpu.memory_space<vmem>>) target(%dma_start3A_137 : memref<64x128xf32, #tpu.memory_space<vmem_shared>>) target_semaphore(%arg9 : memref<!tpu.dma_semaphore, #tpu.memory_space<semaphore_mem>>)
    %dma_start3A_138 = arith.constant 128 : i32
    %dma_start3A_139 = arith.constant 0 : i32
    %dma_start3A_140 = tpu.memref_slice %arg8[%add3A_121, %dma_start3A_138, %dma_start3A_139] : memref<32x256x128xf32, #tpu.memory_space<vmem_shared>> -> memref<1x64x128xf32, #tpu.memory_space<vmem_shared>>
    %dma_start3A_141 = tpu.memref_squeeze %dma_start3A_140 : memref<1x64x128xf32, #tpu.memory_space<vmem_shared>> -> memref<64x128xf32, #tpu.memory_space<vmem_shared>>
    %dma_start3A_142 = arith.constant 128 : i32
    %dma_start3A_143 = arith.constant 0 : i32
    %dma_start3A_144 = tpu.memref_slice %arg8[%add3A_121, %dma_start3A_142, %dma_start3A_143] : memref<32x256x128xf32, #tpu.memory_space<vmem_shared>> -> memref<1x64x128xf32, #tpu.memory_space<vmem_shared>>
    %dma_start3A_145 = tpu.memref_squeeze %dma_start3A_144 : memref<1x64x128xf32, #tpu.memory_space<vmem_shared>> -> memref<64x128xf32, #tpu.memory_space<vmem_shared>>
    tpu.enqueue_dma source(%arg7 : memref<64x128xf32, #tpu.memory_space<vmem>>) target(%dma_start3A_145 : memref<64x128xf32, #tpu.memory_space<vmem_shared>>) target_semaphore(%arg9 : memref<!tpu.dma_semaphore, #tpu.memory_space<semaphore_mem>>)
    %dma_start3A_146 = arith.constant 192 : i32
    %dma_start3A_147 = arith.constant 0 : i32
    %dma_start3A_148 = tpu.memref_slice %arg8[%add3A_121, %dma_start3A_146, %dma_start3A_147] : memref<32x256x128xf32, #tpu.memory_space<vmem_shared>> -> memref<1x64x128xf32, #tpu.memory_space<vmem_shared>>
    %dma_start3A_149 = tpu.memref_squeeze %dma_start3A_148 : memref<1x64x128xf32, #tpu.memory_space<vmem_shared>> -> memref<64x128xf32, #tpu.memory_space<vmem_shared>>
    %dma_start3A_150 = arith.constant 192 : i32
    %dma_start3A_151 = arith.constant 0 : i32
    %dma_start3A_152 = tpu.memref_slice %arg8[%add3A_121, %dma_start3A_150, %dma_start3A_151] : memref<32x256x128xf32, #tpu.memory_space<vmem_shared>> -> memref<1x64x128xf32, #tpu.memory_space<vmem_shared>>
    %dma_start3A_153 = tpu.memref_squeeze %dma_start3A_152 : memref<1x64x128xf32, #tpu.memory_space<vmem_shared>> -> memref<64x128xf32, #tpu.memory_space<vmem_shared>>
    tpu.enqueue_dma source(%arg7 : memref<64x128xf32, #tpu.memory_space<vmem>>) target(%dma_start3A_153 : memref<64x128xf32, #tpu.memory_space<vmem_shared>>) target_semaphore(%arg9 : memref<!tpu.dma_semaphore, #tpu.memory_space<semaphore_mem>>)
    %add3A_154 = arith.constant 1 : i32
    %add3A_155 = arith.addi %mul3A_2, %add3A_154 : i32
    %dma_start3A_156 = arith.constant 0 : i32
    %dma_start3A_157 = arith.constant 0 : i32
    %dma_start3A_158 = tpu.memref_slice %arg2[%add3A_155, %dma_start3A_156, %dma_start3A_157] : memref<256x512x128xf32, #tpu.memory_space<hbm>> -> memref<1x128x128xf32, #tpu.memory_space<hbm>>
    %dma_start3A_159 = tpu.memref_squeeze %dma_start3A_158 : memref<1x128x128xf32, #tpu.memory_space<hbm>> -> memref<128x128xf32, #tpu.memory_space<hbm>>
    %dma_start3A_160 = arith.constant 0 : i32
    %dma_start3A_161 = arith.constant 0 : i32
    %dma_start3A_162 = tpu.memref_slice %arg2[%add3A_155, %dma_start3A_160, %dma_start3A_161] : memref<256x512x128xf32, #tpu.memory_space<hbm>> -> memref<1x128x128xf32, #tpu.memory_space<hbm>>
    %dma_start3A_163 = tpu.memref_squeeze %dma_start3A_162 : memref<1x128x128xf32, #tpu.memory_space<hbm>> -> memref<128x128xf32, #tpu.memory_space<hbm>>
    tpu.enqueue_dma source(%dma_start3A_163 : memref<128x128xf32, #tpu.memory_space<hbm>>) target(%arg5 : memref<128x128xf32, #tpu.memory_space<vmem>>) target_semaphore(%arg10 : memref<!tpu.dma_semaphore, #tpu.memory_space<semaphore_mem>>)
    %mul3A_164 = arith.constant 2 : i32
    %mul3A_165 = arith.muli %arg1, %mul3A_164 : i32
    %add3A_166 = arith.constant 1 : i32
    %add3A_167 = arith.addi %mul3A_165, %add3A_166 : i32
    %add3A_168 = arith.constant 1 : i32
    %add3A_169 = arith.addi %mul3A_2, %add3A_168 : i32
    "tpu.region"() ({
      %run_scoped3A_980 = tpu.sem_alloc : memref<!tpu.dma_semaphore, #tpu.memory_space<semaphore_mem>>
      %dma_start3A_981 = arith.constant 0 : i32
      %dma_start3A_982 = arith.constant 0 : i32
      %dma_start3A_983 = tpu.memref_slice %arg3[%add3A_169, %dma_start3A_981, %dma_start3A_982] : memref<256x4x128xi32, #tpu.memory_space<hbm>> -> memref<1x4x128xi32, #tpu.memory_space<hbm>>
      %dma_start3A_984 = tpu.memref_squeeze %dma_start3A_983 : memref<1x4x128xi32, #tpu.memory_space<hbm>> -> memref<4x128xi32, #tpu.memory_space<hbm>>
      %dma_start3A_985 = arith.constant 0 : i32
      %dma_start3A_986 = arith.constant 0 : i32
      %dma_start3A_987 = tpu.memref_slice %arg3[%add3A_169, %dma_start3A_985, %dma_start3A_986] : memref<256x4x128xi32, #tpu.memory_space<hbm>> -> memref<1x4x128xi32, #tpu.memory_space<hbm>>
      %dma_start3A_988 = tpu.memref_squeeze %dma_start3A_987 : memref<1x4x128xi32, #tpu.memory_space<hbm>> -> memref<4x128xi32, #tpu.memory_space<hbm>>
      tpu.enqueue_dma source(%dma_start3A_988 : memref<4x128xi32, #tpu.memory_space<hbm>>) target(%arg6 : memref<4x128xi32, #tpu.memory_space<vmem>>) target_semaphore(%run_scoped3A_980 : memref<!tpu.dma_semaphore, #tpu.memory_space<semaphore_mem>>)
      %dma_wait3A_989 = arith.constant 0 : i32
      %dma_wait3A_990 = arith.constant 0 : i32
      %dma_wait3A_991 = tpu.memref_slice %arg3[%add3A_169, %dma_wait3A_989, %dma_wait3A_990] : memref<256x4x128xi32, #tpu.memory_space<hbm>> -> memref<1x4x128xi32, #tpu.memory_space<hbm>>
      %dma_wait3A_992 = tpu.memref_squeeze %dma_wait3A_991 : memref<1x4x128xi32, #tpu.memory_space<hbm>> -> memref<4x128xi32, #tpu.memory_space<hbm>>
      %dma_wait3A_993 = arith.constant 0 : i32
      %dma_wait3A_994 = arith.constant 0 : i32
      %dma_wait3A_995 = tpu.memref_slice %arg3[%add3A_169, %dma_wait3A_993, %dma_wait3A_994] : memref<256x4x128xi32, #tpu.memory_space<hbm>> -> memref<1x4x128xi32, #tpu.memory_space<hbm>>
      %dma_wait3A_996 = tpu.memref_squeeze %dma_wait3A_995 : memref<1x4x128xi32, #tpu.memory_space<hbm>> -> memref<4x128xi32, #tpu.memory_space<hbm>>
      tpu.wait_dma2 semaphore(%run_scoped3A_980 : memref<!tpu.dma_semaphore, #tpu.memory_space<semaphore_mem>>) src(%dma_wait3A_996 : memref<4x128xi32, #tpu.memory_space<hbm>>) dst(%arg6 : memref<4x128xi32, #tpu.memory_space<vmem>>)
      tpu.yield
    }) : () -> ()
    %dma_wait3A_170 = arith.constant 0 : i32
    %dma_wait3A_171 = arith.constant 0 : i32
    %dma_wait3A_172 = tpu.memref_slice %arg2[%add3A_155, %dma_wait3A_170, %dma_wait3A_171] : memref<256x512x128xf32, #tpu.memory_space<hbm>> -> memref<1x128x128xf32, #tpu.memory_space<hbm>>
    %dma_wait3A_173 = tpu.memref_squeeze %dma_wait3A_172 : memref<1x128x128xf32, #tpu.memory_space<hbm>> -> memref<128x128xf32, #tpu.memory_space<hbm>>
    %dma_wait3A_174 = arith.constant 0 : i32
    %dma_wait3A_175 = arith.constant 0 : i32
    %dma_wait3A_176 = tpu.memref_slice %arg2[%add3A_155, %dma_wait3A_174, %dma_wait3A_175] : memref<256x512x128xf32, #tpu.memory_space<hbm>> -> memref<1x128x128xf32, #tpu.memory_space<hbm>>
    %dma_wait3A_177 = tpu.memref_squeeze %dma_wait3A_176 : memref<1x128x128xf32, #tpu.memory_space<hbm>> -> memref<128x128xf32, #tpu.memory_space<hbm>>
    tpu.wait_dma2 semaphore(%arg10 : memref<!tpu.dma_semaphore, #tpu.memory_space<semaphore_mem>>) src(%dma_wait3A_177 : memref<128x128xf32, #tpu.memory_space<hbm>>) dst(%arg5 : memref<128x128xf32, #tpu.memory_space<vmem>>)
    %dma_wait3A_178 = arith.constant 0 : i32
    %dma_wait3A_179 = arith.constant 0 : i32
    %dma_wait3A_180 = tpu.memref_slice %arg8[%add3A_121, %dma_wait3A_178, %dma_wait3A_179] : memref<32x256x128xf32, #tpu.memory_space<vmem_shared>> -> memref<1x64x128xf32, #tpu.memory_space<vmem_shared>>
    %dma_wait3A_181 = tpu.memref_squeeze %dma_wait3A_180 : memref<1x64x128xf32, #tpu.memory_space<vmem_shared>> -> memref<64x128xf32, #tpu.memory_space<vmem_shared>>
    %dma_wait3A_182 = arith.constant 0 : i32
    %dma_wait3A_183 = arith.constant 0 : i32
    %dma_wait3A_184 = tpu.memref_slice %arg8[%add3A_121, %dma_wait3A_182, %dma_wait3A_183] : memref<32x256x128xf32, #tpu.memory_space<vmem_shared>> -> memref<1x64x128xf32, #tpu.memory_space<vmem_shared>>
    %dma_wait3A_185 = tpu.memref_squeeze %dma_wait3A_184 : memref<1x64x128xf32, #tpu.memory_space<vmem_shared>> -> memref<64x128xf32, #tpu.memory_space<vmem_shared>>
    tpu.wait_dma2 semaphore(%arg9 : memref<!tpu.dma_semaphore, #tpu.memory_space<semaphore_mem>>) src(%arg7 : memref<64x128xf32, #tpu.memory_space<vmem>>) dst(%dma_wait3A_185 : memref<64x128xf32, #tpu.memory_space<vmem_shared>>)
    %dma_wait3A_186 = arith.constant 64 : i32
    %dma_wait3A_187 = arith.constant 0 : i32
    %dma_wait3A_188 = tpu.memref_slice %arg8[%add3A_121, %dma_wait3A_186, %dma_wait3A_187] : memref<32x256x128xf32, #tpu.memory_space<vmem_shared>> -> memref<1x64x128xf32, #tpu.memory_space<vmem_shared>>
    %dma_wait3A_189 = tpu.memref_squeeze %dma_wait3A_188 : memref<1x64x128xf32, #tpu.memory_space<vmem_shared>> -> memref<64x128xf32, #tpu.memory_space<vmem_shared>>
    %dma_wait3A_190 = arith.constant 64 : i32
    %dma_wait3A_191 = arith.constant 0 : i32
    %dma_wait3A_192 = tpu.memref_slice %arg8[%add3A_121, %dma_wait3A_190, %dma_wait3A_191] : memref<32x256x128xf32, #tpu.memory_space<vmem_shared>> -> memref<1x64x128xf32, #tpu.memory_space<vmem_shared>>
    %dma_wait3A_193 = tpu.memref_squeeze %dma_wait3A_192 : memref<1x64x128xf32, #tpu.memory_space<vmem_shared>> -> memref<64x128xf32, #tpu.memory_space<vmem_shared>>
    tpu.wait_dma2 semaphore(%arg9 : memref<!tpu.dma_semaphore, #tpu.memory_space<semaphore_mem>>) src(%arg7 : memref<64x128xf32, #tpu.memory_space<vmem>>) dst(%dma_wait3A_193 : memref<64x128xf32, #tpu.memory_space<vmem_shared>>)
    %dma_wait3A_194 = arith.constant 128 : i32
    %dma_wait3A_195 = arith.constant 0 : i32
    %dma_wait3A_196 = tpu.memref_slice %arg8[%add3A_121, %dma_wait3A_194, %dma_wait3A_195] : memref<32x256x128xf32, #tpu.memory_space<vmem_shared>> -> memref<1x64x128xf32, #tpu.memory_space<vmem_shared>>
    %dma_wait3A_197 = tpu.memref_squeeze %dma_wait3A_196 : memref<1x64x128xf32, #tpu.memory_space<vmem_shared>> -> memref<64x128xf32, #tpu.memory_space<vmem_shared>>
    %dma_wait3A_198 = arith.constant 128 : i32
    %dma_wait3A_199 = arith.constant 0 : i32
    %dma_wait3A_200 = tpu.memref_slice %arg8[%add3A_121, %dma_wait3A_198, %dma_wait3A_199] : memref<32x256x128xf32, #tpu.memory_space<vmem_shared>> -> memref<1x64x128xf32, #tpu.memory_space<vmem_shared>>
    %dma_wait3A_201 = tpu.memref_squeeze %dma_wait3A_200 : memref<1x64x128xf32, #tpu.memory_space<vmem_shared>> -> memref<64x128xf32, #tpu.memory_space<vmem_shared>>
    tpu.wait_dma2 semaphore(%arg9 : memref<!tpu.dma_semaphore, #tpu.memory_space<semaphore_mem>>) src(%arg7 : memref<64x128xf32, #tpu.memory_space<vmem>>) dst(%dma_wait3A_201 : memref<64x128xf32, #tpu.memory_space<vmem_shared>>)
    %dma_wait3A_202 = arith.constant 192 : i32
    %dma_wait3A_203 = arith.constant 0 : i32
    %dma_wait3A_204 = tpu.memref_slice %arg8[%add3A_121, %dma_wait3A_202, %dma_wait3A_203] : memref<32x256x128xf32, #tpu.memory_space<vmem_shared>> -> memref<1x64x128xf32, #tpu.memory_space<vmem_shared>>
    %dma_wait3A_205 = tpu.memref_squeeze %dma_wait3A_204 : memref<1x64x128xf32, #tpu.memory_space<vmem_shared>> -> memref<64x128xf32, #tpu.memory_space<vmem_shared>>
    %dma_wait3A_206 = arith.constant 192 : i32
    %dma_wait3A_207 = arith.constant 0 : i32
    %dma_wait3A_208 = tpu.memref_slice %arg8[%add3A_121, %dma_wait3A_206, %dma_wait3A_207] : memref<32x256x128xf32, #tpu.memory_space<vmem_shared>> -> memref<1x64x128xf32, #tpu.memory_space<vmem_shared>>
    %dma_wait3A_209 = tpu.memref_squeeze %dma_wait3A_208 : memref<1x64x128xf32, #tpu.memory_space<vmem_shared>> -> memref<64x128xf32, #tpu.memory_space<vmem_shared>>
    tpu.wait_dma2 semaphore(%arg9 : memref<!tpu.dma_semaphore, #tpu.memory_space<semaphore_mem>>) src(%arg7 : memref<64x128xf32, #tpu.memory_space<vmem>>) dst(%dma_wait3A_209 : memref<64x128xf32, #tpu.memory_space<vmem_shared>>)
    %run_scoped3A_210 = arith.constant 0 : i32
    "tpu.region"() ({
      %run_scoped3A_980 = tpu.sem_alloc : memref<!tpu.dma_semaphore, #tpu.memory_space<semaphore_mem>>
      %dma_start3A_981 = arith.constant 0 : i32
      %dma_start3A_982 = tpu.memref_slice %arg6[%run_scoped3A_210, %dma_start3A_981] : memref<4x128xi32, #tpu.memory_space<vmem>> -> memref<1x128xi32, #tpu.memory_space<vmem>>
      %dma_start3A_983 = tpu.memref_squeeze %dma_start3A_982 : memref<1x128xi32, #tpu.memory_space<vmem>> -> memref<128xi32, #tpu.memory_space<vmem>>
      %dma_start3A_984 = arith.constant 0 : i32
      %dma_start3A_985 = arith.constant 0 : i32
      %dma_start3A_986 = tpu.memref_slice %arg8[%add3A_167, %dma_start3A_984, %dma_start3A_985] : memref<32x256x128xf32, #tpu.memory_space<vmem_shared>> -> memref<1x256x128xf32, #tpu.memory_space<vmem_shared>>
      %dma_start3A_987 = tpu.memref_squeeze %dma_start3A_986 : memref<1x256x128xf32, #tpu.memory_space<vmem_shared>> -> memref<256x128xf32, #tpu.memory_space<vmem_shared>>
      %dma_start3A_988 = arith.constant 0 : i32
      %dma_start3A_989 = arith.constant 0 : i32
      %dma_start3A_990 = tpu.memref_slice %dma_start3A_987[%dma_start3A_988, %dma_start3A_989] : memref<256x128xf32, #tpu.memory_space<vmem_shared>> -> memref<256x128xf32, #tpu.memory_space<vmem_shared>>
      tpu.enqueue_indirect_dma source(%arg5 : memref<128x128xf32, #tpu.memory_space<vmem>>) target(%dma_start3A_990 : memref<256x128xf32, #tpu.memory_space<vmem_shared>>) offsets(%dma_start3A_983 : memref<128xi32, #tpu.memory_space<vmem>>) semaphore(%run_scoped3A_980 : memref<!tpu.dma_semaphore, #tpu.memory_space<semaphore_mem>>) {add = true}
      %dma_wait3A_991 = arith.constant 0 : i32
      %dma_wait3A_992 = tpu.memref_slice %arg6[%run_scoped3A_210, %dma_wait3A_991] : memref<4x128xi32, #tpu.memory_space<vmem>> -> memref<1x128xi32, #tpu.memory_space<vmem>>
      %dma_wait3A_993 = tpu.memref_squeeze %dma_wait3A_992 : memref<1x128xi32, #tpu.memory_space<vmem>> -> memref<128xi32, #tpu.memory_space<vmem>>
      %dma_wait3A_994 = arith.constant 0 : i32
      %dma_wait3A_995 = arith.constant 0 : i32
      %dma_wait3A_996 = tpu.memref_slice %arg8[%add3A_167, %dma_wait3A_994, %dma_wait3A_995] : memref<32x256x128xf32, #tpu.memory_space<vmem_shared>> -> memref<1x256x128xf32, #tpu.memory_space<vmem_shared>>
      %dma_wait3A_997 = tpu.memref_squeeze %dma_wait3A_996 : memref<1x256x128xf32, #tpu.memory_space<vmem_shared>> -> memref<256x128xf32, #tpu.memory_space<vmem_shared>>
      %dma_wait3A_998 = arith.constant 0 : i32
      %dma_wait3A_999 = arith.constant 0 : i32
      %dma_wait3A_1000 = tpu.memref_slice %dma_wait3A_997[%dma_wait3A_998, %dma_wait3A_999] : memref<256x128xf32, #tpu.memory_space<vmem_shared>> -> memref<256x128xf32, #tpu.memory_space<vmem_shared>>
      tpu.wait_indirect_dma semaphore(%run_scoped3A_980 : memref<!tpu.dma_semaphore, #tpu.memory_space<semaphore_mem>>) src(%arg5 : memref<128x128xf32, #tpu.memory_space<vmem>>) dst(%dma_wait3A_1000 : memref<256x128xf32, #tpu.memory_space<vmem_shared>>)
      tpu.yield
    }) : () -> ()
    %add3A_211 = arith.constant 1 : i32
    %add3A_212 = arith.addi %mul3A_2, %add3A_211 : i32
    "tpu.region"() ({
      %run_scoped3A_980 = tpu.sem_alloc : memref<!tpu.dma_semaphore, #tpu.memory_space<semaphore_mem>>
      %dma_start3A_981 = arith.constant 128 : i32
      %dma_start3A_982 = arith.constant 0 : i32
      %dma_start3A_983 = tpu.memref_slice %arg2[%add3A_212, %dma_start3A_981, %dma_start3A_982] : memref<256x512x128xf32, #tpu.memory_space<hbm>> -> memref<1x128x128xf32, #tpu.memory_space<hbm>>
      %dma_start3A_984 = tpu.memref_squeeze %dma_start3A_983 : memref<1x128x128xf32, #tpu.memory_space<hbm>> -> memref<128x128xf32, #tpu.memory_space<hbm>>
      %dma_start3A_985 = arith.constant 128 : i32
      %dma_start3A_986 = arith.constant 0 : i32
      %dma_start3A_987 = tpu.memref_slice %arg2[%add3A_212, %dma_start3A_985, %dma_start3A_986] : memref<256x512x128xf32, #tpu.memory_space<hbm>> -> memref<1x128x128xf32, #tpu.memory_space<hbm>>
      %dma_start3A_988 = tpu.memref_squeeze %dma_start3A_987 : memref<1x128x128xf32, #tpu.memory_space<hbm>> -> memref<128x128xf32, #tpu.memory_space<hbm>>
      tpu.enqueue_dma source(%dma_start3A_988 : memref<128x128xf32, #tpu.memory_space<hbm>>) target(%arg5 : memref<128x128xf32, #tpu.memory_space<vmem>>) target_semaphore(%run_scoped3A_980 : memref<!tpu.dma_semaphore, #tpu.memory_space<semaphore_mem>>)
      %dma_wait3A_989 = arith.constant 128 : i32
      %dma_wait3A_990 = arith.constant 0 : i32
      %dma_wait3A_991 = tpu.memref_slice %arg2[%add3A_212, %dma_wait3A_989, %dma_wait3A_990] : memref<256x512x128xf32, #tpu.memory_space<hbm>> -> memref<1x128x128xf32, #tpu.memory_space<hbm>>
      %dma_wait3A_992 = tpu.memref_squeeze %dma_wait3A_991 : memref<1x128x128xf32, #tpu.memory_space<hbm>> -> memref<128x128xf32, #tpu.memory_space<hbm>>
      %dma_wait3A_993 = arith.constant 128 : i32
      %dma_wait3A_994 = arith.constant 0 : i32
      %dma_wait3A_995 = tpu.memref_slice %arg2[%add3A_212, %dma_wait3A_993, %dma_wait3A_994] : memref<256x512x128xf32, #tpu.memory_space<hbm>> -> memref<1x128x128xf32, #tpu.memory_space<hbm>>
      %dma_wait3A_996 = tpu.memref_squeeze %dma_wait3A_995 : memref<1x128x128xf32, #tpu.memory_space<hbm>> -> memref<128x128xf32, #tpu.memory_space<hbm>>
      tpu.wait_dma2 semaphore(%run_scoped3A_980 : memref<!tpu.dma_semaphore, #tpu.memory_space<semaphore_mem>>) src(%dma_wait3A_996 : memref<128x128xf32, #tpu.memory_space<hbm>>) dst(%arg5 : memref<128x128xf32, #tpu.memory_space<vmem>>)
      tpu.yield
    }) : () -> ()
    %run_scoped3A_213 = arith.constant 1 : i32
    "tpu.region"() ({
      %run_scoped3A_980 = tpu.sem_alloc : memref<!tpu.dma_semaphore, #tpu.memory_space<semaphore_mem>>
      %dma_start3A_981 = arith.constant 0 : i32
      %dma_start3A_982 = tpu.memref_slice %arg6[%run_scoped3A_213, %dma_start3A_981] : memref<4x128xi32, #tpu.memory_space<vmem>> -> memref<1x128xi32, #tpu.memory_space<vmem>>
      %dma_start3A_983 = tpu.memref_squeeze %dma_start3A_982 : memref<1x128xi32, #tpu.memory_space<vmem>> -> memref<128xi32, #tpu.memory_space<vmem>>
      %dma_start3A_984 = arith.constant 0 : i32
      %dma_start3A_985 = arith.constant 0 : i32
      %dma_start3A_986 = tpu.memref_slice %arg8[%add3A_167, %dma_start3A_984, %dma_start3A_985] : memref<32x256x128xf32, #tpu.memory_space<vmem_shared>> -> memref<1x256x128xf32, #tpu.memory_space<vmem_shared>>
      %dma_start3A_987 = tpu.memref_squeeze %dma_start3A_986 : memref<1x256x128xf32, #tpu.memory_space<vmem_shared>> -> memref<256x128xf32, #tpu.memory_space<vmem_shared>>
      %dma_start3A_988 = arith.constant 0 : i32
      %dma_start3A_989 = arith.constant 0 : i32
      %dma_start3A_990 = tpu.memref_slice %dma_start3A_987[%dma_start3A_988, %dma_start3A_989] : memref<256x128xf32, #tpu.memory_space<vmem_shared>> -> memref<256x128xf32, #tpu.memory_space<vmem_shared>>
      tpu.enqueue_indirect_dma source(%arg5 : memref<128x128xf32, #tpu.memory_space<vmem>>) target(%dma_start3A_990 : memref<256x128xf32, #tpu.memory_space<vmem_shared>>) offsets(%dma_start3A_983 : memref<128xi32, #tpu.memory_space<vmem>>) semaphore(%run_scoped3A_980 : memref<!tpu.dma_semaphore, #tpu.memory_space<semaphore_mem>>) {add = true}
      %dma_wait3A_991 = arith.constant 0 : i32
      %dma_wait3A_992 = tpu.memref_slice %arg6[%run_scoped3A_213, %dma_wait3A_991] : memref<4x128xi32, #tpu.memory_space<vmem>> -> memref<1x128xi32, #tpu.memory_space<vmem>>
      %dma_wait3A_993 = tpu.memref_squeeze %dma_wait3A_992 : memref<1x128xi32, #tpu.memory_space<vmem>> -> memref<128xi32, #tpu.memory_space<vmem>>
      %dma_wait3A_994 = arith.constant 0 : i32
      %dma_wait3A_995 = arith.constant 0 : i32
      %dma_wait3A_996 = tpu.memref_slice %arg8[%add3A_167, %dma_wait3A_994, %dma_wait3A_995] : memref<32x256x128xf32, #tpu.memory_space<vmem_shared>> -> memref<1x256x128xf32, #tpu.memory_space<vmem_shared>>
      %dma_wait3A_997 = tpu.memref_squeeze %dma_wait3A_996 : memref<1x256x128xf32, #tpu.memory_space<vmem_shared>> -> memref<256x128xf32, #tpu.memory_space<vmem_shared>>
      %dma_wait3A_998 = arith.constant 0 : i32
      %dma_wait3A_999 = arith.constant 0 : i32
      %dma_wait3A_1000 = tpu.memref_slice %dma_wait3A_997[%dma_wait3A_998, %dma_wait3A_999] : memref<256x128xf32, #tpu.memory_space<vmem_shared>> -> memref<256x128xf32, #tpu.memory_space<vmem_shared>>
      tpu.wait_indirect_dma semaphore(%run_scoped3A_980 : memref<!tpu.dma_semaphore, #tpu.memory_space<semaphore_mem>>) src(%arg5 : memref<128x128xf32, #tpu.memory_space<vmem>>) dst(%dma_wait3A_1000 : memref<256x128xf32, #tpu.memory_space<vmem_shared>>)
      tpu.yield
    }) : () -> ()
    %add3A_214 = arith.constant 1 : i32
    %add3A_215 = arith.addi %mul3A_2, %add3A_214 : i32
    "tpu.region"() ({
      %run_scoped3A_980 = tpu.sem_alloc : memref<!tpu.dma_semaphore, #tpu.memory_space<semaphore_mem>>
      %dma_start3A_981 = arith.constant 256 : i32
      %dma_start3A_982 = arith.constant 0 : i32
      %dma_start3A_983 = tpu.memref_slice %arg2[%add3A_215, %dma_start3A_981, %dma_start3A_982] : memref<256x512x128xf32, #tpu.memory_space<hbm>> -> memref<1x128x128xf32, #tpu.memory_space<hbm>>
      %dma_start3A_984 = tpu.memref_squeeze %dma_start3A_983 : memref<1x128x128xf32, #tpu.memory_space<hbm>> -> memref<128x128xf32, #tpu.memory_space<hbm>>
      %dma_start3A_985 = arith.constant 256 : i32
      %dma_start3A_986 = arith.constant 0 : i32
      %dma_start3A_987 = tpu.memref_slice %arg2[%add3A_215, %dma_start3A_985, %dma_start3A_986] : memref<256x512x128xf32, #tpu.memory_space<hbm>> -> memref<1x128x128xf32, #tpu.memory_space<hbm>>
      %dma_start3A_988 = tpu.memref_squeeze %dma_start3A_987 : memref<1x128x128xf32, #tpu.memory_space<hbm>> -> memref<128x128xf32, #tpu.memory_space<hbm>>
      tpu.enqueue_dma source(%dma_start3A_988 : memref<128x128xf32, #tpu.memory_space<hbm>>) target(%arg5 : memref<128x128xf32, #tpu.memory_space<vmem>>) target_semaphore(%run_scoped3A_980 : memref<!tpu.dma_semaphore, #tpu.memory_space<semaphore_mem>>)
      %dma_wait3A_989 = arith.constant 256 : i32
      %dma_wait3A_990 = arith.constant 0 : i32
      %dma_wait3A_991 = tpu.memref_slice %arg2[%add3A_215, %dma_wait3A_989, %dma_wait3A_990] : memref<256x512x128xf32, #tpu.memory_space<hbm>> -> memref<1x128x128xf32, #tpu.memory_space<hbm>>
      %dma_wait3A_992 = tpu.memref_squeeze %dma_wait3A_991 : memref<1x128x128xf32, #tpu.memory_space<hbm>> -> memref<128x128xf32, #tpu.memory_space<hbm>>
      %dma_wait3A_993 = arith.constant 256 : i32
      %dma_wait3A_994 = arith.constant 0 : i32
      %dma_wait3A_995 = tpu.memref_slice %arg2[%add3A_215, %dma_wait3A_993, %dma_wait3A_994] : memref<256x512x128xf32, #tpu.memory_space<hbm>> -> memref<1x128x128xf32, #tpu.memory_space<hbm>>
      %dma_wait3A_996 = tpu.memref_squeeze %dma_wait3A_995 : memref<1x128x128xf32, #tpu.memory_space<hbm>> -> memref<128x128xf32, #tpu.memory_space<hbm>>
      tpu.wait_dma2 semaphore(%run_scoped3A_980 : memref<!tpu.dma_semaphore, #tpu.memory_space<semaphore_mem>>) src(%dma_wait3A_996 : memref<128x128xf32, #tpu.memory_space<hbm>>) dst(%arg5 : memref<128x128xf32, #tpu.memory_space<vmem>>)
      tpu.yield
    }) : () -> ()
    %run_scoped3A_216 = arith.constant 2 : i32
    "tpu.region"() ({
      %run_scoped3A_980 = tpu.sem_alloc : memref<!tpu.dma_semaphore, #tpu.memory_space<semaphore_mem>>
      %dma_start3A_981 = arith.constant 0 : i32
      %dma_start3A_982 = tpu.memref_slice %arg6[%run_scoped3A_216, %dma_start3A_981] : memref<4x128xi32, #tpu.memory_space<vmem>> -> memref<1x128xi32, #tpu.memory_space<vmem>>
      %dma_start3A_983 = tpu.memref_squeeze %dma_start3A_982 : memref<1x128xi32, #tpu.memory_space<vmem>> -> memref<128xi32, #tpu.memory_space<vmem>>
      %dma_start3A_984 = arith.constant 0 : i32
      %dma_start3A_985 = arith.constant 0 : i32
      %dma_start3A_986 = tpu.memref_slice %arg8[%add3A_167, %dma_start3A_984, %dma_start3A_985] : memref<32x256x128xf32, #tpu.memory_space<vmem_shared>> -> memref<1x256x128xf32, #tpu.memory_space<vmem_shared>>
      %dma_start3A_987 = tpu.memref_squeeze %dma_start3A_986 : memref<1x256x128xf32, #tpu.memory_space<vmem_shared>> -> memref<256x128xf32, #tpu.memory_space<vmem_shared>>
      %dma_start3A_988 = arith.constant 0 : i32
      %dma_start3A_989 = arith.constant 0 : i32
      %dma_start3A_990 = tpu.memref_slice %dma_start3A_987[%dma_start3A_988, %dma_start3A_989] : memref<256x128xf32, #tpu.memory_space<vmem_shared>> -> memref<256x128xf32, #tpu.memory_space<vmem_shared>>
      tpu.enqueue_indirect_dma source(%arg5 : memref<128x128xf32, #tpu.memory_space<vmem>>) target(%dma_start3A_990 : memref<256x128xf32, #tpu.memory_space<vmem_shared>>) offsets(%dma_start3A_983 : memref<128xi32, #tpu.memory_space<vmem>>) semaphore(%run_scoped3A_980 : memref<!tpu.dma_semaphore, #tpu.memory_space<semaphore_mem>>) {add = true}
      %dma_wait3A_991 = arith.constant 0 : i32
      %dma_wait3A_992 = tpu.memref_slice %arg6[%run_scoped3A_216, %dma_wait3A_991] : memref<4x128xi32, #tpu.memory_space<vmem>> -> memref<1x128xi32, #tpu.memory_space<vmem>>
      %dma_wait3A_993 = tpu.memref_squeeze %dma_wait3A_992 : memref<1x128xi32, #tpu.memory_space<vmem>> -> memref<128xi32, #tpu.memory_space<vmem>>
      %dma_wait3A_994 = arith.constant 0 : i32
      %dma_wait3A_995 = arith.constant 0 : i32
      %dma_wait3A_996 = tpu.memref_slice %arg8[%add3A_167, %dma_wait3A_994, %dma_wait3A_995] : memref<32x256x128xf32, #tpu.memory_space<vmem_shared>> -> memref<1x256x128xf32, #tpu.memory_space<vmem_shared>>
      %dma_wait3A_997 = tpu.memref_squeeze %dma_wait3A_996 : memref<1x256x128xf32, #tpu.memory_space<vmem_shared>> -> memref<256x128xf32, #tpu.memory_space<vmem_shared>>
      %dma_wait3A_998 = arith.constant 0 : i32
      %dma_wait3A_999 = arith.constant 0 : i32
      %dma_wait3A_1000 = tpu.memref_slice %dma_wait3A_997[%dma_wait3A_998, %dma_wait3A_999] : memref<256x128xf32, #tpu.memory_space<vmem_shared>> -> memref<256x128xf32, #tpu.memory_space<vmem_shared>>
      tpu.wait_indirect_dma semaphore(%run_scoped3A_980 : memref<!tpu.dma_semaphore, #tpu.memory_space<semaphore_mem>>) src(%arg5 : memref<128x128xf32, #tpu.memory_space<vmem>>) dst(%dma_wait3A_1000 : memref<256x128xf32, #tpu.memory_space<vmem_shared>>)
      tpu.yield
    }) : () -> ()
    %add3A_217 = arith.constant 1 : i32
    %add3A_218 = arith.addi %mul3A_2, %add3A_217 : i32
    "tpu.region"() ({
      %run_scoped3A_980 = tpu.sem_alloc : memref<!tpu.dma_semaphore, #tpu.memory_space<semaphore_mem>>
      %dma_start3A_981 = arith.constant 384 : i32
      %dma_start3A_982 = arith.constant 0 : i32
      %dma_start3A_983 = tpu.memref_slice %arg2[%add3A_218, %dma_start3A_981, %dma_start3A_982] : memref<256x512x128xf32, #tpu.memory_space<hbm>> -> memref<1x128x128xf32, #tpu.memory_space<hbm>>
      %dma_start3A_984 = tpu.memref_squeeze %dma_start3A_983 : memref<1x128x128xf32, #tpu.memory_space<hbm>> -> memref<128x128xf32, #tpu.memory_space<hbm>>
      %dma_start3A_985 = arith.constant 384 : i32
      %dma_start3A_986 = arith.constant 0 : i32
      %dma_start3A_987 = tpu.memref_slice %arg2[%add3A_218, %dma_start3A_985, %dma_start3A_986] : memref<256x512x128xf32, #tpu.memory_space<hbm>> -> memref<1x128x128xf32, #tpu.memory_space<hbm>>
      %dma_start3A_988 = tpu.memref_squeeze %dma_start3A_987 : memref<1x128x128xf32, #tpu.memory_space<hbm>> -> memref<128x128xf32, #tpu.memory_space<hbm>>
      tpu.enqueue_dma source(%dma_start3A_988 : memref<128x128xf32, #tpu.memory_space<hbm>>) target(%arg5 : memref<128x128xf32, #tpu.memory_space<vmem>>) target_semaphore(%run_scoped3A_980 : memref<!tpu.dma_semaphore, #tpu.memory_space<semaphore_mem>>)
      %dma_wait3A_989 = arith.constant 384 : i32
      %dma_wait3A_990 = arith.constant 0 : i32
      %dma_wait3A_991 = tpu.memref_slice %arg2[%add3A_218, %dma_wait3A_989, %dma_wait3A_990] : memref<256x512x128xf32, #tpu.memory_space<hbm>> -> memref<1x128x128xf32, #tpu.memory_space<hbm>>
      %dma_wait3A_992 = tpu.memref_squeeze %dma_wait3A_991 : memref<1x128x128xf32, #tpu.memory_space<hbm>> -> memref<128x128xf32, #tpu.memory_space<hbm>>
      %dma_wait3A_993 = arith.constant 384 : i32
      %dma_wait3A_994 = arith.constant 0 : i32
      %dma_wait3A_995 = tpu.memref_slice %arg2[%add3A_218, %dma_wait3A_993, %dma_wait3A_994] : memref<256x512x128xf32, #tpu.memory_space<hbm>> -> memref<1x128x128xf32, #tpu.memory_space<hbm>>
      %dma_wait3A_996 = tpu.memref_squeeze %dma_wait3A_995 : memref<1x128x128xf32, #tpu.memory_space<hbm>> -> memref<128x128xf32, #tpu.memory_space<hbm>>
      tpu.wait_dma2 semaphore(%run_scoped3A_980 : memref<!tpu.dma_semaphore, #tpu.memory_space<semaphore_mem>>) src(%dma_wait3A_996 : memref<128x128xf32, #tpu.memory_space<hbm>>) dst(%arg5 : memref<128x128xf32, #tpu.memory_space<vmem>>)
      tpu.yield
    }) : () -> ()
    %run_scoped3A_219 = arith.constant 3 : i32
    "tpu.region"() ({
      %run_scoped3A_980 = tpu.sem_alloc : memref<!tpu.dma_semaphore, #tpu.memory_space<semaphore_mem>>
      %dma_start3A_981 = arith.constant 0 : i32
      %dma_start3A_982 = tpu.memref_slice %arg6[%run_scoped3A_219, %dma_start3A_981] : memref<4x128xi32, #tpu.memory_space<vmem>> -> memref<1x128xi32, #tpu.memory_space<vmem>>
      %dma_start3A_983 = tpu.memref_squeeze %dma_start3A_982 : memref<1x128xi32, #tpu.memory_space<vmem>> -> memref<128xi32, #tpu.memory_space<vmem>>
      %dma_start3A_984 = arith.constant 0 : i32
      %dma_start3A_985 = arith.constant 0 : i32
      %dma_start3A_986 = tpu.memref_slice %arg8[%add3A_167, %dma_start3A_984, %dma_start3A_985] : memref<32x256x128xf32, #tpu.memory_space<vmem_shared>> -> memref<1x256x128xf32, #tpu.memory_space<vmem_shared>>
      %dma_start3A_987 = tpu.memref_squeeze %dma_start3A_986 : memref<1x256x128xf32, #tpu.memory_space<vmem_shared>> -> memref<256x128xf32, #tpu.memory_space<vmem_shared>>
      %dma_start3A_988 = arith.constant 0 : i32
      %dma_start3A_989 = arith.constant 0 : i32
      %dma_start3A_990 = tpu.memref_slice %dma_start3A_987[%dma_start3A_988, %dma_start3A_989] : memref<256x128xf32, #tpu.memory_space<vmem_shared>> -> memref<256x128xf32, #tpu.memory_space<vmem_shared>>
      tpu.enqueue_indirect_dma source(%arg5 : memref<128x128xf32, #tpu.memory_space<vmem>>) target(%dma_start3A_990 : memref<256x128xf32, #tpu.memory_space<vmem_shared>>) offsets(%dma_start3A_983 : memref<128xi32, #tpu.memory_space<vmem>>) semaphore(%run_scoped3A_980 : memref<!tpu.dma_semaphore, #tpu.memory_space<semaphore_mem>>) {add = true}
      %dma_wait3A_991 = arith.constant 0 : i32
      %dma_wait3A_992 = tpu.memref_slice %arg6[%run_scoped3A_219, %dma_wait3A_991] : memref<4x128xi32, #tpu.memory_space<vmem>> -> memref<1x128xi32, #tpu.memory_space<vmem>>
      %dma_wait3A_993 = tpu.memref_squeeze %dma_wait3A_992 : memref<1x128xi32, #tpu.memory_space<vmem>> -> memref<128xi32, #tpu.memory_space<vmem>>
      %dma_wait3A_994 = arith.constant 0 : i32
      %dma_wait3A_995 = arith.constant 0 : i32
      %dma_wait3A_996 = tpu.memref_slice %arg8[%add3A_167, %dma_wait3A_994, %dma_wait3A_995] : memref<32x256x128xf32, #tpu.memory_space<vmem_shared>> -> memref<1x256x128xf32, #tpu.memory_space<vmem_shared>>
      %dma_wait3A_997 = tpu.memref_squeeze %dma_wait3A_996 : memref<1x256x128xf32, #tpu.memory_space<vmem_shared>> -> memref<256x128xf32, #tpu.memory_space<vmem_shared>>
      %dma_wait3A_998 = arith.constant 0 : i32
      %dma_wait3A_999 = arith.constant 0 : i32
      %dma_wait3A_1000 = tpu.memref_slice %dma_wait3A_997[%dma_wait3A_998, %dma_wait3A_999] : memref<256x128xf32, #tpu.memory_space<vmem_shared>> -> memref<256x128xf32, #tpu.memory_space<vmem_shared>>
      tpu.wait_indirect_dma semaphore(%run_scoped3A_980 : memref<!tpu.dma_semaphore, #tpu.memory_space<semaphore_mem>>) src(%arg5 : memref<128x128xf32, #tpu.memory_space<vmem>>) dst(%dma_wait3A_1000 : memref<256x128xf32, #tpu.memory_space<vmem_shared>>)
      tpu.yield
    }) : () -> ()
    %run_scoped3A_220 = arith.constant 0 : i32
    %run_scoped3A_221 = arith.constant 0 : i32
    "tpu.region"() ({
      %run_scoped3A_980 = tpu.sem_alloc : memref<!tpu.dma_semaphore, #tpu.memory_space<semaphore_mem>>
      %dma_start3A_981 = arith.constant 0 : i32
      %dma_start3A_982 = tpu.memref_slice %arg7[%run_scoped3A_220, %dma_start3A_981] : memref<64x128xf32, #tpu.memory_space<vmem>> -> memref<1x128xf32, #tpu.memory_space<vmem>>
      %dma_start3A_983 = tpu.memref_squeeze %dma_start3A_982 : memref<1x128xf32, #tpu.memory_space<vmem>> -> memref<128xf32, #tpu.memory_space<vmem>>
      %dma_start3A_984 = arith.constant 0 : i32
      %dma_start3A_985 = tpu.memref_slice %arg8[%add3A_167, %run_scoped3A_221, %dma_start3A_984] : memref<32x256x128xf32, #tpu.memory_space<vmem_shared>> -> memref<1x1x128xf32, #tpu.memory_space<vmem_shared>>
      %dma_start3A_986 = tpu.memref_squeeze %dma_start3A_985 : memref<1x1x128xf32, #tpu.memory_space<vmem_shared>> -> memref<128xf32, #tpu.memory_space<vmem_shared>>
      %dma_start3A_987 = arith.constant 0 : i32
      %dma_start3A_988 = tpu.memref_slice %arg8[%add3A_167, %run_scoped3A_221, %dma_start3A_987] : memref<32x256x128xf32, #tpu.memory_space<vmem_shared>> -> memref<1x1x128xf32, #tpu.memory_space<vmem_shared>>
      %dma_start3A_989 = tpu.memref_squeeze %dma_start3A_988 : memref<1x1x128xf32, #tpu.memory_space<vmem_shared>> -> memref<128xf32, #tpu.memory_space<vmem_shared>>
      %dma_start3A_990 = arith.constant 0 : i32
      %dma_start3A_991 = tpu.memref_slice %arg7[%run_scoped3A_220, %dma_start3A_990] : memref<64x128xf32, #tpu.memory_space<vmem>> -> memref<1x128xf32, #tpu.memory_space<vmem>>
      %dma_start3A_992 = tpu.memref_squeeze %dma_start3A_991 : memref<1x128xf32, #tpu.memory_space<vmem>> -> memref<128xf32, #tpu.memory_space<vmem>>
      tpu.enqueue_dma source(%dma_start3A_992 : memref<128xf32, #tpu.memory_space<vmem>>) target(%dma_start3A_989 : memref<128xf32, #tpu.memory_space<vmem_shared>>) target_semaphore(%run_scoped3A_980 : memref<!tpu.dma_semaphore, #tpu.memory_space<semaphore_mem>>)
      %dma_wait3A_993 = arith.constant 0 : i32
      %dma_wait3A_994 = tpu.memref_slice %arg7[%run_scoped3A_220, %dma_wait3A_993] : memref<64x128xf32, #tpu.memory_space<vmem>> -> memref<1x128xf32, #tpu.memory_space<vmem>>
      %dma_wait3A_995 = tpu.memref_squeeze %dma_wait3A_994 : memref<1x128xf32, #tpu.memory_space<vmem>> -> memref<128xf32, #tpu.memory_space<vmem>>
      %dma_wait3A_996 = arith.constant 0 : i32
      %dma_wait3A_997 = tpu.memref_slice %arg8[%add3A_167, %run_scoped3A_221, %dma_wait3A_996] : memref<32x256x128xf32, #tpu.memory_space<vmem_shared>> -> memref<1x1x128xf32, #tpu.memory_space<vmem_shared>>
      %dma_wait3A_998 = tpu.memref_squeeze %dma_wait3A_997 : memref<1x1x128xf32, #tpu.memory_space<vmem_shared>> -> memref<128xf32, #tpu.memory_space<vmem_shared>>
      %dma_wait3A_999 = arith.constant 0 : i32
      %dma_wait3A_1000 = tpu.memref_slice %arg8[%add3A_167, %run_scoped3A_221, %dma_wait3A_999] : memref<32x256x128xf32, #tpu.memory_space<vmem_shared>> -> memref<1x1x128xf32, #tpu.memory_space<vmem_shared>>
      %dma_wait3A_1001 = tpu.memref_squeeze %dma_wait3A_1000 : memref<1x1x128xf32, #tpu.memory_space<vmem_shared>> -> memref<128xf32, #tpu.memory_space<vmem_shared>>
      %dma_wait3A_1002 = arith.constant 0 : i32
      %dma_wait3A_1003 = tpu.memref_slice %arg7[%run_scoped3A_220, %dma_wait3A_1002] : memref<64x128xf32, #tpu.memory_space<vmem>> -> memref<1x128xf32, #tpu.memory_space<vmem>>
      %dma_wait3A_1004 = tpu.memref_squeeze %dma_wait3A_1003 : memref<1x128xf32, #tpu.memory_space<vmem>> -> memref<128xf32, #tpu.memory_space<vmem>>
      tpu.wait_dma2 semaphore(%run_scoped3A_980 : memref<!tpu.dma_semaphore, #tpu.memory_space<semaphore_mem>>) src(%dma_wait3A_1004 : memref<128xf32, #tpu.memory_space<vmem>>) dst(%dma_wait3A_1001 : memref<128xf32, #tpu.memory_space<vmem_shared>>)
      tpu.yield
    }) : () -> ()
    %add3A_222 = arith.constant 1 : i32
    %add3A_223 = arith.addi %mul3A_2, %add3A_222 : i32
    %dma_start3A_224 = arith.constant 0 : i32
    %dma_start3A_225 = arith.constant 0 : i32
    %dma_start3A_226 = tpu.memref_slice %arg4[%add3A_223, %dma_start3A_224, %dma_start3A_225] : memref<256x256x128xf32, #tpu.memory_space<hbm>> -> memref<1x256x128xf32, #tpu.memory_space<hbm>>
    %dma_start3A_227 = tpu.memref_squeeze %dma_start3A_226 : memref<1x256x128xf32, #tpu.memory_space<hbm>> -> memref<256x128xf32, #tpu.memory_space<hbm>>
    %dma_start3A_228 = arith.constant 0 : i32
    %dma_start3A_229 = arith.constant 0 : i32
    %dma_start3A_230 = tpu.memref_slice %arg8[%add3A_167, %dma_start3A_228, %dma_start3A_229] : memref<32x256x128xf32, #tpu.memory_space<vmem_shared>> -> memref<1x256x128xf32, #tpu.memory_space<vmem_shared>>
    %dma_start3A_231 = tpu.memref_squeeze %dma_start3A_230 : memref<1x256x128xf32, #tpu.memory_space<vmem_shared>> -> memref<256x128xf32, #tpu.memory_space<vmem_shared>>
    tpu.enqueue_dma source(%dma_start3A_231 : memref<256x128xf32, #tpu.memory_space<vmem_shared>>) target(%dma_start3A_227 : memref<256x128xf32, #tpu.memory_space<hbm>>) target_semaphore(%arg12 : memref<!tpu.dma_semaphore, #tpu.memory_space<semaphore_mem>>)
    %dma_wait3A_232 = arith.constant 0 : i32
    %dma_wait3A_233 = arith.constant 0 : i32
    %dma_wait3A_234 = tpu.memref_slice %arg4[%add3A_109, %dma_wait3A_232, %dma_wait3A_233] : memref<256x256x128xf32, #tpu.memory_space<hbm>> -> memref<1x256x128xf32, #tpu.memory_space<hbm>>
    %dma_wait3A_235 = tpu.memref_squeeze %dma_wait3A_234 : memref<1x256x128xf32, #tpu.memory_space<hbm>> -> memref<256x128xf32, #tpu.memory_space<hbm>>
    %dma_wait3A_236 = arith.constant 0 : i32
    %dma_wait3A_237 = arith.constant 0 : i32
    %dma_wait3A_238 = tpu.memref_slice %arg8[%add3A_55, %dma_wait3A_236, %dma_wait3A_237] : memref<32x256x128xf32, #tpu.memory_space<vmem_shared>> -> memref<1x256x128xf32, #tpu.memory_space<vmem_shared>>
    %dma_wait3A_239 = tpu.memref_squeeze %dma_wait3A_238 : memref<1x256x128xf32, #tpu.memory_space<vmem_shared>> -> memref<256x128xf32, #tpu.memory_space<vmem_shared>>
    tpu.wait_dma2 semaphore(%arg11 : memref<!tpu.dma_semaphore, #tpu.memory_space<semaphore_mem>>) src(%dma_wait3A_239 : memref<256x128xf32, #tpu.memory_space<vmem_shared>>) dst(%dma_wait3A_235 : memref<256x128xf32, #tpu.memory_space<hbm>>)
    %mul3A_240 = arith.constant 2 : i32
    %mul3A_241 = arith.muli %arg1, %mul3A_240 : i32
    %add3A_242 = arith.constant 0 : i32
    %add3A_243 = arith.addi %mul3A_241, %add3A_242 : i32
    %dma_start3A_244 = arith.constant 0 : i32
    %dma_start3A_245 = arith.constant 0 : i32
    %dma_start3A_246 = tpu.memref_slice %arg8[%add3A_243, %dma_start3A_244, %dma_start3A_245] : memref<32x256x128xf32, #tpu.memory_space<vmem_shared>> -> memref<1x64x128xf32, #tpu.memory_space<vmem_shared>>
    %dma_start3A_247 = tpu.memref_squeeze %dma_start3A_246 : memref<1x64x128xf32, #tpu.memory_space<vmem_shared>> -> memref<64x128xf32, #tpu.memory_space<vmem_shared>>
    %dma_start3A_248 = arith.constant 0 : i32
    %dma_start3A_249 = arith.constant 0 : i32
    %dma_start3A_250 = tpu.memref_slice %arg8[%add3A_243, %dma_start3A_248, %dma_start3A_249] : memref<32x256x128xf32, #tpu.memory_space<vmem_shared>> -> memref<1x64x128xf32, #tpu.memory_space<vmem_shared>>
    %dma_start3A_251 = tpu.memref_squeeze %dma_start3A_250 : memref<1x64x128xf32, #tpu.memory_space<vmem_shared>> -> memref<64x128xf32, #tpu.memory_space<vmem_shared>>
    tpu.enqueue_dma source(%arg7 : memref<64x128xf32, #tpu.memory_space<vmem>>) target(%dma_start3A_251 : memref<64x128xf32, #tpu.memory_space<vmem_shared>>) target_semaphore(%arg9 : memref<!tpu.dma_semaphore, #tpu.memory_space<semaphore_mem>>)
    %dma_start3A_252 = arith.constant 64 : i32
    %dma_start3A_253 = arith.constant 0 : i32
    %dma_start3A_254 = tpu.memref_slice %arg8[%add3A_243, %dma_start3A_252, %dma_start3A_253] : memref<32x256x128xf32, #tpu.memory_space<vmem_shared>> -> memref<1x64x128xf32, #tpu.memory_space<vmem_shared>>
    %dma_start3A_255 = tpu.memref_squeeze %dma_start3A_254 : memref<1x64x128xf32, #tpu.memory_space<vmem_shared>> -> memref<64x128xf32, #tpu.memory_space<vmem_shared>>
    %dma_start3A_256 = arith.constant 64 : i32
    %dma_start3A_257 = arith.constant 0 : i32
    %dma_start3A_258 = tpu.memref_slice %arg8[%add3A_243, %dma_start3A_256, %dma_start3A_257] : memref<32x256x128xf32, #tpu.memory_space<vmem_shared>> -> memref<1x64x128xf32, #tpu.memory_space<vmem_shared>>
    %dma_start3A_259 = tpu.memref_squeeze %dma_start3A_258 : memref<1x64x128xf32, #tpu.memory_space<vmem_shared>> -> memref<64x128xf32, #tpu.memory_space<vmem_shared>>
    tpu.enqueue_dma source(%arg7 : memref<64x128xf32, #tpu.memory_space<vmem>>) target(%dma_start3A_259 : memref<64x128xf32, #tpu.memory_space<vmem_shared>>) target_semaphore(%arg9 : memref<!tpu.dma_semaphore, #tpu.memory_space<semaphore_mem>>)
    %dma_start3A_260 = arith.constant 128 : i32
    %dma_start3A_261 = arith.constant 0 : i32
    %dma_start3A_262 = tpu.memref_slice %arg8[%add3A_243, %dma_start3A_260, %dma_start3A_261] : memref<32x256x128xf32, #tpu.memory_space<vmem_shared>> -> memref<1x64x128xf32, #tpu.memory_space<vmem_shared>>
    %dma_start3A_263 = tpu.memref_squeeze %dma_start3A_262 : memref<1x64x128xf32, #tpu.memory_space<vmem_shared>> -> memref<64x128xf32, #tpu.memory_space<vmem_shared>>
    %dma_start3A_264 = arith.constant 128 : i32
    %dma_start3A_265 = arith.constant 0 : i32
    %dma_start3A_266 = tpu.memref_slice %arg8[%add3A_243, %dma_start3A_264, %dma_start3A_265] : memref<32x256x128xf32, #tpu.memory_space<vmem_shared>> -> memref<1x64x128xf32, #tpu.memory_space<vmem_shared>>
    %dma_start3A_267 = tpu.memref_squeeze %dma_start3A_266 : memref<1x64x128xf32, #tpu.memory_space<vmem_shared>> -> memref<64x128xf32, #tpu.memory_space<vmem_shared>>
    tpu.enqueue_dma source(%arg7 : memref<64x128xf32, #tpu.memory_space<vmem>>) target(%dma_start3A_267 : memref<64x128xf32, #tpu.memory_space<vmem_shared>>) target_semaphore(%arg9 : memref<!tpu.dma_semaphore, #tpu.memory_space<semaphore_mem>>)
    %dma_start3A_268 = arith.constant 192 : i32
    %dma_start3A_269 = arith.constant 0 : i32
    %dma_start3A_270 = tpu.memref_slice %arg8[%add3A_243, %dma_start3A_268, %dma_start3A_269] : memref<32x256x128xf32, #tpu.memory_space<vmem_shared>> -> memref<1x64x128xf32, #tpu.memory_space<vmem_shared>>
    %dma_start3A_271 = tpu.memref_squeeze %dma_start3A_270 : memref<1x64x128xf32, #tpu.memory_space<vmem_shared>> -> memref<64x128xf32, #tpu.memory_space<vmem_shared>>
    %dma_start3A_272 = arith.constant 192 : i32
    %dma_start3A_273 = arith.constant 0 : i32
    %dma_start3A_274 = tpu.memref_slice %arg8[%add3A_243, %dma_start3A_272, %dma_start3A_273] : memref<32x256x128xf32, #tpu.memory_space<vmem_shared>> -> memref<1x64x128xf32, #tpu.memory_space<vmem_shared>>
    %dma_start3A_275 = tpu.memref_squeeze %dma_start3A_274 : memref<1x64x128xf32, #tpu.memory_space<vmem_shared>> -> memref<64x128xf32, #tpu.memory_space<vmem_shared>>
    tpu.enqueue_dma source(%arg7 : memref<64x128xf32, #tpu.memory_space<vmem>>) target(%dma_start3A_275 : memref<64x128xf32, #tpu.memory_space<vmem_shared>>) target_semaphore(%arg9 : memref<!tpu.dma_semaphore, #tpu.memory_space<semaphore_mem>>)
    %add3A_276 = arith.constant 2 : i32
    %add3A_277 = arith.addi %mul3A_2, %add3A_276 : i32
    %dma_start3A_278 = arith.constant 0 : i32
    %dma_start3A_279 = arith.constant 0 : i32
    %dma_start3A_280 = tpu.memref_slice %arg2[%add3A_277, %dma_start3A_278, %dma_start3A_279] : memref<256x512x128xf32, #tpu.memory_space<hbm>> -> memref<1x128x128xf32, #tpu.memory_space<hbm>>
    %dma_start3A_281 = tpu.memref_squeeze %dma_start3A_280 : memref<1x128x128xf32, #tpu.memory_space<hbm>> -> memref<128x128xf32, #tpu.memory_space<hbm>>
    %dma_start3A_282 = arith.constant 0 : i32
    %dma_start3A_283 = arith.constant 0 : i32
    %dma_start3A_284 = tpu.memref_slice %arg2[%add3A_277, %dma_start3A_282, %dma_start3A_283] : memref<256x512x128xf32, #tpu.memory_space<hbm>> -> memref<1x128x128xf32, #tpu.memory_space<hbm>>
    %dma_start3A_285 = tpu.memref_squeeze %dma_start3A_284 : memref<1x128x128xf32, #tpu.memory_space<hbm>> -> memref<128x128xf32, #tpu.memory_space<hbm>>
    tpu.enqueue_dma source(%dma_start3A_285 : memref<128x128xf32, #tpu.memory_space<hbm>>) target(%arg5 : memref<128x128xf32, #tpu.memory_space<vmem>>) target_semaphore(%arg10 : memref<!tpu.dma_semaphore, #tpu.memory_space<semaphore_mem>>)
    %mul3A_286 = arith.constant 2 : i32
    %mul3A_287 = arith.muli %arg1, %mul3A_286 : i32
    %add3A_288 = arith.constant 0 : i32
    %add3A_289 = arith.addi %mul3A_287, %add3A_288 : i32
    %add3A_290 = arith.constant 2 : i32
    %add3A_291 = arith.addi %mul3A_2, %add3A_290 : i32
    "tpu.region"() ({
      %run_scoped3A_980 = tpu.sem_alloc : memref<!tpu.dma_semaphore, #tpu.memory_space<semaphore_mem>>
      %dma_start3A_981 = arith.constant 0 : i32
      %dma_start3A_982 = arith.constant 0 : i32
      %dma_start3A_983 = tpu.memref_slice %arg3[%add3A_291, %dma_start3A_981, %dma_start3A_982] : memref<256x4x128xi32, #tpu.memory_space<hbm>> -> memref<1x4x128xi32, #tpu.memory_space<hbm>>
      %dma_start3A_984 = tpu.memref_squeeze %dma_start3A_983 : memref<1x4x128xi32, #tpu.memory_space<hbm>> -> memref<4x128xi32, #tpu.memory_space<hbm>>
      %dma_start3A_985 = arith.constant 0 : i32
      %dma_start3A_986 = arith.constant 0 : i32
      %dma_start3A_987 = tpu.memref_slice %arg3[%add3A_291, %dma_start3A_985, %dma_start3A_986] : memref<256x4x128xi32, #tpu.memory_space<hbm>> -> memref<1x4x128xi32, #tpu.memory_space<hbm>>
      %dma_start3A_988 = tpu.memref_squeeze %dma_start3A_987 : memref<1x4x128xi32, #tpu.memory_space<hbm>> -> memref<4x128xi32, #tpu.memory_space<hbm>>
      tpu.enqueue_dma source(%dma_start3A_988 : memref<4x128xi32, #tpu.memory_space<hbm>>) target(%arg6 : memref<4x128xi32, #tpu.memory_space<vmem>>) target_semaphore(%run_scoped3A_980 : memref<!tpu.dma_semaphore, #tpu.memory_space<semaphore_mem>>)
      %dma_wait3A_989 = arith.constant 0 : i32
      %dma_wait3A_990 = arith.constant 0 : i32
      %dma_wait3A_991 = tpu.memref_slice %arg3[%add3A_291, %dma_wait3A_989, %dma_wait3A_990] : memref<256x4x128xi32, #tpu.memory_space<hbm>> -> memref<1x4x128xi32, #tpu.memory_space<hbm>>
      %dma_wait3A_992 = tpu.memref_squeeze %dma_wait3A_991 : memref<1x4x128xi32, #tpu.memory_space<hbm>> -> memref<4x128xi32, #tpu.memory_space<hbm>>
      %dma_wait3A_993 = arith.constant 0 : i32
      %dma_wait3A_994 = arith.constant 0 : i32
      %dma_wait3A_995 = tpu.memref_slice %arg3[%add3A_291, %dma_wait3A_993, %dma_wait3A_994] : memref<256x4x128xi32, #tpu.memory_space<hbm>> -> memref<1x4x128xi32, #tpu.memory_space<hbm>>
      %dma_wait3A_996 = tpu.memref_squeeze %dma_wait3A_995 : memref<1x4x128xi32, #tpu.memory_space<hbm>> -> memref<4x128xi32, #tpu.memory_space<hbm>>
      tpu.wait_dma2 semaphore(%run_scoped3A_980 : memref<!tpu.dma_semaphore, #tpu.memory_space<semaphore_mem>>) src(%dma_wait3A_996 : memref<4x128xi32, #tpu.memory_space<hbm>>) dst(%arg6 : memref<4x128xi32, #tpu.memory_space<vmem>>)
      tpu.yield
    }) : () -> ()
    %dma_wait3A_292 = arith.constant 0 : i32
    %dma_wait3A_293 = arith.constant 0 : i32
    %dma_wait3A_294 = tpu.memref_slice %arg2[%add3A_277, %dma_wait3A_292, %dma_wait3A_293] : memref<256x512x128xf32, #tpu.memory_space<hbm>> -> memref<1x128x128xf32, #tpu.memory_space<hbm>>
    %dma_wait3A_295 = tpu.memref_squeeze %dma_wait3A_294 : memref<1x128x128xf32, #tpu.memory_space<hbm>> -> memref<128x128xf32, #tpu.memory_space<hbm>>
    %dma_wait3A_296 = arith.constant 0 : i32
    %dma_wait3A_297 = arith.constant 0 : i32
    %dma_wait3A_298 = tpu.memref_slice %arg2[%add3A_277, %dma_wait3A_296, %dma_wait3A_297] : memref<256x512x128xf32, #tpu.memory_space<hbm>> -> memref<1x128x128xf32, #tpu.memory_space<hbm>>
    %dma_wait3A_299 = tpu.memref_squeeze %dma_wait3A_298 : memref<1x128x128xf32, #tpu.memory_space<hbm>> -> memref<128x128xf32, #tpu.memory_space<hbm>>
    tpu.wait_dma2 semaphore(%arg10 : memref<!tpu.dma_semaphore, #tpu.memory_space<semaphore_mem>>) src(%dma_wait3A_299 : memref<128x128xf32, #tpu.memory_space<hbm>>) dst(%arg5 : memref<128x128xf32, #tpu.memory_space<vmem>>)
    %dma_wait3A_300 = arith.constant 0 : i32
    %dma_wait3A_301 = arith.constant 0 : i32
    %dma_wait3A_302 = tpu.memref_slice %arg8[%add3A_243, %dma_wait3A_300, %dma_wait3A_301] : memref<32x256x128xf32, #tpu.memory_space<vmem_shared>> -> memref<1x64x128xf32, #tpu.memory_space<vmem_shared>>
    %dma_wait3A_303 = tpu.memref_squeeze %dma_wait3A_302 : memref<1x64x128xf32, #tpu.memory_space<vmem_shared>> -> memref<64x128xf32, #tpu.memory_space<vmem_shared>>
    %dma_wait3A_304 = arith.constant 0 : i32
    %dma_wait3A_305 = arith.constant 0 : i32
    %dma_wait3A_306 = tpu.memref_slice %arg8[%add3A_243, %dma_wait3A_304, %dma_wait3A_305] : memref<32x256x128xf32, #tpu.memory_space<vmem_shared>> -> memref<1x64x128xf32, #tpu.memory_space<vmem_shared>>
    %dma_wait3A_307 = tpu.memref_squeeze %dma_wait3A_306 : memref<1x64x128xf32, #tpu.memory_space<vmem_shared>> -> memref<64x128xf32, #tpu.memory_space<vmem_shared>>
    tpu.wait_dma2 semaphore(%arg9 : memref<!tpu.dma_semaphore, #tpu.memory_space<semaphore_mem>>) src(%arg7 : memref<64x128xf32, #tpu.memory_space<vmem>>) dst(%dma_wait3A_307 : memref<64x128xf32, #tpu.memory_space<vmem_shared>>)
    %dma_wait3A_308 = arith.constant 64 : i32
    %dma_wait3A_309 = arith.constant 0 : i32
    %dma_wait3A_310 = tpu.memref_slice %arg8[%add3A_243, %dma_wait3A_308, %dma_wait3A_309] : memref<32x256x128xf32, #tpu.memory_space<vmem_shared>> -> memref<1x64x128xf32, #tpu.memory_space<vmem_shared>>
    %dma_wait3A_311 = tpu.memref_squeeze %dma_wait3A_310 : memref<1x64x128xf32, #tpu.memory_space<vmem_shared>> -> memref<64x128xf32, #tpu.memory_space<vmem_shared>>
    %dma_wait3A_312 = arith.constant 64 : i32
    %dma_wait3A_313 = arith.constant 0 : i32
    %dma_wait3A_314 = tpu.memref_slice %arg8[%add3A_243, %dma_wait3A_312, %dma_wait3A_313] : memref<32x256x128xf32, #tpu.memory_space<vmem_shared>> -> memref<1x64x128xf32, #tpu.memory_space<vmem_shared>>
    %dma_wait3A_315 = tpu.memref_squeeze %dma_wait3A_314 : memref<1x64x128xf32, #tpu.memory_space<vmem_shared>> -> memref<64x128xf32, #tpu.memory_space<vmem_shared>>
    tpu.wait_dma2 semaphore(%arg9 : memref<!tpu.dma_semaphore, #tpu.memory_space<semaphore_mem>>) src(%arg7 : memref<64x128xf32, #tpu.memory_space<vmem>>) dst(%dma_wait3A_315 : memref<64x128xf32, #tpu.memory_space<vmem_shared>>)
    %dma_wait3A_316 = arith.constant 128 : i32
    %dma_wait3A_317 = arith.constant 0 : i32
    %dma_wait3A_318 = tpu.memref_slice %arg8[%add3A_243, %dma_wait3A_316, %dma_wait3A_317] : memref<32x256x128xf32, #tpu.memory_space<vmem_shared>> -> memref<1x64x128xf32, #tpu.memory_space<vmem_shared>>
    %dma_wait3A_319 = tpu.memref_squeeze %dma_wait3A_318 : memref<1x64x128xf32, #tpu.memory_space<vmem_shared>> -> memref<64x128xf32, #tpu.memory_space<vmem_shared>>
    %dma_wait3A_320 = arith.constant 128 : i32
    %dma_wait3A_321 = arith.constant 0 : i32
    %dma_wait3A_322 = tpu.memref_slice %arg8[%add3A_243, %dma_wait3A_320, %dma_wait3A_321] : memref<32x256x128xf32, #tpu.memory_space<vmem_shared>> -> memref<1x64x128xf32, #tpu.memory_space<vmem_shared>>
    %dma_wait3A_323 = tpu.memref_squeeze %dma_wait3A_322 : memref<1x64x128xf32, #tpu.memory_space<vmem_shared>> -> memref<64x128xf32, #tpu.memory_space<vmem_shared>>
    tpu.wait_dma2 semaphore(%arg9 : memref<!tpu.dma_semaphore, #tpu.memory_space<semaphore_mem>>) src(%arg7 : memref<64x128xf32, #tpu.memory_space<vmem>>) dst(%dma_wait3A_323 : memref<64x128xf32, #tpu.memory_space<vmem_shared>>)
    %dma_wait3A_324 = arith.constant 192 : i32
    %dma_wait3A_325 = arith.constant 0 : i32
    %dma_wait3A_326 = tpu.memref_slice %arg8[%add3A_243, %dma_wait3A_324, %dma_wait3A_325] : memref<32x256x128xf32, #tpu.memory_space<vmem_shared>> -> memref<1x64x128xf32, #tpu.memory_space<vmem_shared>>
    %dma_wait3A_327 = tpu.memref_squeeze %dma_wait3A_326 : memref<1x64x128xf32, #tpu.memory_space<vmem_shared>> -> memref<64x128xf32, #tpu.memory_space<vmem_shared>>
    %dma_wait3A_328 = arith.constant 192 : i32
    %dma_wait3A_329 = arith.constant 0 : i32
    %dma_wait3A_330 = tpu.memref_slice %arg8[%add3A_243, %dma_wait3A_328, %dma_wait3A_329] : memref<32x256x128xf32, #tpu.memory_space<vmem_shared>> -> memref<1x64x128xf32, #tpu.memory_space<vmem_shared>>
    %dma_wait3A_331 = tpu.memref_squeeze %dma_wait3A_330 : memref<1x64x128xf32, #tpu.memory_space<vmem_shared>> -> memref<64x128xf32, #tpu.memory_space<vmem_shared>>
    tpu.wait_dma2 semaphore(%arg9 : memref<!tpu.dma_semaphore, #tpu.memory_space<semaphore_mem>>) src(%arg7 : memref<64x128xf32, #tpu.memory_space<vmem>>) dst(%dma_wait3A_331 : memref<64x128xf32, #tpu.memory_space<vmem_shared>>)
    %run_scoped3A_332 = arith.constant 0 : i32
    "tpu.region"() ({
      %run_scoped3A_980 = tpu.sem_alloc : memref<!tpu.dma_semaphore, #tpu.memory_space<semaphore_mem>>
      %dma_start3A_981 = arith.constant 0 : i32
      %dma_start3A_982 = tpu.memref_slice %arg6[%run_scoped3A_332, %dma_start3A_981] : memref<4x128xi32, #tpu.memory_space<vmem>> -> memref<1x128xi32, #tpu.memory_space<vmem>>
      %dma_start3A_983 = tpu.memref_squeeze %dma_start3A_982 : memref<1x128xi32, #tpu.memory_space<vmem>> -> memref<128xi32, #tpu.memory_space<vmem>>
      %dma_start3A_984 = arith.constant 0 : i32
      %dma_start3A_985 = arith.constant 0 : i32
      %dma_start3A_986 = tpu.memref_slice %arg8[%add3A_289, %dma_start3A_984, %dma_start3A_985] : memref<32x256x128xf32, #tpu.memory_space<vmem_shared>> -> memref<1x256x128xf32, #tpu.memory_space<vmem_shared>>
      %dma_start3A_987 = tpu.memref_squeeze %dma_start3A_986 : memref<1x256x128xf32, #tpu.memory_space<vmem_shared>> -> memref<256x128xf32, #tpu.memory_space<vmem_shared>>
      %dma_start3A_988 = arith.constant 0 : i32
      %dma_start3A_989 = arith.constant 0 : i32
      %dma_start3A_990 = tpu.memref_slice %dma_start3A_987[%dma_start3A_988, %dma_start3A_989] : memref<256x128xf32, #tpu.memory_space<vmem_shared>> -> memref<256x128xf32, #tpu.memory_space<vmem_shared>>
      tpu.enqueue_indirect_dma source(%arg5 : memref<128x128xf32, #tpu.memory_space<vmem>>) target(%dma_start3A_990 : memref<256x128xf32, #tpu.memory_space<vmem_shared>>) offsets(%dma_start3A_983 : memref<128xi32, #tpu.memory_space<vmem>>) semaphore(%run_scoped3A_980 : memref<!tpu.dma_semaphore, #tpu.memory_space<semaphore_mem>>) {add = true}
      %dma_wait3A_991 = arith.constant 0 : i32
      %dma_wait3A_992 = tpu.memref_slice %arg6[%run_scoped3A_332, %dma_wait3A_991] : memref<4x128xi32, #tpu.memory_space<vmem>> -> memref<1x128xi32, #tpu.memory_space<vmem>>
      %dma_wait3A_993 = tpu.memref_squeeze %dma_wait3A_992 : memref<1x128xi32, #tpu.memory_space<vmem>> -> memref<128xi32, #tpu.memory_space<vmem>>
      %dma_wait3A_994 = arith.constant 0 : i32
      %dma_wait3A_995 = arith.constant 0 : i32
      %dma_wait3A_996 = tpu.memref_slice %arg8[%add3A_289, %dma_wait3A_994, %dma_wait3A_995] : memref<32x256x128xf32, #tpu.memory_space<vmem_shared>> -> memref<1x256x128xf32, #tpu.memory_space<vmem_shared>>
      %dma_wait3A_997 = tpu.memref_squeeze %dma_wait3A_996 : memref<1x256x128xf32, #tpu.memory_space<vmem_shared>> -> memref<256x128xf32, #tpu.memory_space<vmem_shared>>
      %dma_wait3A_998 = arith.constant 0 : i32
      %dma_wait3A_999 = arith.constant 0 : i32
      %dma_wait3A_1000 = tpu.memref_slice %dma_wait3A_997[%dma_wait3A_998, %dma_wait3A_999] : memref<256x128xf32, #tpu.memory_space<vmem_shared>> -> memref<256x128xf32, #tpu.memory_space<vmem_shared>>
      tpu.wait_indirect_dma semaphore(%run_scoped3A_980 : memref<!tpu.dma_semaphore, #tpu.memory_space<semaphore_mem>>) src(%arg5 : memref<128x128xf32, #tpu.memory_space<vmem>>) dst(%dma_wait3A_1000 : memref<256x128xf32, #tpu.memory_space<vmem_shared>>)
      tpu.yield
    }) : () -> ()
    %add3A_333 = arith.constant 2 : i32
    %add3A_334 = arith.addi %mul3A_2, %add3A_333 : i32
    "tpu.region"() ({
      %run_scoped3A_980 = tpu.sem_alloc : memref<!tpu.dma_semaphore, #tpu.memory_space<semaphore_mem>>
      %dma_start3A_981 = arith.constant 128 : i32
      %dma_start3A_982 = arith.constant 0 : i32
      %dma_start3A_983 = tpu.memref_slice %arg2[%add3A_334, %dma_start3A_981, %dma_start3A_982] : memref<256x512x128xf32, #tpu.memory_space<hbm>> -> memref<1x128x128xf32, #tpu.memory_space<hbm>>
      %dma_start3A_984 = tpu.memref_squeeze %dma_start3A_983 : memref<1x128x128xf32, #tpu.memory_space<hbm>> -> memref<128x128xf32, #tpu.memory_space<hbm>>
      %dma_start3A_985 = arith.constant 128 : i32
      %dma_start3A_986 = arith.constant 0 : i32
      %dma_start3A_987 = tpu.memref_slice %arg2[%add3A_334, %dma_start3A_985, %dma_start3A_986] : memref<256x512x128xf32, #tpu.memory_space<hbm>> -> memref<1x128x128xf32, #tpu.memory_space<hbm>>
      %dma_start3A_988 = tpu.memref_squeeze %dma_start3A_987 : memref<1x128x128xf32, #tpu.memory_space<hbm>> -> memref<128x128xf32, #tpu.memory_space<hbm>>
      tpu.enqueue_dma source(%dma_start3A_988 : memref<128x128xf32, #tpu.memory_space<hbm>>) target(%arg5 : memref<128x128xf32, #tpu.memory_space<vmem>>) target_semaphore(%run_scoped3A_980 : memref<!tpu.dma_semaphore, #tpu.memory_space<semaphore_mem>>)
      %dma_wait3A_989 = arith.constant 128 : i32
      %dma_wait3A_990 = arith.constant 0 : i32
      %dma_wait3A_991 = tpu.memref_slice %arg2[%add3A_334, %dma_wait3A_989, %dma_wait3A_990] : memref<256x512x128xf32, #tpu.memory_space<hbm>> -> memref<1x128x128xf32, #tpu.memory_space<hbm>>
      %dma_wait3A_992 = tpu.memref_squeeze %dma_wait3A_991 : memref<1x128x128xf32, #tpu.memory_space<hbm>> -> memref<128x128xf32, #tpu.memory_space<hbm>>
      %dma_wait3A_993 = arith.constant 128 : i32
      %dma_wait3A_994 = arith.constant 0 : i32
      %dma_wait3A_995 = tpu.memref_slice %arg2[%add3A_334, %dma_wait3A_993, %dma_wait3A_994] : memref<256x512x128xf32, #tpu.memory_space<hbm>> -> memref<1x128x128xf32, #tpu.memory_space<hbm>>
      %dma_wait3A_996 = tpu.memref_squeeze %dma_wait3A_995 : memref<1x128x128xf32, #tpu.memory_space<hbm>> -> memref<128x128xf32, #tpu.memory_space<hbm>>
      tpu.wait_dma2 semaphore(%run_scoped3A_980 : memref<!tpu.dma_semaphore, #tpu.memory_space<semaphore_mem>>) src(%dma_wait3A_996 : memref<128x128xf32, #tpu.memory_space<hbm>>) dst(%arg5 : memref<128x128xf32, #tpu.memory_space<vmem>>)
      tpu.yield
    }) : () -> ()
    %run_scoped3A_335 = arith.constant 1 : i32
    "tpu.region"() ({
      %run_scoped3A_980 = tpu.sem_alloc : memref<!tpu.dma_semaphore, #tpu.memory_space<semaphore_mem>>
      %dma_start3A_981 = arith.constant 0 : i32
      %dma_start3A_982 = tpu.memref_slice %arg6[%run_scoped3A_335, %dma_start3A_981] : memref<4x128xi32, #tpu.memory_space<vmem>> -> memref<1x128xi32, #tpu.memory_space<vmem>>
      %dma_start3A_983 = tpu.memref_squeeze %dma_start3A_982 : memref<1x128xi32, #tpu.memory_space<vmem>> -> memref<128xi32, #tpu.memory_space<vmem>>
      %dma_start3A_984 = arith.constant 0 : i32
      %dma_start3A_985 = arith.constant 0 : i32
      %dma_start3A_986 = tpu.memref_slice %arg8[%add3A_289, %dma_start3A_984, %dma_start3A_985] : memref<32x256x128xf32, #tpu.memory_space<vmem_shared>> -> memref<1x256x128xf32, #tpu.memory_space<vmem_shared>>
      %dma_start3A_987 = tpu.memref_squeeze %dma_start3A_986 : memref<1x256x128xf32, #tpu.memory_space<vmem_shared>> -> memref<256x128xf32, #tpu.memory_space<vmem_shared>>
      %dma_start3A_988 = arith.constant 0 : i32
      %dma_start3A_989 = arith.constant 0 : i32
      %dma_start3A_990 = tpu.memref_slice %dma_start3A_987[%dma_start3A_988, %dma_start3A_989] : memref<256x128xf32, #tpu.memory_space<vmem_shared>> -> memref<256x128xf32, #tpu.memory_space<vmem_shared>>
      tpu.enqueue_indirect_dma source(%arg5 : memref<128x128xf32, #tpu.memory_space<vmem>>) target(%dma_start3A_990 : memref<256x128xf32, #tpu.memory_space<vmem_shared>>) offsets(%dma_start3A_983 : memref<128xi32, #tpu.memory_space<vmem>>) semaphore(%run_scoped3A_980 : memref<!tpu.dma_semaphore, #tpu.memory_space<semaphore_mem>>) {add = true}
      %dma_wait3A_991 = arith.constant 0 : i32
      %dma_wait3A_992 = tpu.memref_slice %arg6[%run_scoped3A_335, %dma_wait3A_991] : memref<4x128xi32, #tpu.memory_space<vmem>> -> memref<1x128xi32, #tpu.memory_space<vmem>>
      %dma_wait3A_993 = tpu.memref_squeeze %dma_wait3A_992 : memref<1x128xi32, #tpu.memory_space<vmem>> -> memref<128xi32, #tpu.memory_space<vmem>>
      %dma_wait3A_994 = arith.constant 0 : i32
      %dma_wait3A_995 = arith.constant 0 : i32
      %dma_wait3A_996 = tpu.memref_slice %arg8[%add3A_289, %dma_wait3A_994, %dma_wait3A_995] : memref<32x256x128xf32, #tpu.memory_space<vmem_shared>> -> memref<1x256x128xf32, #tpu.memory_space<vmem_shared>>
      %dma_wait3A_997 = tpu.memref_squeeze %dma_wait3A_996 : memref<1x256x128xf32, #tpu.memory_space<vmem_shared>> -> memref<256x128xf32, #tpu.memory_space<vmem_shared>>
      %dma_wait3A_998 = arith.constant 0 : i32
      %dma_wait3A_999 = arith.constant 0 : i32
      %dma_wait3A_1000 = tpu.memref_slice %dma_wait3A_997[%dma_wait3A_998, %dma_wait3A_999] : memref<256x128xf32, #tpu.memory_space<vmem_shared>> -> memref<256x128xf32, #tpu.memory_space<vmem_shared>>
      tpu.wait_indirect_dma semaphore(%run_scoped3A_980 : memref<!tpu.dma_semaphore, #tpu.memory_space<semaphore_mem>>) src(%arg5 : memref<128x128xf32, #tpu.memory_space<vmem>>) dst(%dma_wait3A_1000 : memref<256x128xf32, #tpu.memory_space<vmem_shared>>)
      tpu.yield
    }) : () -> ()
    %add3A_336 = arith.constant 2 : i32
    %add3A_337 = arith.addi %mul3A_2, %add3A_336 : i32
    "tpu.region"() ({
      %run_scoped3A_980 = tpu.sem_alloc : memref<!tpu.dma_semaphore, #tpu.memory_space<semaphore_mem>>
      %dma_start3A_981 = arith.constant 256 : i32
      %dma_start3A_982 = arith.constant 0 : i32
      %dma_start3A_983 = tpu.memref_slice %arg2[%add3A_337, %dma_start3A_981, %dma_start3A_982] : memref<256x512x128xf32, #tpu.memory_space<hbm>> -> memref<1x128x128xf32, #tpu.memory_space<hbm>>
      %dma_start3A_984 = tpu.memref_squeeze %dma_start3A_983 : memref<1x128x128xf32, #tpu.memory_space<hbm>> -> memref<128x128xf32, #tpu.memory_space<hbm>>
      %dma_start3A_985 = arith.constant 256 : i32
      %dma_start3A_986 = arith.constant 0 : i32
      %dma_start3A_987 = tpu.memref_slice %arg2[%add3A_337, %dma_start3A_985, %dma_start3A_986] : memref<256x512x128xf32, #tpu.memory_space<hbm>> -> memref<1x128x128xf32, #tpu.memory_space<hbm>>
      %dma_start3A_988 = tpu.memref_squeeze %dma_start3A_987 : memref<1x128x128xf32, #tpu.memory_space<hbm>> -> memref<128x128xf32, #tpu.memory_space<hbm>>
      tpu.enqueue_dma source(%dma_start3A_988 : memref<128x128xf32, #tpu.memory_space<hbm>>) target(%arg5 : memref<128x128xf32, #tpu.memory_space<vmem>>) target_semaphore(%run_scoped3A_980 : memref<!tpu.dma_semaphore, #tpu.memory_space<semaphore_mem>>)
      %dma_wait3A_989 = arith.constant 256 : i32
      %dma_wait3A_990 = arith.constant 0 : i32
      %dma_wait3A_991 = tpu.memref_slice %arg2[%add3A_337, %dma_wait3A_989, %dma_wait3A_990] : memref<256x512x128xf32, #tpu.memory_space<hbm>> -> memref<1x128x128xf32, #tpu.memory_space<hbm>>
      %dma_wait3A_992 = tpu.memref_squeeze %dma_wait3A_991 : memref<1x128x128xf32, #tpu.memory_space<hbm>> -> memref<128x128xf32, #tpu.memory_space<hbm>>
      %dma_wait3A_993 = arith.constant 256 : i32
      %dma_wait3A_994 = arith.constant 0 : i32
      %dma_wait3A_995 = tpu.memref_slice %arg2[%add3A_337, %dma_wait3A_993, %dma_wait3A_994] : memref<256x512x128xf32, #tpu.memory_space<hbm>> -> memref<1x128x128xf32, #tpu.memory_space<hbm>>
      %dma_wait3A_996 = tpu.memref_squeeze %dma_wait3A_995 : memref<1x128x128xf32, #tpu.memory_space<hbm>> -> memref<128x128xf32, #tpu.memory_space<hbm>>
      tpu.wait_dma2 semaphore(%run_scoped3A_980 : memref<!tpu.dma_semaphore, #tpu.memory_space<semaphore_mem>>) src(%dma_wait3A_996 : memref<128x128xf32, #tpu.memory_space<hbm>>) dst(%arg5 : memref<128x128xf32, #tpu.memory_space<vmem>>)
      tpu.yield
    }) : () -> ()
    %run_scoped3A_338 = arith.constant 2 : i32
    "tpu.region"() ({
      %run_scoped3A_980 = tpu.sem_alloc : memref<!tpu.dma_semaphore, #tpu.memory_space<semaphore_mem>>
      %dma_start3A_981 = arith.constant 0 : i32
      %dma_start3A_982 = tpu.memref_slice %arg6[%run_scoped3A_338, %dma_start3A_981] : memref<4x128xi32, #tpu.memory_space<vmem>> -> memref<1x128xi32, #tpu.memory_space<vmem>>
      %dma_start3A_983 = tpu.memref_squeeze %dma_start3A_982 : memref<1x128xi32, #tpu.memory_space<vmem>> -> memref<128xi32, #tpu.memory_space<vmem>>
      %dma_start3A_984 = arith.constant 0 : i32
      %dma_start3A_985 = arith.constant 0 : i32
      %dma_start3A_986 = tpu.memref_slice %arg8[%add3A_289, %dma_start3A_984, %dma_start3A_985] : memref<32x256x128xf32, #tpu.memory_space<vmem_shared>> -> memref<1x256x128xf32, #tpu.memory_space<vmem_shared>>
      %dma_start3A_987 = tpu.memref_squeeze %dma_start3A_986 : memref<1x256x128xf32, #tpu.memory_space<vmem_shared>> -> memref<256x128xf32, #tpu.memory_space<vmem_shared>>
      %dma_start3A_988 = arith.constant 0 : i32
      %dma_start3A_989 = arith.constant 0 : i32
      %dma_start3A_990 = tpu.memref_slice %dma_start3A_987[%dma_start3A_988, %dma_start3A_989] : memref<256x128xf32, #tpu.memory_space<vmem_shared>> -> memref<256x128xf32, #tpu.memory_space<vmem_shared>>
      tpu.enqueue_indirect_dma source(%arg5 : memref<128x128xf32, #tpu.memory_space<vmem>>) target(%dma_start3A_990 : memref<256x128xf32, #tpu.memory_space<vmem_shared>>) offsets(%dma_start3A_983 : memref<128xi32, #tpu.memory_space<vmem>>) semaphore(%run_scoped3A_980 : memref<!tpu.dma_semaphore, #tpu.memory_space<semaphore_mem>>) {add = true}
      %dma_wait3A_991 = arith.constant 0 : i32
      %dma_wait3A_992 = tpu.memref_slice %arg6[%run_scoped3A_338, %dma_wait3A_991] : memref<4x128xi32, #tpu.memory_space<vmem>> -> memref<1x128xi32, #tpu.memory_space<vmem>>
      %dma_wait3A_993 = tpu.memref_squeeze %dma_wait3A_992 : memref<1x128xi32, #tpu.memory_space<vmem>> -> memref<128xi32, #tpu.memory_space<vmem>>
      %dma_wait3A_994 = arith.constant 0 : i32
      %dma_wait3A_995 = arith.constant 0 : i32
      %dma_wait3A_996 = tpu.memref_slice %arg8[%add3A_289, %dma_wait3A_994, %dma_wait3A_995] : memref<32x256x128xf32, #tpu.memory_space<vmem_shared>> -> memref<1x256x128xf32, #tpu.memory_space<vmem_shared>>
      %dma_wait3A_997 = tpu.memref_squeeze %dma_wait3A_996 : memref<1x256x128xf32, #tpu.memory_space<vmem_shared>> -> memref<256x128xf32, #tpu.memory_space<vmem_shared>>
      %dma_wait3A_998 = arith.constant 0 : i32
      %dma_wait3A_999 = arith.constant 0 : i32
      %dma_wait3A_1000 = tpu.memref_slice %dma_wait3A_997[%dma_wait3A_998, %dma_wait3A_999] : memref<256x128xf32, #tpu.memory_space<vmem_shared>> -> memref<256x128xf32, #tpu.memory_space<vmem_shared>>
      tpu.wait_indirect_dma semaphore(%run_scoped3A_980 : memref<!tpu.dma_semaphore, #tpu.memory_space<semaphore_mem>>) src(%arg5 : memref<128x128xf32, #tpu.memory_space<vmem>>) dst(%dma_wait3A_1000 : memref<256x128xf32, #tpu.memory_space<vmem_shared>>)
      tpu.yield
    }) : () -> ()
    %add3A_339 = arith.constant 2 : i32
    %add3A_340 = arith.addi %mul3A_2, %add3A_339 : i32
    "tpu.region"() ({
      %run_scoped3A_980 = tpu.sem_alloc : memref<!tpu.dma_semaphore, #tpu.memory_space<semaphore_mem>>
      %dma_start3A_981 = arith.constant 384 : i32
      %dma_start3A_982 = arith.constant 0 : i32
      %dma_start3A_983 = tpu.memref_slice %arg2[%add3A_340, %dma_start3A_981, %dma_start3A_982] : memref<256x512x128xf32, #tpu.memory_space<hbm>> -> memref<1x128x128xf32, #tpu.memory_space<hbm>>
      %dma_start3A_984 = tpu.memref_squeeze %dma_start3A_983 : memref<1x128x128xf32, #tpu.memory_space<hbm>> -> memref<128x128xf32, #tpu.memory_space<hbm>>
      %dma_start3A_985 = arith.constant 384 : i32
      %dma_start3A_986 = arith.constant 0 : i32
      %dma_start3A_987 = tpu.memref_slice %arg2[%add3A_340, %dma_start3A_985, %dma_start3A_986] : memref<256x512x128xf32, #tpu.memory_space<hbm>> -> memref<1x128x128xf32, #tpu.memory_space<hbm>>
      %dma_start3A_988 = tpu.memref_squeeze %dma_start3A_987 : memref<1x128x128xf32, #tpu.memory_space<hbm>> -> memref<128x128xf32, #tpu.memory_space<hbm>>
      tpu.enqueue_dma source(%dma_start3A_988 : memref<128x128xf32, #tpu.memory_space<hbm>>) target(%arg5 : memref<128x128xf32, #tpu.memory_space<vmem>>) target_semaphore(%run_scoped3A_980 : memref<!tpu.dma_semaphore, #tpu.memory_space<semaphore_mem>>)
      %dma_wait3A_989 = arith.constant 384 : i32
      %dma_wait3A_990 = arith.constant 0 : i32
      %dma_wait3A_991 = tpu.memref_slice %arg2[%add3A_340, %dma_wait3A_989, %dma_wait3A_990] : memref<256x512x128xf32, #tpu.memory_space<hbm>> -> memref<1x128x128xf32, #tpu.memory_space<hbm>>
      %dma_wait3A_992 = tpu.memref_squeeze %dma_wait3A_991 : memref<1x128x128xf32, #tpu.memory_space<hbm>> -> memref<128x128xf32, #tpu.memory_space<hbm>>
      %dma_wait3A_993 = arith.constant 384 : i32
      %dma_wait3A_994 = arith.constant 0 : i32
      %dma_wait3A_995 = tpu.memref_slice %arg2[%add3A_340, %dma_wait3A_993, %dma_wait3A_994] : memref<256x512x128xf32, #tpu.memory_space<hbm>> -> memref<1x128x128xf32, #tpu.memory_space<hbm>>
      %dma_wait3A_996 = tpu.memref_squeeze %dma_wait3A_995 : memref<1x128x128xf32, #tpu.memory_space<hbm>> -> memref<128x128xf32, #tpu.memory_space<hbm>>
      tpu.wait_dma2 semaphore(%run_scoped3A_980 : memref<!tpu.dma_semaphore, #tpu.memory_space<semaphore_mem>>) src(%dma_wait3A_996 : memref<128x128xf32, #tpu.memory_space<hbm>>) dst(%arg5 : memref<128x128xf32, #tpu.memory_space<vmem>>)
      tpu.yield
    }) : () -> ()
    %run_scoped3A_341 = arith.constant 3 : i32
    "tpu.region"() ({
      %run_scoped3A_980 = tpu.sem_alloc : memref<!tpu.dma_semaphore, #tpu.memory_space<semaphore_mem>>
      %dma_start3A_981 = arith.constant 0 : i32
      %dma_start3A_982 = tpu.memref_slice %arg6[%run_scoped3A_341, %dma_start3A_981] : memref<4x128xi32, #tpu.memory_space<vmem>> -> memref<1x128xi32, #tpu.memory_space<vmem>>
      %dma_start3A_983 = tpu.memref_squeeze %dma_start3A_982 : memref<1x128xi32, #tpu.memory_space<vmem>> -> memref<128xi32, #tpu.memory_space<vmem>>
      %dma_start3A_984 = arith.constant 0 : i32
      %dma_start3A_985 = arith.constant 0 : i32
      %dma_start3A_986 = tpu.memref_slice %arg8[%add3A_289, %dma_start3A_984, %dma_start3A_985] : memref<32x256x128xf32, #tpu.memory_space<vmem_shared>> -> memref<1x256x128xf32, #tpu.memory_space<vmem_shared>>
      %dma_start3A_987 = tpu.memref_squeeze %dma_start3A_986 : memref<1x256x128xf32, #tpu.memory_space<vmem_shared>> -> memref<256x128xf32, #tpu.memory_space<vmem_shared>>
      %dma_start3A_988 = arith.constant 0 : i32
      %dma_start3A_989 = arith.constant 0 : i32
      %dma_start3A_990 = tpu.memref_slice %dma_start3A_987[%dma_start3A_988, %dma_start3A_989] : memref<256x128xf32, #tpu.memory_space<vmem_shared>> -> memref<256x128xf32, #tpu.memory_space<vmem_shared>>
      tpu.enqueue_indirect_dma source(%arg5 : memref<128x128xf32, #tpu.memory_space<vmem>>) target(%dma_start3A_990 : memref<256x128xf32, #tpu.memory_space<vmem_shared>>) offsets(%dma_start3A_983 : memref<128xi32, #tpu.memory_space<vmem>>) semaphore(%run_scoped3A_980 : memref<!tpu.dma_semaphore, #tpu.memory_space<semaphore_mem>>) {add = true}
      %dma_wait3A_991 = arith.constant 0 : i32
      %dma_wait3A_992 = tpu.memref_slice %arg6[%run_scoped3A_341, %dma_wait3A_991] : memref<4x128xi32, #tpu.memory_space<vmem>> -> memref<1x128xi32, #tpu.memory_space<vmem>>
      %dma_wait3A_993 = tpu.memref_squeeze %dma_wait3A_992 : memref<1x128xi32, #tpu.memory_space<vmem>> -> memref<128xi32, #tpu.memory_space<vmem>>
      %dma_wait3A_994 = arith.constant 0 : i32
      %dma_wait3A_995 = arith.constant 0 : i32
      %dma_wait3A_996 = tpu.memref_slice %arg8[%add3A_289, %dma_wait3A_994, %dma_wait3A_995] : memref<32x256x128xf32, #tpu.memory_space<vmem_shared>> -> memref<1x256x128xf32, #tpu.memory_space<vmem_shared>>
      %dma_wait3A_997 = tpu.memref_squeeze %dma_wait3A_996 : memref<1x256x128xf32, #tpu.memory_space<vmem_shared>> -> memref<256x128xf32, #tpu.memory_space<vmem_shared>>
      %dma_wait3A_998 = arith.constant 0 : i32
      %dma_wait3A_999 = arith.constant 0 : i32
      %dma_wait3A_1000 = tpu.memref_slice %dma_wait3A_997[%dma_wait3A_998, %dma_wait3A_999] : memref<256x128xf32, #tpu.memory_space<vmem_shared>> -> memref<256x128xf32, #tpu.memory_space<vmem_shared>>
      tpu.wait_indirect_dma semaphore(%run_scoped3A_980 : memref<!tpu.dma_semaphore, #tpu.memory_space<semaphore_mem>>) src(%arg5 : memref<128x128xf32, #tpu.memory_space<vmem>>) dst(%dma_wait3A_1000 : memref<256x128xf32, #tpu.memory_space<vmem_shared>>)
      tpu.yield
    }) : () -> ()
    %run_scoped3A_342 = arith.constant 0 : i32
    %run_scoped3A_343 = arith.constant 0 : i32
    "tpu.region"() ({
      %run_scoped3A_980 = tpu.sem_alloc : memref<!tpu.dma_semaphore, #tpu.memory_space<semaphore_mem>>
      %dma_start3A_981 = arith.constant 0 : i32
      %dma_start3A_982 = tpu.memref_slice %arg7[%run_scoped3A_342, %dma_start3A_981] : memref<64x128xf32, #tpu.memory_space<vmem>> -> memref<1x128xf32, #tpu.memory_space<vmem>>
      %dma_start3A_983 = tpu.memref_squeeze %dma_start3A_982 : memref<1x128xf32, #tpu.memory_space<vmem>> -> memref<128xf32, #tpu.memory_space<vmem>>
      %dma_start3A_984 = arith.constant 0 : i32
      %dma_start3A_985 = tpu.memref_slice %arg8[%add3A_289, %run_scoped3A_343, %dma_start3A_984] : memref<32x256x128xf32, #tpu.memory_space<vmem_shared>> -> memref<1x1x128xf32, #tpu.memory_space<vmem_shared>>
      %dma_start3A_986 = tpu.memref_squeeze %dma_start3A_985 : memref<1x1x128xf32, #tpu.memory_space<vmem_shared>> -> memref<128xf32, #tpu.memory_space<vmem_shared>>
      %dma_start3A_987 = arith.constant 0 : i32
      %dma_start3A_988 = tpu.memref_slice %arg8[%add3A_289, %run_scoped3A_343, %dma_start3A_987] : memref<32x256x128xf32, #tpu.memory_space<vmem_shared>> -> memref<1x1x128xf32, #tpu.memory_space<vmem_shared>>
      %dma_start3A_989 = tpu.memref_squeeze %dma_start3A_988 : memref<1x1x128xf32, #tpu.memory_space<vmem_shared>> -> memref<128xf32, #tpu.memory_space<vmem_shared>>
      %dma_start3A_990 = arith.constant 0 : i32
      %dma_start3A_991 = tpu.memref_slice %arg7[%run_scoped3A_342, %dma_start3A_990] : memref<64x128xf32, #tpu.memory_space<vmem>> -> memref<1x128xf32, #tpu.memory_space<vmem>>
      %dma_start3A_992 = tpu.memref_squeeze %dma_start3A_991 : memref<1x128xf32, #tpu.memory_space<vmem>> -> memref<128xf32, #tpu.memory_space<vmem>>
      tpu.enqueue_dma source(%dma_start3A_992 : memref<128xf32, #tpu.memory_space<vmem>>) target(%dma_start3A_989 : memref<128xf32, #tpu.memory_space<vmem_shared>>) target_semaphore(%run_scoped3A_980 : memref<!tpu.dma_semaphore, #tpu.memory_space<semaphore_mem>>)
      %dma_wait3A_993 = arith.constant 0 : i32
      %dma_wait3A_994 = tpu.memref_slice %arg7[%run_scoped3A_342, %dma_wait3A_993] : memref<64x128xf32, #tpu.memory_space<vmem>> -> memref<1x128xf32, #tpu.memory_space<vmem>>
      %dma_wait3A_995 = tpu.memref_squeeze %dma_wait3A_994 : memref<1x128xf32, #tpu.memory_space<vmem>> -> memref<128xf32, #tpu.memory_space<vmem>>
      %dma_wait3A_996 = arith.constant 0 : i32
      %dma_wait3A_997 = tpu.memref_slice %arg8[%add3A_289, %run_scoped3A_343, %dma_wait3A_996] : memref<32x256x128xf32, #tpu.memory_space<vmem_shared>> -> memref<1x1x128xf32, #tpu.memory_space<vmem_shared>>
      %dma_wait3A_998 = tpu.memref_squeeze %dma_wait3A_997 : memref<1x1x128xf32, #tpu.memory_space<vmem_shared>> -> memref<128xf32, #tpu.memory_space<vmem_shared>>
      %dma_wait3A_999 = arith.constant 0 : i32
      %dma_wait3A_1000 = tpu.memref_slice %arg8[%add3A_289, %run_scoped3A_343, %dma_wait3A_999] : memref<32x256x128xf32, #tpu.memory_space<vmem_shared>> -> memref<1x1x128xf32, #tpu.memory_space<vmem_shared>>
      %dma_wait3A_1001 = tpu.memref_squeeze %dma_wait3A_1000 : memref<1x1x128xf32, #tpu.memory_space<vmem_shared>> -> memref<128xf32, #tpu.memory_space<vmem_shared>>
      %dma_wait3A_1002 = arith.constant 0 : i32
      %dma_wait3A_1003 = tpu.memref_slice %arg7[%run_scoped3A_342, %dma_wait3A_1002] : memref<64x128xf32, #tpu.memory_space<vmem>> -> memref<1x128xf32, #tpu.memory_space<vmem>>
      %dma_wait3A_1004 = tpu.memref_squeeze %dma_wait3A_1003 : memref<1x128xf32, #tpu.memory_space<vmem>> -> memref<128xf32, #tpu.memory_space<vmem>>
      tpu.wait_dma2 semaphore(%run_scoped3A_980 : memref<!tpu.dma_semaphore, #tpu.memory_space<semaphore_mem>>) src(%dma_wait3A_1004 : memref<128xf32, #tpu.memory_space<vmem>>) dst(%dma_wait3A_1001 : memref<128xf32, #tpu.memory_space<vmem_shared>>)
      tpu.yield
    }) : () -> ()
    %add3A_344 = arith.constant 2 : i32
    %add3A_345 = arith.addi %mul3A_2, %add3A_344 : i32
    %dma_start3A_346 = arith.constant 0 : i32
    %dma_start3A_347 = arith.constant 0 : i32
    %dma_start3A_348 = tpu.memref_slice %arg4[%add3A_345, %dma_start3A_346, %dma_start3A_347] : memref<256x256x128xf32, #tpu.memory_space<hbm>> -> memref<1x256x128xf32, #tpu.memory_space<hbm>>
    %dma_start3A_349 = tpu.memref_squeeze %dma_start3A_348 : memref<1x256x128xf32, #tpu.memory_space<hbm>> -> memref<256x128xf32, #tpu.memory_space<hbm>>
    %dma_start3A_350 = arith.constant 0 : i32
    %dma_start3A_351 = arith.constant 0 : i32
    %dma_start3A_352 = tpu.memref_slice %arg8[%add3A_289, %dma_start3A_350, %dma_start3A_351] : memref<32x256x128xf32, #tpu.memory_space<vmem_shared>> -> memref<1x256x128xf32, #tpu.memory_space<vmem_shared>>
    %dma_start3A_353 = tpu.memref_squeeze %dma_start3A_352 : memref<1x256x128xf32, #tpu.memory_space<vmem_shared>> -> memref<256x128xf32, #tpu.memory_space<vmem_shared>>
    tpu.enqueue_dma source(%dma_start3A_353 : memref<256x128xf32, #tpu.memory_space<vmem_shared>>) target(%dma_start3A_349 : memref<256x128xf32, #tpu.memory_space<hbm>>) target_semaphore(%arg11 : memref<!tpu.dma_semaphore, #tpu.memory_space<semaphore_mem>>)
    %dma_wait3A_354 = arith.constant 0 : i32
    %dma_wait3A_355 = arith.constant 0 : i32
    %dma_wait3A_356 = tpu.memref_slice %arg4[%add3A_223, %dma_wait3A_354, %dma_wait3A_355] : memref<256x256x128xf32, #tpu.memory_space<hbm>> -> memref<1x256x128xf32, #tpu.memory_space<hbm>>
    %dma_wait3A_357 = tpu.memref_squeeze %dma_wait3A_356 : memref<1x256x128xf32, #tpu.memory_space<hbm>> -> memref<256x128xf32, #tpu.memory_space<hbm>>
    %dma_wait3A_358 = arith.constant 0 : i32
    %dma_wait3A_359 = arith.constant 0 : i32
    %dma_wait3A_360 = tpu.memref_slice %arg8[%add3A_167, %dma_wait3A_358, %dma_wait3A_359] : memref<32x256x128xf32, #tpu.memory_space<vmem_shared>> -> memref<1x256x128xf32, #tpu.memory_space<vmem_shared>>
    %dma_wait3A_361 = tpu.memref_squeeze %dma_wait3A_360 : memref<1x256x128xf32, #tpu.memory_space<vmem_shared>> -> memref<256x128xf32, #tpu.memory_space<vmem_shared>>
    tpu.wait_dma2 semaphore(%arg12 : memref<!tpu.dma_semaphore, #tpu.memory_space<semaphore_mem>>) src(%dma_wait3A_361 : memref<256x128xf32, #tpu.memory_space<vmem_shared>>) dst(%dma_wait3A_357 : memref<256x128xf32, #tpu.memory_space<hbm>>)
    %mul3A_362 = arith.constant 2 : i32
    %mul3A_363 = arith.muli %arg1, %mul3A_362 : i32
    %add3A_364 = arith.constant 1 : i32
    %add3A_365 = arith.addi %mul3A_363, %add3A_364 : i32
    %dma_start3A_366 = arith.constant 0 : i32
    %dma_start3A_367 = arith.constant 0 : i32
    %dma_start3A_368 = tpu.memref_slice %arg8[%add3A_365, %dma_start3A_366, %dma_start3A_367] : memref<32x256x128xf32, #tpu.memory_space<vmem_shared>> -> memref<1x64x128xf32, #tpu.memory_space<vmem_shared>>
    %dma_start3A_369 = tpu.memref_squeeze %dma_start3A_368 : memref<1x64x128xf32, #tpu.memory_space<vmem_shared>> -> memref<64x128xf32, #tpu.memory_space<vmem_shared>>
    %dma_start3A_370 = arith.constant 0 : i32
    %dma_start3A_371 = arith.constant 0 : i32
    %dma_start3A_372 = tpu.memref_slice %arg8[%add3A_365, %dma_start3A_370, %dma_start3A_371] : memref<32x256x128xf32, #tpu.memory_space<vmem_shared>> -> memref<1x64x128xf32, #tpu.memory_space<vmem_shared>>
    %dma_start3A_373 = tpu.memref_squeeze %dma_start3A_372 : memref<1x64x128xf32, #tpu.memory_space<vmem_shared>> -> memref<64x128xf32, #tpu.memory_space<vmem_shared>>
    tpu.enqueue_dma source(%arg7 : memref<64x128xf32, #tpu.memory_space<vmem>>) target(%dma_start3A_373 : memref<64x128xf32, #tpu.memory_space<vmem_shared>>) target_semaphore(%arg9 : memref<!tpu.dma_semaphore, #tpu.memory_space<semaphore_mem>>)
    %dma_start3A_374 = arith.constant 64 : i32
    %dma_start3A_375 = arith.constant 0 : i32
    %dma_start3A_376 = tpu.memref_slice %arg8[%add3A_365, %dma_start3A_374, %dma_start3A_375] : memref<32x256x128xf32, #tpu.memory_space<vmem_shared>> -> memref<1x64x128xf32, #tpu.memory_space<vmem_shared>>
    %dma_start3A_377 = tpu.memref_squeeze %dma_start3A_376 : memref<1x64x128xf32, #tpu.memory_space<vmem_shared>> -> memref<64x128xf32, #tpu.memory_space<vmem_shared>>
    %dma_start3A_378 = arith.constant 64 : i32
    %dma_start3A_379 = arith.constant 0 : i32
    %dma_start3A_380 = tpu.memref_slice %arg8[%add3A_365, %dma_start3A_378, %dma_start3A_379] : memref<32x256x128xf32, #tpu.memory_space<vmem_shared>> -> memref<1x64x128xf32, #tpu.memory_space<vmem_shared>>
    %dma_start3A_381 = tpu.memref_squeeze %dma_start3A_380 : memref<1x64x128xf32, #tpu.memory_space<vmem_shared>> -> memref<64x128xf32, #tpu.memory_space<vmem_shared>>
    tpu.enqueue_dma source(%arg7 : memref<64x128xf32, #tpu.memory_space<vmem>>) target(%dma_start3A_381 : memref<64x128xf32, #tpu.memory_space<vmem_shared>>) target_semaphore(%arg9 : memref<!tpu.dma_semaphore, #tpu.memory_space<semaphore_mem>>)
    %dma_start3A_382 = arith.constant 128 : i32
    %dma_start3A_383 = arith.constant 0 : i32
    %dma_start3A_384 = tpu.memref_slice %arg8[%add3A_365, %dma_start3A_382, %dma_start3A_383] : memref<32x256x128xf32, #tpu.memory_space<vmem_shared>> -> memref<1x64x128xf32, #tpu.memory_space<vmem_shared>>
    %dma_start3A_385 = tpu.memref_squeeze %dma_start3A_384 : memref<1x64x128xf32, #tpu.memory_space<vmem_shared>> -> memref<64x128xf32, #tpu.memory_space<vmem_shared>>
    %dma_start3A_386 = arith.constant 128 : i32
    %dma_start3A_387 = arith.constant 0 : i32
    %dma_start3A_388 = tpu.memref_slice %arg8[%add3A_365, %dma_start3A_386, %dma_start3A_387] : memref<32x256x128xf32, #tpu.memory_space<vmem_shared>> -> memref<1x64x128xf32, #tpu.memory_space<vmem_shared>>
    %dma_start3A_389 = tpu.memref_squeeze %dma_start3A_388 : memref<1x64x128xf32, #tpu.memory_space<vmem_shared>> -> memref<64x128xf32, #tpu.memory_space<vmem_shared>>
    tpu.enqueue_dma source(%arg7 : memref<64x128xf32, #tpu.memory_space<vmem>>) target(%dma_start3A_389 : memref<64x128xf32, #tpu.memory_space<vmem_shared>>) target_semaphore(%arg9 : memref<!tpu.dma_semaphore, #tpu.memory_space<semaphore_mem>>)
    %dma_start3A_390 = arith.constant 192 : i32
    %dma_start3A_391 = arith.constant 0 : i32
    %dma_start3A_392 = tpu.memref_slice %arg8[%add3A_365, %dma_start3A_390, %dma_start3A_391] : memref<32x256x128xf32, #tpu.memory_space<vmem_shared>> -> memref<1x64x128xf32, #tpu.memory_space<vmem_shared>>
    %dma_start3A_393 = tpu.memref_squeeze %dma_start3A_392 : memref<1x64x128xf32, #tpu.memory_space<vmem_shared>> -> memref<64x128xf32, #tpu.memory_space<vmem_shared>>
    %dma_start3A_394 = arith.constant 192 : i32
    %dma_start3A_395 = arith.constant 0 : i32
    %dma_start3A_396 = tpu.memref_slice %arg8[%add3A_365, %dma_start3A_394, %dma_start3A_395] : memref<32x256x128xf32, #tpu.memory_space<vmem_shared>> -> memref<1x64x128xf32, #tpu.memory_space<vmem_shared>>
    %dma_start3A_397 = tpu.memref_squeeze %dma_start3A_396 : memref<1x64x128xf32, #tpu.memory_space<vmem_shared>> -> memref<64x128xf32, #tpu.memory_space<vmem_shared>>
    tpu.enqueue_dma source(%arg7 : memref<64x128xf32, #tpu.memory_space<vmem>>) target(%dma_start3A_397 : memref<64x128xf32, #tpu.memory_space<vmem_shared>>) target_semaphore(%arg9 : memref<!tpu.dma_semaphore, #tpu.memory_space<semaphore_mem>>)
    %add3A_398 = arith.constant 3 : i32
    %add3A_399 = arith.addi %mul3A_2, %add3A_398 : i32
    %dma_start3A_400 = arith.constant 0 : i32
    %dma_start3A_401 = arith.constant 0 : i32
    %dma_start3A_402 = tpu.memref_slice %arg2[%add3A_399, %dma_start3A_400, %dma_start3A_401] : memref<256x512x128xf32, #tpu.memory_space<hbm>> -> memref<1x128x128xf32, #tpu.memory_space<hbm>>
    %dma_start3A_403 = tpu.memref_squeeze %dma_start3A_402 : memref<1x128x128xf32, #tpu.memory_space<hbm>> -> memref<128x128xf32, #tpu.memory_space<hbm>>
    %dma_start3A_404 = arith.constant 0 : i32
    %dma_start3A_405 = arith.constant 0 : i32
    %dma_start3A_406 = tpu.memref_slice %arg2[%add3A_399, %dma_start3A_404, %dma_start3A_405] : memref<256x512x128xf32, #tpu.memory_space<hbm>> -> memref<1x128x128xf32, #tpu.memory_space<hbm>>
    %dma_start3A_407 = tpu.memref_squeeze %dma_start3A_406 : memref<1x128x128xf32, #tpu.memory_space<hbm>> -> memref<128x128xf32, #tpu.memory_space<hbm>>
    tpu.enqueue_dma source(%dma_start3A_407 : memref<128x128xf32, #tpu.memory_space<hbm>>) target(%arg5 : memref<128x128xf32, #tpu.memory_space<vmem>>) target_semaphore(%arg10 : memref<!tpu.dma_semaphore, #tpu.memory_space<semaphore_mem>>)
    %mul3A_408 = arith.constant 2 : i32
    %mul3A_409 = arith.muli %arg1, %mul3A_408 : i32
    %add3A_410 = arith.constant 1 : i32
    %add3A_411 = arith.addi %mul3A_409, %add3A_410 : i32
    %add3A_412 = arith.constant 3 : i32
    %add3A_413 = arith.addi %mul3A_2, %add3A_412 : i32
    "tpu.region"() ({
      %run_scoped3A_980 = tpu.sem_alloc : memref<!tpu.dma_semaphore, #tpu.memory_space<semaphore_mem>>
      %dma_start3A_981 = arith.constant 0 : i32
      %dma_start3A_982 = arith.constant 0 : i32
      %dma_start3A_983 = tpu.memref_slice %arg3[%add3A_413, %dma_start3A_981, %dma_start3A_982] : memref<256x4x128xi32, #tpu.memory_space<hbm>> -> memref<1x4x128xi32, #tpu.memory_space<hbm>>
      %dma_start3A_984 = tpu.memref_squeeze %dma_start3A_983 : memref<1x4x128xi32, #tpu.memory_space<hbm>> -> memref<4x128xi32, #tpu.memory_space<hbm>>
      %dma_start3A_985 = arith.constant 0 : i32
      %dma_start3A_986 = arith.constant 0 : i32
      %dma_start3A_987 = tpu.memref_slice %arg3[%add3A_413, %dma_start3A_985, %dma_start3A_986] : memref<256x4x128xi32, #tpu.memory_space<hbm>> -> memref<1x4x128xi32, #tpu.memory_space<hbm>>
      %dma_start3A_988 = tpu.memref_squeeze %dma_start3A_987 : memref<1x4x128xi32, #tpu.memory_space<hbm>> -> memref<4x128xi32, #tpu.memory_space<hbm>>
      tpu.enqueue_dma source(%dma_start3A_988 : memref<4x128xi32, #tpu.memory_space<hbm>>) target(%arg6 : memref<4x128xi32, #tpu.memory_space<vmem>>) target_semaphore(%run_scoped3A_980 : memref<!tpu.dma_semaphore, #tpu.memory_space<semaphore_mem>>)
      %dma_wait3A_989 = arith.constant 0 : i32
      %dma_wait3A_990 = arith.constant 0 : i32
      %dma_wait3A_991 = tpu.memref_slice %arg3[%add3A_413, %dma_wait3A_989, %dma_wait3A_990] : memref<256x4x128xi32, #tpu.memory_space<hbm>> -> memref<1x4x128xi32, #tpu.memory_space<hbm>>
      %dma_wait3A_992 = tpu.memref_squeeze %dma_wait3A_991 : memref<1x4x128xi32, #tpu.memory_space<hbm>> -> memref<4x128xi32, #tpu.memory_space<hbm>>
      %dma_wait3A_993 = arith.constant 0 : i32
      %dma_wait3A_994 = arith.constant 0 : i32
      %dma_wait3A_995 = tpu.memref_slice %arg3[%add3A_413, %dma_wait3A_993, %dma_wait3A_994] : memref<256x4x128xi32, #tpu.memory_space<hbm>> -> memref<1x4x128xi32, #tpu.memory_space<hbm>>
      %dma_wait3A_996 = tpu.memref_squeeze %dma_wait3A_995 : memref<1x4x128xi32, #tpu.memory_space<hbm>> -> memref<4x128xi32, #tpu.memory_space<hbm>>
      tpu.wait_dma2 semaphore(%run_scoped3A_980 : memref<!tpu.dma_semaphore, #tpu.memory_space<semaphore_mem>>) src(%dma_wait3A_996 : memref<4x128xi32, #tpu.memory_space<hbm>>) dst(%arg6 : memref<4x128xi32, #tpu.memory_space<vmem>>)
      tpu.yield
    }) : () -> ()
    %dma_wait3A_414 = arith.constant 0 : i32
    %dma_wait3A_415 = arith.constant 0 : i32
    %dma_wait3A_416 = tpu.memref_slice %arg2[%add3A_399, %dma_wait3A_414, %dma_wait3A_415] : memref<256x512x128xf32, #tpu.memory_space<hbm>> -> memref<1x128x128xf32, #tpu.memory_space<hbm>>
    %dma_wait3A_417 = tpu.memref_squeeze %dma_wait3A_416 : memref<1x128x128xf32, #tpu.memory_space<hbm>> -> memref<128x128xf32, #tpu.memory_space<hbm>>
    %dma_wait3A_418 = arith.constant 0 : i32
    %dma_wait3A_419 = arith.constant 0 : i32
    %dma_wait3A_420 = tpu.memref_slice %arg2[%add3A_399, %dma_wait3A_418, %dma_wait3A_419] : memref<256x512x128xf32, #tpu.memory_space<hbm>> -> memref<1x128x128xf32, #tpu.memory_space<hbm>>
    %dma_wait3A_421 = tpu.memref_squeeze %dma_wait3A_420 : memref<1x128x128xf32, #tpu.memory_space<hbm>> -> memref<128x128xf32, #tpu.memory_space<hbm>>
    tpu.wait_dma2 semaphore(%arg10 : memref<!tpu.dma_semaphore, #tpu.memory_space<semaphore_mem>>) src(%dma_wait3A_421 : memref<128x128xf32, #tpu.memory_space<hbm>>) dst(%arg5 : memref<128x128xf32, #tpu.memory_space<vmem>>)
    %dma_wait3A_422 = arith.constant 0 : i32
    %dma_wait3A_423 = arith.constant 0 : i32
    %dma_wait3A_424 = tpu.memref_slice %arg8[%add3A_365, %dma_wait3A_422, %dma_wait3A_423] : memref<32x256x128xf32, #tpu.memory_space<vmem_shared>> -> memref<1x64x128xf32, #tpu.memory_space<vmem_shared>>
    %dma_wait3A_425 = tpu.memref_squeeze %dma_wait3A_424 : memref<1x64x128xf32, #tpu.memory_space<vmem_shared>> -> memref<64x128xf32, #tpu.memory_space<vmem_shared>>
    %dma_wait3A_426 = arith.constant 0 : i32
    %dma_wait3A_427 = arith.constant 0 : i32
    %dma_wait3A_428 = tpu.memref_slice %arg8[%add3A_365, %dma_wait3A_426, %dma_wait3A_427] : memref<32x256x128xf32, #tpu.memory_space<vmem_shared>> -> memref<1x64x128xf32, #tpu.memory_space<vmem_shared>>
    %dma_wait3A_429 = tpu.memref_squeeze %dma_wait3A_428 : memref<1x64x128xf32, #tpu.memory_space<vmem_shared>> -> memref<64x128xf32, #tpu.memory_space<vmem_shared>>
    tpu.wait_dma2 semaphore(%arg9 : memref<!tpu.dma_semaphore, #tpu.memory_space<semaphore_mem>>) src(%arg7 : memref<64x128xf32, #tpu.memory_space<vmem>>) dst(%dma_wait3A_429 : memref<64x128xf32, #tpu.memory_space<vmem_shared>>)
    %dma_wait3A_430 = arith.constant 64 : i32
    %dma_wait3A_431 = arith.constant 0 : i32
    %dma_wait3A_432 = tpu.memref_slice %arg8[%add3A_365, %dma_wait3A_430, %dma_wait3A_431] : memref<32x256x128xf32, #tpu.memory_space<vmem_shared>> -> memref<1x64x128xf32, #tpu.memory_space<vmem_shared>>
    %dma_wait3A_433 = tpu.memref_squeeze %dma_wait3A_432 : memref<1x64x128xf32, #tpu.memory_space<vmem_shared>> -> memref<64x128xf32, #tpu.memory_space<vmem_shared>>
    %dma_wait3A_434 = arith.constant 64 : i32
    %dma_wait3A_435 = arith.constant 0 : i32
    %dma_wait3A_436 = tpu.memref_slice %arg8[%add3A_365, %dma_wait3A_434, %dma_wait3A_435] : memref<32x256x128xf32, #tpu.memory_space<vmem_shared>> -> memref<1x64x128xf32, #tpu.memory_space<vmem_shared>>
    %dma_wait3A_437 = tpu.memref_squeeze %dma_wait3A_436 : memref<1x64x128xf32, #tpu.memory_space<vmem_shared>> -> memref<64x128xf32, #tpu.memory_space<vmem_shared>>
    tpu.wait_dma2 semaphore(%arg9 : memref<!tpu.dma_semaphore, #tpu.memory_space<semaphore_mem>>) src(%arg7 : memref<64x128xf32, #tpu.memory_space<vmem>>) dst(%dma_wait3A_437 : memref<64x128xf32, #tpu.memory_space<vmem_shared>>)
    %dma_wait3A_438 = arith.constant 128 : i32
    %dma_wait3A_439 = arith.constant 0 : i32
    %dma_wait3A_440 = tpu.memref_slice %arg8[%add3A_365, %dma_wait3A_438, %dma_wait3A_439] : memref<32x256x128xf32, #tpu.memory_space<vmem_shared>> -> memref<1x64x128xf32, #tpu.memory_space<vmem_shared>>
    %dma_wait3A_441 = tpu.memref_squeeze %dma_wait3A_440 : memref<1x64x128xf32, #tpu.memory_space<vmem_shared>> -> memref<64x128xf32, #tpu.memory_space<vmem_shared>>
    %dma_wait3A_442 = arith.constant 128 : i32
    %dma_wait3A_443 = arith.constant 0 : i32
    %dma_wait3A_444 = tpu.memref_slice %arg8[%add3A_365, %dma_wait3A_442, %dma_wait3A_443] : memref<32x256x128xf32, #tpu.memory_space<vmem_shared>> -> memref<1x64x128xf32, #tpu.memory_space<vmem_shared>>
    %dma_wait3A_445 = tpu.memref_squeeze %dma_wait3A_444 : memref<1x64x128xf32, #tpu.memory_space<vmem_shared>> -> memref<64x128xf32, #tpu.memory_space<vmem_shared>>
    tpu.wait_dma2 semaphore(%arg9 : memref<!tpu.dma_semaphore, #tpu.memory_space<semaphore_mem>>) src(%arg7 : memref<64x128xf32, #tpu.memory_space<vmem>>) dst(%dma_wait3A_445 : memref<64x128xf32, #tpu.memory_space<vmem_shared>>)
    %dma_wait3A_446 = arith.constant 192 : i32
    %dma_wait3A_447 = arith.constant 0 : i32
    %dma_wait3A_448 = tpu.memref_slice %arg8[%add3A_365, %dma_wait3A_446, %dma_wait3A_447] : memref<32x256x128xf32, #tpu.memory_space<vmem_shared>> -> memref<1x64x128xf32, #tpu.memory_space<vmem_shared>>
    %dma_wait3A_449 = tpu.memref_squeeze %dma_wait3A_448 : memref<1x64x128xf32, #tpu.memory_space<vmem_shared>> -> memref<64x128xf32, #tpu.memory_space<vmem_shared>>
    %dma_wait3A_450 = arith.constant 192 : i32
    %dma_wait3A_451 = arith.constant 0 : i32
    %dma_wait3A_452 = tpu.memref_slice %arg8[%add3A_365, %dma_wait3A_450, %dma_wait3A_451] : memref<32x256x128xf32, #tpu.memory_space<vmem_shared>> -> memref<1x64x128xf32, #tpu.memory_space<vmem_shared>>
    %dma_wait3A_453 = tpu.memref_squeeze %dma_wait3A_452 : memref<1x64x128xf32, #tpu.memory_space<vmem_shared>> -> memref<64x128xf32, #tpu.memory_space<vmem_shared>>
    tpu.wait_dma2 semaphore(%arg9 : memref<!tpu.dma_semaphore, #tpu.memory_space<semaphore_mem>>) src(%arg7 : memref<64x128xf32, #tpu.memory_space<vmem>>) dst(%dma_wait3A_453 : memref<64x128xf32, #tpu.memory_space<vmem_shared>>)
    %run_scoped3A_454 = arith.constant 0 : i32
    "tpu.region"() ({
      %run_scoped3A_980 = tpu.sem_alloc : memref<!tpu.dma_semaphore, #tpu.memory_space<semaphore_mem>>
      %dma_start3A_981 = arith.constant 0 : i32
      %dma_start3A_982 = tpu.memref_slice %arg6[%run_scoped3A_454, %dma_start3A_981] : memref<4x128xi32, #tpu.memory_space<vmem>> -> memref<1x128xi32, #tpu.memory_space<vmem>>
      %dma_start3A_983 = tpu.memref_squeeze %dma_start3A_982 : memref<1x128xi32, #tpu.memory_space<vmem>> -> memref<128xi32, #tpu.memory_space<vmem>>
      %dma_start3A_984 = arith.constant 0 : i32
      %dma_start3A_985 = arith.constant 0 : i32
      %dma_start3A_986 = tpu.memref_slice %arg8[%add3A_411, %dma_start3A_984, %dma_start3A_985] : memref<32x256x128xf32, #tpu.memory_space<vmem_shared>> -> memref<1x256x128xf32, #tpu.memory_space<vmem_shared>>
      %dma_start3A_987 = tpu.memref_squeeze %dma_start3A_986 : memref<1x256x128xf32, #tpu.memory_space<vmem_shared>> -> memref<256x128xf32, #tpu.memory_space<vmem_shared>>
      %dma_start3A_988 = arith.constant 0 : i32
      %dma_start3A_989 = arith.constant 0 : i32
      %dma_start3A_990 = tpu.memref_slice %dma_start3A_987[%dma_start3A_988, %dma_start3A_989] : memref<256x128xf32, #tpu.memory_space<vmem_shared>> -> memref<256x128xf32, #tpu.memory_space<vmem_shared>>
      tpu.enqueue_indirect_dma source(%arg5 : memref<128x128xf32, #tpu.memory_space<vmem>>) target(%dma_start3A_990 : memref<256x128xf32, #tpu.memory_space<vmem_shared>>) offsets(%dma_start3A_983 : memref<128xi32, #tpu.memory_space<vmem>>) semaphore(%run_scoped3A_980 : memref<!tpu.dma_semaphore, #tpu.memory_space<semaphore_mem>>) {add = true}
      %dma_wait3A_991 = arith.constant 0 : i32
      %dma_wait3A_992 = tpu.memref_slice %arg6[%run_scoped3A_454, %dma_wait3A_991] : memref<4x128xi32, #tpu.memory_space<vmem>> -> memref<1x128xi32, #tpu.memory_space<vmem>>
      %dma_wait3A_993 = tpu.memref_squeeze %dma_wait3A_992 : memref<1x128xi32, #tpu.memory_space<vmem>> -> memref<128xi32, #tpu.memory_space<vmem>>
      %dma_wait3A_994 = arith.constant 0 : i32
      %dma_wait3A_995 = arith.constant 0 : i32
      %dma_wait3A_996 = tpu.memref_slice %arg8[%add3A_411, %dma_wait3A_994, %dma_wait3A_995] : memref<32x256x128xf32, #tpu.memory_space<vmem_shared>> -> memref<1x256x128xf32, #tpu.memory_space<vmem_shared>>
      %dma_wait3A_997 = tpu.memref_squeeze %dma_wait3A_996 : memref<1x256x128xf32, #tpu.memory_space<vmem_shared>> -> memref<256x128xf32, #tpu.memory_space<vmem_shared>>
      %dma_wait3A_998 = arith.constant 0 : i32
      %dma_wait3A_999 = arith.constant 0 : i32
      %dma_wait3A_1000 = tpu.memref_slice %dma_wait3A_997[%dma_wait3A_998, %dma_wait3A_999] : memref<256x128xf32, #tpu.memory_space<vmem_shared>> -> memref<256x128xf32, #tpu.memory_space<vmem_shared>>
      tpu.wait_indirect_dma semaphore(%run_scoped3A_980 : memref<!tpu.dma_semaphore, #tpu.memory_space<semaphore_mem>>) src(%arg5 : memref<128x128xf32, #tpu.memory_space<vmem>>) dst(%dma_wait3A_1000 : memref<256x128xf32, #tpu.memory_space<vmem_shared>>)
      tpu.yield
    }) : () -> ()
    %add3A_455 = arith.constant 3 : i32
    %add3A_456 = arith.addi %mul3A_2, %add3A_455 : i32
    "tpu.region"() ({
      %run_scoped3A_980 = tpu.sem_alloc : memref<!tpu.dma_semaphore, #tpu.memory_space<semaphore_mem>>
      %dma_start3A_981 = arith.constant 128 : i32
      %dma_start3A_982 = arith.constant 0 : i32
      %dma_start3A_983 = tpu.memref_slice %arg2[%add3A_456, %dma_start3A_981, %dma_start3A_982] : memref<256x512x128xf32, #tpu.memory_space<hbm>> -> memref<1x128x128xf32, #tpu.memory_space<hbm>>
      %dma_start3A_984 = tpu.memref_squeeze %dma_start3A_983 : memref<1x128x128xf32, #tpu.memory_space<hbm>> -> memref<128x128xf32, #tpu.memory_space<hbm>>
      %dma_start3A_985 = arith.constant 128 : i32
      %dma_start3A_986 = arith.constant 0 : i32
      %dma_start3A_987 = tpu.memref_slice %arg2[%add3A_456, %dma_start3A_985, %dma_start3A_986] : memref<256x512x128xf32, #tpu.memory_space<hbm>> -> memref<1x128x128xf32, #tpu.memory_space<hbm>>
      %dma_start3A_988 = tpu.memref_squeeze %dma_start3A_987 : memref<1x128x128xf32, #tpu.memory_space<hbm>> -> memref<128x128xf32, #tpu.memory_space<hbm>>
      tpu.enqueue_dma source(%dma_start3A_988 : memref<128x128xf32, #tpu.memory_space<hbm>>) target(%arg5 : memref<128x128xf32, #tpu.memory_space<vmem>>) target_semaphore(%run_scoped3A_980 : memref<!tpu.dma_semaphore, #tpu.memory_space<semaphore_mem>>)
      %dma_wait3A_989 = arith.constant 128 : i32
      %dma_wait3A_990 = arith.constant 0 : i32
      %dma_wait3A_991 = tpu.memref_slice %arg2[%add3A_456, %dma_wait3A_989, %dma_wait3A_990] : memref<256x512x128xf32, #tpu.memory_space<hbm>> -> memref<1x128x128xf32, #tpu.memory_space<hbm>>
      %dma_wait3A_992 = tpu.memref_squeeze %dma_wait3A_991 : memref<1x128x128xf32, #tpu.memory_space<hbm>> -> memref<128x128xf32, #tpu.memory_space<hbm>>
      %dma_wait3A_993 = arith.constant 128 : i32
      %dma_wait3A_994 = arith.constant 0 : i32
      %dma_wait3A_995 = tpu.memref_slice %arg2[%add3A_456, %dma_wait3A_993, %dma_wait3A_994] : memref<256x512x128xf32, #tpu.memory_space<hbm>> -> memref<1x128x128xf32, #tpu.memory_space<hbm>>
      %dma_wait3A_996 = tpu.memref_squeeze %dma_wait3A_995 : memref<1x128x128xf32, #tpu.memory_space<hbm>> -> memref<128x128xf32, #tpu.memory_space<hbm>>
      tpu.wait_dma2 semaphore(%run_scoped3A_980 : memref<!tpu.dma_semaphore, #tpu.memory_space<semaphore_mem>>) src(%dma_wait3A_996 : memref<128x128xf32, #tpu.memory_space<hbm>>) dst(%arg5 : memref<128x128xf32, #tpu.memory_space<vmem>>)
      tpu.yield
    }) : () -> ()
    %run_scoped3A_457 = arith.constant 1 : i32
    "tpu.region"() ({
      %run_scoped3A_980 = tpu.sem_alloc : memref<!tpu.dma_semaphore, #tpu.memory_space<semaphore_mem>>
      %dma_start3A_981 = arith.constant 0 : i32
      %dma_start3A_982 = tpu.memref_slice %arg6[%run_scoped3A_457, %dma_start3A_981] : memref<4x128xi32, #tpu.memory_space<vmem>> -> memref<1x128xi32, #tpu.memory_space<vmem>>
      %dma_start3A_983 = tpu.memref_squeeze %dma_start3A_982 : memref<1x128xi32, #tpu.memory_space<vmem>> -> memref<128xi32, #tpu.memory_space<vmem>>
      %dma_start3A_984 = arith.constant 0 : i32
      %dma_start3A_985 = arith.constant 0 : i32
      %dma_start3A_986 = tpu.memref_slice %arg8[%add3A_411, %dma_start3A_984, %dma_start3A_985] : memref<32x256x128xf32, #tpu.memory_space<vmem_shared>> -> memref<1x256x128xf32, #tpu.memory_space<vmem_shared>>
      %dma_start3A_987 = tpu.memref_squeeze %dma_start3A_986 : memref<1x256x128xf32, #tpu.memory_space<vmem_shared>> -> memref<256x128xf32, #tpu.memory_space<vmem_shared>>
      %dma_start3A_988 = arith.constant 0 : i32
      %dma_start3A_989 = arith.constant 0 : i32
      %dma_start3A_990 = tpu.memref_slice %dma_start3A_987[%dma_start3A_988, %dma_start3A_989] : memref<256x128xf32, #tpu.memory_space<vmem_shared>> -> memref<256x128xf32, #tpu.memory_space<vmem_shared>>
      tpu.enqueue_indirect_dma source(%arg5 : memref<128x128xf32, #tpu.memory_space<vmem>>) target(%dma_start3A_990 : memref<256x128xf32, #tpu.memory_space<vmem_shared>>) offsets(%dma_start3A_983 : memref<128xi32, #tpu.memory_space<vmem>>) semaphore(%run_scoped3A_980 : memref<!tpu.dma_semaphore, #tpu.memory_space<semaphore_mem>>) {add = true}
      %dma_wait3A_991 = arith.constant 0 : i32
      %dma_wait3A_992 = tpu.memref_slice %arg6[%run_scoped3A_457, %dma_wait3A_991] : memref<4x128xi32, #tpu.memory_space<vmem>> -> memref<1x128xi32, #tpu.memory_space<vmem>>
      %dma_wait3A_993 = tpu.memref_squeeze %dma_wait3A_992 : memref<1x128xi32, #tpu.memory_space<vmem>> -> memref<128xi32, #tpu.memory_space<vmem>>
      %dma_wait3A_994 = arith.constant 0 : i32
      %dma_wait3A_995 = arith.constant 0 : i32
      %dma_wait3A_996 = tpu.memref_slice %arg8[%add3A_411, %dma_wait3A_994, %dma_wait3A_995] : memref<32x256x128xf32, #tpu.memory_space<vmem_shared>> -> memref<1x256x128xf32, #tpu.memory_space<vmem_shared>>
      %dma_wait3A_997 = tpu.memref_squeeze %dma_wait3A_996 : memref<1x256x128xf32, #tpu.memory_space<vmem_shared>> -> memref<256x128xf32, #tpu.memory_space<vmem_shared>>
      %dma_wait3A_998 = arith.constant 0 : i32
      %dma_wait3A_999 = arith.constant 0 : i32
      %dma_wait3A_1000 = tpu.memref_slice %dma_wait3A_997[%dma_wait3A_998, %dma_wait3A_999] : memref<256x128xf32, #tpu.memory_space<vmem_shared>> -> memref<256x128xf32, #tpu.memory_space<vmem_shared>>
      tpu.wait_indirect_dma semaphore(%run_scoped3A_980 : memref<!tpu.dma_semaphore, #tpu.memory_space<semaphore_mem>>) src(%arg5 : memref<128x128xf32, #tpu.memory_space<vmem>>) dst(%dma_wait3A_1000 : memref<256x128xf32, #tpu.memory_space<vmem_shared>>)
      tpu.yield
    }) : () -> ()
    %add3A_458 = arith.constant 3 : i32
    %add3A_459 = arith.addi %mul3A_2, %add3A_458 : i32
    "tpu.region"() ({
      %run_scoped3A_980 = tpu.sem_alloc : memref<!tpu.dma_semaphore, #tpu.memory_space<semaphore_mem>>
      %dma_start3A_981 = arith.constant 256 : i32
      %dma_start3A_982 = arith.constant 0 : i32
      %dma_start3A_983 = tpu.memref_slice %arg2[%add3A_459, %dma_start3A_981, %dma_start3A_982] : memref<256x512x128xf32, #tpu.memory_space<hbm>> -> memref<1x128x128xf32, #tpu.memory_space<hbm>>
      %dma_start3A_984 = tpu.memref_squeeze %dma_start3A_983 : memref<1x128x128xf32, #tpu.memory_space<hbm>> -> memref<128x128xf32, #tpu.memory_space<hbm>>
      %dma_start3A_985 = arith.constant 256 : i32
      %dma_start3A_986 = arith.constant 0 : i32
      %dma_start3A_987 = tpu.memref_slice %arg2[%add3A_459, %dma_start3A_985, %dma_start3A_986] : memref<256x512x128xf32, #tpu.memory_space<hbm>> -> memref<1x128x128xf32, #tpu.memory_space<hbm>>
      %dma_start3A_988 = tpu.memref_squeeze %dma_start3A_987 : memref<1x128x128xf32, #tpu.memory_space<hbm>> -> memref<128x128xf32, #tpu.memory_space<hbm>>
      tpu.enqueue_dma source(%dma_start3A_988 : memref<128x128xf32, #tpu.memory_space<hbm>>) target(%arg5 : memref<128x128xf32, #tpu.memory_space<vmem>>) target_semaphore(%run_scoped3A_980 : memref<!tpu.dma_semaphore, #tpu.memory_space<semaphore_mem>>)
      %dma_wait3A_989 = arith.constant 256 : i32
      %dma_wait3A_990 = arith.constant 0 : i32
      %dma_wait3A_991 = tpu.memref_slice %arg2[%add3A_459, %dma_wait3A_989, %dma_wait3A_990] : memref<256x512x128xf32, #tpu.memory_space<hbm>> -> memref<1x128x128xf32, #tpu.memory_space<hbm>>
      %dma_wait3A_992 = tpu.memref_squeeze %dma_wait3A_991 : memref<1x128x128xf32, #tpu.memory_space<hbm>> -> memref<128x128xf32, #tpu.memory_space<hbm>>
      %dma_wait3A_993 = arith.constant 256 : i32
      %dma_wait3A_994 = arith.constant 0 : i32
      %dma_wait3A_995 = tpu.memref_slice %arg2[%add3A_459, %dma_wait3A_993, %dma_wait3A_994] : memref<256x512x128xf32, #tpu.memory_space<hbm>> -> memref<1x128x128xf32, #tpu.memory_space<hbm>>
      %dma_wait3A_996 = tpu.memref_squeeze %dma_wait3A_995 : memref<1x128x128xf32, #tpu.memory_space<hbm>> -> memref<128x128xf32, #tpu.memory_space<hbm>>
      tpu.wait_dma2 semaphore(%run_scoped3A_980 : memref<!tpu.dma_semaphore, #tpu.memory_space<semaphore_mem>>) src(%dma_wait3A_996 : memref<128x128xf32, #tpu.memory_space<hbm>>) dst(%arg5 : memref<128x128xf32, #tpu.memory_space<vmem>>)
      tpu.yield
    }) : () -> ()
    %run_scoped3A_460 = arith.constant 2 : i32
    "tpu.region"() ({
      %run_scoped3A_980 = tpu.sem_alloc : memref<!tpu.dma_semaphore, #tpu.memory_space<semaphore_mem>>
      %dma_start3A_981 = arith.constant 0 : i32
      %dma_start3A_982 = tpu.memref_slice %arg6[%run_scoped3A_460, %dma_start3A_981] : memref<4x128xi32, #tpu.memory_space<vmem>> -> memref<1x128xi32, #tpu.memory_space<vmem>>
      %dma_start3A_983 = tpu.memref_squeeze %dma_start3A_982 : memref<1x128xi32, #tpu.memory_space<vmem>> -> memref<128xi32, #tpu.memory_space<vmem>>
      %dma_start3A_984 = arith.constant 0 : i32
      %dma_start3A_985 = arith.constant 0 : i32
      %dma_start3A_986 = tpu.memref_slice %arg8[%add3A_411, %dma_start3A_984, %dma_start3A_985] : memref<32x256x128xf32, #tpu.memory_space<vmem_shared>> -> memref<1x256x128xf32, #tpu.memory_space<vmem_shared>>
      %dma_start3A_987 = tpu.memref_squeeze %dma_start3A_986 : memref<1x256x128xf32, #tpu.memory_space<vmem_shared>> -> memref<256x128xf32, #tpu.memory_space<vmem_shared>>
      %dma_start3A_988 = arith.constant 0 : i32
      %dma_start3A_989 = arith.constant 0 : i32
      %dma_start3A_990 = tpu.memref_slice %dma_start3A_987[%dma_start3A_988, %dma_start3A_989] : memref<256x128xf32, #tpu.memory_space<vmem_shared>> -> memref<256x128xf32, #tpu.memory_space<vmem_shared>>
      tpu.enqueue_indirect_dma source(%arg5 : memref<128x128xf32, #tpu.memory_space<vmem>>) target(%dma_start3A_990 : memref<256x128xf32, #tpu.memory_space<vmem_shared>>) offsets(%dma_start3A_983 : memref<128xi32, #tpu.memory_space<vmem>>) semaphore(%run_scoped3A_980 : memref<!tpu.dma_semaphore, #tpu.memory_space<semaphore_mem>>) {add = true}
      %dma_wait3A_991 = arith.constant 0 : i32
      %dma_wait3A_992 = tpu.memref_slice %arg6[%run_scoped3A_460, %dma_wait3A_991] : memref<4x128xi32, #tpu.memory_space<vmem>> -> memref<1x128xi32, #tpu.memory_space<vmem>>
      %dma_wait3A_993 = tpu.memref_squeeze %dma_wait3A_992 : memref<1x128xi32, #tpu.memory_space<vmem>> -> memref<128xi32, #tpu.memory_space<vmem>>
      %dma_wait3A_994 = arith.constant 0 : i32
      %dma_wait3A_995 = arith.constant 0 : i32
      %dma_wait3A_996 = tpu.memref_slice %arg8[%add3A_411, %dma_wait3A_994, %dma_wait3A_995] : memref<32x256x128xf32, #tpu.memory_space<vmem_shared>> -> memref<1x256x128xf32, #tpu.memory_space<vmem_shared>>
      %dma_wait3A_997 = tpu.memref_squeeze %dma_wait3A_996 : memref<1x256x128xf32, #tpu.memory_space<vmem_shared>> -> memref<256x128xf32, #tpu.memory_space<vmem_shared>>
      %dma_wait3A_998 = arith.constant 0 : i32
      %dma_wait3A_999 = arith.constant 0 : i32
      %dma_wait3A_1000 = tpu.memref_slice %dma_wait3A_997[%dma_wait3A_998, %dma_wait3A_999] : memref<256x128xf32, #tpu.memory_space<vmem_shared>> -> memref<256x128xf32, #tpu.memory_space<vmem_shared>>
      tpu.wait_indirect_dma semaphore(%run_scoped3A_980 : memref<!tpu.dma_semaphore, #tpu.memory_space<semaphore_mem>>) src(%arg5 : memref<128x128xf32, #tpu.memory_space<vmem>>) dst(%dma_wait3A_1000 : memref<256x128xf32, #tpu.memory_space<vmem_shared>>)
      tpu.yield
    }) : () -> ()
    %add3A_461 = arith.constant 3 : i32
    %add3A_462 = arith.addi %mul3A_2, %add3A_461 : i32
    "tpu.region"() ({
      %run_scoped3A_980 = tpu.sem_alloc : memref<!tpu.dma_semaphore, #tpu.memory_space<semaphore_mem>>
      %dma_start3A_981 = arith.constant 384 : i32
      %dma_start3A_982 = arith.constant 0 : i32
      %dma_start3A_983 = tpu.memref_slice %arg2[%add3A_462, %dma_start3A_981, %dma_start3A_982] : memref<256x512x128xf32, #tpu.memory_space<hbm>> -> memref<1x128x128xf32, #tpu.memory_space<hbm>>
      %dma_start3A_984 = tpu.memref_squeeze %dma_start3A_983 : memref<1x128x128xf32, #tpu.memory_space<hbm>> -> memref<128x128xf32, #tpu.memory_space<hbm>>
      %dma_start3A_985 = arith.constant 384 : i32
      %dma_start3A_986 = arith.constant 0 : i32
      %dma_start3A_987 = tpu.memref_slice %arg2[%add3A_462, %dma_start3A_985, %dma_start3A_986] : memref<256x512x128xf32, #tpu.memory_space<hbm>> -> memref<1x128x128xf32, #tpu.memory_space<hbm>>
      %dma_start3A_988 = tpu.memref_squeeze %dma_start3A_987 : memref<1x128x128xf32, #tpu.memory_space<hbm>> -> memref<128x128xf32, #tpu.memory_space<hbm>>
      tpu.enqueue_dma source(%dma_start3A_988 : memref<128x128xf32, #tpu.memory_space<hbm>>) target(%arg5 : memref<128x128xf32, #tpu.memory_space<vmem>>) target_semaphore(%run_scoped3A_980 : memref<!tpu.dma_semaphore, #tpu.memory_space<semaphore_mem>>)
      %dma_wait3A_989 = arith.constant 384 : i32
      %dma_wait3A_990 = arith.constant 0 : i32
      %dma_wait3A_991 = tpu.memref_slice %arg2[%add3A_462, %dma_wait3A_989, %dma_wait3A_990] : memref<256x512x128xf32, #tpu.memory_space<hbm>> -> memref<1x128x128xf32, #tpu.memory_space<hbm>>
      %dma_wait3A_992 = tpu.memref_squeeze %dma_wait3A_991 : memref<1x128x128xf32, #tpu.memory_space<hbm>> -> memref<128x128xf32, #tpu.memory_space<hbm>>
      %dma_wait3A_993 = arith.constant 384 : i32
      %dma_wait3A_994 = arith.constant 0 : i32
      %dma_wait3A_995 = tpu.memref_slice %arg2[%add3A_462, %dma_wait3A_993, %dma_wait3A_994] : memref<256x512x128xf32, #tpu.memory_space<hbm>> -> memref<1x128x128xf32, #tpu.memory_space<hbm>>
      %dma_wait3A_996 = tpu.memref_squeeze %dma_wait3A_995 : memref<1x128x128xf32, #tpu.memory_space<hbm>> -> memref<128x128xf32, #tpu.memory_space<hbm>>
      tpu.wait_dma2 semaphore(%run_scoped3A_980 : memref<!tpu.dma_semaphore, #tpu.memory_space<semaphore_mem>>) src(%dma_wait3A_996 : memref<128x128xf32, #tpu.memory_space<hbm>>) dst(%arg5 : memref<128x128xf32, #tpu.memory_space<vmem>>)
      tpu.yield
    }) : () -> ()
    %run_scoped3A_463 = arith.constant 3 : i32
    "tpu.region"() ({
      %run_scoped3A_980 = tpu.sem_alloc : memref<!tpu.dma_semaphore, #tpu.memory_space<semaphore_mem>>
      %dma_start3A_981 = arith.constant 0 : i32
      %dma_start3A_982 = tpu.memref_slice %arg6[%run_scoped3A_463, %dma_start3A_981] : memref<4x128xi32, #tpu.memory_space<vmem>> -> memref<1x128xi32, #tpu.memory_space<vmem>>
      %dma_start3A_983 = tpu.memref_squeeze %dma_start3A_982 : memref<1x128xi32, #tpu.memory_space<vmem>> -> memref<128xi32, #tpu.memory_space<vmem>>
      %dma_start3A_984 = arith.constant 0 : i32
      %dma_start3A_985 = arith.constant 0 : i32
      %dma_start3A_986 = tpu.memref_slice %arg8[%add3A_411, %dma_start3A_984, %dma_start3A_985] : memref<32x256x128xf32, #tpu.memory_space<vmem_shared>> -> memref<1x256x128xf32, #tpu.memory_space<vmem_shared>>
      %dma_start3A_987 = tpu.memref_squeeze %dma_start3A_986 : memref<1x256x128xf32, #tpu.memory_space<vmem_shared>> -> memref<256x128xf32, #tpu.memory_space<vmem_shared>>
      %dma_start3A_988 = arith.constant 0 : i32
      %dma_start3A_989 = arith.constant 0 : i32
      %dma_start3A_990 = tpu.memref_slice %dma_start3A_987[%dma_start3A_988, %dma_start3A_989] : memref<256x128xf32, #tpu.memory_space<vmem_shared>> -> memref<256x128xf32, #tpu.memory_space<vmem_shared>>
      tpu.enqueue_indirect_dma source(%arg5 : memref<128x128xf32, #tpu.memory_space<vmem>>) target(%dma_start3A_990 : memref<256x128xf32, #tpu.memory_space<vmem_shared>>) offsets(%dma_start3A_983 : memref<128xi32, #tpu.memory_space<vmem>>) semaphore(%run_scoped3A_980 : memref<!tpu.dma_semaphore, #tpu.memory_space<semaphore_mem>>) {add = true}
      %dma_wait3A_991 = arith.constant 0 : i32
      %dma_wait3A_992 = tpu.memref_slice %arg6[%run_scoped3A_463, %dma_wait3A_991] : memref<4x128xi32, #tpu.memory_space<vmem>> -> memref<1x128xi32, #tpu.memory_space<vmem>>
      %dma_wait3A_993 = tpu.memref_squeeze %dma_wait3A_992 : memref<1x128xi32, #tpu.memory_space<vmem>> -> memref<128xi32, #tpu.memory_space<vmem>>
      %dma_wait3A_994 = arith.constant 0 : i32
      %dma_wait3A_995 = arith.constant 0 : i32
      %dma_wait3A_996 = tpu.memref_slice %arg8[%add3A_411, %dma_wait3A_994, %dma_wait3A_995] : memref<32x256x128xf32, #tpu.memory_space<vmem_shared>> -> memref<1x256x128xf32, #tpu.memory_space<vmem_shared>>
      %dma_wait3A_997 = tpu.memref_squeeze %dma_wait3A_996 : memref<1x256x128xf32, #tpu.memory_space<vmem_shared>> -> memref<256x128xf32, #tpu.memory_space<vmem_shared>>
      %dma_wait3A_998 = arith.constant 0 : i32
      %dma_wait3A_999 = arith.constant 0 : i32
      %dma_wait3A_1000 = tpu.memref_slice %dma_wait3A_997[%dma_wait3A_998, %dma_wait3A_999] : memref<256x128xf32, #tpu.memory_space<vmem_shared>> -> memref<256x128xf32, #tpu.memory_space<vmem_shared>>
      tpu.wait_indirect_dma semaphore(%run_scoped3A_980 : memref<!tpu.dma_semaphore, #tpu.memory_space<semaphore_mem>>) src(%arg5 : memref<128x128xf32, #tpu.memory_space<vmem>>) dst(%dma_wait3A_1000 : memref<256x128xf32, #tpu.memory_space<vmem_shared>>)
      tpu.yield
    }) : () -> ()
    %run_scoped3A_464 = arith.constant 0 : i32
    %run_scoped3A_465 = arith.constant 0 : i32
    "tpu.region"() ({
      %run_scoped3A_980 = tpu.sem_alloc : memref<!tpu.dma_semaphore, #tpu.memory_space<semaphore_mem>>
      %dma_start3A_981 = arith.constant 0 : i32
      %dma_start3A_982 = tpu.memref_slice %arg7[%run_scoped3A_464, %dma_start3A_981] : memref<64x128xf32, #tpu.memory_space<vmem>> -> memref<1x128xf32, #tpu.memory_space<vmem>>
      %dma_start3A_983 = tpu.memref_squeeze %dma_start3A_982 : memref<1x128xf32, #tpu.memory_space<vmem>> -> memref<128xf32, #tpu.memory_space<vmem>>
      %dma_start3A_984 = arith.constant 0 : i32
      %dma_start3A_985 = tpu.memref_slice %arg8[%add3A_411, %run_scoped3A_465, %dma_start3A_984] : memref<32x256x128xf32, #tpu.memory_space<vmem_shared>> -> memref<1x1x128xf32, #tpu.memory_space<vmem_shared>>
      %dma_start3A_986 = tpu.memref_squeeze %dma_start3A_985 : memref<1x1x128xf32, #tpu.memory_space<vmem_shared>> -> memref<128xf32, #tpu.memory_space<vmem_shared>>
      %dma_start3A_987 = arith.constant 0 : i32
      %dma_start3A_988 = tpu.memref_slice %arg8[%add3A_411, %run_scoped3A_465, %dma_start3A_987] : memref<32x256x128xf32, #tpu.memory_space<vmem_shared>> -> memref<1x1x128xf32, #tpu.memory_space<vmem_shared>>
      %dma_start3A_989 = tpu.memref_squeeze %dma_start3A_988 : memref<1x1x128xf32, #tpu.memory_space<vmem_shared>> -> memref<128xf32, #tpu.memory_space<vmem_shared>>
      %dma_start3A_990 = arith.constant 0 : i32
      %dma_start3A_991 = tpu.memref_slice %arg7[%run_scoped3A_464, %dma_start3A_990] : memref<64x128xf32, #tpu.memory_space<vmem>> -> memref<1x128xf32, #tpu.memory_space<vmem>>
      %dma_start3A_992 = tpu.memref_squeeze %dma_start3A_991 : memref<1x128xf32, #tpu.memory_space<vmem>> -> memref<128xf32, #tpu.memory_space<vmem>>
      tpu.enqueue_dma source(%dma_start3A_992 : memref<128xf32, #tpu.memory_space<vmem>>) target(%dma_start3A_989 : memref<128xf32, #tpu.memory_space<vmem_shared>>) target_semaphore(%run_scoped3A_980 : memref<!tpu.dma_semaphore, #tpu.memory_space<semaphore_mem>>)
      %dma_wait3A_993 = arith.constant 0 : i32
      %dma_wait3A_994 = tpu.memref_slice %arg7[%run_scoped3A_464, %dma_wait3A_993] : memref<64x128xf32, #tpu.memory_space<vmem>> -> memref<1x128xf32, #tpu.memory_space<vmem>>
      %dma_wait3A_995 = tpu.memref_squeeze %dma_wait3A_994 : memref<1x128xf32, #tpu.memory_space<vmem>> -> memref<128xf32, #tpu.memory_space<vmem>>
      %dma_wait3A_996 = arith.constant 0 : i32
      %dma_wait3A_997 = tpu.memref_slice %arg8[%add3A_411, %run_scoped3A_465, %dma_wait3A_996] : memref<32x256x128xf32, #tpu.memory_space<vmem_shared>> -> memref<1x1x128xf32, #tpu.memory_space<vmem_shared>>
      %dma_wait3A_998 = tpu.memref_squeeze %dma_wait3A_997 : memref<1x1x128xf32, #tpu.memory_space<vmem_shared>> -> memref<128xf32, #tpu.memory_space<vmem_shared>>
      %dma_wait3A_999 = arith.constant 0 : i32
      %dma_wait3A_1000 = tpu.memref_slice %arg8[%add3A_411, %run_scoped3A_465, %dma_wait3A_999] : memref<32x256x128xf32, #tpu.memory_space<vmem_shared>> -> memref<1x1x128xf32, #tpu.memory_space<vmem_shared>>
      %dma_wait3A_1001 = tpu.memref_squeeze %dma_wait3A_1000 : memref<1x1x128xf32, #tpu.memory_space<vmem_shared>> -> memref<128xf32, #tpu.memory_space<vmem_shared>>
      %dma_wait3A_1002 = arith.constant 0 : i32
      %dma_wait3A_1003 = tpu.memref_slice %arg7[%run_scoped3A_464, %dma_wait3A_1002] : memref<64x128xf32, #tpu.memory_space<vmem>> -> memref<1x128xf32, #tpu.memory_space<vmem>>
      %dma_wait3A_1004 = tpu.memref_squeeze %dma_wait3A_1003 : memref<1x128xf32, #tpu.memory_space<vmem>> -> memref<128xf32, #tpu.memory_space<vmem>>
      tpu.wait_dma2 semaphore(%run_scoped3A_980 : memref<!tpu.dma_semaphore, #tpu.memory_space<semaphore_mem>>) src(%dma_wait3A_1004 : memref<128xf32, #tpu.memory_space<vmem>>) dst(%dma_wait3A_1001 : memref<128xf32, #tpu.memory_space<vmem_shared>>)
      tpu.yield
    }) : () -> ()
    %add3A_466 = arith.constant 3 : i32
    %add3A_467 = arith.addi %mul3A_2, %add3A_466 : i32
    %dma_start3A_468 = arith.constant 0 : i32
    %dma_start3A_469 = arith.constant 0 : i32
    %dma_start3A_470 = tpu.memref_slice %arg4[%add3A_467, %dma_start3A_468, %dma_start3A_469] : memref<256x256x128xf32, #tpu.memory_space<hbm>> -> memref<1x256x128xf32, #tpu.memory_space<hbm>>
    %dma_start3A_471 = tpu.memref_squeeze %dma_start3A_470 : memref<1x256x128xf32, #tpu.memory_space<hbm>> -> memref<256x128xf32, #tpu.memory_space<hbm>>
    %dma_start3A_472 = arith.constant 0 : i32
    %dma_start3A_473 = arith.constant 0 : i32
    %dma_start3A_474 = tpu.memref_slice %arg8[%add3A_411, %dma_start3A_472, %dma_start3A_473] : memref<32x256x128xf32, #tpu.memory_space<vmem_shared>> -> memref<1x256x128xf32, #tpu.memory_space<vmem_shared>>
    %dma_start3A_475 = tpu.memref_squeeze %dma_start3A_474 : memref<1x256x128xf32, #tpu.memory_space<vmem_shared>> -> memref<256x128xf32, #tpu.memory_space<vmem_shared>>
    tpu.enqueue_dma source(%dma_start3A_475 : memref<256x128xf32, #tpu.memory_space<vmem_shared>>) target(%dma_start3A_471 : memref<256x128xf32, #tpu.memory_space<hbm>>) target_semaphore(%arg12 : memref<!tpu.dma_semaphore, #tpu.memory_space<semaphore_mem>>)
    %dma_wait3A_476 = arith.constant 0 : i32
    %dma_wait3A_477 = arith.constant 0 : i32
    %dma_wait3A_478 = tpu.memref_slice %arg4[%add3A_345, %dma_wait3A_476, %dma_wait3A_477] : memref<256x256x128xf32, #tpu.memory_space<hbm>> -> memref<1x256x128xf32, #tpu.memory_space<hbm>>
    %dma_wait3A_479 = tpu.memref_squeeze %dma_wait3A_478 : memref<1x256x128xf32, #tpu.memory_space<hbm>> -> memref<256x128xf32, #tpu.memory_space<hbm>>
    %dma_wait3A_480 = arith.constant 0 : i32
    %dma_wait3A_481 = arith.constant 0 : i32
    %dma_wait3A_482 = tpu.memref_slice %arg8[%add3A_289, %dma_wait3A_480, %dma_wait3A_481] : memref<32x256x128xf32, #tpu.memory_space<vmem_shared>> -> memref<1x256x128xf32, #tpu.memory_space<vmem_shared>>
    %dma_wait3A_483 = tpu.memref_squeeze %dma_wait3A_482 : memref<1x256x128xf32, #tpu.memory_space<vmem_shared>> -> memref<256x128xf32, #tpu.memory_space<vmem_shared>>
    tpu.wait_dma2 semaphore(%arg11 : memref<!tpu.dma_semaphore, #tpu.memory_space<semaphore_mem>>) src(%dma_wait3A_483 : memref<256x128xf32, #tpu.memory_space<vmem_shared>>) dst(%dma_wait3A_479 : memref<256x128xf32, #tpu.memory_space<hbm>>)
    %mul3A_484 = arith.constant 2 : i32
    %mul3A_485 = arith.muli %arg1, %mul3A_484 : i32
    %add3A_486 = arith.constant 0 : i32
    %add3A_487 = arith.addi %mul3A_485, %add3A_486 : i32
    %dma_start3A_488 = arith.constant 0 : i32
    %dma_start3A_489 = arith.constant 0 : i32
    %dma_start3A_490 = tpu.memref_slice %arg8[%add3A_487, %dma_start3A_488, %dma_start3A_489] : memref<32x256x128xf32, #tpu.memory_space<vmem_shared>> -> memref<1x64x128xf32, #tpu.memory_space<vmem_shared>>
    %dma_start3A_491 = tpu.memref_squeeze %dma_start3A_490 : memref<1x64x128xf32, #tpu.memory_space<vmem_shared>> -> memref<64x128xf32, #tpu.memory_space<vmem_shared>>
    %dma_start3A_492 = arith.constant 0 : i32
    %dma_start3A_493 = arith.constant 0 : i32
    %dma_start3A_494 = tpu.memref_slice %arg8[%add3A_487, %dma_start3A_492, %dma_start3A_493] : memref<32x256x128xf32, #tpu.memory_space<vmem_shared>> -> memref<1x64x128xf32, #tpu.memory_space<vmem_shared>>
    %dma_start3A_495 = tpu.memref_squeeze %dma_start3A_494 : memref<1x64x128xf32, #tpu.memory_space<vmem_shared>> -> memref<64x128xf32, #tpu.memory_space<vmem_shared>>
    tpu.enqueue_dma source(%arg7 : memref<64x128xf32, #tpu.memory_space<vmem>>) target(%dma_start3A_495 : memref<64x128xf32, #tpu.memory_space<vmem_shared>>) target_semaphore(%arg9 : memref<!tpu.dma_semaphore, #tpu.memory_space<semaphore_mem>>)
    %dma_start3A_496 = arith.constant 64 : i32
    %dma_start3A_497 = arith.constant 0 : i32
    %dma_start3A_498 = tpu.memref_slice %arg8[%add3A_487, %dma_start3A_496, %dma_start3A_497] : memref<32x256x128xf32, #tpu.memory_space<vmem_shared>> -> memref<1x64x128xf32, #tpu.memory_space<vmem_shared>>
    %dma_start3A_499 = tpu.memref_squeeze %dma_start3A_498 : memref<1x64x128xf32, #tpu.memory_space<vmem_shared>> -> memref<64x128xf32, #tpu.memory_space<vmem_shared>>
    %dma_start3A_500 = arith.constant 64 : i32
    %dma_start3A_501 = arith.constant 0 : i32
    %dma_start3A_502 = tpu.memref_slice %arg8[%add3A_487, %dma_start3A_500, %dma_start3A_501] : memref<32x256x128xf32, #tpu.memory_space<vmem_shared>> -> memref<1x64x128xf32, #tpu.memory_space<vmem_shared>>
    %dma_start3A_503 = tpu.memref_squeeze %dma_start3A_502 : memref<1x64x128xf32, #tpu.memory_space<vmem_shared>> -> memref<64x128xf32, #tpu.memory_space<vmem_shared>>
    tpu.enqueue_dma source(%arg7 : memref<64x128xf32, #tpu.memory_space<vmem>>) target(%dma_start3A_503 : memref<64x128xf32, #tpu.memory_space<vmem_shared>>) target_semaphore(%arg9 : memref<!tpu.dma_semaphore, #tpu.memory_space<semaphore_mem>>)
    %dma_start3A_504 = arith.constant 128 : i32
    %dma_start3A_505 = arith.constant 0 : i32
    %dma_start3A_506 = tpu.memref_slice %arg8[%add3A_487, %dma_start3A_504, %dma_start3A_505] : memref<32x256x128xf32, #tpu.memory_space<vmem_shared>> -> memref<1x64x128xf32, #tpu.memory_space<vmem_shared>>
    %dma_start3A_507 = tpu.memref_squeeze %dma_start3A_506 : memref<1x64x128xf32, #tpu.memory_space<vmem_shared>> -> memref<64x128xf32, #tpu.memory_space<vmem_shared>>
    %dma_start3A_508 = arith.constant 128 : i32
    %dma_start3A_509 = arith.constant 0 : i32
    %dma_start3A_510 = tpu.memref_slice %arg8[%add3A_487, %dma_start3A_508, %dma_start3A_509] : memref<32x256x128xf32, #tpu.memory_space<vmem_shared>> -> memref<1x64x128xf32, #tpu.memory_space<vmem_shared>>
    %dma_start3A_511 = tpu.memref_squeeze %dma_start3A_510 : memref<1x64x128xf32, #tpu.memory_space<vmem_shared>> -> memref<64x128xf32, #tpu.memory_space<vmem_shared>>
    tpu.enqueue_dma source(%arg7 : memref<64x128xf32, #tpu.memory_space<vmem>>) target(%dma_start3A_511 : memref<64x128xf32, #tpu.memory_space<vmem_shared>>) target_semaphore(%arg9 : memref<!tpu.dma_semaphore, #tpu.memory_space<semaphore_mem>>)
    %dma_start3A_512 = arith.constant 192 : i32
    %dma_start3A_513 = arith.constant 0 : i32
    %dma_start3A_514 = tpu.memref_slice %arg8[%add3A_487, %dma_start3A_512, %dma_start3A_513] : memref<32x256x128xf32, #tpu.memory_space<vmem_shared>> -> memref<1x64x128xf32, #tpu.memory_space<vmem_shared>>
    %dma_start3A_515 = tpu.memref_squeeze %dma_start3A_514 : memref<1x64x128xf32, #tpu.memory_space<vmem_shared>> -> memref<64x128xf32, #tpu.memory_space<vmem_shared>>
    %dma_start3A_516 = arith.constant 192 : i32
    %dma_start3A_517 = arith.constant 0 : i32
    %dma_start3A_518 = tpu.memref_slice %arg8[%add3A_487, %dma_start3A_516, %dma_start3A_517] : memref<32x256x128xf32, #tpu.memory_space<vmem_shared>> -> memref<1x64x128xf32, #tpu.memory_space<vmem_shared>>
    %dma_start3A_519 = tpu.memref_squeeze %dma_start3A_518 : memref<1x64x128xf32, #tpu.memory_space<vmem_shared>> -> memref<64x128xf32, #tpu.memory_space<vmem_shared>>
    tpu.enqueue_dma source(%arg7 : memref<64x128xf32, #tpu.memory_space<vmem>>) target(%dma_start3A_519 : memref<64x128xf32, #tpu.memory_space<vmem_shared>>) target_semaphore(%arg9 : memref<!tpu.dma_semaphore, #tpu.memory_space<semaphore_mem>>)
    %add3A_520 = arith.constant 4 : i32
    %add3A_521 = arith.addi %mul3A_2, %add3A_520 : i32
    %dma_start3A_522 = arith.constant 0 : i32
    %dma_start3A_523 = arith.constant 0 : i32
    %dma_start3A_524 = tpu.memref_slice %arg2[%add3A_521, %dma_start3A_522, %dma_start3A_523] : memref<256x512x128xf32, #tpu.memory_space<hbm>> -> memref<1x128x128xf32, #tpu.memory_space<hbm>>
    %dma_start3A_525 = tpu.memref_squeeze %dma_start3A_524 : memref<1x128x128xf32, #tpu.memory_space<hbm>> -> memref<128x128xf32, #tpu.memory_space<hbm>>
    %dma_start3A_526 = arith.constant 0 : i32
    %dma_start3A_527 = arith.constant 0 : i32
    %dma_start3A_528 = tpu.memref_slice %arg2[%add3A_521, %dma_start3A_526, %dma_start3A_527] : memref<256x512x128xf32, #tpu.memory_space<hbm>> -> memref<1x128x128xf32, #tpu.memory_space<hbm>>
    %dma_start3A_529 = tpu.memref_squeeze %dma_start3A_528 : memref<1x128x128xf32, #tpu.memory_space<hbm>> -> memref<128x128xf32, #tpu.memory_space<hbm>>
    tpu.enqueue_dma source(%dma_start3A_529 : memref<128x128xf32, #tpu.memory_space<hbm>>) target(%arg5 : memref<128x128xf32, #tpu.memory_space<vmem>>) target_semaphore(%arg10 : memref<!tpu.dma_semaphore, #tpu.memory_space<semaphore_mem>>)
    %mul3A_530 = arith.constant 2 : i32
    %mul3A_531 = arith.muli %arg1, %mul3A_530 : i32
    %add3A_532 = arith.constant 0 : i32
    %add3A_533 = arith.addi %mul3A_531, %add3A_532 : i32
    %add3A_534 = arith.constant 4 : i32
    %add3A_535 = arith.addi %mul3A_2, %add3A_534 : i32
    "tpu.region"() ({
      %run_scoped3A_980 = tpu.sem_alloc : memref<!tpu.dma_semaphore, #tpu.memory_space<semaphore_mem>>
      %dma_start3A_981 = arith.constant 0 : i32
      %dma_start3A_982 = arith.constant 0 : i32
      %dma_start3A_983 = tpu.memref_slice %arg3[%add3A_535, %dma_start3A_981, %dma_start3A_982] : memref<256x4x128xi32, #tpu.memory_space<hbm>> -> memref<1x4x128xi32, #tpu.memory_space<hbm>>
      %dma_start3A_984 = tpu.memref_squeeze %dma_start3A_983 : memref<1x4x128xi32, #tpu.memory_space<hbm>> -> memref<4x128xi32, #tpu.memory_space<hbm>>
      %dma_start3A_985 = arith.constant 0 : i32
      %dma_start3A_986 = arith.constant 0 : i32
      %dma_start3A_987 = tpu.memref_slice %arg3[%add3A_535, %dma_start3A_985, %dma_start3A_986] : memref<256x4x128xi32, #tpu.memory_space<hbm>> -> memref<1x4x128xi32, #tpu.memory_space<hbm>>
      %dma_start3A_988 = tpu.memref_squeeze %dma_start3A_987 : memref<1x4x128xi32, #tpu.memory_space<hbm>> -> memref<4x128xi32, #tpu.memory_space<hbm>>
      tpu.enqueue_dma source(%dma_start3A_988 : memref<4x128xi32, #tpu.memory_space<hbm>>) target(%arg6 : memref<4x128xi32, #tpu.memory_space<vmem>>) target_semaphore(%run_scoped3A_980 : memref<!tpu.dma_semaphore, #tpu.memory_space<semaphore_mem>>)
      %dma_wait3A_989 = arith.constant 0 : i32
      %dma_wait3A_990 = arith.constant 0 : i32
      %dma_wait3A_991 = tpu.memref_slice %arg3[%add3A_535, %dma_wait3A_989, %dma_wait3A_990] : memref<256x4x128xi32, #tpu.memory_space<hbm>> -> memref<1x4x128xi32, #tpu.memory_space<hbm>>
      %dma_wait3A_992 = tpu.memref_squeeze %dma_wait3A_991 : memref<1x4x128xi32, #tpu.memory_space<hbm>> -> memref<4x128xi32, #tpu.memory_space<hbm>>
      %dma_wait3A_993 = arith.constant 0 : i32
      %dma_wait3A_994 = arith.constant 0 : i32
      %dma_wait3A_995 = tpu.memref_slice %arg3[%add3A_535, %dma_wait3A_993, %dma_wait3A_994] : memref<256x4x128xi32, #tpu.memory_space<hbm>> -> memref<1x4x128xi32, #tpu.memory_space<hbm>>
      %dma_wait3A_996 = tpu.memref_squeeze %dma_wait3A_995 : memref<1x4x128xi32, #tpu.memory_space<hbm>> -> memref<4x128xi32, #tpu.memory_space<hbm>>
      tpu.wait_dma2 semaphore(%run_scoped3A_980 : memref<!tpu.dma_semaphore, #tpu.memory_space<semaphore_mem>>) src(%dma_wait3A_996 : memref<4x128xi32, #tpu.memory_space<hbm>>) dst(%arg6 : memref<4x128xi32, #tpu.memory_space<vmem>>)
      tpu.yield
    }) : () -> ()
    %dma_wait3A_536 = arith.constant 0 : i32
    %dma_wait3A_537 = arith.constant 0 : i32
    %dma_wait3A_538 = tpu.memref_slice %arg2[%add3A_521, %dma_wait3A_536, %dma_wait3A_537] : memref<256x512x128xf32, #tpu.memory_space<hbm>> -> memref<1x128x128xf32, #tpu.memory_space<hbm>>
    %dma_wait3A_539 = tpu.memref_squeeze %dma_wait3A_538 : memref<1x128x128xf32, #tpu.memory_space<hbm>> -> memref<128x128xf32, #tpu.memory_space<hbm>>
    %dma_wait3A_540 = arith.constant 0 : i32
    %dma_wait3A_541 = arith.constant 0 : i32
    %dma_wait3A_542 = tpu.memref_slice %arg2[%add3A_521, %dma_wait3A_540, %dma_wait3A_541] : memref<256x512x128xf32, #tpu.memory_space<hbm>> -> memref<1x128x128xf32, #tpu.memory_space<hbm>>
    %dma_wait3A_543 = tpu.memref_squeeze %dma_wait3A_542 : memref<1x128x128xf32, #tpu.memory_space<hbm>> -> memref<128x128xf32, #tpu.memory_space<hbm>>
    tpu.wait_dma2 semaphore(%arg10 : memref<!tpu.dma_semaphore, #tpu.memory_space<semaphore_mem>>) src(%dma_wait3A_543 : memref<128x128xf32, #tpu.memory_space<hbm>>) dst(%arg5 : memref<128x128xf32, #tpu.memory_space<vmem>>)
    %dma_wait3A_544 = arith.constant 0 : i32
    %dma_wait3A_545 = arith.constant 0 : i32
    %dma_wait3A_546 = tpu.memref_slice %arg8[%add3A_487, %dma_wait3A_544, %dma_wait3A_545] : memref<32x256x128xf32, #tpu.memory_space<vmem_shared>> -> memref<1x64x128xf32, #tpu.memory_space<vmem_shared>>
    %dma_wait3A_547 = tpu.memref_squeeze %dma_wait3A_546 : memref<1x64x128xf32, #tpu.memory_space<vmem_shared>> -> memref<64x128xf32, #tpu.memory_space<vmem_shared>>
    %dma_wait3A_548 = arith.constant 0 : i32
    %dma_wait3A_549 = arith.constant 0 : i32
    %dma_wait3A_550 = tpu.memref_slice %arg8[%add3A_487, %dma_wait3A_548, %dma_wait3A_549] : memref<32x256x128xf32, #tpu.memory_space<vmem_shared>> -> memref<1x64x128xf32, #tpu.memory_space<vmem_shared>>
    %dma_wait3A_551 = tpu.memref_squeeze %dma_wait3A_550 : memref<1x64x128xf32, #tpu.memory_space<vmem_shared>> -> memref<64x128xf32, #tpu.memory_space<vmem_shared>>
    tpu.wait_dma2 semaphore(%arg9 : memref<!tpu.dma_semaphore, #tpu.memory_space<semaphore_mem>>) src(%arg7 : memref<64x128xf32, #tpu.memory_space<vmem>>) dst(%dma_wait3A_551 : memref<64x128xf32, #tpu.memory_space<vmem_shared>>)
    %dma_wait3A_552 = arith.constant 64 : i32
    %dma_wait3A_553 = arith.constant 0 : i32
    %dma_wait3A_554 = tpu.memref_slice %arg8[%add3A_487, %dma_wait3A_552, %dma_wait3A_553] : memref<32x256x128xf32, #tpu.memory_space<vmem_shared>> -> memref<1x64x128xf32, #tpu.memory_space<vmem_shared>>
    %dma_wait3A_555 = tpu.memref_squeeze %dma_wait3A_554 : memref<1x64x128xf32, #tpu.memory_space<vmem_shared>> -> memref<64x128xf32, #tpu.memory_space<vmem_shared>>
    %dma_wait3A_556 = arith.constant 64 : i32
    %dma_wait3A_557 = arith.constant 0 : i32
    %dma_wait3A_558 = tpu.memref_slice %arg8[%add3A_487, %dma_wait3A_556, %dma_wait3A_557] : memref<32x256x128xf32, #tpu.memory_space<vmem_shared>> -> memref<1x64x128xf32, #tpu.memory_space<vmem_shared>>
    %dma_wait3A_559 = tpu.memref_squeeze %dma_wait3A_558 : memref<1x64x128xf32, #tpu.memory_space<vmem_shared>> -> memref<64x128xf32, #tpu.memory_space<vmem_shared>>
    tpu.wait_dma2 semaphore(%arg9 : memref<!tpu.dma_semaphore, #tpu.memory_space<semaphore_mem>>) src(%arg7 : memref<64x128xf32, #tpu.memory_space<vmem>>) dst(%dma_wait3A_559 : memref<64x128xf32, #tpu.memory_space<vmem_shared>>)
    %dma_wait3A_560 = arith.constant 128 : i32
    %dma_wait3A_561 = arith.constant 0 : i32
    %dma_wait3A_562 = tpu.memref_slice %arg8[%add3A_487, %dma_wait3A_560, %dma_wait3A_561] : memref<32x256x128xf32, #tpu.memory_space<vmem_shared>> -> memref<1x64x128xf32, #tpu.memory_space<vmem_shared>>
    %dma_wait3A_563 = tpu.memref_squeeze %dma_wait3A_562 : memref<1x64x128xf32, #tpu.memory_space<vmem_shared>> -> memref<64x128xf32, #tpu.memory_space<vmem_shared>>
    %dma_wait3A_564 = arith.constant 128 : i32
    %dma_wait3A_565 = arith.constant 0 : i32
    %dma_wait3A_566 = tpu.memref_slice %arg8[%add3A_487, %dma_wait3A_564, %dma_wait3A_565] : memref<32x256x128xf32, #tpu.memory_space<vmem_shared>> -> memref<1x64x128xf32, #tpu.memory_space<vmem_shared>>
    %dma_wait3A_567 = tpu.memref_squeeze %dma_wait3A_566 : memref<1x64x128xf32, #tpu.memory_space<vmem_shared>> -> memref<64x128xf32, #tpu.memory_space<vmem_shared>>
    tpu.wait_dma2 semaphore(%arg9 : memref<!tpu.dma_semaphore, #tpu.memory_space<semaphore_mem>>) src(%arg7 : memref<64x128xf32, #tpu.memory_space<vmem>>) dst(%dma_wait3A_567 : memref<64x128xf32, #tpu.memory_space<vmem_shared>>)
    %dma_wait3A_568 = arith.constant 192 : i32
    %dma_wait3A_569 = arith.constant 0 : i32
    %dma_wait3A_570 = tpu.memref_slice %arg8[%add3A_487, %dma_wait3A_568, %dma_wait3A_569] : memref<32x256x128xf32, #tpu.memory_space<vmem_shared>> -> memref<1x64x128xf32, #tpu.memory_space<vmem_shared>>
    %dma_wait3A_571 = tpu.memref_squeeze %dma_wait3A_570 : memref<1x64x128xf32, #tpu.memory_space<vmem_shared>> -> memref<64x128xf32, #tpu.memory_space<vmem_shared>>
    %dma_wait3A_572 = arith.constant 192 : i32
    %dma_wait3A_573 = arith.constant 0 : i32
    %dma_wait3A_574 = tpu.memref_slice %arg8[%add3A_487, %dma_wait3A_572, %dma_wait3A_573] : memref<32x256x128xf32, #tpu.memory_space<vmem_shared>> -> memref<1x64x128xf32, #tpu.memory_space<vmem_shared>>
    %dma_wait3A_575 = tpu.memref_squeeze %dma_wait3A_574 : memref<1x64x128xf32, #tpu.memory_space<vmem_shared>> -> memref<64x128xf32, #tpu.memory_space<vmem_shared>>
    tpu.wait_dma2 semaphore(%arg9 : memref<!tpu.dma_semaphore, #tpu.memory_space<semaphore_mem>>) src(%arg7 : memref<64x128xf32, #tpu.memory_space<vmem>>) dst(%dma_wait3A_575 : memref<64x128xf32, #tpu.memory_space<vmem_shared>>)
    %run_scoped3A_576 = arith.constant 0 : i32
    "tpu.region"() ({
      %run_scoped3A_980 = tpu.sem_alloc : memref<!tpu.dma_semaphore, #tpu.memory_space<semaphore_mem>>
      %dma_start3A_981 = arith.constant 0 : i32
      %dma_start3A_982 = tpu.memref_slice %arg6[%run_scoped3A_576, %dma_start3A_981] : memref<4x128xi32, #tpu.memory_space<vmem>> -> memref<1x128xi32, #tpu.memory_space<vmem>>
      %dma_start3A_983 = tpu.memref_squeeze %dma_start3A_982 : memref<1x128xi32, #tpu.memory_space<vmem>> -> memref<128xi32, #tpu.memory_space<vmem>>
      %dma_start3A_984 = arith.constant 0 : i32
      %dma_start3A_985 = arith.constant 0 : i32
      %dma_start3A_986 = tpu.memref_slice %arg8[%add3A_533, %dma_start3A_984, %dma_start3A_985] : memref<32x256x128xf32, #tpu.memory_space<vmem_shared>> -> memref<1x256x128xf32, #tpu.memory_space<vmem_shared>>
      %dma_start3A_987 = tpu.memref_squeeze %dma_start3A_986 : memref<1x256x128xf32, #tpu.memory_space<vmem_shared>> -> memref<256x128xf32, #tpu.memory_space<vmem_shared>>
      %dma_start3A_988 = arith.constant 0 : i32
      %dma_start3A_989 = arith.constant 0 : i32
      %dma_start3A_990 = tpu.memref_slice %dma_start3A_987[%dma_start3A_988, %dma_start3A_989] : memref<256x128xf32, #tpu.memory_space<vmem_shared>> -> memref<256x128xf32, #tpu.memory_space<vmem_shared>>
      tpu.enqueue_indirect_dma source(%arg5 : memref<128x128xf32, #tpu.memory_space<vmem>>) target(%dma_start3A_990 : memref<256x128xf32, #tpu.memory_space<vmem_shared>>) offsets(%dma_start3A_983 : memref<128xi32, #tpu.memory_space<vmem>>) semaphore(%run_scoped3A_980 : memref<!tpu.dma_semaphore, #tpu.memory_space<semaphore_mem>>) {add = true}
      %dma_wait3A_991 = arith.constant 0 : i32
      %dma_wait3A_992 = tpu.memref_slice %arg6[%run_scoped3A_576, %dma_wait3A_991] : memref<4x128xi32, #tpu.memory_space<vmem>> -> memref<1x128xi32, #tpu.memory_space<vmem>>
      %dma_wait3A_993 = tpu.memref_squeeze %dma_wait3A_992 : memref<1x128xi32, #tpu.memory_space<vmem>> -> memref<128xi32, #tpu.memory_space<vmem>>
      %dma_wait3A_994 = arith.constant 0 : i32
      %dma_wait3A_995 = arith.constant 0 : i32
      %dma_wait3A_996 = tpu.memref_slice %arg8[%add3A_533, %dma_wait3A_994, %dma_wait3A_995] : memref<32x256x128xf32, #tpu.memory_space<vmem_shared>> -> memref<1x256x128xf32, #tpu.memory_space<vmem_shared>>
      %dma_wait3A_997 = tpu.memref_squeeze %dma_wait3A_996 : memref<1x256x128xf32, #tpu.memory_space<vmem_shared>> -> memref<256x128xf32, #tpu.memory_space<vmem_shared>>
      %dma_wait3A_998 = arith.constant 0 : i32
      %dma_wait3A_999 = arith.constant 0 : i32
      %dma_wait3A_1000 = tpu.memref_slice %dma_wait3A_997[%dma_wait3A_998, %dma_wait3A_999] : memref<256x128xf32, #tpu.memory_space<vmem_shared>> -> memref<256x128xf32, #tpu.memory_space<vmem_shared>>
      tpu.wait_indirect_dma semaphore(%run_scoped3A_980 : memref<!tpu.dma_semaphore, #tpu.memory_space<semaphore_mem>>) src(%arg5 : memref<128x128xf32, #tpu.memory_space<vmem>>) dst(%dma_wait3A_1000 : memref<256x128xf32, #tpu.memory_space<vmem_shared>>)
      tpu.yield
    }) : () -> ()
    %add3A_577 = arith.constant 4 : i32
    %add3A_578 = arith.addi %mul3A_2, %add3A_577 : i32
    "tpu.region"() ({
      %run_scoped3A_980 = tpu.sem_alloc : memref<!tpu.dma_semaphore, #tpu.memory_space<semaphore_mem>>
      %dma_start3A_981 = arith.constant 128 : i32
      %dma_start3A_982 = arith.constant 0 : i32
      %dma_start3A_983 = tpu.memref_slice %arg2[%add3A_578, %dma_start3A_981, %dma_start3A_982] : memref<256x512x128xf32, #tpu.memory_space<hbm>> -> memref<1x128x128xf32, #tpu.memory_space<hbm>>
      %dma_start3A_984 = tpu.memref_squeeze %dma_start3A_983 : memref<1x128x128xf32, #tpu.memory_space<hbm>> -> memref<128x128xf32, #tpu.memory_space<hbm>>
      %dma_start3A_985 = arith.constant 128 : i32
      %dma_start3A_986 = arith.constant 0 : i32
      %dma_start3A_987 = tpu.memref_slice %arg2[%add3A_578, %dma_start3A_985, %dma_start3A_986] : memref<256x512x128xf32, #tpu.memory_space<hbm>> -> memref<1x128x128xf32, #tpu.memory_space<hbm>>
      %dma_start3A_988 = tpu.memref_squeeze %dma_start3A_987 : memref<1x128x128xf32, #tpu.memory_space<hbm>> -> memref<128x128xf32, #tpu.memory_space<hbm>>
      tpu.enqueue_dma source(%dma_start3A_988 : memref<128x128xf32, #tpu.memory_space<hbm>>) target(%arg5 : memref<128x128xf32, #tpu.memory_space<vmem>>) target_semaphore(%run_scoped3A_980 : memref<!tpu.dma_semaphore, #tpu.memory_space<semaphore_mem>>)
      %dma_wait3A_989 = arith.constant 128 : i32
      %dma_wait3A_990 = arith.constant 0 : i32
      %dma_wait3A_991 = tpu.memref_slice %arg2[%add3A_578, %dma_wait3A_989, %dma_wait3A_990] : memref<256x512x128xf32, #tpu.memory_space<hbm>> -> memref<1x128x128xf32, #tpu.memory_space<hbm>>
      %dma_wait3A_992 = tpu.memref_squeeze %dma_wait3A_991 : memref<1x128x128xf32, #tpu.memory_space<hbm>> -> memref<128x128xf32, #tpu.memory_space<hbm>>
      %dma_wait3A_993 = arith.constant 128 : i32
      %dma_wait3A_994 = arith.constant 0 : i32
      %dma_wait3A_995 = tpu.memref_slice %arg2[%add3A_578, %dma_wait3A_993, %dma_wait3A_994] : memref<256x512x128xf32, #tpu.memory_space<hbm>> -> memref<1x128x128xf32, #tpu.memory_space<hbm>>
      %dma_wait3A_996 = tpu.memref_squeeze %dma_wait3A_995 : memref<1x128x128xf32, #tpu.memory_space<hbm>> -> memref<128x128xf32, #tpu.memory_space<hbm>>
      tpu.wait_dma2 semaphore(%run_scoped3A_980 : memref<!tpu.dma_semaphore, #tpu.memory_space<semaphore_mem>>) src(%dma_wait3A_996 : memref<128x128xf32, #tpu.memory_space<hbm>>) dst(%arg5 : memref<128x128xf32, #tpu.memory_space<vmem>>)
      tpu.yield
    }) : () -> ()
    %run_scoped3A_579 = arith.constant 1 : i32
    "tpu.region"() ({
      %run_scoped3A_980 = tpu.sem_alloc : memref<!tpu.dma_semaphore, #tpu.memory_space<semaphore_mem>>
      %dma_start3A_981 = arith.constant 0 : i32
      %dma_start3A_982 = tpu.memref_slice %arg6[%run_scoped3A_579, %dma_start3A_981] : memref<4x128xi32, #tpu.memory_space<vmem>> -> memref<1x128xi32, #tpu.memory_space<vmem>>
      %dma_start3A_983 = tpu.memref_squeeze %dma_start3A_982 : memref<1x128xi32, #tpu.memory_space<vmem>> -> memref<128xi32, #tpu.memory_space<vmem>>
      %dma_start3A_984 = arith.constant 0 : i32
      %dma_start3A_985 = arith.constant 0 : i32
      %dma_start3A_986 = tpu.memref_slice %arg8[%add3A_533, %dma_start3A_984, %dma_start3A_985] : memref<32x256x128xf32, #tpu.memory_space<vmem_shared>> -> memref<1x256x128xf32, #tpu.memory_space<vmem_shared>>
      %dma_start3A_987 = tpu.memref_squeeze %dma_start3A_986 : memref<1x256x128xf32, #tpu.memory_space<vmem_shared>> -> memref<256x128xf32, #tpu.memory_space<vmem_shared>>
      %dma_start3A_988 = arith.constant 0 : i32
      %dma_start3A_989 = arith.constant 0 : i32
      %dma_start3A_990 = tpu.memref_slice %dma_start3A_987[%dma_start3A_988, %dma_start3A_989] : memref<256x128xf32, #tpu.memory_space<vmem_shared>> -> memref<256x128xf32, #tpu.memory_space<vmem_shared>>
      tpu.enqueue_indirect_dma source(%arg5 : memref<128x128xf32, #tpu.memory_space<vmem>>) target(%dma_start3A_990 : memref<256x128xf32, #tpu.memory_space<vmem_shared>>) offsets(%dma_start3A_983 : memref<128xi32, #tpu.memory_space<vmem>>) semaphore(%run_scoped3A_980 : memref<!tpu.dma_semaphore, #tpu.memory_space<semaphore_mem>>) {add = true}
      %dma_wait3A_991 = arith.constant 0 : i32
      %dma_wait3A_992 = tpu.memref_slice %arg6[%run_scoped3A_579, %dma_wait3A_991] : memref<4x128xi32, #tpu.memory_space<vmem>> -> memref<1x128xi32, #tpu.memory_space<vmem>>
      %dma_wait3A_993 = tpu.memref_squeeze %dma_wait3A_992 : memref<1x128xi32, #tpu.memory_space<vmem>> -> memref<128xi32, #tpu.memory_space<vmem>>
      %dma_wait3A_994 = arith.constant 0 : i32
      %dma_wait3A_995 = arith.constant 0 : i32
      %dma_wait3A_996 = tpu.memref_slice %arg8[%add3A_533, %dma_wait3A_994, %dma_wait3A_995] : memref<32x256x128xf32, #tpu.memory_space<vmem_shared>> -> memref<1x256x128xf32, #tpu.memory_space<vmem_shared>>
      %dma_wait3A_997 = tpu.memref_squeeze %dma_wait3A_996 : memref<1x256x128xf32, #tpu.memory_space<vmem_shared>> -> memref<256x128xf32, #tpu.memory_space<vmem_shared>>
      %dma_wait3A_998 = arith.constant 0 : i32
      %dma_wait3A_999 = arith.constant 0 : i32
      %dma_wait3A_1000 = tpu.memref_slice %dma_wait3A_997[%dma_wait3A_998, %dma_wait3A_999] : memref<256x128xf32, #tpu.memory_space<vmem_shared>> -> memref<256x128xf32, #tpu.memory_space<vmem_shared>>
      tpu.wait_indirect_dma semaphore(%run_scoped3A_980 : memref<!tpu.dma_semaphore, #tpu.memory_space<semaphore_mem>>) src(%arg5 : memref<128x128xf32, #tpu.memory_space<vmem>>) dst(%dma_wait3A_1000 : memref<256x128xf32, #tpu.memory_space<vmem_shared>>)
      tpu.yield
    }) : () -> ()
    %add3A_580 = arith.constant 4 : i32
    %add3A_581 = arith.addi %mul3A_2, %add3A_580 : i32
    "tpu.region"() ({
      %run_scoped3A_980 = tpu.sem_alloc : memref<!tpu.dma_semaphore, #tpu.memory_space<semaphore_mem>>
      %dma_start3A_981 = arith.constant 256 : i32
      %dma_start3A_982 = arith.constant 0 : i32
      %dma_start3A_983 = tpu.memref_slice %arg2[%add3A_581, %dma_start3A_981, %dma_start3A_982] : memref<256x512x128xf32, #tpu.memory_space<hbm>> -> memref<1x128x128xf32, #tpu.memory_space<hbm>>
      %dma_start3A_984 = tpu.memref_squeeze %dma_start3A_983 : memref<1x128x128xf32, #tpu.memory_space<hbm>> -> memref<128x128xf32, #tpu.memory_space<hbm>>
      %dma_start3A_985 = arith.constant 256 : i32
      %dma_start3A_986 = arith.constant 0 : i32
      %dma_start3A_987 = tpu.memref_slice %arg2[%add3A_581, %dma_start3A_985, %dma_start3A_986] : memref<256x512x128xf32, #tpu.memory_space<hbm>> -> memref<1x128x128xf32, #tpu.memory_space<hbm>>
      %dma_start3A_988 = tpu.memref_squeeze %dma_start3A_987 : memref<1x128x128xf32, #tpu.memory_space<hbm>> -> memref<128x128xf32, #tpu.memory_space<hbm>>
      tpu.enqueue_dma source(%dma_start3A_988 : memref<128x128xf32, #tpu.memory_space<hbm>>) target(%arg5 : memref<128x128xf32, #tpu.memory_space<vmem>>) target_semaphore(%run_scoped3A_980 : memref<!tpu.dma_semaphore, #tpu.memory_space<semaphore_mem>>)
      %dma_wait3A_989 = arith.constant 256 : i32
      %dma_wait3A_990 = arith.constant 0 : i32
      %dma_wait3A_991 = tpu.memref_slice %arg2[%add3A_581, %dma_wait3A_989, %dma_wait3A_990] : memref<256x512x128xf32, #tpu.memory_space<hbm>> -> memref<1x128x128xf32, #tpu.memory_space<hbm>>
      %dma_wait3A_992 = tpu.memref_squeeze %dma_wait3A_991 : memref<1x128x128xf32, #tpu.memory_space<hbm>> -> memref<128x128xf32, #tpu.memory_space<hbm>>
      %dma_wait3A_993 = arith.constant 256 : i32
      %dma_wait3A_994 = arith.constant 0 : i32
      %dma_wait3A_995 = tpu.memref_slice %arg2[%add3A_581, %dma_wait3A_993, %dma_wait3A_994] : memref<256x512x128xf32, #tpu.memory_space<hbm>> -> memref<1x128x128xf32, #tpu.memory_space<hbm>>
      %dma_wait3A_996 = tpu.memref_squeeze %dma_wait3A_995 : memref<1x128x128xf32, #tpu.memory_space<hbm>> -> memref<128x128xf32, #tpu.memory_space<hbm>>
      tpu.wait_dma2 semaphore(%run_scoped3A_980 : memref<!tpu.dma_semaphore, #tpu.memory_space<semaphore_mem>>) src(%dma_wait3A_996 : memref<128x128xf32, #tpu.memory_space<hbm>>) dst(%arg5 : memref<128x128xf32, #tpu.memory_space<vmem>>)
      tpu.yield
    }) : () -> ()
    %run_scoped3A_582 = arith.constant 2 : i32
    "tpu.region"() ({
      %run_scoped3A_980 = tpu.sem_alloc : memref<!tpu.dma_semaphore, #tpu.memory_space<semaphore_mem>>
      %dma_start3A_981 = arith.constant 0 : i32
      %dma_start3A_982 = tpu.memref_slice %arg6[%run_scoped3A_582, %dma_start3A_981] : memref<4x128xi32, #tpu.memory_space<vmem>> -> memref<1x128xi32, #tpu.memory_space<vmem>>
      %dma_start3A_983 = tpu.memref_squeeze %dma_start3A_982 : memref<1x128xi32, #tpu.memory_space<vmem>> -> memref<128xi32, #tpu.memory_space<vmem>>
      %dma_start3A_984 = arith.constant 0 : i32
      %dma_start3A_985 = arith.constant 0 : i32
      %dma_start3A_986 = tpu.memref_slice %arg8[%add3A_533, %dma_start3A_984, %dma_start3A_985] : memref<32x256x128xf32, #tpu.memory_space<vmem_shared>> -> memref<1x256x128xf32, #tpu.memory_space<vmem_shared>>
      %dma_start3A_987 = tpu.memref_squeeze %dma_start3A_986 : memref<1x256x128xf32, #tpu.memory_space<vmem_shared>> -> memref<256x128xf32, #tpu.memory_space<vmem_shared>>
      %dma_start3A_988 = arith.constant 0 : i32
      %dma_start3A_989 = arith.constant 0 : i32
      %dma_start3A_990 = tpu.memref_slice %dma_start3A_987[%dma_start3A_988, %dma_start3A_989] : memref<256x128xf32, #tpu.memory_space<vmem_shared>> -> memref<256x128xf32, #tpu.memory_space<vmem_shared>>
      tpu.enqueue_indirect_dma source(%arg5 : memref<128x128xf32, #tpu.memory_space<vmem>>) target(%dma_start3A_990 : memref<256x128xf32, #tpu.memory_space<vmem_shared>>) offsets(%dma_start3A_983 : memref<128xi32, #tpu.memory_space<vmem>>) semaphore(%run_scoped3A_980 : memref<!tpu.dma_semaphore, #tpu.memory_space<semaphore_mem>>) {add = true}
      %dma_wait3A_991 = arith.constant 0 : i32
      %dma_wait3A_992 = tpu.memref_slice %arg6[%run_scoped3A_582, %dma_wait3A_991] : memref<4x128xi32, #tpu.memory_space<vmem>> -> memref<1x128xi32, #tpu.memory_space<vmem>>
      %dma_wait3A_993 = tpu.memref_squeeze %dma_wait3A_992 : memref<1x128xi32, #tpu.memory_space<vmem>> -> memref<128xi32, #tpu.memory_space<vmem>>
      %dma_wait3A_994 = arith.constant 0 : i32
      %dma_wait3A_995 = arith.constant 0 : i32
      %dma_wait3A_996 = tpu.memref_slice %arg8[%add3A_533, %dma_wait3A_994, %dma_wait3A_995] : memref<32x256x128xf32, #tpu.memory_space<vmem_shared>> -> memref<1x256x128xf32, #tpu.memory_space<vmem_shared>>
      %dma_wait3A_997 = tpu.memref_squeeze %dma_wait3A_996 : memref<1x256x128xf32, #tpu.memory_space<vmem_shared>> -> memref<256x128xf32, #tpu.memory_space<vmem_shared>>
      %dma_wait3A_998 = arith.constant 0 : i32
      %dma_wait3A_999 = arith.constant 0 : i32
      %dma_wait3A_1000 = tpu.memref_slice %dma_wait3A_997[%dma_wait3A_998, %dma_wait3A_999] : memref<256x128xf32, #tpu.memory_space<vmem_shared>> -> memref<256x128xf32, #tpu.memory_space<vmem_shared>>
      tpu.wait_indirect_dma semaphore(%run_scoped3A_980 : memref<!tpu.dma_semaphore, #tpu.memory_space<semaphore_mem>>) src(%arg5 : memref<128x128xf32, #tpu.memory_space<vmem>>) dst(%dma_wait3A_1000 : memref<256x128xf32, #tpu.memory_space<vmem_shared>>)
      tpu.yield
    }) : () -> ()
    %add3A_583 = arith.constant 4 : i32
    %add3A_584 = arith.addi %mul3A_2, %add3A_583 : i32
    "tpu.region"() ({
      %run_scoped3A_980 = tpu.sem_alloc : memref<!tpu.dma_semaphore, #tpu.memory_space<semaphore_mem>>
      %dma_start3A_981 = arith.constant 384 : i32
      %dma_start3A_982 = arith.constant 0 : i32
      %dma_start3A_983 = tpu.memref_slice %arg2[%add3A_584, %dma_start3A_981, %dma_start3A_982] : memref<256x512x128xf32, #tpu.memory_space<hbm>> -> memref<1x128x128xf32, #tpu.memory_space<hbm>>
      %dma_start3A_984 = tpu.memref_squeeze %dma_start3A_983 : memref<1x128x128xf32, #tpu.memory_space<hbm>> -> memref<128x128xf32, #tpu.memory_space<hbm>>
      %dma_start3A_985 = arith.constant 384 : i32
      %dma_start3A_986 = arith.constant 0 : i32
      %dma_start3A_987 = tpu.memref_slice %arg2[%add3A_584, %dma_start3A_985, %dma_start3A_986] : memref<256x512x128xf32, #tpu.memory_space<hbm>> -> memref<1x128x128xf32, #tpu.memory_space<hbm>>
      %dma_start3A_988 = tpu.memref_squeeze %dma_start3A_987 : memref<1x128x128xf32, #tpu.memory_space<hbm>> -> memref<128x128xf32, #tpu.memory_space<hbm>>
      tpu.enqueue_dma source(%dma_start3A_988 : memref<128x128xf32, #tpu.memory_space<hbm>>) target(%arg5 : memref<128x128xf32, #tpu.memory_space<vmem>>) target_semaphore(%run_scoped3A_980 : memref<!tpu.dma_semaphore, #tpu.memory_space<semaphore_mem>>)
      %dma_wait3A_989 = arith.constant 384 : i32
      %dma_wait3A_990 = arith.constant 0 : i32
      %dma_wait3A_991 = tpu.memref_slice %arg2[%add3A_584, %dma_wait3A_989, %dma_wait3A_990] : memref<256x512x128xf32, #tpu.memory_space<hbm>> -> memref<1x128x128xf32, #tpu.memory_space<hbm>>
      %dma_wait3A_992 = tpu.memref_squeeze %dma_wait3A_991 : memref<1x128x128xf32, #tpu.memory_space<hbm>> -> memref<128x128xf32, #tpu.memory_space<hbm>>
      %dma_wait3A_993 = arith.constant 384 : i32
      %dma_wait3A_994 = arith.constant 0 : i32
      %dma_wait3A_995 = tpu.memref_slice %arg2[%add3A_584, %dma_wait3A_993, %dma_wait3A_994] : memref<256x512x128xf32, #tpu.memory_space<hbm>> -> memref<1x128x128xf32, #tpu.memory_space<hbm>>
      %dma_wait3A_996 = tpu.memref_squeeze %dma_wait3A_995 : memref<1x128x128xf32, #tpu.memory_space<hbm>> -> memref<128x128xf32, #tpu.memory_space<hbm>>
      tpu.wait_dma2 semaphore(%run_scoped3A_980 : memref<!tpu.dma_semaphore, #tpu.memory_space<semaphore_mem>>) src(%dma_wait3A_996 : memref<128x128xf32, #tpu.memory_space<hbm>>) dst(%arg5 : memref<128x128xf32, #tpu.memory_space<vmem>>)
      tpu.yield
    }) : () -> ()
    %run_scoped3A_585 = arith.constant 3 : i32
    "tpu.region"() ({
      %run_scoped3A_980 = tpu.sem_alloc : memref<!tpu.dma_semaphore, #tpu.memory_space<semaphore_mem>>
      %dma_start3A_981 = arith.constant 0 : i32
      %dma_start3A_982 = tpu.memref_slice %arg6[%run_scoped3A_585, %dma_start3A_981] : memref<4x128xi32, #tpu.memory_space<vmem>> -> memref<1x128xi32, #tpu.memory_space<vmem>>
      %dma_start3A_983 = tpu.memref_squeeze %dma_start3A_982 : memref<1x128xi32, #tpu.memory_space<vmem>> -> memref<128xi32, #tpu.memory_space<vmem>>
      %dma_start3A_984 = arith.constant 0 : i32
      %dma_start3A_985 = arith.constant 0 : i32
      %dma_start3A_986 = tpu.memref_slice %arg8[%add3A_533, %dma_start3A_984, %dma_start3A_985] : memref<32x256x128xf32, #tpu.memory_space<vmem_shared>> -> memref<1x256x128xf32, #tpu.memory_space<vmem_shared>>
      %dma_start3A_987 = tpu.memref_squeeze %dma_start3A_986 : memref<1x256x128xf32, #tpu.memory_space<vmem_shared>> -> memref<256x128xf32, #tpu.memory_space<vmem_shared>>
      %dma_start3A_988 = arith.constant 0 : i32
      %dma_start3A_989 = arith.constant 0 : i32
      %dma_start3A_990 = tpu.memref_slice %dma_start3A_987[%dma_start3A_988, %dma_start3A_989] : memref<256x128xf32, #tpu.memory_space<vmem_shared>> -> memref<256x128xf32, #tpu.memory_space<vmem_shared>>
      tpu.enqueue_indirect_dma source(%arg5 : memref<128x128xf32, #tpu.memory_space<vmem>>) target(%dma_start3A_990 : memref<256x128xf32, #tpu.memory_space<vmem_shared>>) offsets(%dma_start3A_983 : memref<128xi32, #tpu.memory_space<vmem>>) semaphore(%run_scoped3A_980 : memref<!tpu.dma_semaphore, #tpu.memory_space<semaphore_mem>>) {add = true}
      %dma_wait3A_991 = arith.constant 0 : i32
      %dma_wait3A_992 = tpu.memref_slice %arg6[%run_scoped3A_585, %dma_wait3A_991] : memref<4x128xi32, #tpu.memory_space<vmem>> -> memref<1x128xi32, #tpu.memory_space<vmem>>
      %dma_wait3A_993 = tpu.memref_squeeze %dma_wait3A_992 : memref<1x128xi32, #tpu.memory_space<vmem>> -> memref<128xi32, #tpu.memory_space<vmem>>
      %dma_wait3A_994 = arith.constant 0 : i32
      %dma_wait3A_995 = arith.constant 0 : i32
      %dma_wait3A_996 = tpu.memref_slice %arg8[%add3A_533, %dma_wait3A_994, %dma_wait3A_995] : memref<32x256x128xf32, #tpu.memory_space<vmem_shared>> -> memref<1x256x128xf32, #tpu.memory_space<vmem_shared>>
      %dma_wait3A_997 = tpu.memref_squeeze %dma_wait3A_996 : memref<1x256x128xf32, #tpu.memory_space<vmem_shared>> -> memref<256x128xf32, #tpu.memory_space<vmem_shared>>
      %dma_wait3A_998 = arith.constant 0 : i32
      %dma_wait3A_999 = arith.constant 0 : i32
      %dma_wait3A_1000 = tpu.memref_slice %dma_wait3A_997[%dma_wait3A_998, %dma_wait3A_999] : memref<256x128xf32, #tpu.memory_space<vmem_shared>> -> memref<256x128xf32, #tpu.memory_space<vmem_shared>>
      tpu.wait_indirect_dma semaphore(%run_scoped3A_980 : memref<!tpu.dma_semaphore, #tpu.memory_space<semaphore_mem>>) src(%arg5 : memref<128x128xf32, #tpu.memory_space<vmem>>) dst(%dma_wait3A_1000 : memref<256x128xf32, #tpu.memory_space<vmem_shared>>)
      tpu.yield
    }) : () -> ()
    %run_scoped3A_586 = arith.constant 0 : i32
    %run_scoped3A_587 = arith.constant 0 : i32
    "tpu.region"() ({
      %run_scoped3A_980 = tpu.sem_alloc : memref<!tpu.dma_semaphore, #tpu.memory_space<semaphore_mem>>
      %dma_start3A_981 = arith.constant 0 : i32
      %dma_start3A_982 = tpu.memref_slice %arg7[%run_scoped3A_586, %dma_start3A_981] : memref<64x128xf32, #tpu.memory_space<vmem>> -> memref<1x128xf32, #tpu.memory_space<vmem>>
      %dma_start3A_983 = tpu.memref_squeeze %dma_start3A_982 : memref<1x128xf32, #tpu.memory_space<vmem>> -> memref<128xf32, #tpu.memory_space<vmem>>
      %dma_start3A_984 = arith.constant 0 : i32
      %dma_start3A_985 = tpu.memref_slice %arg8[%add3A_533, %run_scoped3A_587, %dma_start3A_984] : memref<32x256x128xf32, #tpu.memory_space<vmem_shared>> -> memref<1x1x128xf32, #tpu.memory_space<vmem_shared>>
      %dma_start3A_986 = tpu.memref_squeeze %dma_start3A_985 : memref<1x1x128xf32, #tpu.memory_space<vmem_shared>> -> memref<128xf32, #tpu.memory_space<vmem_shared>>
      %dma_start3A_987 = arith.constant 0 : i32
      %dma_start3A_988 = tpu.memref_slice %arg8[%add3A_533, %run_scoped3A_587, %dma_start3A_987] : memref<32x256x128xf32, #tpu.memory_space<vmem_shared>> -> memref<1x1x128xf32, #tpu.memory_space<vmem_shared>>
      %dma_start3A_989 = tpu.memref_squeeze %dma_start3A_988 : memref<1x1x128xf32, #tpu.memory_space<vmem_shared>> -> memref<128xf32, #tpu.memory_space<vmem_shared>>
      %dma_start3A_990 = arith.constant 0 : i32
      %dma_start3A_991 = tpu.memref_slice %arg7[%run_scoped3A_586, %dma_start3A_990] : memref<64x128xf32, #tpu.memory_space<vmem>> -> memref<1x128xf32, #tpu.memory_space<vmem>>
      %dma_start3A_992 = tpu.memref_squeeze %dma_start3A_991 : memref<1x128xf32, #tpu.memory_space<vmem>> -> memref<128xf32, #tpu.memory_space<vmem>>
      tpu.enqueue_dma source(%dma_start3A_992 : memref<128xf32, #tpu.memory_space<vmem>>) target(%dma_start3A_989 : memref<128xf32, #tpu.memory_space<vmem_shared>>) target_semaphore(%run_scoped3A_980 : memref<!tpu.dma_semaphore, #tpu.memory_space<semaphore_mem>>)
      %dma_wait3A_993 = arith.constant 0 : i32
      %dma_wait3A_994 = tpu.memref_slice %arg7[%run_scoped3A_586, %dma_wait3A_993] : memref<64x128xf32, #tpu.memory_space<vmem>> -> memref<1x128xf32, #tpu.memory_space<vmem>>
      %dma_wait3A_995 = tpu.memref_squeeze %dma_wait3A_994 : memref<1x128xf32, #tpu.memory_space<vmem>> -> memref<128xf32, #tpu.memory_space<vmem>>
      %dma_wait3A_996 = arith.constant 0 : i32
      %dma_wait3A_997 = tpu.memref_slice %arg8[%add3A_533, %run_scoped3A_587, %dma_wait3A_996] : memref<32x256x128xf32, #tpu.memory_space<vmem_shared>> -> memref<1x1x128xf32, #tpu.memory_space<vmem_shared>>
      %dma_wait3A_998 = tpu.memref_squeeze %dma_wait3A_997 : memref<1x1x128xf32, #tpu.memory_space<vmem_shared>> -> memref<128xf32, #tpu.memory_space<vmem_shared>>
      %dma_wait3A_999 = arith.constant 0 : i32
      %dma_wait3A_1000 = tpu.memref_slice %arg8[%add3A_533, %run_scoped3A_587, %dma_wait3A_999] : memref<32x256x128xf32, #tpu.memory_space<vmem_shared>> -> memref<1x1x128xf32, #tpu.memory_space<vmem_shared>>
      %dma_wait3A_1001 = tpu.memref_squeeze %dma_wait3A_1000 : memref<1x1x128xf32, #tpu.memory_space<vmem_shared>> -> memref<128xf32, #tpu.memory_space<vmem_shared>>
      %dma_wait3A_1002 = arith.constant 0 : i32
      %dma_wait3A_1003 = tpu.memref_slice %arg7[%run_scoped3A_586, %dma_wait3A_1002] : memref<64x128xf32, #tpu.memory_space<vmem>> -> memref<1x128xf32, #tpu.memory_space<vmem>>
      %dma_wait3A_1004 = tpu.memref_squeeze %dma_wait3A_1003 : memref<1x128xf32, #tpu.memory_space<vmem>> -> memref<128xf32, #tpu.memory_space<vmem>>
      tpu.wait_dma2 semaphore(%run_scoped3A_980 : memref<!tpu.dma_semaphore, #tpu.memory_space<semaphore_mem>>) src(%dma_wait3A_1004 : memref<128xf32, #tpu.memory_space<vmem>>) dst(%dma_wait3A_1001 : memref<128xf32, #tpu.memory_space<vmem_shared>>)
      tpu.yield
    }) : () -> ()
    %add3A_588 = arith.constant 4 : i32
    %add3A_589 = arith.addi %mul3A_2, %add3A_588 : i32
    %dma_start3A_590 = arith.constant 0 : i32
    %dma_start3A_591 = arith.constant 0 : i32
    %dma_start3A_592 = tpu.memref_slice %arg4[%add3A_589, %dma_start3A_590, %dma_start3A_591] : memref<256x256x128xf32, #tpu.memory_space<hbm>> -> memref<1x256x128xf32, #tpu.memory_space<hbm>>
    %dma_start3A_593 = tpu.memref_squeeze %dma_start3A_592 : memref<1x256x128xf32, #tpu.memory_space<hbm>> -> memref<256x128xf32, #tpu.memory_space<hbm>>
    %dma_start3A_594 = arith.constant 0 : i32
    %dma_start3A_595 = arith.constant 0 : i32
    %dma_start3A_596 = tpu.memref_slice %arg8[%add3A_533, %dma_start3A_594, %dma_start3A_595] : memref<32x256x128xf32, #tpu.memory_space<vmem_shared>> -> memref<1x256x128xf32, #tpu.memory_space<vmem_shared>>
    %dma_start3A_597 = tpu.memref_squeeze %dma_start3A_596 : memref<1x256x128xf32, #tpu.memory_space<vmem_shared>> -> memref<256x128xf32, #tpu.memory_space<vmem_shared>>
    tpu.enqueue_dma source(%dma_start3A_597 : memref<256x128xf32, #tpu.memory_space<vmem_shared>>) target(%dma_start3A_593 : memref<256x128xf32, #tpu.memory_space<hbm>>) target_semaphore(%arg11 : memref<!tpu.dma_semaphore, #tpu.memory_space<semaphore_mem>>)
    %dma_wait3A_598 = arith.constant 0 : i32
    %dma_wait3A_599 = arith.constant 0 : i32
    %dma_wait3A_600 = tpu.memref_slice %arg4[%add3A_467, %dma_wait3A_598, %dma_wait3A_599] : memref<256x256x128xf32, #tpu.memory_space<hbm>> -> memref<1x256x128xf32, #tpu.memory_space<hbm>>
    %dma_wait3A_601 = tpu.memref_squeeze %dma_wait3A_600 : memref<1x256x128xf32, #tpu.memory_space<hbm>> -> memref<256x128xf32, #tpu.memory_space<hbm>>
    %dma_wait3A_602 = arith.constant 0 : i32
    %dma_wait3A_603 = arith.constant 0 : i32
    %dma_wait3A_604 = tpu.memref_slice %arg8[%add3A_411, %dma_wait3A_602, %dma_wait3A_603] : memref<32x256x128xf32, #tpu.memory_space<vmem_shared>> -> memref<1x256x128xf32, #tpu.memory_space<vmem_shared>>
    %dma_wait3A_605 = tpu.memref_squeeze %dma_wait3A_604 : memref<1x256x128xf32, #tpu.memory_space<vmem_shared>> -> memref<256x128xf32, #tpu.memory_space<vmem_shared>>
    tpu.wait_dma2 semaphore(%arg12 : memref<!tpu.dma_semaphore, #tpu.memory_space<semaphore_mem>>) src(%dma_wait3A_605 : memref<256x128xf32, #tpu.memory_space<vmem_shared>>) dst(%dma_wait3A_601 : memref<256x128xf32, #tpu.memory_space<hbm>>)
    %mul3A_606 = arith.constant 2 : i32
    %mul3A_607 = arith.muli %arg1, %mul3A_606 : i32
    %add3A_608 = arith.constant 1 : i32
    %add3A_609 = arith.addi %mul3A_607, %add3A_608 : i32
    %dma_start3A_610 = arith.constant 0 : i32
    %dma_start3A_611 = arith.constant 0 : i32
    %dma_start3A_612 = tpu.memref_slice %arg8[%add3A_609, %dma_start3A_610, %dma_start3A_611] : memref<32x256x128xf32, #tpu.memory_space<vmem_shared>> -> memref<1x64x128xf32, #tpu.memory_space<vmem_shared>>
    %dma_start3A_613 = tpu.memref_squeeze %dma_start3A_612 : memref<1x64x128xf32, #tpu.memory_space<vmem_shared>> -> memref<64x128xf32, #tpu.memory_space<vmem_shared>>
    %dma_start3A_614 = arith.constant 0 : i32
    %dma_start3A_615 = arith.constant 0 : i32
    %dma_start3A_616 = tpu.memref_slice %arg8[%add3A_609, %dma_start3A_614, %dma_start3A_615] : memref<32x256x128xf32, #tpu.memory_space<vmem_shared>> -> memref<1x64x128xf32, #tpu.memory_space<vmem_shared>>
    %dma_start3A_617 = tpu.memref_squeeze %dma_start3A_616 : memref<1x64x128xf32, #tpu.memory_space<vmem_shared>> -> memref<64x128xf32, #tpu.memory_space<vmem_shared>>
    tpu.enqueue_dma source(%arg7 : memref<64x128xf32, #tpu.memory_space<vmem>>) target(%dma_start3A_617 : memref<64x128xf32, #tpu.memory_space<vmem_shared>>) target_semaphore(%arg9 : memref<!tpu.dma_semaphore, #tpu.memory_space<semaphore_mem>>)
    %dma_start3A_618 = arith.constant 64 : i32
    %dma_start3A_619 = arith.constant 0 : i32
    %dma_start3A_620 = tpu.memref_slice %arg8[%add3A_609, %dma_start3A_618, %dma_start3A_619] : memref<32x256x128xf32, #tpu.memory_space<vmem_shared>> -> memref<1x64x128xf32, #tpu.memory_space<vmem_shared>>
    %dma_start3A_621 = tpu.memref_squeeze %dma_start3A_620 : memref<1x64x128xf32, #tpu.memory_space<vmem_shared>> -> memref<64x128xf32, #tpu.memory_space<vmem_shared>>
    %dma_start3A_622 = arith.constant 64 : i32
    %dma_start3A_623 = arith.constant 0 : i32
    %dma_start3A_624 = tpu.memref_slice %arg8[%add3A_609, %dma_start3A_622, %dma_start3A_623] : memref<32x256x128xf32, #tpu.memory_space<vmem_shared>> -> memref<1x64x128xf32, #tpu.memory_space<vmem_shared>>
    %dma_start3A_625 = tpu.memref_squeeze %dma_start3A_624 : memref<1x64x128xf32, #tpu.memory_space<vmem_shared>> -> memref<64x128xf32, #tpu.memory_space<vmem_shared>>
    tpu.enqueue_dma source(%arg7 : memref<64x128xf32, #tpu.memory_space<vmem>>) target(%dma_start3A_625 : memref<64x128xf32, #tpu.memory_space<vmem_shared>>) target_semaphore(%arg9 : memref<!tpu.dma_semaphore, #tpu.memory_space<semaphore_mem>>)
    %dma_start3A_626 = arith.constant 128 : i32
    %dma_start3A_627 = arith.constant 0 : i32
    %dma_start3A_628 = tpu.memref_slice %arg8[%add3A_609, %dma_start3A_626, %dma_start3A_627] : memref<32x256x128xf32, #tpu.memory_space<vmem_shared>> -> memref<1x64x128xf32, #tpu.memory_space<vmem_shared>>
    %dma_start3A_629 = tpu.memref_squeeze %dma_start3A_628 : memref<1x64x128xf32, #tpu.memory_space<vmem_shared>> -> memref<64x128xf32, #tpu.memory_space<vmem_shared>>
    %dma_start3A_630 = arith.constant 128 : i32
    %dma_start3A_631 = arith.constant 0 : i32
    %dma_start3A_632 = tpu.memref_slice %arg8[%add3A_609, %dma_start3A_630, %dma_start3A_631] : memref<32x256x128xf32, #tpu.memory_space<vmem_shared>> -> memref<1x64x128xf32, #tpu.memory_space<vmem_shared>>
    %dma_start3A_633 = tpu.memref_squeeze %dma_start3A_632 : memref<1x64x128xf32, #tpu.memory_space<vmem_shared>> -> memref<64x128xf32, #tpu.memory_space<vmem_shared>>
    tpu.enqueue_dma source(%arg7 : memref<64x128xf32, #tpu.memory_space<vmem>>) target(%dma_start3A_633 : memref<64x128xf32, #tpu.memory_space<vmem_shared>>) target_semaphore(%arg9 : memref<!tpu.dma_semaphore, #tpu.memory_space<semaphore_mem>>)
    %dma_start3A_634 = arith.constant 192 : i32
    %dma_start3A_635 = arith.constant 0 : i32
    %dma_start3A_636 = tpu.memref_slice %arg8[%add3A_609, %dma_start3A_634, %dma_start3A_635] : memref<32x256x128xf32, #tpu.memory_space<vmem_shared>> -> memref<1x64x128xf32, #tpu.memory_space<vmem_shared>>
    %dma_start3A_637 = tpu.memref_squeeze %dma_start3A_636 : memref<1x64x128xf32, #tpu.memory_space<vmem_shared>> -> memref<64x128xf32, #tpu.memory_space<vmem_shared>>
    %dma_start3A_638 = arith.constant 192 : i32
    %dma_start3A_639 = arith.constant 0 : i32
    %dma_start3A_640 = tpu.memref_slice %arg8[%add3A_609, %dma_start3A_638, %dma_start3A_639] : memref<32x256x128xf32, #tpu.memory_space<vmem_shared>> -> memref<1x64x128xf32, #tpu.memory_space<vmem_shared>>
    %dma_start3A_641 = tpu.memref_squeeze %dma_start3A_640 : memref<1x64x128xf32, #tpu.memory_space<vmem_shared>> -> memref<64x128xf32, #tpu.memory_space<vmem_shared>>
    tpu.enqueue_dma source(%arg7 : memref<64x128xf32, #tpu.memory_space<vmem>>) target(%dma_start3A_641 : memref<64x128xf32, #tpu.memory_space<vmem_shared>>) target_semaphore(%arg9 : memref<!tpu.dma_semaphore, #tpu.memory_space<semaphore_mem>>)
    %add3A_642 = arith.constant 5 : i32
    %add3A_643 = arith.addi %mul3A_2, %add3A_642 : i32
    %dma_start3A_644 = arith.constant 0 : i32
    %dma_start3A_645 = arith.constant 0 : i32
    %dma_start3A_646 = tpu.memref_slice %arg2[%add3A_643, %dma_start3A_644, %dma_start3A_645] : memref<256x512x128xf32, #tpu.memory_space<hbm>> -> memref<1x128x128xf32, #tpu.memory_space<hbm>>
    %dma_start3A_647 = tpu.memref_squeeze %dma_start3A_646 : memref<1x128x128xf32, #tpu.memory_space<hbm>> -> memref<128x128xf32, #tpu.memory_space<hbm>>
    %dma_start3A_648 = arith.constant 0 : i32
    %dma_start3A_649 = arith.constant 0 : i32
    %dma_start3A_650 = tpu.memref_slice %arg2[%add3A_643, %dma_start3A_648, %dma_start3A_649] : memref<256x512x128xf32, #tpu.memory_space<hbm>> -> memref<1x128x128xf32, #tpu.memory_space<hbm>>
    %dma_start3A_651 = tpu.memref_squeeze %dma_start3A_650 : memref<1x128x128xf32, #tpu.memory_space<hbm>> -> memref<128x128xf32, #tpu.memory_space<hbm>>
    tpu.enqueue_dma source(%dma_start3A_651 : memref<128x128xf32, #tpu.memory_space<hbm>>) target(%arg5 : memref<128x128xf32, #tpu.memory_space<vmem>>) target_semaphore(%arg10 : memref<!tpu.dma_semaphore, #tpu.memory_space<semaphore_mem>>)
    %mul3A_652 = arith.constant 2 : i32
    %mul3A_653 = arith.muli %arg1, %mul3A_652 : i32
    %add3A_654 = arith.constant 1 : i32
    %add3A_655 = arith.addi %mul3A_653, %add3A_654 : i32
    %add3A_656 = arith.constant 5 : i32
    %add3A_657 = arith.addi %mul3A_2, %add3A_656 : i32
    "tpu.region"() ({
      %run_scoped3A_980 = tpu.sem_alloc : memref<!tpu.dma_semaphore, #tpu.memory_space<semaphore_mem>>
      %dma_start3A_981 = arith.constant 0 : i32
      %dma_start3A_982 = arith.constant 0 : i32
      %dma_start3A_983 = tpu.memref_slice %arg3[%add3A_657, %dma_start3A_981, %dma_start3A_982] : memref<256x4x128xi32, #tpu.memory_space<hbm>> -> memref<1x4x128xi32, #tpu.memory_space<hbm>>
      %dma_start3A_984 = tpu.memref_squeeze %dma_start3A_983 : memref<1x4x128xi32, #tpu.memory_space<hbm>> -> memref<4x128xi32, #tpu.memory_space<hbm>>
      %dma_start3A_985 = arith.constant 0 : i32
      %dma_start3A_986 = arith.constant 0 : i32
      %dma_start3A_987 = tpu.memref_slice %arg3[%add3A_657, %dma_start3A_985, %dma_start3A_986] : memref<256x4x128xi32, #tpu.memory_space<hbm>> -> memref<1x4x128xi32, #tpu.memory_space<hbm>>
      %dma_start3A_988 = tpu.memref_squeeze %dma_start3A_987 : memref<1x4x128xi32, #tpu.memory_space<hbm>> -> memref<4x128xi32, #tpu.memory_space<hbm>>
      tpu.enqueue_dma source(%dma_start3A_988 : memref<4x128xi32, #tpu.memory_space<hbm>>) target(%arg6 : memref<4x128xi32, #tpu.memory_space<vmem>>) target_semaphore(%run_scoped3A_980 : memref<!tpu.dma_semaphore, #tpu.memory_space<semaphore_mem>>)
      %dma_wait3A_989 = arith.constant 0 : i32
      %dma_wait3A_990 = arith.constant 0 : i32
      %dma_wait3A_991 = tpu.memref_slice %arg3[%add3A_657, %dma_wait3A_989, %dma_wait3A_990] : memref<256x4x128xi32, #tpu.memory_space<hbm>> -> memref<1x4x128xi32, #tpu.memory_space<hbm>>
      %dma_wait3A_992 = tpu.memref_squeeze %dma_wait3A_991 : memref<1x4x128xi32, #tpu.memory_space<hbm>> -> memref<4x128xi32, #tpu.memory_space<hbm>>
      %dma_wait3A_993 = arith.constant 0 : i32
      %dma_wait3A_994 = arith.constant 0 : i32
      %dma_wait3A_995 = tpu.memref_slice %arg3[%add3A_657, %dma_wait3A_993, %dma_wait3A_994] : memref<256x4x128xi32, #tpu.memory_space<hbm>> -> memref<1x4x128xi32, #tpu.memory_space<hbm>>
      %dma_wait3A_996 = tpu.memref_squeeze %dma_wait3A_995 : memref<1x4x128xi32, #tpu.memory_space<hbm>> -> memref<4x128xi32, #tpu.memory_space<hbm>>
      tpu.wait_dma2 semaphore(%run_scoped3A_980 : memref<!tpu.dma_semaphore, #tpu.memory_space<semaphore_mem>>) src(%dma_wait3A_996 : memref<4x128xi32, #tpu.memory_space<hbm>>) dst(%arg6 : memref<4x128xi32, #tpu.memory_space<vmem>>)
      tpu.yield
    }) : () -> ()
    %dma_wait3A_658 = arith.constant 0 : i32
    %dma_wait3A_659 = arith.constant 0 : i32
    %dma_wait3A_660 = tpu.memref_slice %arg2[%add3A_643, %dma_wait3A_658, %dma_wait3A_659] : memref<256x512x128xf32, #tpu.memory_space<hbm>> -> memref<1x128x128xf32, #tpu.memory_space<hbm>>
    %dma_wait3A_661 = tpu.memref_squeeze %dma_wait3A_660 : memref<1x128x128xf32, #tpu.memory_space<hbm>> -> memref<128x128xf32, #tpu.memory_space<hbm>>
    %dma_wait3A_662 = arith.constant 0 : i32
    %dma_wait3A_663 = arith.constant 0 : i32
    %dma_wait3A_664 = tpu.memref_slice %arg2[%add3A_643, %dma_wait3A_662, %dma_wait3A_663] : memref<256x512x128xf32, #tpu.memory_space<hbm>> -> memref<1x128x128xf32, #tpu.memory_space<hbm>>
    %dma_wait3A_665 = tpu.memref_squeeze %dma_wait3A_664 : memref<1x128x128xf32, #tpu.memory_space<hbm>> -> memref<128x128xf32, #tpu.memory_space<hbm>>
    tpu.wait_dma2 semaphore(%arg10 : memref<!tpu.dma_semaphore, #tpu.memory_space<semaphore_mem>>) src(%dma_wait3A_665 : memref<128x128xf32, #tpu.memory_space<hbm>>) dst(%arg5 : memref<128x128xf32, #tpu.memory_space<vmem>>)
    %dma_wait3A_666 = arith.constant 0 : i32
    %dma_wait3A_667 = arith.constant 0 : i32
    %dma_wait3A_668 = tpu.memref_slice %arg8[%add3A_609, %dma_wait3A_666, %dma_wait3A_667] : memref<32x256x128xf32, #tpu.memory_space<vmem_shared>> -> memref<1x64x128xf32, #tpu.memory_space<vmem_shared>>
    %dma_wait3A_669 = tpu.memref_squeeze %dma_wait3A_668 : memref<1x64x128xf32, #tpu.memory_space<vmem_shared>> -> memref<64x128xf32, #tpu.memory_space<vmem_shared>>
    %dma_wait3A_670 = arith.constant 0 : i32
    %dma_wait3A_671 = arith.constant 0 : i32
    %dma_wait3A_672 = tpu.memref_slice %arg8[%add3A_609, %dma_wait3A_670, %dma_wait3A_671] : memref<32x256x128xf32, #tpu.memory_space<vmem_shared>> -> memref<1x64x128xf32, #tpu.memory_space<vmem_shared>>
    %dma_wait3A_673 = tpu.memref_squeeze %dma_wait3A_672 : memref<1x64x128xf32, #tpu.memory_space<vmem_shared>> -> memref<64x128xf32, #tpu.memory_space<vmem_shared>>
    tpu.wait_dma2 semaphore(%arg9 : memref<!tpu.dma_semaphore, #tpu.memory_space<semaphore_mem>>) src(%arg7 : memref<64x128xf32, #tpu.memory_space<vmem>>) dst(%dma_wait3A_673 : memref<64x128xf32, #tpu.memory_space<vmem_shared>>)
    %dma_wait3A_674 = arith.constant 64 : i32
    %dma_wait3A_675 = arith.constant 0 : i32
    %dma_wait3A_676 = tpu.memref_slice %arg8[%add3A_609, %dma_wait3A_674, %dma_wait3A_675] : memref<32x256x128xf32, #tpu.memory_space<vmem_shared>> -> memref<1x64x128xf32, #tpu.memory_space<vmem_shared>>
    %dma_wait3A_677 = tpu.memref_squeeze %dma_wait3A_676 : memref<1x64x128xf32, #tpu.memory_space<vmem_shared>> -> memref<64x128xf32, #tpu.memory_space<vmem_shared>>
    %dma_wait3A_678 = arith.constant 64 : i32
    %dma_wait3A_679 = arith.constant 0 : i32
    %dma_wait3A_680 = tpu.memref_slice %arg8[%add3A_609, %dma_wait3A_678, %dma_wait3A_679] : memref<32x256x128xf32, #tpu.memory_space<vmem_shared>> -> memref<1x64x128xf32, #tpu.memory_space<vmem_shared>>
    %dma_wait3A_681 = tpu.memref_squeeze %dma_wait3A_680 : memref<1x64x128xf32, #tpu.memory_space<vmem_shared>> -> memref<64x128xf32, #tpu.memory_space<vmem_shared>>
    tpu.wait_dma2 semaphore(%arg9 : memref<!tpu.dma_semaphore, #tpu.memory_space<semaphore_mem>>) src(%arg7 : memref<64x128xf32, #tpu.memory_space<vmem>>) dst(%dma_wait3A_681 : memref<64x128xf32, #tpu.memory_space<vmem_shared>>)
    %dma_wait3A_682 = arith.constant 128 : i32
    %dma_wait3A_683 = arith.constant 0 : i32
    %dma_wait3A_684 = tpu.memref_slice %arg8[%add3A_609, %dma_wait3A_682, %dma_wait3A_683] : memref<32x256x128xf32, #tpu.memory_space<vmem_shared>> -> memref<1x64x128xf32, #tpu.memory_space<vmem_shared>>
    %dma_wait3A_685 = tpu.memref_squeeze %dma_wait3A_684 : memref<1x64x128xf32, #tpu.memory_space<vmem_shared>> -> memref<64x128xf32, #tpu.memory_space<vmem_shared>>
    %dma_wait3A_686 = arith.constant 128 : i32
    %dma_wait3A_687 = arith.constant 0 : i32
    %dma_wait3A_688 = tpu.memref_slice %arg8[%add3A_609, %dma_wait3A_686, %dma_wait3A_687] : memref<32x256x128xf32, #tpu.memory_space<vmem_shared>> -> memref<1x64x128xf32, #tpu.memory_space<vmem_shared>>
    %dma_wait3A_689 = tpu.memref_squeeze %dma_wait3A_688 : memref<1x64x128xf32, #tpu.memory_space<vmem_shared>> -> memref<64x128xf32, #tpu.memory_space<vmem_shared>>
    tpu.wait_dma2 semaphore(%arg9 : memref<!tpu.dma_semaphore, #tpu.memory_space<semaphore_mem>>) src(%arg7 : memref<64x128xf32, #tpu.memory_space<vmem>>) dst(%dma_wait3A_689 : memref<64x128xf32, #tpu.memory_space<vmem_shared>>)
    %dma_wait3A_690 = arith.constant 192 : i32
    %dma_wait3A_691 = arith.constant 0 : i32
    %dma_wait3A_692 = tpu.memref_slice %arg8[%add3A_609, %dma_wait3A_690, %dma_wait3A_691] : memref<32x256x128xf32, #tpu.memory_space<vmem_shared>> -> memref<1x64x128xf32, #tpu.memory_space<vmem_shared>>
    %dma_wait3A_693 = tpu.memref_squeeze %dma_wait3A_692 : memref<1x64x128xf32, #tpu.memory_space<vmem_shared>> -> memref<64x128xf32, #tpu.memory_space<vmem_shared>>
    %dma_wait3A_694 = arith.constant 192 : i32
    %dma_wait3A_695 = arith.constant 0 : i32
    %dma_wait3A_696 = tpu.memref_slice %arg8[%add3A_609, %dma_wait3A_694, %dma_wait3A_695] : memref<32x256x128xf32, #tpu.memory_space<vmem_shared>> -> memref<1x64x128xf32, #tpu.memory_space<vmem_shared>>
    %dma_wait3A_697 = tpu.memref_squeeze %dma_wait3A_696 : memref<1x64x128xf32, #tpu.memory_space<vmem_shared>> -> memref<64x128xf32, #tpu.memory_space<vmem_shared>>
    tpu.wait_dma2 semaphore(%arg9 : memref<!tpu.dma_semaphore, #tpu.memory_space<semaphore_mem>>) src(%arg7 : memref<64x128xf32, #tpu.memory_space<vmem>>) dst(%dma_wait3A_697 : memref<64x128xf32, #tpu.memory_space<vmem_shared>>)
    %run_scoped3A_698 = arith.constant 0 : i32
    "tpu.region"() ({
      %run_scoped3A_980 = tpu.sem_alloc : memref<!tpu.dma_semaphore, #tpu.memory_space<semaphore_mem>>
      %dma_start3A_981 = arith.constant 0 : i32
      %dma_start3A_982 = tpu.memref_slice %arg6[%run_scoped3A_698, %dma_start3A_981] : memref<4x128xi32, #tpu.memory_space<vmem>> -> memref<1x128xi32, #tpu.memory_space<vmem>>
      %dma_start3A_983 = tpu.memref_squeeze %dma_start3A_982 : memref<1x128xi32, #tpu.memory_space<vmem>> -> memref<128xi32, #tpu.memory_space<vmem>>
      %dma_start3A_984 = arith.constant 0 : i32
      %dma_start3A_985 = arith.constant 0 : i32
      %dma_start3A_986 = tpu.memref_slice %arg8[%add3A_655, %dma_start3A_984, %dma_start3A_985] : memref<32x256x128xf32, #tpu.memory_space<vmem_shared>> -> memref<1x256x128xf32, #tpu.memory_space<vmem_shared>>
      %dma_start3A_987 = tpu.memref_squeeze %dma_start3A_986 : memref<1x256x128xf32, #tpu.memory_space<vmem_shared>> -> memref<256x128xf32, #tpu.memory_space<vmem_shared>>
      %dma_start3A_988 = arith.constant 0 : i32
      %dma_start3A_989 = arith.constant 0 : i32
      %dma_start3A_990 = tpu.memref_slice %dma_start3A_987[%dma_start3A_988, %dma_start3A_989] : memref<256x128xf32, #tpu.memory_space<vmem_shared>> -> memref<256x128xf32, #tpu.memory_space<vmem_shared>>
      tpu.enqueue_indirect_dma source(%arg5 : memref<128x128xf32, #tpu.memory_space<vmem>>) target(%dma_start3A_990 : memref<256x128xf32, #tpu.memory_space<vmem_shared>>) offsets(%dma_start3A_983 : memref<128xi32, #tpu.memory_space<vmem>>) semaphore(%run_scoped3A_980 : memref<!tpu.dma_semaphore, #tpu.memory_space<semaphore_mem>>) {add = true}
      %dma_wait3A_991 = arith.constant 0 : i32
      %dma_wait3A_992 = tpu.memref_slice %arg6[%run_scoped3A_698, %dma_wait3A_991] : memref<4x128xi32, #tpu.memory_space<vmem>> -> memref<1x128xi32, #tpu.memory_space<vmem>>
      %dma_wait3A_993 = tpu.memref_squeeze %dma_wait3A_992 : memref<1x128xi32, #tpu.memory_space<vmem>> -> memref<128xi32, #tpu.memory_space<vmem>>
      %dma_wait3A_994 = arith.constant 0 : i32
      %dma_wait3A_995 = arith.constant 0 : i32
      %dma_wait3A_996 = tpu.memref_slice %arg8[%add3A_655, %dma_wait3A_994, %dma_wait3A_995] : memref<32x256x128xf32, #tpu.memory_space<vmem_shared>> -> memref<1x256x128xf32, #tpu.memory_space<vmem_shared>>
      %dma_wait3A_997 = tpu.memref_squeeze %dma_wait3A_996 : memref<1x256x128xf32, #tpu.memory_space<vmem_shared>> -> memref<256x128xf32, #tpu.memory_space<vmem_shared>>
      %dma_wait3A_998 = arith.constant 0 : i32
      %dma_wait3A_999 = arith.constant 0 : i32
      %dma_wait3A_1000 = tpu.memref_slice %dma_wait3A_997[%dma_wait3A_998, %dma_wait3A_999] : memref<256x128xf32, #tpu.memory_space<vmem_shared>> -> memref<256x128xf32, #tpu.memory_space<vmem_shared>>
      tpu.wait_indirect_dma semaphore(%run_scoped3A_980 : memref<!tpu.dma_semaphore, #tpu.memory_space<semaphore_mem>>) src(%arg5 : memref<128x128xf32, #tpu.memory_space<vmem>>) dst(%dma_wait3A_1000 : memref<256x128xf32, #tpu.memory_space<vmem_shared>>)
      tpu.yield
    }) : () -> ()
    %add3A_699 = arith.constant 5 : i32
    %add3A_700 = arith.addi %mul3A_2, %add3A_699 : i32
    "tpu.region"() ({
      %run_scoped3A_980 = tpu.sem_alloc : memref<!tpu.dma_semaphore, #tpu.memory_space<semaphore_mem>>
      %dma_start3A_981 = arith.constant 128 : i32
      %dma_start3A_982 = arith.constant 0 : i32
      %dma_start3A_983 = tpu.memref_slice %arg2[%add3A_700, %dma_start3A_981, %dma_start3A_982] : memref<256x512x128xf32, #tpu.memory_space<hbm>> -> memref<1x128x128xf32, #tpu.memory_space<hbm>>
      %dma_start3A_984 = tpu.memref_squeeze %dma_start3A_983 : memref<1x128x128xf32, #tpu.memory_space<hbm>> -> memref<128x128xf32, #tpu.memory_space<hbm>>
      %dma_start3A_985 = arith.constant 128 : i32
      %dma_start3A_986 = arith.constant 0 : i32
      %dma_start3A_987 = tpu.memref_slice %arg2[%add3A_700, %dma_start3A_985, %dma_start3A_986] : memref<256x512x128xf32, #tpu.memory_space<hbm>> -> memref<1x128x128xf32, #tpu.memory_space<hbm>>
      %dma_start3A_988 = tpu.memref_squeeze %dma_start3A_987 : memref<1x128x128xf32, #tpu.memory_space<hbm>> -> memref<128x128xf32, #tpu.memory_space<hbm>>
      tpu.enqueue_dma source(%dma_start3A_988 : memref<128x128xf32, #tpu.memory_space<hbm>>) target(%arg5 : memref<128x128xf32, #tpu.memory_space<vmem>>) target_semaphore(%run_scoped3A_980 : memref<!tpu.dma_semaphore, #tpu.memory_space<semaphore_mem>>)
      %dma_wait3A_989 = arith.constant 128 : i32
      %dma_wait3A_990 = arith.constant 0 : i32
      %dma_wait3A_991 = tpu.memref_slice %arg2[%add3A_700, %dma_wait3A_989, %dma_wait3A_990] : memref<256x512x128xf32, #tpu.memory_space<hbm>> -> memref<1x128x128xf32, #tpu.memory_space<hbm>>
      %dma_wait3A_992 = tpu.memref_squeeze %dma_wait3A_991 : memref<1x128x128xf32, #tpu.memory_space<hbm>> -> memref<128x128xf32, #tpu.memory_space<hbm>>
      %dma_wait3A_993 = arith.constant 128 : i32
      %dma_wait3A_994 = arith.constant 0 : i32
      %dma_wait3A_995 = tpu.memref_slice %arg2[%add3A_700, %dma_wait3A_993, %dma_wait3A_994] : memref<256x512x128xf32, #tpu.memory_space<hbm>> -> memref<1x128x128xf32, #tpu.memory_space<hbm>>
      %dma_wait3A_996 = tpu.memref_squeeze %dma_wait3A_995 : memref<1x128x128xf32, #tpu.memory_space<hbm>> -> memref<128x128xf32, #tpu.memory_space<hbm>>
      tpu.wait_dma2 semaphore(%run_scoped3A_980 : memref<!tpu.dma_semaphore, #tpu.memory_space<semaphore_mem>>) src(%dma_wait3A_996 : memref<128x128xf32, #tpu.memory_space<hbm>>) dst(%arg5 : memref<128x128xf32, #tpu.memory_space<vmem>>)
      tpu.yield
    }) : () -> ()
    %run_scoped3A_701 = arith.constant 1 : i32
    "tpu.region"() ({
      %run_scoped3A_980 = tpu.sem_alloc : memref<!tpu.dma_semaphore, #tpu.memory_space<semaphore_mem>>
      %dma_start3A_981 = arith.constant 0 : i32
      %dma_start3A_982 = tpu.memref_slice %arg6[%run_scoped3A_701, %dma_start3A_981] : memref<4x128xi32, #tpu.memory_space<vmem>> -> memref<1x128xi32, #tpu.memory_space<vmem>>
      %dma_start3A_983 = tpu.memref_squeeze %dma_start3A_982 : memref<1x128xi32, #tpu.memory_space<vmem>> -> memref<128xi32, #tpu.memory_space<vmem>>
      %dma_start3A_984 = arith.constant 0 : i32
      %dma_start3A_985 = arith.constant 0 : i32
      %dma_start3A_986 = tpu.memref_slice %arg8[%add3A_655, %dma_start3A_984, %dma_start3A_985] : memref<32x256x128xf32, #tpu.memory_space<vmem_shared>> -> memref<1x256x128xf32, #tpu.memory_space<vmem_shared>>
      %dma_start3A_987 = tpu.memref_squeeze %dma_start3A_986 : memref<1x256x128xf32, #tpu.memory_space<vmem_shared>> -> memref<256x128xf32, #tpu.memory_space<vmem_shared>>
      %dma_start3A_988 = arith.constant 0 : i32
      %dma_start3A_989 = arith.constant 0 : i32
      %dma_start3A_990 = tpu.memref_slice %dma_start3A_987[%dma_start3A_988, %dma_start3A_989] : memref<256x128xf32, #tpu.memory_space<vmem_shared>> -> memref<256x128xf32, #tpu.memory_space<vmem_shared>>
      tpu.enqueue_indirect_dma source(%arg5 : memref<128x128xf32, #tpu.memory_space<vmem>>) target(%dma_start3A_990 : memref<256x128xf32, #tpu.memory_space<vmem_shared>>) offsets(%dma_start3A_983 : memref<128xi32, #tpu.memory_space<vmem>>) semaphore(%run_scoped3A_980 : memref<!tpu.dma_semaphore, #tpu.memory_space<semaphore_mem>>) {add = true}
      %dma_wait3A_991 = arith.constant 0 : i32
      %dma_wait3A_992 = tpu.memref_slice %arg6[%run_scoped3A_701, %dma_wait3A_991] : memref<4x128xi32, #tpu.memory_space<vmem>> -> memref<1x128xi32, #tpu.memory_space<vmem>>
      %dma_wait3A_993 = tpu.memref_squeeze %dma_wait3A_992 : memref<1x128xi32, #tpu.memory_space<vmem>> -> memref<128xi32, #tpu.memory_space<vmem>>
      %dma_wait3A_994 = arith.constant 0 : i32
      %dma_wait3A_995 = arith.constant 0 : i32
      %dma_wait3A_996 = tpu.memref_slice %arg8[%add3A_655, %dma_wait3A_994, %dma_wait3A_995] : memref<32x256x128xf32, #tpu.memory_space<vmem_shared>> -> memref<1x256x128xf32, #tpu.memory_space<vmem_shared>>
      %dma_wait3A_997 = tpu.memref_squeeze %dma_wait3A_996 : memref<1x256x128xf32, #tpu.memory_space<vmem_shared>> -> memref<256x128xf32, #tpu.memory_space<vmem_shared>>
      %dma_wait3A_998 = arith.constant 0 : i32
      %dma_wait3A_999 = arith.constant 0 : i32
      %dma_wait3A_1000 = tpu.memref_slice %dma_wait3A_997[%dma_wait3A_998, %dma_wait3A_999] : memref<256x128xf32, #tpu.memory_space<vmem_shared>> -> memref<256x128xf32, #tpu.memory_space<vmem_shared>>
      tpu.wait_indirect_dma semaphore(%run_scoped3A_980 : memref<!tpu.dma_semaphore, #tpu.memory_space<semaphore_mem>>) src(%arg5 : memref<128x128xf32, #tpu.memory_space<vmem>>) dst(%dma_wait3A_1000 : memref<256x128xf32, #tpu.memory_space<vmem_shared>>)
      tpu.yield
    }) : () -> ()
    %add3A_702 = arith.constant 5 : i32
    %add3A_703 = arith.addi %mul3A_2, %add3A_702 : i32
    "tpu.region"() ({
      %run_scoped3A_980 = tpu.sem_alloc : memref<!tpu.dma_semaphore, #tpu.memory_space<semaphore_mem>>
      %dma_start3A_981 = arith.constant 256 : i32
      %dma_start3A_982 = arith.constant 0 : i32
      %dma_start3A_983 = tpu.memref_slice %arg2[%add3A_703, %dma_start3A_981, %dma_start3A_982] : memref<256x512x128xf32, #tpu.memory_space<hbm>> -> memref<1x128x128xf32, #tpu.memory_space<hbm>>
      %dma_start3A_984 = tpu.memref_squeeze %dma_start3A_983 : memref<1x128x128xf32, #tpu.memory_space<hbm>> -> memref<128x128xf32, #tpu.memory_space<hbm>>
      %dma_start3A_985 = arith.constant 256 : i32
      %dma_start3A_986 = arith.constant 0 : i32
      %dma_start3A_987 = tpu.memref_slice %arg2[%add3A_703, %dma_start3A_985, %dma_start3A_986] : memref<256x512x128xf32, #tpu.memory_space<hbm>> -> memref<1x128x128xf32, #tpu.memory_space<hbm>>
      %dma_start3A_988 = tpu.memref_squeeze %dma_start3A_987 : memref<1x128x128xf32, #tpu.memory_space<hbm>> -> memref<128x128xf32, #tpu.memory_space<hbm>>
      tpu.enqueue_dma source(%dma_start3A_988 : memref<128x128xf32, #tpu.memory_space<hbm>>) target(%arg5 : memref<128x128xf32, #tpu.memory_space<vmem>>) target_semaphore(%run_scoped3A_980 : memref<!tpu.dma_semaphore, #tpu.memory_space<semaphore_mem>>)
      %dma_wait3A_989 = arith.constant 256 : i32
      %dma_wait3A_990 = arith.constant 0 : i32
      %dma_wait3A_991 = tpu.memref_slice %arg2[%add3A_703, %dma_wait3A_989, %dma_wait3A_990] : memref<256x512x128xf32, #tpu.memory_space<hbm>> -> memref<1x128x128xf32, #tpu.memory_space<hbm>>
      %dma_wait3A_992 = tpu.memref_squeeze %dma_wait3A_991 : memref<1x128x128xf32, #tpu.memory_space<hbm>> -> memref<128x128xf32, #tpu.memory_space<hbm>>
      %dma_wait3A_993 = arith.constant 256 : i32
      %dma_wait3A_994 = arith.constant 0 : i32
      %dma_wait3A_995 = tpu.memref_slice %arg2[%add3A_703, %dma_wait3A_993, %dma_wait3A_994] : memref<256x512x128xf32, #tpu.memory_space<hbm>> -> memref<1x128x128xf32, #tpu.memory_space<hbm>>
      %dma_wait3A_996 = tpu.memref_squeeze %dma_wait3A_995 : memref<1x128x128xf32, #tpu.memory_space<hbm>> -> memref<128x128xf32, #tpu.memory_space<hbm>>
      tpu.wait_dma2 semaphore(%run_scoped3A_980 : memref<!tpu.dma_semaphore, #tpu.memory_space<semaphore_mem>>) src(%dma_wait3A_996 : memref<128x128xf32, #tpu.memory_space<hbm>>) dst(%arg5 : memref<128x128xf32, #tpu.memory_space<vmem>>)
      tpu.yield
    }) : () -> ()
    %run_scoped3A_704 = arith.constant 2 : i32
    "tpu.region"() ({
      %run_scoped3A_980 = tpu.sem_alloc : memref<!tpu.dma_semaphore, #tpu.memory_space<semaphore_mem>>
      %dma_start3A_981 = arith.constant 0 : i32
      %dma_start3A_982 = tpu.memref_slice %arg6[%run_scoped3A_704, %dma_start3A_981] : memref<4x128xi32, #tpu.memory_space<vmem>> -> memref<1x128xi32, #tpu.memory_space<vmem>>
      %dma_start3A_983 = tpu.memref_squeeze %dma_start3A_982 : memref<1x128xi32, #tpu.memory_space<vmem>> -> memref<128xi32, #tpu.memory_space<vmem>>
      %dma_start3A_984 = arith.constant 0 : i32
      %dma_start3A_985 = arith.constant 0 : i32
      %dma_start3A_986 = tpu.memref_slice %arg8[%add3A_655, %dma_start3A_984, %dma_start3A_985] : memref<32x256x128xf32, #tpu.memory_space<vmem_shared>> -> memref<1x256x128xf32, #tpu.memory_space<vmem_shared>>
      %dma_start3A_987 = tpu.memref_squeeze %dma_start3A_986 : memref<1x256x128xf32, #tpu.memory_space<vmem_shared>> -> memref<256x128xf32, #tpu.memory_space<vmem_shared>>
      %dma_start3A_988 = arith.constant 0 : i32
      %dma_start3A_989 = arith.constant 0 : i32
      %dma_start3A_990 = tpu.memref_slice %dma_start3A_987[%dma_start3A_988, %dma_start3A_989] : memref<256x128xf32, #tpu.memory_space<vmem_shared>> -> memref<256x128xf32, #tpu.memory_space<vmem_shared>>
      tpu.enqueue_indirect_dma source(%arg5 : memref<128x128xf32, #tpu.memory_space<vmem>>) target(%dma_start3A_990 : memref<256x128xf32, #tpu.memory_space<vmem_shared>>) offsets(%dma_start3A_983 : memref<128xi32, #tpu.memory_space<vmem>>) semaphore(%run_scoped3A_980 : memref<!tpu.dma_semaphore, #tpu.memory_space<semaphore_mem>>) {add = true}
      %dma_wait3A_991 = arith.constant 0 : i32
      %dma_wait3A_992 = tpu.memref_slice %arg6[%run_scoped3A_704, %dma_wait3A_991] : memref<4x128xi32, #tpu.memory_space<vmem>> -> memref<1x128xi32, #tpu.memory_space<vmem>>
      %dma_wait3A_993 = tpu.memref_squeeze %dma_wait3A_992 : memref<1x128xi32, #tpu.memory_space<vmem>> -> memref<128xi32, #tpu.memory_space<vmem>>
      %dma_wait3A_994 = arith.constant 0 : i32
      %dma_wait3A_995 = arith.constant 0 : i32
      %dma_wait3A_996 = tpu.memref_slice %arg8[%add3A_655, %dma_wait3A_994, %dma_wait3A_995] : memref<32x256x128xf32, #tpu.memory_space<vmem_shared>> -> memref<1x256x128xf32, #tpu.memory_space<vmem_shared>>
      %dma_wait3A_997 = tpu.memref_squeeze %dma_wait3A_996 : memref<1x256x128xf32, #tpu.memory_space<vmem_shared>> -> memref<256x128xf32, #tpu.memory_space<vmem_shared>>
      %dma_wait3A_998 = arith.constant 0 : i32
      %dma_wait3A_999 = arith.constant 0 : i32
      %dma_wait3A_1000 = tpu.memref_slice %dma_wait3A_997[%dma_wait3A_998, %dma_wait3A_999] : memref<256x128xf32, #tpu.memory_space<vmem_shared>> -> memref<256x128xf32, #tpu.memory_space<vmem_shared>>
      tpu.wait_indirect_dma semaphore(%run_scoped3A_980 : memref<!tpu.dma_semaphore, #tpu.memory_space<semaphore_mem>>) src(%arg5 : memref<128x128xf32, #tpu.memory_space<vmem>>) dst(%dma_wait3A_1000 : memref<256x128xf32, #tpu.memory_space<vmem_shared>>)
      tpu.yield
    }) : () -> ()
    %add3A_705 = arith.constant 5 : i32
    %add3A_706 = arith.addi %mul3A_2, %add3A_705 : i32
    "tpu.region"() ({
      %run_scoped3A_980 = tpu.sem_alloc : memref<!tpu.dma_semaphore, #tpu.memory_space<semaphore_mem>>
      %dma_start3A_981 = arith.constant 384 : i32
      %dma_start3A_982 = arith.constant 0 : i32
      %dma_start3A_983 = tpu.memref_slice %arg2[%add3A_706, %dma_start3A_981, %dma_start3A_982] : memref<256x512x128xf32, #tpu.memory_space<hbm>> -> memref<1x128x128xf32, #tpu.memory_space<hbm>>
      %dma_start3A_984 = tpu.memref_squeeze %dma_start3A_983 : memref<1x128x128xf32, #tpu.memory_space<hbm>> -> memref<128x128xf32, #tpu.memory_space<hbm>>
      %dma_start3A_985 = arith.constant 384 : i32
      %dma_start3A_986 = arith.constant 0 : i32
      %dma_start3A_987 = tpu.memref_slice %arg2[%add3A_706, %dma_start3A_985, %dma_start3A_986] : memref<256x512x128xf32, #tpu.memory_space<hbm>> -> memref<1x128x128xf32, #tpu.memory_space<hbm>>
      %dma_start3A_988 = tpu.memref_squeeze %dma_start3A_987 : memref<1x128x128xf32, #tpu.memory_space<hbm>> -> memref<128x128xf32, #tpu.memory_space<hbm>>
      tpu.enqueue_dma source(%dma_start3A_988 : memref<128x128xf32, #tpu.memory_space<hbm>>) target(%arg5 : memref<128x128xf32, #tpu.memory_space<vmem>>) target_semaphore(%run_scoped3A_980 : memref<!tpu.dma_semaphore, #tpu.memory_space<semaphore_mem>>)
      %dma_wait3A_989 = arith.constant 384 : i32
      %dma_wait3A_990 = arith.constant 0 : i32
      %dma_wait3A_991 = tpu.memref_slice %arg2[%add3A_706, %dma_wait3A_989, %dma_wait3A_990] : memref<256x512x128xf32, #tpu.memory_space<hbm>> -> memref<1x128x128xf32, #tpu.memory_space<hbm>>
      %dma_wait3A_992 = tpu.memref_squeeze %dma_wait3A_991 : memref<1x128x128xf32, #tpu.memory_space<hbm>> -> memref<128x128xf32, #tpu.memory_space<hbm>>
      %dma_wait3A_993 = arith.constant 384 : i32
      %dma_wait3A_994 = arith.constant 0 : i32
      %dma_wait3A_995 = tpu.memref_slice %arg2[%add3A_706, %dma_wait3A_993, %dma_wait3A_994] : memref<256x512x128xf32, #tpu.memory_space<hbm>> -> memref<1x128x128xf32, #tpu.memory_space<hbm>>
      %dma_wait3A_996 = tpu.memref_squeeze %dma_wait3A_995 : memref<1x128x128xf32, #tpu.memory_space<hbm>> -> memref<128x128xf32, #tpu.memory_space<hbm>>
      tpu.wait_dma2 semaphore(%run_scoped3A_980 : memref<!tpu.dma_semaphore, #tpu.memory_space<semaphore_mem>>) src(%dma_wait3A_996 : memref<128x128xf32, #tpu.memory_space<hbm>>) dst(%arg5 : memref<128x128xf32, #tpu.memory_space<vmem>>)
      tpu.yield
    }) : () -> ()
    %run_scoped3A_707 = arith.constant 3 : i32
    "tpu.region"() ({
      %run_scoped3A_980 = tpu.sem_alloc : memref<!tpu.dma_semaphore, #tpu.memory_space<semaphore_mem>>
      %dma_start3A_981 = arith.constant 0 : i32
      %dma_start3A_982 = tpu.memref_slice %arg6[%run_scoped3A_707, %dma_start3A_981] : memref<4x128xi32, #tpu.memory_space<vmem>> -> memref<1x128xi32, #tpu.memory_space<vmem>>
      %dma_start3A_983 = tpu.memref_squeeze %dma_start3A_982 : memref<1x128xi32, #tpu.memory_space<vmem>> -> memref<128xi32, #tpu.memory_space<vmem>>
      %dma_start3A_984 = arith.constant 0 : i32
      %dma_start3A_985 = arith.constant 0 : i32
      %dma_start3A_986 = tpu.memref_slice %arg8[%add3A_655, %dma_start3A_984, %dma_start3A_985] : memref<32x256x128xf32, #tpu.memory_space<vmem_shared>> -> memref<1x256x128xf32, #tpu.memory_space<vmem_shared>>
      %dma_start3A_987 = tpu.memref_squeeze %dma_start3A_986 : memref<1x256x128xf32, #tpu.memory_space<vmem_shared>> -> memref<256x128xf32, #tpu.memory_space<vmem_shared>>
      %dma_start3A_988 = arith.constant 0 : i32
      %dma_start3A_989 = arith.constant 0 : i32
      %dma_start3A_990 = tpu.memref_slice %dma_start3A_987[%dma_start3A_988, %dma_start3A_989] : memref<256x128xf32, #tpu.memory_space<vmem_shared>> -> memref<256x128xf32, #tpu.memory_space<vmem_shared>>
      tpu.enqueue_indirect_dma source(%arg5 : memref<128x128xf32, #tpu.memory_space<vmem>>) target(%dma_start3A_990 : memref<256x128xf32, #tpu.memory_space<vmem_shared>>) offsets(%dma_start3A_983 : memref<128xi32, #tpu.memory_space<vmem>>) semaphore(%run_scoped3A_980 : memref<!tpu.dma_semaphore, #tpu.memory_space<semaphore_mem>>) {add = true}
      %dma_wait3A_991 = arith.constant 0 : i32
      %dma_wait3A_992 = tpu.memref_slice %arg6[%run_scoped3A_707, %dma_wait3A_991] : memref<4x128xi32, #tpu.memory_space<vmem>> -> memref<1x128xi32, #tpu.memory_space<vmem>>
      %dma_wait3A_993 = tpu.memref_squeeze %dma_wait3A_992 : memref<1x128xi32, #tpu.memory_space<vmem>> -> memref<128xi32, #tpu.memory_space<vmem>>
      %dma_wait3A_994 = arith.constant 0 : i32
      %dma_wait3A_995 = arith.constant 0 : i32
      %dma_wait3A_996 = tpu.memref_slice %arg8[%add3A_655, %dma_wait3A_994, %dma_wait3A_995] : memref<32x256x128xf32, #tpu.memory_space<vmem_shared>> -> memref<1x256x128xf32, #tpu.memory_space<vmem_shared>>
      %dma_wait3A_997 = tpu.memref_squeeze %dma_wait3A_996 : memref<1x256x128xf32, #tpu.memory_space<vmem_shared>> -> memref<256x128xf32, #tpu.memory_space<vmem_shared>>
      %dma_wait3A_998 = arith.constant 0 : i32
      %dma_wait3A_999 = arith.constant 0 : i32
      %dma_wait3A_1000 = tpu.memref_slice %dma_wait3A_997[%dma_wait3A_998, %dma_wait3A_999] : memref<256x128xf32, #tpu.memory_space<vmem_shared>> -> memref<256x128xf32, #tpu.memory_space<vmem_shared>>
      tpu.wait_indirect_dma semaphore(%run_scoped3A_980 : memref<!tpu.dma_semaphore, #tpu.memory_space<semaphore_mem>>) src(%arg5 : memref<128x128xf32, #tpu.memory_space<vmem>>) dst(%dma_wait3A_1000 : memref<256x128xf32, #tpu.memory_space<vmem_shared>>)
      tpu.yield
    }) : () -> ()
    %run_scoped3A_708 = arith.constant 0 : i32
    %run_scoped3A_709 = arith.constant 0 : i32
    "tpu.region"() ({
      %run_scoped3A_980 = tpu.sem_alloc : memref<!tpu.dma_semaphore, #tpu.memory_space<semaphore_mem>>
      %dma_start3A_981 = arith.constant 0 : i32
      %dma_start3A_982 = tpu.memref_slice %arg7[%run_scoped3A_708, %dma_start3A_981] : memref<64x128xf32, #tpu.memory_space<vmem>> -> memref<1x128xf32, #tpu.memory_space<vmem>>
      %dma_start3A_983 = tpu.memref_squeeze %dma_start3A_982 : memref<1x128xf32, #tpu.memory_space<vmem>> -> memref<128xf32, #tpu.memory_space<vmem>>
      %dma_start3A_984 = arith.constant 0 : i32
      %dma_start3A_985 = tpu.memref_slice %arg8[%add3A_655, %run_scoped3A_709, %dma_start3A_984] : memref<32x256x128xf32, #tpu.memory_space<vmem_shared>> -> memref<1x1x128xf32, #tpu.memory_space<vmem_shared>>
      %dma_start3A_986 = tpu.memref_squeeze %dma_start3A_985 : memref<1x1x128xf32, #tpu.memory_space<vmem_shared>> -> memref<128xf32, #tpu.memory_space<vmem_shared>>
      %dma_start3A_987 = arith.constant 0 : i32
      %dma_start3A_988 = tpu.memref_slice %arg8[%add3A_655, %run_scoped3A_709, %dma_start3A_987] : memref<32x256x128xf32, #tpu.memory_space<vmem_shared>> -> memref<1x1x128xf32, #tpu.memory_space<vmem_shared>>
      %dma_start3A_989 = tpu.memref_squeeze %dma_start3A_988 : memref<1x1x128xf32, #tpu.memory_space<vmem_shared>> -> memref<128xf32, #tpu.memory_space<vmem_shared>>
      %dma_start3A_990 = arith.constant 0 : i32
      %dma_start3A_991 = tpu.memref_slice %arg7[%run_scoped3A_708, %dma_start3A_990] : memref<64x128xf32, #tpu.memory_space<vmem>> -> memref<1x128xf32, #tpu.memory_space<vmem>>
      %dma_start3A_992 = tpu.memref_squeeze %dma_start3A_991 : memref<1x128xf32, #tpu.memory_space<vmem>> -> memref<128xf32, #tpu.memory_space<vmem>>
      tpu.enqueue_dma source(%dma_start3A_992 : memref<128xf32, #tpu.memory_space<vmem>>) target(%dma_start3A_989 : memref<128xf32, #tpu.memory_space<vmem_shared>>) target_semaphore(%run_scoped3A_980 : memref<!tpu.dma_semaphore, #tpu.memory_space<semaphore_mem>>)
      %dma_wait3A_993 = arith.constant 0 : i32
      %dma_wait3A_994 = tpu.memref_slice %arg7[%run_scoped3A_708, %dma_wait3A_993] : memref<64x128xf32, #tpu.memory_space<vmem>> -> memref<1x128xf32, #tpu.memory_space<vmem>>
      %dma_wait3A_995 = tpu.memref_squeeze %dma_wait3A_994 : memref<1x128xf32, #tpu.memory_space<vmem>> -> memref<128xf32, #tpu.memory_space<vmem>>
      %dma_wait3A_996 = arith.constant 0 : i32
      %dma_wait3A_997 = tpu.memref_slice %arg8[%add3A_655, %run_scoped3A_709, %dma_wait3A_996] : memref<32x256x128xf32, #tpu.memory_space<vmem_shared>> -> memref<1x1x128xf32, #tpu.memory_space<vmem_shared>>
      %dma_wait3A_998 = tpu.memref_squeeze %dma_wait3A_997 : memref<1x1x128xf32, #tpu.memory_space<vmem_shared>> -> memref<128xf32, #tpu.memory_space<vmem_shared>>
      %dma_wait3A_999 = arith.constant 0 : i32
      %dma_wait3A_1000 = tpu.memref_slice %arg8[%add3A_655, %run_scoped3A_709, %dma_wait3A_999] : memref<32x256x128xf32, #tpu.memory_space<vmem_shared>> -> memref<1x1x128xf32, #tpu.memory_space<vmem_shared>>
      %dma_wait3A_1001 = tpu.memref_squeeze %dma_wait3A_1000 : memref<1x1x128xf32, #tpu.memory_space<vmem_shared>> -> memref<128xf32, #tpu.memory_space<vmem_shared>>
      %dma_wait3A_1002 = arith.constant 0 : i32
      %dma_wait3A_1003 = tpu.memref_slice %arg7[%run_scoped3A_708, %dma_wait3A_1002] : memref<64x128xf32, #tpu.memory_space<vmem>> -> memref<1x128xf32, #tpu.memory_space<vmem>>
      %dma_wait3A_1004 = tpu.memref_squeeze %dma_wait3A_1003 : memref<1x128xf32, #tpu.memory_space<vmem>> -> memref<128xf32, #tpu.memory_space<vmem>>
      tpu.wait_dma2 semaphore(%run_scoped3A_980 : memref<!tpu.dma_semaphore, #tpu.memory_space<semaphore_mem>>) src(%dma_wait3A_1004 : memref<128xf32, #tpu.memory_space<vmem>>) dst(%dma_wait3A_1001 : memref<128xf32, #tpu.memory_space<vmem_shared>>)
      tpu.yield
    }) : () -> ()
    %add3A_710 = arith.constant 5 : i32
    %add3A_711 = arith.addi %mul3A_2, %add3A_710 : i32
    %dma_start3A_712 = arith.constant 0 : i32
    %dma_start3A_713 = arith.constant 0 : i32
    %dma_start3A_714 = tpu.memref_slice %arg4[%add3A_711, %dma_start3A_712, %dma_start3A_713] : memref<256x256x128xf32, #tpu.memory_space<hbm>> -> memref<1x256x128xf32, #tpu.memory_space<hbm>>
    %dma_start3A_715 = tpu.memref_squeeze %dma_start3A_714 : memref<1x256x128xf32, #tpu.memory_space<hbm>> -> memref<256x128xf32, #tpu.memory_space<hbm>>
    %dma_start3A_716 = arith.constant 0 : i32
    %dma_start3A_717 = arith.constant 0 : i32
    %dma_start3A_718 = tpu.memref_slice %arg8[%add3A_655, %dma_start3A_716, %dma_start3A_717] : memref<32x256x128xf32, #tpu.memory_space<vmem_shared>> -> memref<1x256x128xf32, #tpu.memory_space<vmem_shared>>
    %dma_start3A_719 = tpu.memref_squeeze %dma_start3A_718 : memref<1x256x128xf32, #tpu.memory_space<vmem_shared>> -> memref<256x128xf32, #tpu.memory_space<vmem_shared>>
    tpu.enqueue_dma source(%dma_start3A_719 : memref<256x128xf32, #tpu.memory_space<vmem_shared>>) target(%dma_start3A_715 : memref<256x128xf32, #tpu.memory_space<hbm>>) target_semaphore(%arg12 : memref<!tpu.dma_semaphore, #tpu.memory_space<semaphore_mem>>)
    %dma_wait3A_720 = arith.constant 0 : i32
    %dma_wait3A_721 = arith.constant 0 : i32
    %dma_wait3A_722 = tpu.memref_slice %arg4[%add3A_589, %dma_wait3A_720, %dma_wait3A_721] : memref<256x256x128xf32, #tpu.memory_space<hbm>> -> memref<1x256x128xf32, #tpu.memory_space<hbm>>
    %dma_wait3A_723 = tpu.memref_squeeze %dma_wait3A_722 : memref<1x256x128xf32, #tpu.memory_space<hbm>> -> memref<256x128xf32, #tpu.memory_space<hbm>>
    %dma_wait3A_724 = arith.constant 0 : i32
    %dma_wait3A_725 = arith.constant 0 : i32
    %dma_wait3A_726 = tpu.memref_slice %arg8[%add3A_533, %dma_wait3A_724, %dma_wait3A_725] : memref<32x256x128xf32, #tpu.memory_space<vmem_shared>> -> memref<1x256x128xf32, #tpu.memory_space<vmem_shared>>
    %dma_wait3A_727 = tpu.memref_squeeze %dma_wait3A_726 : memref<1x256x128xf32, #tpu.memory_space<vmem_shared>> -> memref<256x128xf32, #tpu.memory_space<vmem_shared>>
    tpu.wait_dma2 semaphore(%arg11 : memref<!tpu.dma_semaphore, #tpu.memory_space<semaphore_mem>>) src(%dma_wait3A_727 : memref<256x128xf32, #tpu.memory_space<vmem_shared>>) dst(%dma_wait3A_723 : memref<256x128xf32, #tpu.memory_space<hbm>>)
    %mul3A_728 = arith.constant 2 : i32
    %mul3A_729 = arith.muli %arg1, %mul3A_728 : i32
    %add3A_730 = arith.constant 0 : i32
    %add3A_731 = arith.addi %mul3A_729, %add3A_730 : i32
    %dma_start3A_732 = arith.constant 0 : i32
    %dma_start3A_733 = arith.constant 0 : i32
    %dma_start3A_734 = tpu.memref_slice %arg8[%add3A_731, %dma_start3A_732, %dma_start3A_733] : memref<32x256x128xf32, #tpu.memory_space<vmem_shared>> -> memref<1x64x128xf32, #tpu.memory_space<vmem_shared>>
    %dma_start3A_735 = tpu.memref_squeeze %dma_start3A_734 : memref<1x64x128xf32, #tpu.memory_space<vmem_shared>> -> memref<64x128xf32, #tpu.memory_space<vmem_shared>>
    %dma_start3A_736 = arith.constant 0 : i32
    %dma_start3A_737 = arith.constant 0 : i32
    %dma_start3A_738 = tpu.memref_slice %arg8[%add3A_731, %dma_start3A_736, %dma_start3A_737] : memref<32x256x128xf32, #tpu.memory_space<vmem_shared>> -> memref<1x64x128xf32, #tpu.memory_space<vmem_shared>>
    %dma_start3A_739 = tpu.memref_squeeze %dma_start3A_738 : memref<1x64x128xf32, #tpu.memory_space<vmem_shared>> -> memref<64x128xf32, #tpu.memory_space<vmem_shared>>
    tpu.enqueue_dma source(%arg7 : memref<64x128xf32, #tpu.memory_space<vmem>>) target(%dma_start3A_739 : memref<64x128xf32, #tpu.memory_space<vmem_shared>>) target_semaphore(%arg9 : memref<!tpu.dma_semaphore, #tpu.memory_space<semaphore_mem>>)
    %dma_start3A_740 = arith.constant 64 : i32
    %dma_start3A_741 = arith.constant 0 : i32
    %dma_start3A_742 = tpu.memref_slice %arg8[%add3A_731, %dma_start3A_740, %dma_start3A_741] : memref<32x256x128xf32, #tpu.memory_space<vmem_shared>> -> memref<1x64x128xf32, #tpu.memory_space<vmem_shared>>
    %dma_start3A_743 = tpu.memref_squeeze %dma_start3A_742 : memref<1x64x128xf32, #tpu.memory_space<vmem_shared>> -> memref<64x128xf32, #tpu.memory_space<vmem_shared>>
    %dma_start3A_744 = arith.constant 64 : i32
    %dma_start3A_745 = arith.constant 0 : i32
    %dma_start3A_746 = tpu.memref_slice %arg8[%add3A_731, %dma_start3A_744, %dma_start3A_745] : memref<32x256x128xf32, #tpu.memory_space<vmem_shared>> -> memref<1x64x128xf32, #tpu.memory_space<vmem_shared>>
    %dma_start3A_747 = tpu.memref_squeeze %dma_start3A_746 : memref<1x64x128xf32, #tpu.memory_space<vmem_shared>> -> memref<64x128xf32, #tpu.memory_space<vmem_shared>>
    tpu.enqueue_dma source(%arg7 : memref<64x128xf32, #tpu.memory_space<vmem>>) target(%dma_start3A_747 : memref<64x128xf32, #tpu.memory_space<vmem_shared>>) target_semaphore(%arg9 : memref<!tpu.dma_semaphore, #tpu.memory_space<semaphore_mem>>)
    %dma_start3A_748 = arith.constant 128 : i32
    %dma_start3A_749 = arith.constant 0 : i32
    %dma_start3A_750 = tpu.memref_slice %arg8[%add3A_731, %dma_start3A_748, %dma_start3A_749] : memref<32x256x128xf32, #tpu.memory_space<vmem_shared>> -> memref<1x64x128xf32, #tpu.memory_space<vmem_shared>>
    %dma_start3A_751 = tpu.memref_squeeze %dma_start3A_750 : memref<1x64x128xf32, #tpu.memory_space<vmem_shared>> -> memref<64x128xf32, #tpu.memory_space<vmem_shared>>
    %dma_start3A_752 = arith.constant 128 : i32
    %dma_start3A_753 = arith.constant 0 : i32
    %dma_start3A_754 = tpu.memref_slice %arg8[%add3A_731, %dma_start3A_752, %dma_start3A_753] : memref<32x256x128xf32, #tpu.memory_space<vmem_shared>> -> memref<1x64x128xf32, #tpu.memory_space<vmem_shared>>
    %dma_start3A_755 = tpu.memref_squeeze %dma_start3A_754 : memref<1x64x128xf32, #tpu.memory_space<vmem_shared>> -> memref<64x128xf32, #tpu.memory_space<vmem_shared>>
    tpu.enqueue_dma source(%arg7 : memref<64x128xf32, #tpu.memory_space<vmem>>) target(%dma_start3A_755 : memref<64x128xf32, #tpu.memory_space<vmem_shared>>) target_semaphore(%arg9 : memref<!tpu.dma_semaphore, #tpu.memory_space<semaphore_mem>>)
    %dma_start3A_756 = arith.constant 192 : i32
    %dma_start3A_757 = arith.constant 0 : i32
    %dma_start3A_758 = tpu.memref_slice %arg8[%add3A_731, %dma_start3A_756, %dma_start3A_757] : memref<32x256x128xf32, #tpu.memory_space<vmem_shared>> -> memref<1x64x128xf32, #tpu.memory_space<vmem_shared>>
    %dma_start3A_759 = tpu.memref_squeeze %dma_start3A_758 : memref<1x64x128xf32, #tpu.memory_space<vmem_shared>> -> memref<64x128xf32, #tpu.memory_space<vmem_shared>>
    %dma_start3A_760 = arith.constant 192 : i32
    %dma_start3A_761 = arith.constant 0 : i32
    %dma_start3A_762 = tpu.memref_slice %arg8[%add3A_731, %dma_start3A_760, %dma_start3A_761] : memref<32x256x128xf32, #tpu.memory_space<vmem_shared>> -> memref<1x64x128xf32, #tpu.memory_space<vmem_shared>>
    %dma_start3A_763 = tpu.memref_squeeze %dma_start3A_762 : memref<1x64x128xf32, #tpu.memory_space<vmem_shared>> -> memref<64x128xf32, #tpu.memory_space<vmem_shared>>
    tpu.enqueue_dma source(%arg7 : memref<64x128xf32, #tpu.memory_space<vmem>>) target(%dma_start3A_763 : memref<64x128xf32, #tpu.memory_space<vmem_shared>>) target_semaphore(%arg9 : memref<!tpu.dma_semaphore, #tpu.memory_space<semaphore_mem>>)
    %add3A_764 = arith.constant 6 : i32
    %add3A_765 = arith.addi %mul3A_2, %add3A_764 : i32
    %dma_start3A_766 = arith.constant 0 : i32
    %dma_start3A_767 = arith.constant 0 : i32
    %dma_start3A_768 = tpu.memref_slice %arg2[%add3A_765, %dma_start3A_766, %dma_start3A_767] : memref<256x512x128xf32, #tpu.memory_space<hbm>> -> memref<1x128x128xf32, #tpu.memory_space<hbm>>
    %dma_start3A_769 = tpu.memref_squeeze %dma_start3A_768 : memref<1x128x128xf32, #tpu.memory_space<hbm>> -> memref<128x128xf32, #tpu.memory_space<hbm>>
    %dma_start3A_770 = arith.constant 0 : i32
    %dma_start3A_771 = arith.constant 0 : i32
    %dma_start3A_772 = tpu.memref_slice %arg2[%add3A_765, %dma_start3A_770, %dma_start3A_771] : memref<256x512x128xf32, #tpu.memory_space<hbm>> -> memref<1x128x128xf32, #tpu.memory_space<hbm>>
    %dma_start3A_773 = tpu.memref_squeeze %dma_start3A_772 : memref<1x128x128xf32, #tpu.memory_space<hbm>> -> memref<128x128xf32, #tpu.memory_space<hbm>>
    tpu.enqueue_dma source(%dma_start3A_773 : memref<128x128xf32, #tpu.memory_space<hbm>>) target(%arg5 : memref<128x128xf32, #tpu.memory_space<vmem>>) target_semaphore(%arg10 : memref<!tpu.dma_semaphore, #tpu.memory_space<semaphore_mem>>)
    %mul3A_774 = arith.constant 2 : i32
    %mul3A_775 = arith.muli %arg1, %mul3A_774 : i32
    %add3A_776 = arith.constant 0 : i32
    %add3A_777 = arith.addi %mul3A_775, %add3A_776 : i32
    %add3A_778 = arith.constant 6 : i32
    %add3A_779 = arith.addi %mul3A_2, %add3A_778 : i32
    "tpu.region"() ({
      %run_scoped3A_980 = tpu.sem_alloc : memref<!tpu.dma_semaphore, #tpu.memory_space<semaphore_mem>>
      %dma_start3A_981 = arith.constant 0 : i32
      %dma_start3A_982 = arith.constant 0 : i32
      %dma_start3A_983 = tpu.memref_slice %arg3[%add3A_779, %dma_start3A_981, %dma_start3A_982] : memref<256x4x128xi32, #tpu.memory_space<hbm>> -> memref<1x4x128xi32, #tpu.memory_space<hbm>>
      %dma_start3A_984 = tpu.memref_squeeze %dma_start3A_983 : memref<1x4x128xi32, #tpu.memory_space<hbm>> -> memref<4x128xi32, #tpu.memory_space<hbm>>
      %dma_start3A_985 = arith.constant 0 : i32
      %dma_start3A_986 = arith.constant 0 : i32
      %dma_start3A_987 = tpu.memref_slice %arg3[%add3A_779, %dma_start3A_985, %dma_start3A_986] : memref<256x4x128xi32, #tpu.memory_space<hbm>> -> memref<1x4x128xi32, #tpu.memory_space<hbm>>
      %dma_start3A_988 = tpu.memref_squeeze %dma_start3A_987 : memref<1x4x128xi32, #tpu.memory_space<hbm>> -> memref<4x128xi32, #tpu.memory_space<hbm>>
      tpu.enqueue_dma source(%dma_start3A_988 : memref<4x128xi32, #tpu.memory_space<hbm>>) target(%arg6 : memref<4x128xi32, #tpu.memory_space<vmem>>) target_semaphore(%run_scoped3A_980 : memref<!tpu.dma_semaphore, #tpu.memory_space<semaphore_mem>>)
      %dma_wait3A_989 = arith.constant 0 : i32
      %dma_wait3A_990 = arith.constant 0 : i32
      %dma_wait3A_991 = tpu.memref_slice %arg3[%add3A_779, %dma_wait3A_989, %dma_wait3A_990] : memref<256x4x128xi32, #tpu.memory_space<hbm>> -> memref<1x4x128xi32, #tpu.memory_space<hbm>>
      %dma_wait3A_992 = tpu.memref_squeeze %dma_wait3A_991 : memref<1x4x128xi32, #tpu.memory_space<hbm>> -> memref<4x128xi32, #tpu.memory_space<hbm>>
      %dma_wait3A_993 = arith.constant 0 : i32
      %dma_wait3A_994 = arith.constant 0 : i32
      %dma_wait3A_995 = tpu.memref_slice %arg3[%add3A_779, %dma_wait3A_993, %dma_wait3A_994] : memref<256x4x128xi32, #tpu.memory_space<hbm>> -> memref<1x4x128xi32, #tpu.memory_space<hbm>>
      %dma_wait3A_996 = tpu.memref_squeeze %dma_wait3A_995 : memref<1x4x128xi32, #tpu.memory_space<hbm>> -> memref<4x128xi32, #tpu.memory_space<hbm>>
      tpu.wait_dma2 semaphore(%run_scoped3A_980 : memref<!tpu.dma_semaphore, #tpu.memory_space<semaphore_mem>>) src(%dma_wait3A_996 : memref<4x128xi32, #tpu.memory_space<hbm>>) dst(%arg6 : memref<4x128xi32, #tpu.memory_space<vmem>>)
      tpu.yield
    }) : () -> ()
    %dma_wait3A_780 = arith.constant 0 : i32
    %dma_wait3A_781 = arith.constant 0 : i32
    %dma_wait3A_782 = tpu.memref_slice %arg2[%add3A_765, %dma_wait3A_780, %dma_wait3A_781] : memref<256x512x128xf32, #tpu.memory_space<hbm>> -> memref<1x128x128xf32, #tpu.memory_space<hbm>>
    %dma_wait3A_783 = tpu.memref_squeeze %dma_wait3A_782 : memref<1x128x128xf32, #tpu.memory_space<hbm>> -> memref<128x128xf32, #tpu.memory_space<hbm>>
    %dma_wait3A_784 = arith.constant 0 : i32
    %dma_wait3A_785 = arith.constant 0 : i32
    %dma_wait3A_786 = tpu.memref_slice %arg2[%add3A_765, %dma_wait3A_784, %dma_wait3A_785] : memref<256x512x128xf32, #tpu.memory_space<hbm>> -> memref<1x128x128xf32, #tpu.memory_space<hbm>>
    %dma_wait3A_787 = tpu.memref_squeeze %dma_wait3A_786 : memref<1x128x128xf32, #tpu.memory_space<hbm>> -> memref<128x128xf32, #tpu.memory_space<hbm>>
    tpu.wait_dma2 semaphore(%arg10 : memref<!tpu.dma_semaphore, #tpu.memory_space<semaphore_mem>>) src(%dma_wait3A_787 : memref<128x128xf32, #tpu.memory_space<hbm>>) dst(%arg5 : memref<128x128xf32, #tpu.memory_space<vmem>>)
    %dma_wait3A_788 = arith.constant 0 : i32
    %dma_wait3A_789 = arith.constant 0 : i32
    %dma_wait3A_790 = tpu.memref_slice %arg8[%add3A_731, %dma_wait3A_788, %dma_wait3A_789] : memref<32x256x128xf32, #tpu.memory_space<vmem_shared>> -> memref<1x64x128xf32, #tpu.memory_space<vmem_shared>>
    %dma_wait3A_791 = tpu.memref_squeeze %dma_wait3A_790 : memref<1x64x128xf32, #tpu.memory_space<vmem_shared>> -> memref<64x128xf32, #tpu.memory_space<vmem_shared>>
    %dma_wait3A_792 = arith.constant 0 : i32
    %dma_wait3A_793 = arith.constant 0 : i32
    %dma_wait3A_794 = tpu.memref_slice %arg8[%add3A_731, %dma_wait3A_792, %dma_wait3A_793] : memref<32x256x128xf32, #tpu.memory_space<vmem_shared>> -> memref<1x64x128xf32, #tpu.memory_space<vmem_shared>>
    %dma_wait3A_795 = tpu.memref_squeeze %dma_wait3A_794 : memref<1x64x128xf32, #tpu.memory_space<vmem_shared>> -> memref<64x128xf32, #tpu.memory_space<vmem_shared>>
    tpu.wait_dma2 semaphore(%arg9 : memref<!tpu.dma_semaphore, #tpu.memory_space<semaphore_mem>>) src(%arg7 : memref<64x128xf32, #tpu.memory_space<vmem>>) dst(%dma_wait3A_795 : memref<64x128xf32, #tpu.memory_space<vmem_shared>>)
    %dma_wait3A_796 = arith.constant 64 : i32
    %dma_wait3A_797 = arith.constant 0 : i32
    %dma_wait3A_798 = tpu.memref_slice %arg8[%add3A_731, %dma_wait3A_796, %dma_wait3A_797] : memref<32x256x128xf32, #tpu.memory_space<vmem_shared>> -> memref<1x64x128xf32, #tpu.memory_space<vmem_shared>>
    %dma_wait3A_799 = tpu.memref_squeeze %dma_wait3A_798 : memref<1x64x128xf32, #tpu.memory_space<vmem_shared>> -> memref<64x128xf32, #tpu.memory_space<vmem_shared>>
    %dma_wait3A_800 = arith.constant 64 : i32
    %dma_wait3A_801 = arith.constant 0 : i32
    %dma_wait3A_802 = tpu.memref_slice %arg8[%add3A_731, %dma_wait3A_800, %dma_wait3A_801] : memref<32x256x128xf32, #tpu.memory_space<vmem_shared>> -> memref<1x64x128xf32, #tpu.memory_space<vmem_shared>>
    %dma_wait3A_803 = tpu.memref_squeeze %dma_wait3A_802 : memref<1x64x128xf32, #tpu.memory_space<vmem_shared>> -> memref<64x128xf32, #tpu.memory_space<vmem_shared>>
    tpu.wait_dma2 semaphore(%arg9 : memref<!tpu.dma_semaphore, #tpu.memory_space<semaphore_mem>>) src(%arg7 : memref<64x128xf32, #tpu.memory_space<vmem>>) dst(%dma_wait3A_803 : memref<64x128xf32, #tpu.memory_space<vmem_shared>>)
    %dma_wait3A_804 = arith.constant 128 : i32
    %dma_wait3A_805 = arith.constant 0 : i32
    %dma_wait3A_806 = tpu.memref_slice %arg8[%add3A_731, %dma_wait3A_804, %dma_wait3A_805] : memref<32x256x128xf32, #tpu.memory_space<vmem_shared>> -> memref<1x64x128xf32, #tpu.memory_space<vmem_shared>>
    %dma_wait3A_807 = tpu.memref_squeeze %dma_wait3A_806 : memref<1x64x128xf32, #tpu.memory_space<vmem_shared>> -> memref<64x128xf32, #tpu.memory_space<vmem_shared>>
    %dma_wait3A_808 = arith.constant 128 : i32
    %dma_wait3A_809 = arith.constant 0 : i32
    %dma_wait3A_810 = tpu.memref_slice %arg8[%add3A_731, %dma_wait3A_808, %dma_wait3A_809] : memref<32x256x128xf32, #tpu.memory_space<vmem_shared>> -> memref<1x64x128xf32, #tpu.memory_space<vmem_shared>>
    %dma_wait3A_811 = tpu.memref_squeeze %dma_wait3A_810 : memref<1x64x128xf32, #tpu.memory_space<vmem_shared>> -> memref<64x128xf32, #tpu.memory_space<vmem_shared>>
    tpu.wait_dma2 semaphore(%arg9 : memref<!tpu.dma_semaphore, #tpu.memory_space<semaphore_mem>>) src(%arg7 : memref<64x128xf32, #tpu.memory_space<vmem>>) dst(%dma_wait3A_811 : memref<64x128xf32, #tpu.memory_space<vmem_shared>>)
    %dma_wait3A_812 = arith.constant 192 : i32
    %dma_wait3A_813 = arith.constant 0 : i32
    %dma_wait3A_814 = tpu.memref_slice %arg8[%add3A_731, %dma_wait3A_812, %dma_wait3A_813] : memref<32x256x128xf32, #tpu.memory_space<vmem_shared>> -> memref<1x64x128xf32, #tpu.memory_space<vmem_shared>>
    %dma_wait3A_815 = tpu.memref_squeeze %dma_wait3A_814 : memref<1x64x128xf32, #tpu.memory_space<vmem_shared>> -> memref<64x128xf32, #tpu.memory_space<vmem_shared>>
    %dma_wait3A_816 = arith.constant 192 : i32
    %dma_wait3A_817 = arith.constant 0 : i32
    %dma_wait3A_818 = tpu.memref_slice %arg8[%add3A_731, %dma_wait3A_816, %dma_wait3A_817] : memref<32x256x128xf32, #tpu.memory_space<vmem_shared>> -> memref<1x64x128xf32, #tpu.memory_space<vmem_shared>>
    %dma_wait3A_819 = tpu.memref_squeeze %dma_wait3A_818 : memref<1x64x128xf32, #tpu.memory_space<vmem_shared>> -> memref<64x128xf32, #tpu.memory_space<vmem_shared>>
    tpu.wait_dma2 semaphore(%arg9 : memref<!tpu.dma_semaphore, #tpu.memory_space<semaphore_mem>>) src(%arg7 : memref<64x128xf32, #tpu.memory_space<vmem>>) dst(%dma_wait3A_819 : memref<64x128xf32, #tpu.memory_space<vmem_shared>>)
    %run_scoped3A_820 = arith.constant 0 : i32
    "tpu.region"() ({
      %run_scoped3A_980 = tpu.sem_alloc : memref<!tpu.dma_semaphore, #tpu.memory_space<semaphore_mem>>
      %dma_start3A_981 = arith.constant 0 : i32
      %dma_start3A_982 = tpu.memref_slice %arg6[%run_scoped3A_820, %dma_start3A_981] : memref<4x128xi32, #tpu.memory_space<vmem>> -> memref<1x128xi32, #tpu.memory_space<vmem>>
      %dma_start3A_983 = tpu.memref_squeeze %dma_start3A_982 : memref<1x128xi32, #tpu.memory_space<vmem>> -> memref<128xi32, #tpu.memory_space<vmem>>
      %dma_start3A_984 = arith.constant 0 : i32
      %dma_start3A_985 = arith.constant 0 : i32
      %dma_start3A_986 = tpu.memref_slice %arg8[%add3A_777, %dma_start3A_984, %dma_start3A_985] : memref<32x256x128xf32, #tpu.memory_space<vmem_shared>> -> memref<1x256x128xf32, #tpu.memory_space<vmem_shared>>
      %dma_start3A_987 = tpu.memref_squeeze %dma_start3A_986 : memref<1x256x128xf32, #tpu.memory_space<vmem_shared>> -> memref<256x128xf32, #tpu.memory_space<vmem_shared>>
      %dma_start3A_988 = arith.constant 0 : i32
      %dma_start3A_989 = arith.constant 0 : i32
      %dma_start3A_990 = tpu.memref_slice %dma_start3A_987[%dma_start3A_988, %dma_start3A_989] : memref<256x128xf32, #tpu.memory_space<vmem_shared>> -> memref<256x128xf32, #tpu.memory_space<vmem_shared>>
      tpu.enqueue_indirect_dma source(%arg5 : memref<128x128xf32, #tpu.memory_space<vmem>>) target(%dma_start3A_990 : memref<256x128xf32, #tpu.memory_space<vmem_shared>>) offsets(%dma_start3A_983 : memref<128xi32, #tpu.memory_space<vmem>>) semaphore(%run_scoped3A_980 : memref<!tpu.dma_semaphore, #tpu.memory_space<semaphore_mem>>) {add = true}
      %dma_wait3A_991 = arith.constant 0 : i32
      %dma_wait3A_992 = tpu.memref_slice %arg6[%run_scoped3A_820, %dma_wait3A_991] : memref<4x128xi32, #tpu.memory_space<vmem>> -> memref<1x128xi32, #tpu.memory_space<vmem>>
      %dma_wait3A_993 = tpu.memref_squeeze %dma_wait3A_992 : memref<1x128xi32, #tpu.memory_space<vmem>> -> memref<128xi32, #tpu.memory_space<vmem>>
      %dma_wait3A_994 = arith.constant 0 : i32
      %dma_wait3A_995 = arith.constant 0 : i32
      %dma_wait3A_996 = tpu.memref_slice %arg8[%add3A_777, %dma_wait3A_994, %dma_wait3A_995] : memref<32x256x128xf32, #tpu.memory_space<vmem_shared>> -> memref<1x256x128xf32, #tpu.memory_space<vmem_shared>>
      %dma_wait3A_997 = tpu.memref_squeeze %dma_wait3A_996 : memref<1x256x128xf32, #tpu.memory_space<vmem_shared>> -> memref<256x128xf32, #tpu.memory_space<vmem_shared>>
      %dma_wait3A_998 = arith.constant 0 : i32
      %dma_wait3A_999 = arith.constant 0 : i32
      %dma_wait3A_1000 = tpu.memref_slice %dma_wait3A_997[%dma_wait3A_998, %dma_wait3A_999] : memref<256x128xf32, #tpu.memory_space<vmem_shared>> -> memref<256x128xf32, #tpu.memory_space<vmem_shared>>
      tpu.wait_indirect_dma semaphore(%run_scoped3A_980 : memref<!tpu.dma_semaphore, #tpu.memory_space<semaphore_mem>>) src(%arg5 : memref<128x128xf32, #tpu.memory_space<vmem>>) dst(%dma_wait3A_1000 : memref<256x128xf32, #tpu.memory_space<vmem_shared>>)
      tpu.yield
    }) : () -> ()
    %add3A_821 = arith.constant 6 : i32
    %add3A_822 = arith.addi %mul3A_2, %add3A_821 : i32
    "tpu.region"() ({
      %run_scoped3A_980 = tpu.sem_alloc : memref<!tpu.dma_semaphore, #tpu.memory_space<semaphore_mem>>
      %dma_start3A_981 = arith.constant 128 : i32
      %dma_start3A_982 = arith.constant 0 : i32
      %dma_start3A_983 = tpu.memref_slice %arg2[%add3A_822, %dma_start3A_981, %dma_start3A_982] : memref<256x512x128xf32, #tpu.memory_space<hbm>> -> memref<1x128x128xf32, #tpu.memory_space<hbm>>
      %dma_start3A_984 = tpu.memref_squeeze %dma_start3A_983 : memref<1x128x128xf32, #tpu.memory_space<hbm>> -> memref<128x128xf32, #tpu.memory_space<hbm>>
      %dma_start3A_985 = arith.constant 128 : i32
      %dma_start3A_986 = arith.constant 0 : i32
      %dma_start3A_987 = tpu.memref_slice %arg2[%add3A_822, %dma_start3A_985, %dma_start3A_986] : memref<256x512x128xf32, #tpu.memory_space<hbm>> -> memref<1x128x128xf32, #tpu.memory_space<hbm>>
      %dma_start3A_988 = tpu.memref_squeeze %dma_start3A_987 : memref<1x128x128xf32, #tpu.memory_space<hbm>> -> memref<128x128xf32, #tpu.memory_space<hbm>>
      tpu.enqueue_dma source(%dma_start3A_988 : memref<128x128xf32, #tpu.memory_space<hbm>>) target(%arg5 : memref<128x128xf32, #tpu.memory_space<vmem>>) target_semaphore(%run_scoped3A_980 : memref<!tpu.dma_semaphore, #tpu.memory_space<semaphore_mem>>)
      %dma_wait3A_989 = arith.constant 128 : i32
      %dma_wait3A_990 = arith.constant 0 : i32
      %dma_wait3A_991 = tpu.memref_slice %arg2[%add3A_822, %dma_wait3A_989, %dma_wait3A_990] : memref<256x512x128xf32, #tpu.memory_space<hbm>> -> memref<1x128x128xf32, #tpu.memory_space<hbm>>
      %dma_wait3A_992 = tpu.memref_squeeze %dma_wait3A_991 : memref<1x128x128xf32, #tpu.memory_space<hbm>> -> memref<128x128xf32, #tpu.memory_space<hbm>>
      %dma_wait3A_993 = arith.constant 128 : i32
      %dma_wait3A_994 = arith.constant 0 : i32
      %dma_wait3A_995 = tpu.memref_slice %arg2[%add3A_822, %dma_wait3A_993, %dma_wait3A_994] : memref<256x512x128xf32, #tpu.memory_space<hbm>> -> memref<1x128x128xf32, #tpu.memory_space<hbm>>
      %dma_wait3A_996 = tpu.memref_squeeze %dma_wait3A_995 : memref<1x128x128xf32, #tpu.memory_space<hbm>> -> memref<128x128xf32, #tpu.memory_space<hbm>>
      tpu.wait_dma2 semaphore(%run_scoped3A_980 : memref<!tpu.dma_semaphore, #tpu.memory_space<semaphore_mem>>) src(%dma_wait3A_996 : memref<128x128xf32, #tpu.memory_space<hbm>>) dst(%arg5 : memref<128x128xf32, #tpu.memory_space<vmem>>)
      tpu.yield
    }) : () -> ()
    %run_scoped3A_823 = arith.constant 1 : i32
    "tpu.region"() ({
      %run_scoped3A_980 = tpu.sem_alloc : memref<!tpu.dma_semaphore, #tpu.memory_space<semaphore_mem>>
      %dma_start3A_981 = arith.constant 0 : i32
      %dma_start3A_982 = tpu.memref_slice %arg6[%run_scoped3A_823, %dma_start3A_981] : memref<4x128xi32, #tpu.memory_space<vmem>> -> memref<1x128xi32, #tpu.memory_space<vmem>>
      %dma_start3A_983 = tpu.memref_squeeze %dma_start3A_982 : memref<1x128xi32, #tpu.memory_space<vmem>> -> memref<128xi32, #tpu.memory_space<vmem>>
      %dma_start3A_984 = arith.constant 0 : i32
      %dma_start3A_985 = arith.constant 0 : i32
      %dma_start3A_986 = tpu.memref_slice %arg8[%add3A_777, %dma_start3A_984, %dma_start3A_985] : memref<32x256x128xf32, #tpu.memory_space<vmem_shared>> -> memref<1x256x128xf32, #tpu.memory_space<vmem_shared>>
      %dma_start3A_987 = tpu.memref_squeeze %dma_start3A_986 : memref<1x256x128xf32, #tpu.memory_space<vmem_shared>> -> memref<256x128xf32, #tpu.memory_space<vmem_shared>>
      %dma_start3A_988 = arith.constant 0 : i32
      %dma_start3A_989 = arith.constant 0 : i32
      %dma_start3A_990 = tpu.memref_slice %dma_start3A_987[%dma_start3A_988, %dma_start3A_989] : memref<256x128xf32, #tpu.memory_space<vmem_shared>> -> memref<256x128xf32, #tpu.memory_space<vmem_shared>>
      tpu.enqueue_indirect_dma source(%arg5 : memref<128x128xf32, #tpu.memory_space<vmem>>) target(%dma_start3A_990 : memref<256x128xf32, #tpu.memory_space<vmem_shared>>) offsets(%dma_start3A_983 : memref<128xi32, #tpu.memory_space<vmem>>) semaphore(%run_scoped3A_980 : memref<!tpu.dma_semaphore, #tpu.memory_space<semaphore_mem>>) {add = true}
      %dma_wait3A_991 = arith.constant 0 : i32
      %dma_wait3A_992 = tpu.memref_slice %arg6[%run_scoped3A_823, %dma_wait3A_991] : memref<4x128xi32, #tpu.memory_space<vmem>> -> memref<1x128xi32, #tpu.memory_space<vmem>>
      %dma_wait3A_993 = tpu.memref_squeeze %dma_wait3A_992 : memref<1x128xi32, #tpu.memory_space<vmem>> -> memref<128xi32, #tpu.memory_space<vmem>>
      %dma_wait3A_994 = arith.constant 0 : i32
      %dma_wait3A_995 = arith.constant 0 : i32
      %dma_wait3A_996 = tpu.memref_slice %arg8[%add3A_777, %dma_wait3A_994, %dma_wait3A_995] : memref<32x256x128xf32, #tpu.memory_space<vmem_shared>> -> memref<1x256x128xf32, #tpu.memory_space<vmem_shared>>
      %dma_wait3A_997 = tpu.memref_squeeze %dma_wait3A_996 : memref<1x256x128xf32, #tpu.memory_space<vmem_shared>> -> memref<256x128xf32, #tpu.memory_space<vmem_shared>>
      %dma_wait3A_998 = arith.constant 0 : i32
      %dma_wait3A_999 = arith.constant 0 : i32
      %dma_wait3A_1000 = tpu.memref_slice %dma_wait3A_997[%dma_wait3A_998, %dma_wait3A_999] : memref<256x128xf32, #tpu.memory_space<vmem_shared>> -> memref<256x128xf32, #tpu.memory_space<vmem_shared>>
      tpu.wait_indirect_dma semaphore(%run_scoped3A_980 : memref<!tpu.dma_semaphore, #tpu.memory_space<semaphore_mem>>) src(%arg5 : memref<128x128xf32, #tpu.memory_space<vmem>>) dst(%dma_wait3A_1000 : memref<256x128xf32, #tpu.memory_space<vmem_shared>>)
      tpu.yield
    }) : () -> ()
    %add3A_824 = arith.constant 6 : i32
    %add3A_825 = arith.addi %mul3A_2, %add3A_824 : i32
    "tpu.region"() ({
      %run_scoped3A_980 = tpu.sem_alloc : memref<!tpu.dma_semaphore, #tpu.memory_space<semaphore_mem>>
      %dma_start3A_981 = arith.constant 256 : i32
      %dma_start3A_982 = arith.constant 0 : i32
      %dma_start3A_983 = tpu.memref_slice %arg2[%add3A_825, %dma_start3A_981, %dma_start3A_982] : memref<256x512x128xf32, #tpu.memory_space<hbm>> -> memref<1x128x128xf32, #tpu.memory_space<hbm>>
      %dma_start3A_984 = tpu.memref_squeeze %dma_start3A_983 : memref<1x128x128xf32, #tpu.memory_space<hbm>> -> memref<128x128xf32, #tpu.memory_space<hbm>>
      %dma_start3A_985 = arith.constant 256 : i32
      %dma_start3A_986 = arith.constant 0 : i32
      %dma_start3A_987 = tpu.memref_slice %arg2[%add3A_825, %dma_start3A_985, %dma_start3A_986] : memref<256x512x128xf32, #tpu.memory_space<hbm>> -> memref<1x128x128xf32, #tpu.memory_space<hbm>>
      %dma_start3A_988 = tpu.memref_squeeze %dma_start3A_987 : memref<1x128x128xf32, #tpu.memory_space<hbm>> -> memref<128x128xf32, #tpu.memory_space<hbm>>
      tpu.enqueue_dma source(%dma_start3A_988 : memref<128x128xf32, #tpu.memory_space<hbm>>) target(%arg5 : memref<128x128xf32, #tpu.memory_space<vmem>>) target_semaphore(%run_scoped3A_980 : memref<!tpu.dma_semaphore, #tpu.memory_space<semaphore_mem>>)
      %dma_wait3A_989 = arith.constant 256 : i32
      %dma_wait3A_990 = arith.constant 0 : i32
      %dma_wait3A_991 = tpu.memref_slice %arg2[%add3A_825, %dma_wait3A_989, %dma_wait3A_990] : memref<256x512x128xf32, #tpu.memory_space<hbm>> -> memref<1x128x128xf32, #tpu.memory_space<hbm>>
      %dma_wait3A_992 = tpu.memref_squeeze %dma_wait3A_991 : memref<1x128x128xf32, #tpu.memory_space<hbm>> -> memref<128x128xf32, #tpu.memory_space<hbm>>
      %dma_wait3A_993 = arith.constant 256 : i32
      %dma_wait3A_994 = arith.constant 0 : i32
      %dma_wait3A_995 = tpu.memref_slice %arg2[%add3A_825, %dma_wait3A_993, %dma_wait3A_994] : memref<256x512x128xf32, #tpu.memory_space<hbm>> -> memref<1x128x128xf32, #tpu.memory_space<hbm>>
      %dma_wait3A_996 = tpu.memref_squeeze %dma_wait3A_995 : memref<1x128x128xf32, #tpu.memory_space<hbm>> -> memref<128x128xf32, #tpu.memory_space<hbm>>
      tpu.wait_dma2 semaphore(%run_scoped3A_980 : memref<!tpu.dma_semaphore, #tpu.memory_space<semaphore_mem>>) src(%dma_wait3A_996 : memref<128x128xf32, #tpu.memory_space<hbm>>) dst(%arg5 : memref<128x128xf32, #tpu.memory_space<vmem>>)
      tpu.yield
    }) : () -> ()
    %run_scoped3A_826 = arith.constant 2 : i32
    "tpu.region"() ({
      %run_scoped3A_980 = tpu.sem_alloc : memref<!tpu.dma_semaphore, #tpu.memory_space<semaphore_mem>>
      %dma_start3A_981 = arith.constant 0 : i32
      %dma_start3A_982 = tpu.memref_slice %arg6[%run_scoped3A_826, %dma_start3A_981] : memref<4x128xi32, #tpu.memory_space<vmem>> -> memref<1x128xi32, #tpu.memory_space<vmem>>
      %dma_start3A_983 = tpu.memref_squeeze %dma_start3A_982 : memref<1x128xi32, #tpu.memory_space<vmem>> -> memref<128xi32, #tpu.memory_space<vmem>>
      %dma_start3A_984 = arith.constant 0 : i32
      %dma_start3A_985 = arith.constant 0 : i32
      %dma_start3A_986 = tpu.memref_slice %arg8[%add3A_777, %dma_start3A_984, %dma_start3A_985] : memref<32x256x128xf32, #tpu.memory_space<vmem_shared>> -> memref<1x256x128xf32, #tpu.memory_space<vmem_shared>>
      %dma_start3A_987 = tpu.memref_squeeze %dma_start3A_986 : memref<1x256x128xf32, #tpu.memory_space<vmem_shared>> -> memref<256x128xf32, #tpu.memory_space<vmem_shared>>
      %dma_start3A_988 = arith.constant 0 : i32
      %dma_start3A_989 = arith.constant 0 : i32
      %dma_start3A_990 = tpu.memref_slice %dma_start3A_987[%dma_start3A_988, %dma_start3A_989] : memref<256x128xf32, #tpu.memory_space<vmem_shared>> -> memref<256x128xf32, #tpu.memory_space<vmem_shared>>
      tpu.enqueue_indirect_dma source(%arg5 : memref<128x128xf32, #tpu.memory_space<vmem>>) target(%dma_start3A_990 : memref<256x128xf32, #tpu.memory_space<vmem_shared>>) offsets(%dma_start3A_983 : memref<128xi32, #tpu.memory_space<vmem>>) semaphore(%run_scoped3A_980 : memref<!tpu.dma_semaphore, #tpu.memory_space<semaphore_mem>>) {add = true}
      %dma_wait3A_991 = arith.constant 0 : i32
      %dma_wait3A_992 = tpu.memref_slice %arg6[%run_scoped3A_826, %dma_wait3A_991] : memref<4x128xi32, #tpu.memory_space<vmem>> -> memref<1x128xi32, #tpu.memory_space<vmem>>
      %dma_wait3A_993 = tpu.memref_squeeze %dma_wait3A_992 : memref<1x128xi32, #tpu.memory_space<vmem>> -> memref<128xi32, #tpu.memory_space<vmem>>
      %dma_wait3A_994 = arith.constant 0 : i32
      %dma_wait3A_995 = arith.constant 0 : i32
      %dma_wait3A_996 = tpu.memref_slice %arg8[%add3A_777, %dma_wait3A_994, %dma_wait3A_995] : memref<32x256x128xf32, #tpu.memory_space<vmem_shared>> -> memref<1x256x128xf32, #tpu.memory_space<vmem_shared>>
      %dma_wait3A_997 = tpu.memref_squeeze %dma_wait3A_996 : memref<1x256x128xf32, #tpu.memory_space<vmem_shared>> -> memref<256x128xf32, #tpu.memory_space<vmem_shared>>
      %dma_wait3A_998 = arith.constant 0 : i32
      %dma_wait3A_999 = arith.constant 0 : i32
      %dma_wait3A_1000 = tpu.memref_slice %dma_wait3A_997[%dma_wait3A_998, %dma_wait3A_999] : memref<256x128xf32, #tpu.memory_space<vmem_shared>> -> memref<256x128xf32, #tpu.memory_space<vmem_shared>>
      tpu.wait_indirect_dma semaphore(%run_scoped3A_980 : memref<!tpu.dma_semaphore, #tpu.memory_space<semaphore_mem>>) src(%arg5 : memref<128x128xf32, #tpu.memory_space<vmem>>) dst(%dma_wait3A_1000 : memref<256x128xf32, #tpu.memory_space<vmem_shared>>)
      tpu.yield
    }) : () -> ()
    %add3A_827 = arith.constant 6 : i32
    %add3A_828 = arith.addi %mul3A_2, %add3A_827 : i32
    "tpu.region"() ({
      %run_scoped3A_980 = tpu.sem_alloc : memref<!tpu.dma_semaphore, #tpu.memory_space<semaphore_mem>>
      %dma_start3A_981 = arith.constant 384 : i32
      %dma_start3A_982 = arith.constant 0 : i32
      %dma_start3A_983 = tpu.memref_slice %arg2[%add3A_828, %dma_start3A_981, %dma_start3A_982] : memref<256x512x128xf32, #tpu.memory_space<hbm>> -> memref<1x128x128xf32, #tpu.memory_space<hbm>>
      %dma_start3A_984 = tpu.memref_squeeze %dma_start3A_983 : memref<1x128x128xf32, #tpu.memory_space<hbm>> -> memref<128x128xf32, #tpu.memory_space<hbm>>
      %dma_start3A_985 = arith.constant 384 : i32
      %dma_start3A_986 = arith.constant 0 : i32
      %dma_start3A_987 = tpu.memref_slice %arg2[%add3A_828, %dma_start3A_985, %dma_start3A_986] : memref<256x512x128xf32, #tpu.memory_space<hbm>> -> memref<1x128x128xf32, #tpu.memory_space<hbm>>
      %dma_start3A_988 = tpu.memref_squeeze %dma_start3A_987 : memref<1x128x128xf32, #tpu.memory_space<hbm>> -> memref<128x128xf32, #tpu.memory_space<hbm>>
      tpu.enqueue_dma source(%dma_start3A_988 : memref<128x128xf32, #tpu.memory_space<hbm>>) target(%arg5 : memref<128x128xf32, #tpu.memory_space<vmem>>) target_semaphore(%run_scoped3A_980 : memref<!tpu.dma_semaphore, #tpu.memory_space<semaphore_mem>>)
      %dma_wait3A_989 = arith.constant 384 : i32
      %dma_wait3A_990 = arith.constant 0 : i32
      %dma_wait3A_991 = tpu.memref_slice %arg2[%add3A_828, %dma_wait3A_989, %dma_wait3A_990] : memref<256x512x128xf32, #tpu.memory_space<hbm>> -> memref<1x128x128xf32, #tpu.memory_space<hbm>>
      %dma_wait3A_992 = tpu.memref_squeeze %dma_wait3A_991 : memref<1x128x128xf32, #tpu.memory_space<hbm>> -> memref<128x128xf32, #tpu.memory_space<hbm>>
      %dma_wait3A_993 = arith.constant 384 : i32
      %dma_wait3A_994 = arith.constant 0 : i32
      %dma_wait3A_995 = tpu.memref_slice %arg2[%add3A_828, %dma_wait3A_993, %dma_wait3A_994] : memref<256x512x128xf32, #tpu.memory_space<hbm>> -> memref<1x128x128xf32, #tpu.memory_space<hbm>>
      %dma_wait3A_996 = tpu.memref_squeeze %dma_wait3A_995 : memref<1x128x128xf32, #tpu.memory_space<hbm>> -> memref<128x128xf32, #tpu.memory_space<hbm>>
      tpu.wait_dma2 semaphore(%run_scoped3A_980 : memref<!tpu.dma_semaphore, #tpu.memory_space<semaphore_mem>>) src(%dma_wait3A_996 : memref<128x128xf32, #tpu.memory_space<hbm>>) dst(%arg5 : memref<128x128xf32, #tpu.memory_space<vmem>>)
      tpu.yield
    }) : () -> ()
    %run_scoped3A_829 = arith.constant 3 : i32
    "tpu.region"() ({
      %run_scoped3A_980 = tpu.sem_alloc : memref<!tpu.dma_semaphore, #tpu.memory_space<semaphore_mem>>
      %dma_start3A_981 = arith.constant 0 : i32
      %dma_start3A_982 = tpu.memref_slice %arg6[%run_scoped3A_829, %dma_start3A_981] : memref<4x128xi32, #tpu.memory_space<vmem>> -> memref<1x128xi32, #tpu.memory_space<vmem>>
      %dma_start3A_983 = tpu.memref_squeeze %dma_start3A_982 : memref<1x128xi32, #tpu.memory_space<vmem>> -> memref<128xi32, #tpu.memory_space<vmem>>
      %dma_start3A_984 = arith.constant 0 : i32
      %dma_start3A_985 = arith.constant 0 : i32
      %dma_start3A_986 = tpu.memref_slice %arg8[%add3A_777, %dma_start3A_984, %dma_start3A_985] : memref<32x256x128xf32, #tpu.memory_space<vmem_shared>> -> memref<1x256x128xf32, #tpu.memory_space<vmem_shared>>
      %dma_start3A_987 = tpu.memref_squeeze %dma_start3A_986 : memref<1x256x128xf32, #tpu.memory_space<vmem_shared>> -> memref<256x128xf32, #tpu.memory_space<vmem_shared>>
      %dma_start3A_988 = arith.constant 0 : i32
      %dma_start3A_989 = arith.constant 0 : i32
      %dma_start3A_990 = tpu.memref_slice %dma_start3A_987[%dma_start3A_988, %dma_start3A_989] : memref<256x128xf32, #tpu.memory_space<vmem_shared>> -> memref<256x128xf32, #tpu.memory_space<vmem_shared>>
      tpu.enqueue_indirect_dma source(%arg5 : memref<128x128xf32, #tpu.memory_space<vmem>>) target(%dma_start3A_990 : memref<256x128xf32, #tpu.memory_space<vmem_shared>>) offsets(%dma_start3A_983 : memref<128xi32, #tpu.memory_space<vmem>>) semaphore(%run_scoped3A_980 : memref<!tpu.dma_semaphore, #tpu.memory_space<semaphore_mem>>) {add = true}
      %dma_wait3A_991 = arith.constant 0 : i32
      %dma_wait3A_992 = tpu.memref_slice %arg6[%run_scoped3A_829, %dma_wait3A_991] : memref<4x128xi32, #tpu.memory_space<vmem>> -> memref<1x128xi32, #tpu.memory_space<vmem>>
      %dma_wait3A_993 = tpu.memref_squeeze %dma_wait3A_992 : memref<1x128xi32, #tpu.memory_space<vmem>> -> memref<128xi32, #tpu.memory_space<vmem>>
      %dma_wait3A_994 = arith.constant 0 : i32
      %dma_wait3A_995 = arith.constant 0 : i32
      %dma_wait3A_996 = tpu.memref_slice %arg8[%add3A_777, %dma_wait3A_994, %dma_wait3A_995] : memref<32x256x128xf32, #tpu.memory_space<vmem_shared>> -> memref<1x256x128xf32, #tpu.memory_space<vmem_shared>>
      %dma_wait3A_997 = tpu.memref_squeeze %dma_wait3A_996 : memref<1x256x128xf32, #tpu.memory_space<vmem_shared>> -> memref<256x128xf32, #tpu.memory_space<vmem_shared>>
      %dma_wait3A_998 = arith.constant 0 : i32
      %dma_wait3A_999 = arith.constant 0 : i32
      %dma_wait3A_1000 = tpu.memref_slice %dma_wait3A_997[%dma_wait3A_998, %dma_wait3A_999] : memref<256x128xf32, #tpu.memory_space<vmem_shared>> -> memref<256x128xf32, #tpu.memory_space<vmem_shared>>
      tpu.wait_indirect_dma semaphore(%run_scoped3A_980 : memref<!tpu.dma_semaphore, #tpu.memory_space<semaphore_mem>>) src(%arg5 : memref<128x128xf32, #tpu.memory_space<vmem>>) dst(%dma_wait3A_1000 : memref<256x128xf32, #tpu.memory_space<vmem_shared>>)
      tpu.yield
    }) : () -> ()
    %run_scoped3A_830 = arith.constant 0 : i32
    %run_scoped3A_831 = arith.constant 0 : i32
    "tpu.region"() ({
      %run_scoped3A_980 = tpu.sem_alloc : memref<!tpu.dma_semaphore, #tpu.memory_space<semaphore_mem>>
      %dma_start3A_981 = arith.constant 0 : i32
      %dma_start3A_982 = tpu.memref_slice %arg7[%run_scoped3A_830, %dma_start3A_981] : memref<64x128xf32, #tpu.memory_space<vmem>> -> memref<1x128xf32, #tpu.memory_space<vmem>>
      %dma_start3A_983 = tpu.memref_squeeze %dma_start3A_982 : memref<1x128xf32, #tpu.memory_space<vmem>> -> memref<128xf32, #tpu.memory_space<vmem>>
      %dma_start3A_984 = arith.constant 0 : i32
      %dma_start3A_985 = tpu.memref_slice %arg8[%add3A_777, %run_scoped3A_831, %dma_start3A_984] : memref<32x256x128xf32, #tpu.memory_space<vmem_shared>> -> memref<1x1x128xf32, #tpu.memory_space<vmem_shared>>
      %dma_start3A_986 = tpu.memref_squeeze %dma_start3A_985 : memref<1x1x128xf32, #tpu.memory_space<vmem_shared>> -> memref<128xf32, #tpu.memory_space<vmem_shared>>
      %dma_start3A_987 = arith.constant 0 : i32
      %dma_start3A_988 = tpu.memref_slice %arg8[%add3A_777, %run_scoped3A_831, %dma_start3A_987] : memref<32x256x128xf32, #tpu.memory_space<vmem_shared>> -> memref<1x1x128xf32, #tpu.memory_space<vmem_shared>>
      %dma_start3A_989 = tpu.memref_squeeze %dma_start3A_988 : memref<1x1x128xf32, #tpu.memory_space<vmem_shared>> -> memref<128xf32, #tpu.memory_space<vmem_shared>>
      %dma_start3A_990 = arith.constant 0 : i32
      %dma_start3A_991 = tpu.memref_slice %arg7[%run_scoped3A_830, %dma_start3A_990] : memref<64x128xf32, #tpu.memory_space<vmem>> -> memref<1x128xf32, #tpu.memory_space<vmem>>
      %dma_start3A_992 = tpu.memref_squeeze %dma_start3A_991 : memref<1x128xf32, #tpu.memory_space<vmem>> -> memref<128xf32, #tpu.memory_space<vmem>>
      tpu.enqueue_dma source(%dma_start3A_992 : memref<128xf32, #tpu.memory_space<vmem>>) target(%dma_start3A_989 : memref<128xf32, #tpu.memory_space<vmem_shared>>) target_semaphore(%run_scoped3A_980 : memref<!tpu.dma_semaphore, #tpu.memory_space<semaphore_mem>>)
      %dma_wait3A_993 = arith.constant 0 : i32
      %dma_wait3A_994 = tpu.memref_slice %arg7[%run_scoped3A_830, %dma_wait3A_993] : memref<64x128xf32, #tpu.memory_space<vmem>> -> memref<1x128xf32, #tpu.memory_space<vmem>>
      %dma_wait3A_995 = tpu.memref_squeeze %dma_wait3A_994 : memref<1x128xf32, #tpu.memory_space<vmem>> -> memref<128xf32, #tpu.memory_space<vmem>>
      %dma_wait3A_996 = arith.constant 0 : i32
      %dma_wait3A_997 = tpu.memref_slice %arg8[%add3A_777, %run_scoped3A_831, %dma_wait3A_996] : memref<32x256x128xf32, #tpu.memory_space<vmem_shared>> -> memref<1x1x128xf32, #tpu.memory_space<vmem_shared>>
      %dma_wait3A_998 = tpu.memref_squeeze %dma_wait3A_997 : memref<1x1x128xf32, #tpu.memory_space<vmem_shared>> -> memref<128xf32, #tpu.memory_space<vmem_shared>>
      %dma_wait3A_999 = arith.constant 0 : i32
      %dma_wait3A_1000 = tpu.memref_slice %arg8[%add3A_777, %run_scoped3A_831, %dma_wait3A_999] : memref<32x256x128xf32, #tpu.memory_space<vmem_shared>> -> memref<1x1x128xf32, #tpu.memory_space<vmem_shared>>
      %dma_wait3A_1001 = tpu.memref_squeeze %dma_wait3A_1000 : memref<1x1x128xf32, #tpu.memory_space<vmem_shared>> -> memref<128xf32, #tpu.memory_space<vmem_shared>>
      %dma_wait3A_1002 = arith.constant 0 : i32
      %dma_wait3A_1003 = tpu.memref_slice %arg7[%run_scoped3A_830, %dma_wait3A_1002] : memref<64x128xf32, #tpu.memory_space<vmem>> -> memref<1x128xf32, #tpu.memory_space<vmem>>
      %dma_wait3A_1004 = tpu.memref_squeeze %dma_wait3A_1003 : memref<1x128xf32, #tpu.memory_space<vmem>> -> memref<128xf32, #tpu.memory_space<vmem>>
      tpu.wait_dma2 semaphore(%run_scoped3A_980 : memref<!tpu.dma_semaphore, #tpu.memory_space<semaphore_mem>>) src(%dma_wait3A_1004 : memref<128xf32, #tpu.memory_space<vmem>>) dst(%dma_wait3A_1001 : memref<128xf32, #tpu.memory_space<vmem_shared>>)
      tpu.yield
    }) : () -> ()
    %add3A_832 = arith.constant 6 : i32
    %add3A_833 = arith.addi %mul3A_2, %add3A_832 : i32
    %dma_start3A_834 = arith.constant 0 : i32
    %dma_start3A_835 = arith.constant 0 : i32
    %dma_start3A_836 = tpu.memref_slice %arg4[%add3A_833, %dma_start3A_834, %dma_start3A_835] : memref<256x256x128xf32, #tpu.memory_space<hbm>> -> memref<1x256x128xf32, #tpu.memory_space<hbm>>
    %dma_start3A_837 = tpu.memref_squeeze %dma_start3A_836 : memref<1x256x128xf32, #tpu.memory_space<hbm>> -> memref<256x128xf32, #tpu.memory_space<hbm>>
    %dma_start3A_838 = arith.constant 0 : i32
    %dma_start3A_839 = arith.constant 0 : i32
    %dma_start3A_840 = tpu.memref_slice %arg8[%add3A_777, %dma_start3A_838, %dma_start3A_839] : memref<32x256x128xf32, #tpu.memory_space<vmem_shared>> -> memref<1x256x128xf32, #tpu.memory_space<vmem_shared>>
    %dma_start3A_841 = tpu.memref_squeeze %dma_start3A_840 : memref<1x256x128xf32, #tpu.memory_space<vmem_shared>> -> memref<256x128xf32, #tpu.memory_space<vmem_shared>>
    tpu.enqueue_dma source(%dma_start3A_841 : memref<256x128xf32, #tpu.memory_space<vmem_shared>>) target(%dma_start3A_837 : memref<256x128xf32, #tpu.memory_space<hbm>>) target_semaphore(%arg11 : memref<!tpu.dma_semaphore, #tpu.memory_space<semaphore_mem>>)
    %dma_wait3A_842 = arith.constant 0 : i32
    %dma_wait3A_843 = arith.constant 0 : i32
    %dma_wait3A_844 = tpu.memref_slice %arg4[%add3A_711, %dma_wait3A_842, %dma_wait3A_843] : memref<256x256x128xf32, #tpu.memory_space<hbm>> -> memref<1x256x128xf32, #tpu.memory_space<hbm>>
    %dma_wait3A_845 = tpu.memref_squeeze %dma_wait3A_844 : memref<1x256x128xf32, #tpu.memory_space<hbm>> -> memref<256x128xf32, #tpu.memory_space<hbm>>
    %dma_wait3A_846 = arith.constant 0 : i32
    %dma_wait3A_847 = arith.constant 0 : i32
    %dma_wait3A_848 = tpu.memref_slice %arg8[%add3A_655, %dma_wait3A_846, %dma_wait3A_847] : memref<32x256x128xf32, #tpu.memory_space<vmem_shared>> -> memref<1x256x128xf32, #tpu.memory_space<vmem_shared>>
    %dma_wait3A_849 = tpu.memref_squeeze %dma_wait3A_848 : memref<1x256x128xf32, #tpu.memory_space<vmem_shared>> -> memref<256x128xf32, #tpu.memory_space<vmem_shared>>
    tpu.wait_dma2 semaphore(%arg12 : memref<!tpu.dma_semaphore, #tpu.memory_space<semaphore_mem>>) src(%dma_wait3A_849 : memref<256x128xf32, #tpu.memory_space<vmem_shared>>) dst(%dma_wait3A_845 : memref<256x128xf32, #tpu.memory_space<hbm>>)
    %mul3A_850 = arith.constant 2 : i32
    %mul3A_851 = arith.muli %arg1, %mul3A_850 : i32
    %add3A_852 = arith.constant 1 : i32
    %add3A_853 = arith.addi %mul3A_851, %add3A_852 : i32
    %dma_start3A_854 = arith.constant 0 : i32
    %dma_start3A_855 = arith.constant 0 : i32
    %dma_start3A_856 = tpu.memref_slice %arg8[%add3A_853, %dma_start3A_854, %dma_start3A_855] : memref<32x256x128xf32, #tpu.memory_space<vmem_shared>> -> memref<1x64x128xf32, #tpu.memory_space<vmem_shared>>
    %dma_start3A_857 = tpu.memref_squeeze %dma_start3A_856 : memref<1x64x128xf32, #tpu.memory_space<vmem_shared>> -> memref<64x128xf32, #tpu.memory_space<vmem_shared>>
    %dma_start3A_858 = arith.constant 0 : i32
    %dma_start3A_859 = arith.constant 0 : i32
    %dma_start3A_860 = tpu.memref_slice %arg8[%add3A_853, %dma_start3A_858, %dma_start3A_859] : memref<32x256x128xf32, #tpu.memory_space<vmem_shared>> -> memref<1x64x128xf32, #tpu.memory_space<vmem_shared>>
    %dma_start3A_861 = tpu.memref_squeeze %dma_start3A_860 : memref<1x64x128xf32, #tpu.memory_space<vmem_shared>> -> memref<64x128xf32, #tpu.memory_space<vmem_shared>>
    tpu.enqueue_dma source(%arg7 : memref<64x128xf32, #tpu.memory_space<vmem>>) target(%dma_start3A_861 : memref<64x128xf32, #tpu.memory_space<vmem_shared>>) target_semaphore(%arg9 : memref<!tpu.dma_semaphore, #tpu.memory_space<semaphore_mem>>)
    %dma_start3A_862 = arith.constant 64 : i32
    %dma_start3A_863 = arith.constant 0 : i32
    %dma_start3A_864 = tpu.memref_slice %arg8[%add3A_853, %dma_start3A_862, %dma_start3A_863] : memref<32x256x128xf32, #tpu.memory_space<vmem_shared>> -> memref<1x64x128xf32, #tpu.memory_space<vmem_shared>>
    %dma_start3A_865 = tpu.memref_squeeze %dma_start3A_864 : memref<1x64x128xf32, #tpu.memory_space<vmem_shared>> -> memref<64x128xf32, #tpu.memory_space<vmem_shared>>
    %dma_start3A_866 = arith.constant 64 : i32
    %dma_start3A_867 = arith.constant 0 : i32
    %dma_start3A_868 = tpu.memref_slice %arg8[%add3A_853, %dma_start3A_866, %dma_start3A_867] : memref<32x256x128xf32, #tpu.memory_space<vmem_shared>> -> memref<1x64x128xf32, #tpu.memory_space<vmem_shared>>
    %dma_start3A_869 = tpu.memref_squeeze %dma_start3A_868 : memref<1x64x128xf32, #tpu.memory_space<vmem_shared>> -> memref<64x128xf32, #tpu.memory_space<vmem_shared>>
    tpu.enqueue_dma source(%arg7 : memref<64x128xf32, #tpu.memory_space<vmem>>) target(%dma_start3A_869 : memref<64x128xf32, #tpu.memory_space<vmem_shared>>) target_semaphore(%arg9 : memref<!tpu.dma_semaphore, #tpu.memory_space<semaphore_mem>>)
    %dma_start3A_870 = arith.constant 128 : i32
    %dma_start3A_871 = arith.constant 0 : i32
    %dma_start3A_872 = tpu.memref_slice %arg8[%add3A_853, %dma_start3A_870, %dma_start3A_871] : memref<32x256x128xf32, #tpu.memory_space<vmem_shared>> -> memref<1x64x128xf32, #tpu.memory_space<vmem_shared>>
    %dma_start3A_873 = tpu.memref_squeeze %dma_start3A_872 : memref<1x64x128xf32, #tpu.memory_space<vmem_shared>> -> memref<64x128xf32, #tpu.memory_space<vmem_shared>>
    %dma_start3A_874 = arith.constant 128 : i32
    %dma_start3A_875 = arith.constant 0 : i32
    %dma_start3A_876 = tpu.memref_slice %arg8[%add3A_853, %dma_start3A_874, %dma_start3A_875] : memref<32x256x128xf32, #tpu.memory_space<vmem_shared>> -> memref<1x64x128xf32, #tpu.memory_space<vmem_shared>>
    %dma_start3A_877 = tpu.memref_squeeze %dma_start3A_876 : memref<1x64x128xf32, #tpu.memory_space<vmem_shared>> -> memref<64x128xf32, #tpu.memory_space<vmem_shared>>
    tpu.enqueue_dma source(%arg7 : memref<64x128xf32, #tpu.memory_space<vmem>>) target(%dma_start3A_877 : memref<64x128xf32, #tpu.memory_space<vmem_shared>>) target_semaphore(%arg9 : memref<!tpu.dma_semaphore, #tpu.memory_space<semaphore_mem>>)
    %dma_start3A_878 = arith.constant 192 : i32
    %dma_start3A_879 = arith.constant 0 : i32
    %dma_start3A_880 = tpu.memref_slice %arg8[%add3A_853, %dma_start3A_878, %dma_start3A_879] : memref<32x256x128xf32, #tpu.memory_space<vmem_shared>> -> memref<1x64x128xf32, #tpu.memory_space<vmem_shared>>
    %dma_start3A_881 = tpu.memref_squeeze %dma_start3A_880 : memref<1x64x128xf32, #tpu.memory_space<vmem_shared>> -> memref<64x128xf32, #tpu.memory_space<vmem_shared>>
    %dma_start3A_882 = arith.constant 192 : i32
    %dma_start3A_883 = arith.constant 0 : i32
    %dma_start3A_884 = tpu.memref_slice %arg8[%add3A_853, %dma_start3A_882, %dma_start3A_883] : memref<32x256x128xf32, #tpu.memory_space<vmem_shared>> -> memref<1x64x128xf32, #tpu.memory_space<vmem_shared>>
    %dma_start3A_885 = tpu.memref_squeeze %dma_start3A_884 : memref<1x64x128xf32, #tpu.memory_space<vmem_shared>> -> memref<64x128xf32, #tpu.memory_space<vmem_shared>>
    tpu.enqueue_dma source(%arg7 : memref<64x128xf32, #tpu.memory_space<vmem>>) target(%dma_start3A_885 : memref<64x128xf32, #tpu.memory_space<vmem_shared>>) target_semaphore(%arg9 : memref<!tpu.dma_semaphore, #tpu.memory_space<semaphore_mem>>)
    %add3A_886 = arith.constant 7 : i32
    %add3A_887 = arith.addi %mul3A_2, %add3A_886 : i32
    %dma_start3A_888 = arith.constant 0 : i32
    %dma_start3A_889 = arith.constant 0 : i32
    %dma_start3A_890 = tpu.memref_slice %arg2[%add3A_887, %dma_start3A_888, %dma_start3A_889] : memref<256x512x128xf32, #tpu.memory_space<hbm>> -> memref<1x128x128xf32, #tpu.memory_space<hbm>>
    %dma_start3A_891 = tpu.memref_squeeze %dma_start3A_890 : memref<1x128x128xf32, #tpu.memory_space<hbm>> -> memref<128x128xf32, #tpu.memory_space<hbm>>
    %dma_start3A_892 = arith.constant 0 : i32
    %dma_start3A_893 = arith.constant 0 : i32
    %dma_start3A_894 = tpu.memref_slice %arg2[%add3A_887, %dma_start3A_892, %dma_start3A_893] : memref<256x512x128xf32, #tpu.memory_space<hbm>> -> memref<1x128x128xf32, #tpu.memory_space<hbm>>
    %dma_start3A_895 = tpu.memref_squeeze %dma_start3A_894 : memref<1x128x128xf32, #tpu.memory_space<hbm>> -> memref<128x128xf32, #tpu.memory_space<hbm>>
    tpu.enqueue_dma source(%dma_start3A_895 : memref<128x128xf32, #tpu.memory_space<hbm>>) target(%arg5 : memref<128x128xf32, #tpu.memory_space<vmem>>) target_semaphore(%arg10 : memref<!tpu.dma_semaphore, #tpu.memory_space<semaphore_mem>>)
    %mul3A_896 = arith.constant 2 : i32
    %mul3A_897 = arith.muli %arg1, %mul3A_896 : i32
    %add3A_898 = arith.constant 1 : i32
    %add3A_899 = arith.addi %mul3A_897, %add3A_898 : i32
    %add3A_900 = arith.constant 7 : i32
    %add3A_901 = arith.addi %mul3A_2, %add3A_900 : i32
    "tpu.region"() ({
      %run_scoped3A_980 = tpu.sem_alloc : memref<!tpu.dma_semaphore, #tpu.memory_space<semaphore_mem>>
      %dma_start3A_981 = arith.constant 0 : i32
      %dma_start3A_982 = arith.constant 0 : i32
      %dma_start3A_983 = tpu.memref_slice %arg3[%add3A_901, %dma_start3A_981, %dma_start3A_982] : memref<256x4x128xi32, #tpu.memory_space<hbm>> -> memref<1x4x128xi32, #tpu.memory_space<hbm>>
      %dma_start3A_984 = tpu.memref_squeeze %dma_start3A_983 : memref<1x4x128xi32, #tpu.memory_space<hbm>> -> memref<4x128xi32, #tpu.memory_space<hbm>>
      %dma_start3A_985 = arith.constant 0 : i32
      %dma_start3A_986 = arith.constant 0 : i32
      %dma_start3A_987 = tpu.memref_slice %arg3[%add3A_901, %dma_start3A_985, %dma_start3A_986] : memref<256x4x128xi32, #tpu.memory_space<hbm>> -> memref<1x4x128xi32, #tpu.memory_space<hbm>>
      %dma_start3A_988 = tpu.memref_squeeze %dma_start3A_987 : memref<1x4x128xi32, #tpu.memory_space<hbm>> -> memref<4x128xi32, #tpu.memory_space<hbm>>
      tpu.enqueue_dma source(%dma_start3A_988 : memref<4x128xi32, #tpu.memory_space<hbm>>) target(%arg6 : memref<4x128xi32, #tpu.memory_space<vmem>>) target_semaphore(%run_scoped3A_980 : memref<!tpu.dma_semaphore, #tpu.memory_space<semaphore_mem>>)
      %dma_wait3A_989 = arith.constant 0 : i32
      %dma_wait3A_990 = arith.constant 0 : i32
      %dma_wait3A_991 = tpu.memref_slice %arg3[%add3A_901, %dma_wait3A_989, %dma_wait3A_990] : memref<256x4x128xi32, #tpu.memory_space<hbm>> -> memref<1x4x128xi32, #tpu.memory_space<hbm>>
      %dma_wait3A_992 = tpu.memref_squeeze %dma_wait3A_991 : memref<1x4x128xi32, #tpu.memory_space<hbm>> -> memref<4x128xi32, #tpu.memory_space<hbm>>
      %dma_wait3A_993 = arith.constant 0 : i32
      %dma_wait3A_994 = arith.constant 0 : i32
      %dma_wait3A_995 = tpu.memref_slice %arg3[%add3A_901, %dma_wait3A_993, %dma_wait3A_994] : memref<256x4x128xi32, #tpu.memory_space<hbm>> -> memref<1x4x128xi32, #tpu.memory_space<hbm>>
      %dma_wait3A_996 = tpu.memref_squeeze %dma_wait3A_995 : memref<1x4x128xi32, #tpu.memory_space<hbm>> -> memref<4x128xi32, #tpu.memory_space<hbm>>
      tpu.wait_dma2 semaphore(%run_scoped3A_980 : memref<!tpu.dma_semaphore, #tpu.memory_space<semaphore_mem>>) src(%dma_wait3A_996 : memref<4x128xi32, #tpu.memory_space<hbm>>) dst(%arg6 : memref<4x128xi32, #tpu.memory_space<vmem>>)
      tpu.yield
    }) : () -> ()
    %dma_wait3A_902 = arith.constant 0 : i32
    %dma_wait3A_903 = arith.constant 0 : i32
    %dma_wait3A_904 = tpu.memref_slice %arg2[%add3A_887, %dma_wait3A_902, %dma_wait3A_903] : memref<256x512x128xf32, #tpu.memory_space<hbm>> -> memref<1x128x128xf32, #tpu.memory_space<hbm>>
    %dma_wait3A_905 = tpu.memref_squeeze %dma_wait3A_904 : memref<1x128x128xf32, #tpu.memory_space<hbm>> -> memref<128x128xf32, #tpu.memory_space<hbm>>
    %dma_wait3A_906 = arith.constant 0 : i32
    %dma_wait3A_907 = arith.constant 0 : i32
    %dma_wait3A_908 = tpu.memref_slice %arg2[%add3A_887, %dma_wait3A_906, %dma_wait3A_907] : memref<256x512x128xf32, #tpu.memory_space<hbm>> -> memref<1x128x128xf32, #tpu.memory_space<hbm>>
    %dma_wait3A_909 = tpu.memref_squeeze %dma_wait3A_908 : memref<1x128x128xf32, #tpu.memory_space<hbm>> -> memref<128x128xf32, #tpu.memory_space<hbm>>
    tpu.wait_dma2 semaphore(%arg10 : memref<!tpu.dma_semaphore, #tpu.memory_space<semaphore_mem>>) src(%dma_wait3A_909 : memref<128x128xf32, #tpu.memory_space<hbm>>) dst(%arg5 : memref<128x128xf32, #tpu.memory_space<vmem>>)
    %dma_wait3A_910 = arith.constant 0 : i32
    %dma_wait3A_911 = arith.constant 0 : i32
    %dma_wait3A_912 = tpu.memref_slice %arg8[%add3A_853, %dma_wait3A_910, %dma_wait3A_911] : memref<32x256x128xf32, #tpu.memory_space<vmem_shared>> -> memref<1x64x128xf32, #tpu.memory_space<vmem_shared>>
    %dma_wait3A_913 = tpu.memref_squeeze %dma_wait3A_912 : memref<1x64x128xf32, #tpu.memory_space<vmem_shared>> -> memref<64x128xf32, #tpu.memory_space<vmem_shared>>
    %dma_wait3A_914 = arith.constant 0 : i32
    %dma_wait3A_915 = arith.constant 0 : i32
    %dma_wait3A_916 = tpu.memref_slice %arg8[%add3A_853, %dma_wait3A_914, %dma_wait3A_915] : memref<32x256x128xf32, #tpu.memory_space<vmem_shared>> -> memref<1x64x128xf32, #tpu.memory_space<vmem_shared>>
    %dma_wait3A_917 = tpu.memref_squeeze %dma_wait3A_916 : memref<1x64x128xf32, #tpu.memory_space<vmem_shared>> -> memref<64x128xf32, #tpu.memory_space<vmem_shared>>
    tpu.wait_dma2 semaphore(%arg9 : memref<!tpu.dma_semaphore, #tpu.memory_space<semaphore_mem>>) src(%arg7 : memref<64x128xf32, #tpu.memory_space<vmem>>) dst(%dma_wait3A_917 : memref<64x128xf32, #tpu.memory_space<vmem_shared>>)
    %dma_wait3A_918 = arith.constant 64 : i32
    %dma_wait3A_919 = arith.constant 0 : i32
    %dma_wait3A_920 = tpu.memref_slice %arg8[%add3A_853, %dma_wait3A_918, %dma_wait3A_919] : memref<32x256x128xf32, #tpu.memory_space<vmem_shared>> -> memref<1x64x128xf32, #tpu.memory_space<vmem_shared>>
    %dma_wait3A_921 = tpu.memref_squeeze %dma_wait3A_920 : memref<1x64x128xf32, #tpu.memory_space<vmem_shared>> -> memref<64x128xf32, #tpu.memory_space<vmem_shared>>
    %dma_wait3A_922 = arith.constant 64 : i32
    %dma_wait3A_923 = arith.constant 0 : i32
    %dma_wait3A_924 = tpu.memref_slice %arg8[%add3A_853, %dma_wait3A_922, %dma_wait3A_923] : memref<32x256x128xf32, #tpu.memory_space<vmem_shared>> -> memref<1x64x128xf32, #tpu.memory_space<vmem_shared>>
    %dma_wait3A_925 = tpu.memref_squeeze %dma_wait3A_924 : memref<1x64x128xf32, #tpu.memory_space<vmem_shared>> -> memref<64x128xf32, #tpu.memory_space<vmem_shared>>
    tpu.wait_dma2 semaphore(%arg9 : memref<!tpu.dma_semaphore, #tpu.memory_space<semaphore_mem>>) src(%arg7 : memref<64x128xf32, #tpu.memory_space<vmem>>) dst(%dma_wait3A_925 : memref<64x128xf32, #tpu.memory_space<vmem_shared>>)
    %dma_wait3A_926 = arith.constant 128 : i32
    %dma_wait3A_927 = arith.constant 0 : i32
    %dma_wait3A_928 = tpu.memref_slice %arg8[%add3A_853, %dma_wait3A_926, %dma_wait3A_927] : memref<32x256x128xf32, #tpu.memory_space<vmem_shared>> -> memref<1x64x128xf32, #tpu.memory_space<vmem_shared>>
    %dma_wait3A_929 = tpu.memref_squeeze %dma_wait3A_928 : memref<1x64x128xf32, #tpu.memory_space<vmem_shared>> -> memref<64x128xf32, #tpu.memory_space<vmem_shared>>
    %dma_wait3A_930 = arith.constant 128 : i32
    %dma_wait3A_931 = arith.constant 0 : i32
    %dma_wait3A_932 = tpu.memref_slice %arg8[%add3A_853, %dma_wait3A_930, %dma_wait3A_931] : memref<32x256x128xf32, #tpu.memory_space<vmem_shared>> -> memref<1x64x128xf32, #tpu.memory_space<vmem_shared>>
    %dma_wait3A_933 = tpu.memref_squeeze %dma_wait3A_932 : memref<1x64x128xf32, #tpu.memory_space<vmem_shared>> -> memref<64x128xf32, #tpu.memory_space<vmem_shared>>
    tpu.wait_dma2 semaphore(%arg9 : memref<!tpu.dma_semaphore, #tpu.memory_space<semaphore_mem>>) src(%arg7 : memref<64x128xf32, #tpu.memory_space<vmem>>) dst(%dma_wait3A_933 : memref<64x128xf32, #tpu.memory_space<vmem_shared>>)
    %dma_wait3A_934 = arith.constant 192 : i32
    %dma_wait3A_935 = arith.constant 0 : i32
    %dma_wait3A_936 = tpu.memref_slice %arg8[%add3A_853, %dma_wait3A_934, %dma_wait3A_935] : memref<32x256x128xf32, #tpu.memory_space<vmem_shared>> -> memref<1x64x128xf32, #tpu.memory_space<vmem_shared>>
    %dma_wait3A_937 = tpu.memref_squeeze %dma_wait3A_936 : memref<1x64x128xf32, #tpu.memory_space<vmem_shared>> -> memref<64x128xf32, #tpu.memory_space<vmem_shared>>
    %dma_wait3A_938 = arith.constant 192 : i32
    %dma_wait3A_939 = arith.constant 0 : i32
    %dma_wait3A_940 = tpu.memref_slice %arg8[%add3A_853, %dma_wait3A_938, %dma_wait3A_939] : memref<32x256x128xf32, #tpu.memory_space<vmem_shared>> -> memref<1x64x128xf32, #tpu.memory_space<vmem_shared>>
    %dma_wait3A_941 = tpu.memref_squeeze %dma_wait3A_940 : memref<1x64x128xf32, #tpu.memory_space<vmem_shared>> -> memref<64x128xf32, #tpu.memory_space<vmem_shared>>
    tpu.wait_dma2 semaphore(%arg9 : memref<!tpu.dma_semaphore, #tpu.memory_space<semaphore_mem>>) src(%arg7 : memref<64x128xf32, #tpu.memory_space<vmem>>) dst(%dma_wait3A_941 : memref<64x128xf32, #tpu.memory_space<vmem_shared>>)
    %run_scoped3A_942 = arith.constant 0 : i32
    "tpu.region"() ({
      %run_scoped3A_980 = tpu.sem_alloc : memref<!tpu.dma_semaphore, #tpu.memory_space<semaphore_mem>>
      %dma_start3A_981 = arith.constant 0 : i32
      %dma_start3A_982 = tpu.memref_slice %arg6[%run_scoped3A_942, %dma_start3A_981] : memref<4x128xi32, #tpu.memory_space<vmem>> -> memref<1x128xi32, #tpu.memory_space<vmem>>
      %dma_start3A_983 = tpu.memref_squeeze %dma_start3A_982 : memref<1x128xi32, #tpu.memory_space<vmem>> -> memref<128xi32, #tpu.memory_space<vmem>>
      %dma_start3A_984 = arith.constant 0 : i32
      %dma_start3A_985 = arith.constant 0 : i32
      %dma_start3A_986 = tpu.memref_slice %arg8[%add3A_899, %dma_start3A_984, %dma_start3A_985] : memref<32x256x128xf32, #tpu.memory_space<vmem_shared>> -> memref<1x256x128xf32, #tpu.memory_space<vmem_shared>>
      %dma_start3A_987 = tpu.memref_squeeze %dma_start3A_986 : memref<1x256x128xf32, #tpu.memory_space<vmem_shared>> -> memref<256x128xf32, #tpu.memory_space<vmem_shared>>
      %dma_start3A_988 = arith.constant 0 : i32
      %dma_start3A_989 = arith.constant 0 : i32
      %dma_start3A_990 = tpu.memref_slice %dma_start3A_987[%dma_start3A_988, %dma_start3A_989] : memref<256x128xf32, #tpu.memory_space<vmem_shared>> -> memref<256x128xf32, #tpu.memory_space<vmem_shared>>
      tpu.enqueue_indirect_dma source(%arg5 : memref<128x128xf32, #tpu.memory_space<vmem>>) target(%dma_start3A_990 : memref<256x128xf32, #tpu.memory_space<vmem_shared>>) offsets(%dma_start3A_983 : memref<128xi32, #tpu.memory_space<vmem>>) semaphore(%run_scoped3A_980 : memref<!tpu.dma_semaphore, #tpu.memory_space<semaphore_mem>>) {add = true}
      %dma_wait3A_991 = arith.constant 0 : i32
      %dma_wait3A_992 = tpu.memref_slice %arg6[%run_scoped3A_942, %dma_wait3A_991] : memref<4x128xi32, #tpu.memory_space<vmem>> -> memref<1x128xi32, #tpu.memory_space<vmem>>
      %dma_wait3A_993 = tpu.memref_squeeze %dma_wait3A_992 : memref<1x128xi32, #tpu.memory_space<vmem>> -> memref<128xi32, #tpu.memory_space<vmem>>
      %dma_wait3A_994 = arith.constant 0 : i32
      %dma_wait3A_995 = arith.constant 0 : i32
      %dma_wait3A_996 = tpu.memref_slice %arg8[%add3A_899, %dma_wait3A_994, %dma_wait3A_995] : memref<32x256x128xf32, #tpu.memory_space<vmem_shared>> -> memref<1x256x128xf32, #tpu.memory_space<vmem_shared>>
      %dma_wait3A_997 = tpu.memref_squeeze %dma_wait3A_996 : memref<1x256x128xf32, #tpu.memory_space<vmem_shared>> -> memref<256x128xf32, #tpu.memory_space<vmem_shared>>
      %dma_wait3A_998 = arith.constant 0 : i32
      %dma_wait3A_999 = arith.constant 0 : i32
      %dma_wait3A_1000 = tpu.memref_slice %dma_wait3A_997[%dma_wait3A_998, %dma_wait3A_999] : memref<256x128xf32, #tpu.memory_space<vmem_shared>> -> memref<256x128xf32, #tpu.memory_space<vmem_shared>>
      tpu.wait_indirect_dma semaphore(%run_scoped3A_980 : memref<!tpu.dma_semaphore, #tpu.memory_space<semaphore_mem>>) src(%arg5 : memref<128x128xf32, #tpu.memory_space<vmem>>) dst(%dma_wait3A_1000 : memref<256x128xf32, #tpu.memory_space<vmem_shared>>)
      tpu.yield
    }) : () -> ()
    %add3A_943 = arith.constant 7 : i32
    %add3A_944 = arith.addi %mul3A_2, %add3A_943 : i32
    "tpu.region"() ({
      %run_scoped3A_980 = tpu.sem_alloc : memref<!tpu.dma_semaphore, #tpu.memory_space<semaphore_mem>>
      %dma_start3A_981 = arith.constant 128 : i32
      %dma_start3A_982 = arith.constant 0 : i32
      %dma_start3A_983 = tpu.memref_slice %arg2[%add3A_944, %dma_start3A_981, %dma_start3A_982] : memref<256x512x128xf32, #tpu.memory_space<hbm>> -> memref<1x128x128xf32, #tpu.memory_space<hbm>>
      %dma_start3A_984 = tpu.memref_squeeze %dma_start3A_983 : memref<1x128x128xf32, #tpu.memory_space<hbm>> -> memref<128x128xf32, #tpu.memory_space<hbm>>
      %dma_start3A_985 = arith.constant 128 : i32
      %dma_start3A_986 = arith.constant 0 : i32
      %dma_start3A_987 = tpu.memref_slice %arg2[%add3A_944, %dma_start3A_985, %dma_start3A_986] : memref<256x512x128xf32, #tpu.memory_space<hbm>> -> memref<1x128x128xf32, #tpu.memory_space<hbm>>
      %dma_start3A_988 = tpu.memref_squeeze %dma_start3A_987 : memref<1x128x128xf32, #tpu.memory_space<hbm>> -> memref<128x128xf32, #tpu.memory_space<hbm>>
      tpu.enqueue_dma source(%dma_start3A_988 : memref<128x128xf32, #tpu.memory_space<hbm>>) target(%arg5 : memref<128x128xf32, #tpu.memory_space<vmem>>) target_semaphore(%run_scoped3A_980 : memref<!tpu.dma_semaphore, #tpu.memory_space<semaphore_mem>>)
      %dma_wait3A_989 = arith.constant 128 : i32
      %dma_wait3A_990 = arith.constant 0 : i32
      %dma_wait3A_991 = tpu.memref_slice %arg2[%add3A_944, %dma_wait3A_989, %dma_wait3A_990] : memref<256x512x128xf32, #tpu.memory_space<hbm>> -> memref<1x128x128xf32, #tpu.memory_space<hbm>>
      %dma_wait3A_992 = tpu.memref_squeeze %dma_wait3A_991 : memref<1x128x128xf32, #tpu.memory_space<hbm>> -> memref<128x128xf32, #tpu.memory_space<hbm>>
      %dma_wait3A_993 = arith.constant 128 : i32
      %dma_wait3A_994 = arith.constant 0 : i32
      %dma_wait3A_995 = tpu.memref_slice %arg2[%add3A_944, %dma_wait3A_993, %dma_wait3A_994] : memref<256x512x128xf32, #tpu.memory_space<hbm>> -> memref<1x128x128xf32, #tpu.memory_space<hbm>>
      %dma_wait3A_996 = tpu.memref_squeeze %dma_wait3A_995 : memref<1x128x128xf32, #tpu.memory_space<hbm>> -> memref<128x128xf32, #tpu.memory_space<hbm>>
      tpu.wait_dma2 semaphore(%run_scoped3A_980 : memref<!tpu.dma_semaphore, #tpu.memory_space<semaphore_mem>>) src(%dma_wait3A_996 : memref<128x128xf32, #tpu.memory_space<hbm>>) dst(%arg5 : memref<128x128xf32, #tpu.memory_space<vmem>>)
      tpu.yield
    }) : () -> ()
    %run_scoped3A_945 = arith.constant 1 : i32
    "tpu.region"() ({
      %run_scoped3A_980 = tpu.sem_alloc : memref<!tpu.dma_semaphore, #tpu.memory_space<semaphore_mem>>
      %dma_start3A_981 = arith.constant 0 : i32
      %dma_start3A_982 = tpu.memref_slice %arg6[%run_scoped3A_945, %dma_start3A_981] : memref<4x128xi32, #tpu.memory_space<vmem>> -> memref<1x128xi32, #tpu.memory_space<vmem>>
      %dma_start3A_983 = tpu.memref_squeeze %dma_start3A_982 : memref<1x128xi32, #tpu.memory_space<vmem>> -> memref<128xi32, #tpu.memory_space<vmem>>
      %dma_start3A_984 = arith.constant 0 : i32
      %dma_start3A_985 = arith.constant 0 : i32
      %dma_start3A_986 = tpu.memref_slice %arg8[%add3A_899, %dma_start3A_984, %dma_start3A_985] : memref<32x256x128xf32, #tpu.memory_space<vmem_shared>> -> memref<1x256x128xf32, #tpu.memory_space<vmem_shared>>
      %dma_start3A_987 = tpu.memref_squeeze %dma_start3A_986 : memref<1x256x128xf32, #tpu.memory_space<vmem_shared>> -> memref<256x128xf32, #tpu.memory_space<vmem_shared>>
      %dma_start3A_988 = arith.constant 0 : i32
      %dma_start3A_989 = arith.constant 0 : i32
      %dma_start3A_990 = tpu.memref_slice %dma_start3A_987[%dma_start3A_988, %dma_start3A_989] : memref<256x128xf32, #tpu.memory_space<vmem_shared>> -> memref<256x128xf32, #tpu.memory_space<vmem_shared>>
      tpu.enqueue_indirect_dma source(%arg5 : memref<128x128xf32, #tpu.memory_space<vmem>>) target(%dma_start3A_990 : memref<256x128xf32, #tpu.memory_space<vmem_shared>>) offsets(%dma_start3A_983 : memref<128xi32, #tpu.memory_space<vmem>>) semaphore(%run_scoped3A_980 : memref<!tpu.dma_semaphore, #tpu.memory_space<semaphore_mem>>) {add = true}
      %dma_wait3A_991 = arith.constant 0 : i32
      %dma_wait3A_992 = tpu.memref_slice %arg6[%run_scoped3A_945, %dma_wait3A_991] : memref<4x128xi32, #tpu.memory_space<vmem>> -> memref<1x128xi32, #tpu.memory_space<vmem>>
      %dma_wait3A_993 = tpu.memref_squeeze %dma_wait3A_992 : memref<1x128xi32, #tpu.memory_space<vmem>> -> memref<128xi32, #tpu.memory_space<vmem>>
      %dma_wait3A_994 = arith.constant 0 : i32
      %dma_wait3A_995 = arith.constant 0 : i32
      %dma_wait3A_996 = tpu.memref_slice %arg8[%add3A_899, %dma_wait3A_994, %dma_wait3A_995] : memref<32x256x128xf32, #tpu.memory_space<vmem_shared>> -> memref<1x256x128xf32, #tpu.memory_space<vmem_shared>>
      %dma_wait3A_997 = tpu.memref_squeeze %dma_wait3A_996 : memref<1x256x128xf32, #tpu.memory_space<vmem_shared>> -> memref<256x128xf32, #tpu.memory_space<vmem_shared>>
      %dma_wait3A_998 = arith.constant 0 : i32
      %dma_wait3A_999 = arith.constant 0 : i32
      %dma_wait3A_1000 = tpu.memref_slice %dma_wait3A_997[%dma_wait3A_998, %dma_wait3A_999] : memref<256x128xf32, #tpu.memory_space<vmem_shared>> -> memref<256x128xf32, #tpu.memory_space<vmem_shared>>
      tpu.wait_indirect_dma semaphore(%run_scoped3A_980 : memref<!tpu.dma_semaphore, #tpu.memory_space<semaphore_mem>>) src(%arg5 : memref<128x128xf32, #tpu.memory_space<vmem>>) dst(%dma_wait3A_1000 : memref<256x128xf32, #tpu.memory_space<vmem_shared>>)
      tpu.yield
    }) : () -> ()
    %add3A_946 = arith.constant 7 : i32
    %add3A_947 = arith.addi %mul3A_2, %add3A_946 : i32
    "tpu.region"() ({
      %run_scoped3A_980 = tpu.sem_alloc : memref<!tpu.dma_semaphore, #tpu.memory_space<semaphore_mem>>
      %dma_start3A_981 = arith.constant 256 : i32
      %dma_start3A_982 = arith.constant 0 : i32
      %dma_start3A_983 = tpu.memref_slice %arg2[%add3A_947, %dma_start3A_981, %dma_start3A_982] : memref<256x512x128xf32, #tpu.memory_space<hbm>> -> memref<1x128x128xf32, #tpu.memory_space<hbm>>
      %dma_start3A_984 = tpu.memref_squeeze %dma_start3A_983 : memref<1x128x128xf32, #tpu.memory_space<hbm>> -> memref<128x128xf32, #tpu.memory_space<hbm>>
      %dma_start3A_985 = arith.constant 256 : i32
      %dma_start3A_986 = arith.constant 0 : i32
      %dma_start3A_987 = tpu.memref_slice %arg2[%add3A_947, %dma_start3A_985, %dma_start3A_986] : memref<256x512x128xf32, #tpu.memory_space<hbm>> -> memref<1x128x128xf32, #tpu.memory_space<hbm>>
      %dma_start3A_988 = tpu.memref_squeeze %dma_start3A_987 : memref<1x128x128xf32, #tpu.memory_space<hbm>> -> memref<128x128xf32, #tpu.memory_space<hbm>>
      tpu.enqueue_dma source(%dma_start3A_988 : memref<128x128xf32, #tpu.memory_space<hbm>>) target(%arg5 : memref<128x128xf32, #tpu.memory_space<vmem>>) target_semaphore(%run_scoped3A_980 : memref<!tpu.dma_semaphore, #tpu.memory_space<semaphore_mem>>)
      %dma_wait3A_989 = arith.constant 256 : i32
      %dma_wait3A_990 = arith.constant 0 : i32
      %dma_wait3A_991 = tpu.memref_slice %arg2[%add3A_947, %dma_wait3A_989, %dma_wait3A_990] : memref<256x512x128xf32, #tpu.memory_space<hbm>> -> memref<1x128x128xf32, #tpu.memory_space<hbm>>
      %dma_wait3A_992 = tpu.memref_squeeze %dma_wait3A_991 : memref<1x128x128xf32, #tpu.memory_space<hbm>> -> memref<128x128xf32, #tpu.memory_space<hbm>>
      %dma_wait3A_993 = arith.constant 256 : i32
      %dma_wait3A_994 = arith.constant 0 : i32
      %dma_wait3A_995 = tpu.memref_slice %arg2[%add3A_947, %dma_wait3A_993, %dma_wait3A_994] : memref<256x512x128xf32, #tpu.memory_space<hbm>> -> memref<1x128x128xf32, #tpu.memory_space<hbm>>
      %dma_wait3A_996 = tpu.memref_squeeze %dma_wait3A_995 : memref<1x128x128xf32, #tpu.memory_space<hbm>> -> memref<128x128xf32, #tpu.memory_space<hbm>>
      tpu.wait_dma2 semaphore(%run_scoped3A_980 : memref<!tpu.dma_semaphore, #tpu.memory_space<semaphore_mem>>) src(%dma_wait3A_996 : memref<128x128xf32, #tpu.memory_space<hbm>>) dst(%arg5 : memref<128x128xf32, #tpu.memory_space<vmem>>)
      tpu.yield
    }) : () -> ()
    %run_scoped3A_948 = arith.constant 2 : i32
    "tpu.region"() ({
      %run_scoped3A_980 = tpu.sem_alloc : memref<!tpu.dma_semaphore, #tpu.memory_space<semaphore_mem>>
      %dma_start3A_981 = arith.constant 0 : i32
      %dma_start3A_982 = tpu.memref_slice %arg6[%run_scoped3A_948, %dma_start3A_981] : memref<4x128xi32, #tpu.memory_space<vmem>> -> memref<1x128xi32, #tpu.memory_space<vmem>>
      %dma_start3A_983 = tpu.memref_squeeze %dma_start3A_982 : memref<1x128xi32, #tpu.memory_space<vmem>> -> memref<128xi32, #tpu.memory_space<vmem>>
      %dma_start3A_984 = arith.constant 0 : i32
      %dma_start3A_985 = arith.constant 0 : i32
      %dma_start3A_986 = tpu.memref_slice %arg8[%add3A_899, %dma_start3A_984, %dma_start3A_985] : memref<32x256x128xf32, #tpu.memory_space<vmem_shared>> -> memref<1x256x128xf32, #tpu.memory_space<vmem_shared>>
      %dma_start3A_987 = tpu.memref_squeeze %dma_start3A_986 : memref<1x256x128xf32, #tpu.memory_space<vmem_shared>> -> memref<256x128xf32, #tpu.memory_space<vmem_shared>>
      %dma_start3A_988 = arith.constant 0 : i32
      %dma_start3A_989 = arith.constant 0 : i32
      %dma_start3A_990 = tpu.memref_slice %dma_start3A_987[%dma_start3A_988, %dma_start3A_989] : memref<256x128xf32, #tpu.memory_space<vmem_shared>> -> memref<256x128xf32, #tpu.memory_space<vmem_shared>>
      tpu.enqueue_indirect_dma source(%arg5 : memref<128x128xf32, #tpu.memory_space<vmem>>) target(%dma_start3A_990 : memref<256x128xf32, #tpu.memory_space<vmem_shared>>) offsets(%dma_start3A_983 : memref<128xi32, #tpu.memory_space<vmem>>) semaphore(%run_scoped3A_980 : memref<!tpu.dma_semaphore, #tpu.memory_space<semaphore_mem>>) {add = true}
      %dma_wait3A_991 = arith.constant 0 : i32
      %dma_wait3A_992 = tpu.memref_slice %arg6[%run_scoped3A_948, %dma_wait3A_991] : memref<4x128xi32, #tpu.memory_space<vmem>> -> memref<1x128xi32, #tpu.memory_space<vmem>>
      %dma_wait3A_993 = tpu.memref_squeeze %dma_wait3A_992 : memref<1x128xi32, #tpu.memory_space<vmem>> -> memref<128xi32, #tpu.memory_space<vmem>>
      %dma_wait3A_994 = arith.constant 0 : i32
      %dma_wait3A_995 = arith.constant 0 : i32
      %dma_wait3A_996 = tpu.memref_slice %arg8[%add3A_899, %dma_wait3A_994, %dma_wait3A_995] : memref<32x256x128xf32, #tpu.memory_space<vmem_shared>> -> memref<1x256x128xf32, #tpu.memory_space<vmem_shared>>
      %dma_wait3A_997 = tpu.memref_squeeze %dma_wait3A_996 : memref<1x256x128xf32, #tpu.memory_space<vmem_shared>> -> memref<256x128xf32, #tpu.memory_space<vmem_shared>>
      %dma_wait3A_998 = arith.constant 0 : i32
      %dma_wait3A_999 = arith.constant 0 : i32
      %dma_wait3A_1000 = tpu.memref_slice %dma_wait3A_997[%dma_wait3A_998, %dma_wait3A_999] : memref<256x128xf32, #tpu.memory_space<vmem_shared>> -> memref<256x128xf32, #tpu.memory_space<vmem_shared>>
      tpu.wait_indirect_dma semaphore(%run_scoped3A_980 : memref<!tpu.dma_semaphore, #tpu.memory_space<semaphore_mem>>) src(%arg5 : memref<128x128xf32, #tpu.memory_space<vmem>>) dst(%dma_wait3A_1000 : memref<256x128xf32, #tpu.memory_space<vmem_shared>>)
      tpu.yield
    }) : () -> ()
    %add3A_949 = arith.constant 7 : i32
    %add3A_950 = arith.addi %mul3A_2, %add3A_949 : i32
    "tpu.region"() ({
      %run_scoped3A_980 = tpu.sem_alloc : memref<!tpu.dma_semaphore, #tpu.memory_space<semaphore_mem>>
      %dma_start3A_981 = arith.constant 384 : i32
      %dma_start3A_982 = arith.constant 0 : i32
      %dma_start3A_983 = tpu.memref_slice %arg2[%add3A_950, %dma_start3A_981, %dma_start3A_982] : memref<256x512x128xf32, #tpu.memory_space<hbm>> -> memref<1x128x128xf32, #tpu.memory_space<hbm>>
      %dma_start3A_984 = tpu.memref_squeeze %dma_start3A_983 : memref<1x128x128xf32, #tpu.memory_space<hbm>> -> memref<128x128xf32, #tpu.memory_space<hbm>>
      %dma_start3A_985 = arith.constant 384 : i32
      %dma_start3A_986 = arith.constant 0 : i32
      %dma_start3A_987 = tpu.memref_slice %arg2[%add3A_950, %dma_start3A_985, %dma_start3A_986] : memref<256x512x128xf32, #tpu.memory_space<hbm>> -> memref<1x128x128xf32, #tpu.memory_space<hbm>>
      %dma_start3A_988 = tpu.memref_squeeze %dma_start3A_987 : memref<1x128x128xf32, #tpu.memory_space<hbm>> -> memref<128x128xf32, #tpu.memory_space<hbm>>
      tpu.enqueue_dma source(%dma_start3A_988 : memref<128x128xf32, #tpu.memory_space<hbm>>) target(%arg5 : memref<128x128xf32, #tpu.memory_space<vmem>>) target_semaphore(%run_scoped3A_980 : memref<!tpu.dma_semaphore, #tpu.memory_space<semaphore_mem>>)
      %dma_wait3A_989 = arith.constant 384 : i32
      %dma_wait3A_990 = arith.constant 0 : i32
      %dma_wait3A_991 = tpu.memref_slice %arg2[%add3A_950, %dma_wait3A_989, %dma_wait3A_990] : memref<256x512x128xf32, #tpu.memory_space<hbm>> -> memref<1x128x128xf32, #tpu.memory_space<hbm>>
      %dma_wait3A_992 = tpu.memref_squeeze %dma_wait3A_991 : memref<1x128x128xf32, #tpu.memory_space<hbm>> -> memref<128x128xf32, #tpu.memory_space<hbm>>
      %dma_wait3A_993 = arith.constant 384 : i32
      %dma_wait3A_994 = arith.constant 0 : i32
      %dma_wait3A_995 = tpu.memref_slice %arg2[%add3A_950, %dma_wait3A_993, %dma_wait3A_994] : memref<256x512x128xf32, #tpu.memory_space<hbm>> -> memref<1x128x128xf32, #tpu.memory_space<hbm>>
      %dma_wait3A_996 = tpu.memref_squeeze %dma_wait3A_995 : memref<1x128x128xf32, #tpu.memory_space<hbm>> -> memref<128x128xf32, #tpu.memory_space<hbm>>
      tpu.wait_dma2 semaphore(%run_scoped3A_980 : memref<!tpu.dma_semaphore, #tpu.memory_space<semaphore_mem>>) src(%dma_wait3A_996 : memref<128x128xf32, #tpu.memory_space<hbm>>) dst(%arg5 : memref<128x128xf32, #tpu.memory_space<vmem>>)
      tpu.yield
    }) : () -> ()
    %run_scoped3A_951 = arith.constant 3 : i32
    "tpu.region"() ({
      %run_scoped3A_980 = tpu.sem_alloc : memref<!tpu.dma_semaphore, #tpu.memory_space<semaphore_mem>>
      %dma_start3A_981 = arith.constant 0 : i32
      %dma_start3A_982 = tpu.memref_slice %arg6[%run_scoped3A_951, %dma_start3A_981] : memref<4x128xi32, #tpu.memory_space<vmem>> -> memref<1x128xi32, #tpu.memory_space<vmem>>
      %dma_start3A_983 = tpu.memref_squeeze %dma_start3A_982 : memref<1x128xi32, #tpu.memory_space<vmem>> -> memref<128xi32, #tpu.memory_space<vmem>>
      %dma_start3A_984 = arith.constant 0 : i32
      %dma_start3A_985 = arith.constant 0 : i32
      %dma_start3A_986 = tpu.memref_slice %arg8[%add3A_899, %dma_start3A_984, %dma_start3A_985] : memref<32x256x128xf32, #tpu.memory_space<vmem_shared>> -> memref<1x256x128xf32, #tpu.memory_space<vmem_shared>>
      %dma_start3A_987 = tpu.memref_squeeze %dma_start3A_986 : memref<1x256x128xf32, #tpu.memory_space<vmem_shared>> -> memref<256x128xf32, #tpu.memory_space<vmem_shared>>
      %dma_start3A_988 = arith.constant 0 : i32
      %dma_start3A_989 = arith.constant 0 : i32
      %dma_start3A_990 = tpu.memref_slice %dma_start3A_987[%dma_start3A_988, %dma_start3A_989] : memref<256x128xf32, #tpu.memory_space<vmem_shared>> -> memref<256x128xf32, #tpu.memory_space<vmem_shared>>
      tpu.enqueue_indirect_dma source(%arg5 : memref<128x128xf32, #tpu.memory_space<vmem>>) target(%dma_start3A_990 : memref<256x128xf32, #tpu.memory_space<vmem_shared>>) offsets(%dma_start3A_983 : memref<128xi32, #tpu.memory_space<vmem>>) semaphore(%run_scoped3A_980 : memref<!tpu.dma_semaphore, #tpu.memory_space<semaphore_mem>>) {add = true}
      %dma_wait3A_991 = arith.constant 0 : i32
      %dma_wait3A_992 = tpu.memref_slice %arg6[%run_scoped3A_951, %dma_wait3A_991] : memref<4x128xi32, #tpu.memory_space<vmem>> -> memref<1x128xi32, #tpu.memory_space<vmem>>
      %dma_wait3A_993 = tpu.memref_squeeze %dma_wait3A_992 : memref<1x128xi32, #tpu.memory_space<vmem>> -> memref<128xi32, #tpu.memory_space<vmem>>
      %dma_wait3A_994 = arith.constant 0 : i32
      %dma_wait3A_995 = arith.constant 0 : i32
      %dma_wait3A_996 = tpu.memref_slice %arg8[%add3A_899, %dma_wait3A_994, %dma_wait3A_995] : memref<32x256x128xf32, #tpu.memory_space<vmem_shared>> -> memref<1x256x128xf32, #tpu.memory_space<vmem_shared>>
      %dma_wait3A_997 = tpu.memref_squeeze %dma_wait3A_996 : memref<1x256x128xf32, #tpu.memory_space<vmem_shared>> -> memref<256x128xf32, #tpu.memory_space<vmem_shared>>
      %dma_wait3A_998 = arith.constant 0 : i32
      %dma_wait3A_999 = arith.constant 0 : i32
      %dma_wait3A_1000 = tpu.memref_slice %dma_wait3A_997[%dma_wait3A_998, %dma_wait3A_999] : memref<256x128xf32, #tpu.memory_space<vmem_shared>> -> memref<256x128xf32, #tpu.memory_space<vmem_shared>>
      tpu.wait_indirect_dma semaphore(%run_scoped3A_980 : memref<!tpu.dma_semaphore, #tpu.memory_space<semaphore_mem>>) src(%arg5 : memref<128x128xf32, #tpu.memory_space<vmem>>) dst(%dma_wait3A_1000 : memref<256x128xf32, #tpu.memory_space<vmem_shared>>)
      tpu.yield
    }) : () -> ()
    %run_scoped3A_952 = arith.constant 0 : i32
    %run_scoped3A_953 = arith.constant 0 : i32
    "tpu.region"() ({
      %run_scoped3A_980 = tpu.sem_alloc : memref<!tpu.dma_semaphore, #tpu.memory_space<semaphore_mem>>
      %dma_start3A_981 = arith.constant 0 : i32
      %dma_start3A_982 = tpu.memref_slice %arg7[%run_scoped3A_952, %dma_start3A_981] : memref<64x128xf32, #tpu.memory_space<vmem>> -> memref<1x128xf32, #tpu.memory_space<vmem>>
      %dma_start3A_983 = tpu.memref_squeeze %dma_start3A_982 : memref<1x128xf32, #tpu.memory_space<vmem>> -> memref<128xf32, #tpu.memory_space<vmem>>
      %dma_start3A_984 = arith.constant 0 : i32
      %dma_start3A_985 = tpu.memref_slice %arg8[%add3A_899, %run_scoped3A_953, %dma_start3A_984] : memref<32x256x128xf32, #tpu.memory_space<vmem_shared>> -> memref<1x1x128xf32, #tpu.memory_space<vmem_shared>>
      %dma_start3A_986 = tpu.memref_squeeze %dma_start3A_985 : memref<1x1x128xf32, #tpu.memory_space<vmem_shared>> -> memref<128xf32, #tpu.memory_space<vmem_shared>>
      %dma_start3A_987 = arith.constant 0 : i32
      %dma_start3A_988 = tpu.memref_slice %arg8[%add3A_899, %run_scoped3A_953, %dma_start3A_987] : memref<32x256x128xf32, #tpu.memory_space<vmem_shared>> -> memref<1x1x128xf32, #tpu.memory_space<vmem_shared>>
      %dma_start3A_989 = tpu.memref_squeeze %dma_start3A_988 : memref<1x1x128xf32, #tpu.memory_space<vmem_shared>> -> memref<128xf32, #tpu.memory_space<vmem_shared>>
      %dma_start3A_990 = arith.constant 0 : i32
      %dma_start3A_991 = tpu.memref_slice %arg7[%run_scoped3A_952, %dma_start3A_990] : memref<64x128xf32, #tpu.memory_space<vmem>> -> memref<1x128xf32, #tpu.memory_space<vmem>>
      %dma_start3A_992 = tpu.memref_squeeze %dma_start3A_991 : memref<1x128xf32, #tpu.memory_space<vmem>> -> memref<128xf32, #tpu.memory_space<vmem>>
      tpu.enqueue_dma source(%dma_start3A_992 : memref<128xf32, #tpu.memory_space<vmem>>) target(%dma_start3A_989 : memref<128xf32, #tpu.memory_space<vmem_shared>>) target_semaphore(%run_scoped3A_980 : memref<!tpu.dma_semaphore, #tpu.memory_space<semaphore_mem>>)
      %dma_wait3A_993 = arith.constant 0 : i32
      %dma_wait3A_994 = tpu.memref_slice %arg7[%run_scoped3A_952, %dma_wait3A_993] : memref<64x128xf32, #tpu.memory_space<vmem>> -> memref<1x128xf32, #tpu.memory_space<vmem>>
      %dma_wait3A_995 = tpu.memref_squeeze %dma_wait3A_994 : memref<1x128xf32, #tpu.memory_space<vmem>> -> memref<128xf32, #tpu.memory_space<vmem>>
      %dma_wait3A_996 = arith.constant 0 : i32
      %dma_wait3A_997 = tpu.memref_slice %arg8[%add3A_899, %run_scoped3A_953, %dma_wait3A_996] : memref<32x256x128xf32, #tpu.memory_space<vmem_shared>> -> memref<1x1x128xf32, #tpu.memory_space<vmem_shared>>
      %dma_wait3A_998 = tpu.memref_squeeze %dma_wait3A_997 : memref<1x1x128xf32, #tpu.memory_space<vmem_shared>> -> memref<128xf32, #tpu.memory_space<vmem_shared>>
      %dma_wait3A_999 = arith.constant 0 : i32
      %dma_wait3A_1000 = tpu.memref_slice %arg8[%add3A_899, %run_scoped3A_953, %dma_wait3A_999] : memref<32x256x128xf32, #tpu.memory_space<vmem_shared>> -> memref<1x1x128xf32, #tpu.memory_space<vmem_shared>>
      %dma_wait3A_1001 = tpu.memref_squeeze %dma_wait3A_1000 : memref<1x1x128xf32, #tpu.memory_space<vmem_shared>> -> memref<128xf32, #tpu.memory_space<vmem_shared>>
      %dma_wait3A_1002 = arith.constant 0 : i32
      %dma_wait3A_1003 = tpu.memref_slice %arg7[%run_scoped3A_952, %dma_wait3A_1002] : memref<64x128xf32, #tpu.memory_space<vmem>> -> memref<1x128xf32, #tpu.memory_space<vmem>>
      %dma_wait3A_1004 = tpu.memref_squeeze %dma_wait3A_1003 : memref<1x128xf32, #tpu.memory_space<vmem>> -> memref<128xf32, #tpu.memory_space<vmem>>
      tpu.wait_dma2 semaphore(%run_scoped3A_980 : memref<!tpu.dma_semaphore, #tpu.memory_space<semaphore_mem>>) src(%dma_wait3A_1004 : memref<128xf32, #tpu.memory_space<vmem>>) dst(%dma_wait3A_1001 : memref<128xf32, #tpu.memory_space<vmem_shared>>)
      tpu.yield
    }) : () -> ()
    %add3A_954 = arith.constant 7 : i32
    %add3A_955 = arith.addi %mul3A_2, %add3A_954 : i32
    %dma_start3A_956 = arith.constant 0 : i32
    %dma_start3A_957 = arith.constant 0 : i32
    %dma_start3A_958 = tpu.memref_slice %arg4[%add3A_955, %dma_start3A_956, %dma_start3A_957] : memref<256x256x128xf32, #tpu.memory_space<hbm>> -> memref<1x256x128xf32, #tpu.memory_space<hbm>>
    %dma_start3A_959 = tpu.memref_squeeze %dma_start3A_958 : memref<1x256x128xf32, #tpu.memory_space<hbm>> -> memref<256x128xf32, #tpu.memory_space<hbm>>
    %dma_start3A_960 = arith.constant 0 : i32
    %dma_start3A_961 = arith.constant 0 : i32
    %dma_start3A_962 = tpu.memref_slice %arg8[%add3A_899, %dma_start3A_960, %dma_start3A_961] : memref<32x256x128xf32, #tpu.memory_space<vmem_shared>> -> memref<1x256x128xf32, #tpu.memory_space<vmem_shared>>
    %dma_start3A_963 = tpu.memref_squeeze %dma_start3A_962 : memref<1x256x128xf32, #tpu.memory_space<vmem_shared>> -> memref<256x128xf32, #tpu.memory_space<vmem_shared>>
    tpu.enqueue_dma source(%dma_start3A_963 : memref<256x128xf32, #tpu.memory_space<vmem_shared>>) target(%dma_start3A_959 : memref<256x128xf32, #tpu.memory_space<hbm>>) target_semaphore(%arg12 : memref<!tpu.dma_semaphore, #tpu.memory_space<semaphore_mem>>)
    %dma_wait3A_964 = arith.constant 0 : i32
    %dma_wait3A_965 = arith.constant 0 : i32
    %dma_wait3A_966 = tpu.memref_slice %arg4[%add3A_833, %dma_wait3A_964, %dma_wait3A_965] : memref<256x256x128xf32, #tpu.memory_space<hbm>> -> memref<1x256x128xf32, #tpu.memory_space<hbm>>
    %dma_wait3A_967 = tpu.memref_squeeze %dma_wait3A_966 : memref<1x256x128xf32, #tpu.memory_space<hbm>> -> memref<256x128xf32, #tpu.memory_space<hbm>>
    %dma_wait3A_968 = arith.constant 0 : i32
    %dma_wait3A_969 = arith.constant 0 : i32
    %dma_wait3A_970 = tpu.memref_slice %arg8[%add3A_777, %dma_wait3A_968, %dma_wait3A_969] : memref<32x256x128xf32, #tpu.memory_space<vmem_shared>> -> memref<1x256x128xf32, #tpu.memory_space<vmem_shared>>
    %dma_wait3A_971 = tpu.memref_squeeze %dma_wait3A_970 : memref<1x256x128xf32, #tpu.memory_space<vmem_shared>> -> memref<256x128xf32, #tpu.memory_space<vmem_shared>>
    tpu.wait_dma2 semaphore(%arg11 : memref<!tpu.dma_semaphore, #tpu.memory_space<semaphore_mem>>) src(%dma_wait3A_971 : memref<256x128xf32, #tpu.memory_space<vmem_shared>>) dst(%dma_wait3A_967 : memref<256x128xf32, #tpu.memory_space<hbm>>)
    %dma_wait3A_972 = arith.constant 0 : i32
    %dma_wait3A_973 = arith.constant 0 : i32
    %dma_wait3A_974 = tpu.memref_slice %arg4[%add3A_955, %dma_wait3A_972, %dma_wait3A_973] : memref<256x256x128xf32, #tpu.memory_space<hbm>> -> memref<1x256x128xf32, #tpu.memory_space<hbm>>
    %dma_wait3A_975 = tpu.memref_squeeze %dma_wait3A_974 : memref<1x256x128xf32, #tpu.memory_space<hbm>> -> memref<256x128xf32, #tpu.memory_space<hbm>>
    %dma_wait3A_976 = arith.constant 0 : i32
    %dma_wait3A_977 = arith.constant 0 : i32
    %dma_wait3A_978 = tpu.memref_slice %arg8[%add3A_899, %dma_wait3A_976, %dma_wait3A_977] : memref<32x256x128xf32, #tpu.memory_space<vmem_shared>> -> memref<1x256x128xf32, #tpu.memory_space<vmem_shared>>
    %dma_wait3A_979 = tpu.memref_squeeze %dma_wait3A_978 : memref<1x256x128xf32, #tpu.memory_space<vmem_shared>> -> memref<256x128xf32, #tpu.memory_space<vmem_shared>>
    tpu.wait_dma2 semaphore(%arg12 : memref<!tpu.dma_semaphore, #tpu.memory_space<semaphore_mem>>) src(%dma_wait3A_979 : memref<256x128xf32, #tpu.memory_space<vmem_shared>>) dst(%dma_wait3A_975 : memref<256x128xf32, #tpu.memory_space<hbm>>)
    return
  }
}

</mosaic_0001>

<sc_bundles>
// kernel: kernel.3.cloned.1.call-start
scs
__scs_entry_jumppad:
0x0: {  	(pc) =	sbr.rel $0x88, $3  }
0x1: {  	(tag) =	ssettag $0x0;
	lr =	simm.s32 $0x1  }
0x2: {  	[smem:$0x3F9F] =	sst lr;
	_ =	strace $0xD0000000  }
0x3: {  	_ = 	snop  }
0x4: {  	_ = 	snop  }
0x5: {  	_ = 	snop  }
0x6: {  	_ = 	snop  }
0x7: {  	_ = 	snop  }
__scs_overlays_trampoline_lowered:
0x8: {  	[smem:$0x3FAE] =	sst s0  }
0x9: {  	[smem:$0x3FAF] =	sst s1  }
0xa: {  	[smem:$0x3FB0] =	sst s2  }
0xb: {  	[smem:$0x3FB1] =	sst s3  }
0xc: {  	[smem:$0x3FB2] =	sst s4  }
0xd: {  	[smem:$0x3FB3] =	sst s5  }
0xe: {  	[smem:$0x3FB4] =	sst s6  }
0xf: {  	[smem:$0x3FB5] =	sst s7  }
0x10: {  	[smem:$0x3FB6] =	sst s8  }
0x11: {  	[smem:$0x3FB7] =	sst s9;
	s0 =	simm.s32 @!p0 $0x0  }
0x12: {  	s1 =	sld [smem:$0x3F9D];
	s0 =	simm.s32 @p0 $0x1  }
0x13: {  	[smem:$0x3FB8] =	sst s0;
	s0 =	simm.s32 @!p1 $0x0  }
0x14: {  	s2 =	sld [smem:$0x3F9C];
	s0 =	simm.s32 @p1 $0x1  }
0x15: {  	[smem:$0x3FB9] =	sst s0;
	s0 =	simm.s32 @!p2 $0x0  }
0x16: {  	s3 =	sld [smem:$0x3FDB];
	s0 =	simm.s32 @p2 $0x1  }
0x17: {  	s4 =	simm.s32 $0x1BF5;
	[smem:$0x3FBB] =	sst s0  }
0x18: {  	s0 =	sld [smem:$0x3F9E];
	_ =	swait.ge [sflag:s4], $0x0  }
0x19: {  	s7 =	sld [smem:$0x3F9F]  }
0x1a: {  	s8 =	sadd.s32 $0xFFFFE003, lr  }
0x1b: {  	s9 =	sadd.s32 $0xFFFFFEF7, lr;
	s5 =	simm.s32 $0xFFFFFFFF;
	p2 =	slt.u32 s8, $0xFFFFF086  }
0x1c: {  	p1 =	slt.u32 s9, $0xF7A;
	s5 =	simm.s32 @!p2 $0x0  }
0x1d: {  	s5 =	simm.s32 @p1 $0x1;
	p0 =	seq.s32 s7, s2  }
0x1e: {  	s7 =	smul.u32 @!p0 $0xF7A, s2;
	p2 =	seq.s32 @!p0 s5, $0x0  }
0x1f: {  	s9 =	smul.u32 $0xF7A, s1;
	s8 =	simm.s32 @!p0 $0x1BF5;
	p2 =	por !p2, p0  }
0x20: {  	[sflag:s8] =	ssyncset.s32 @!p0 $0xFFFFF086;
	s6 =	sadd.s32 @!p0 s3, s7;
	s7 =	simm.s32 @!p0 $0x108  }
0x21: {  	s3 =	sadd.s32 s3, s9;
	s6 =	sadd.s32 @!p0 $0x88, s6;
	s7 =	simm.s32 @p2 $0x1082  }
0x22: {  	[simem:s7], [sflag:s8] =	dma.local @!p0 [hbm:s6], $0xF7A  }
0x23: {  	s9 =	sor.u32 $0xD0000000, s2;
	s6 =	simm.s32 $0x108;
	_ =	swait.ge @!p0 [sflag:s8], $0x0  }
0x24: {  	s3 =	sadd.s32 $0x88, s3;
	s6 =	simm.s32 @!p1 $0x1082;
	[sflag:s4] =	ssyncset.s32 $0xFFFFF086  }
0x25: {  	[simem:s6], [sflag:s4] =	dma.local [hbm:s3], $0xF7A  }
0x26: {  	[smem:$0x3F9F] =	sst s1;
	(tag) =	ssettag s2;
	_ =	strace s9  }
0x27: {  	s1 =	sld [smem:$0x3FAF]  }
0x28: {  	s2 =	sld [smem:$0x3FB0]  }
0x29: {  	s4 =	sld [smem:$0x3FB2]  }
0x2a: {  	p0 =	seq.s32 s5, $0x0;
	s5 =	sld [smem:$0x3FB3]  }
0x2b: {  	s6 =	sld [smem:$0x3FB4]  }
0x2c: {  	s7 =	sld [smem:$0x3FB5]  }
0x2d: {  	s3 =	simm.s32 $0x108;
	s8 =	sld [smem:$0x3FB6]  }
0x2e: {  	s3 =	simm.s32 @!p0 $0x1082;
	s9 =	sld [smem:$0x3FB7]  }
0x2f: {  	lr =	sadd.s32 s0, s3;
	s0 =	sld [smem:$0x3FAE]  }
0x30: {  	s3 =	sld [smem:$0x3FB1]  }
0x31: {  	[smem:$0x3FBA] =	sst s10  }
0x32: {  	s10 =	sld [smem:$0x3FB8];
	_ =	sdelay $0x3  }
0x33: {  	p0 =	seq.s32 s10, $0x1;
	s10 =	sld [smem:$0x3FBA];
	_ =	sdelay $0x3  }
0x34: {  	[smem:$0x3FBA] =	sst s10  }
0x35: {  	s10 =	sld [smem:$0x3FB9];
	_ =	sdelay $0x3  }
0x36: {  	p1 =	seq.s32 s10, $0x1;
	s10 =	sld [smem:$0x3FBA];
	_ =	sdelay $0x3  }
0x37: {  	[smem:$0x3FBA] =	sst s10  }
0x38: {  	s10 =	sld [smem:$0x3FBB]  }
0x39: {  	_ = 	snop;
	(pc) =	sbr.ind lr, $3  }
0x3a: {  	_ = 	snop  }
0x3b: {  	_ = 	snop  }
0x3c: {  	p2 =	seq.s32 s10, $0x1;
	s10 =	sld [smem:$0x3FBA]  }
0x3d: {  	_ =	shalt  }
0x3e: {  	_ =	shalt  }
0x3f: {  	_ =	shalt  }
0x40: {  	_ =	shalt  }
0x41: {  	_ =	shalt  }
0x42: {  	_ =	shalt  }
0x43: {  	_ =	shalt  }
0x44: {  	_ =	shalt  }
0x45: {  	_ =	shalt  }
0x46: {  	_ =	shalt  }
0x47: {  	_ =	shalt  }
0x48: {  	_ =	shalt  }
0x49: {  	_ =	shalt  }
0x4a: {  	_ =	shalt  }
0x4b: {  	_ =	shalt  }
0x4c: {  	_ =	shalt  }
0x4d: {  	_ =	shalt  }
0x4e: {  	_ =	shalt  }
0x4f: {  	_ =	shalt  }
0x50: {  	_ =	shalt  }
0x51: {  	_ =	shalt  }
0x52: {  	_ =	shalt  }
0x53: {  	_ =	shalt  }
0x54: {  	_ =	shalt  }
0x55: {  	_ =	shalt  }
0x56: {  	_ =	shalt  }
0x57: {  	_ =	shalt  }
0x58: {  	_ =	shalt  }
0x59: {  	_ =	shalt  }
0x5a: {  	_ =	shalt  }
0x5b: {  	_ =	shalt  }
0x5c: {  	_ =	shalt  }
0x5d: {  	_ =	shalt  }
0x5e: {  	_ =	shalt  }
0x5f: {  	_ =	shalt  }
0x60: {  	_ =	shalt  }
0x61: {  	_ =	shalt  }
0x62: {  	_ =	shalt  }
0x63: {  	_ =	shalt  }
0x64: {  	_ =	shalt  }
0x65: {  	_ =	shalt  }
0x66: {  	_ =	shalt  }
0x67: {  	_ =	shalt  }
0x68: {  	_ =	shalt  }
0x69: {  	_ =	shalt  }
0x6a: {  	_ =	shalt  }
0x6b: {  	_ =	shalt  }
0x6c: {  	_ =	shalt  }
0x6d: {  	_ =	shalt  }
0x6e: {  	_ =	shalt  }
0x6f: {  	_ =	shalt  }
0x70: {  	_ =	shalt  }
0x71: {  	_ =	shalt  }
0x72: {  	_ =	shalt  }
0x73: {  	_ =	shalt  }
0x74: {  	_ =	shalt  }
0x75: {  	_ =	shalt  }
0x76: {  	_ =	shalt  }
0x77: {  	_ =	shalt  }
0x78: {  	_ =	shalt  }
0x79: {  	_ =	shalt  }
0x7a: {  	_ =	shalt  }
0x7b: {  	_ =	shalt  }
0x7c: {  	_ =	shalt  }
0x7d: {  	_ =	shalt  }
0x7e: {  	_ =	shalt  }
0x7f: {  	_ =	shalt  }
0x80: {  	_ =	shalt  }
0x81: {  	_ =	shalt  }
0x82: {  	_ =	shalt  }
0x83: {  	_ =	shalt  }
0x84: {  	_ =	shalt  }
0x85: {  	_ =	shalt  }
0x86: {  	_ =	shalt  }
0x87: {  	_ =	shalt  }
.Lfunc_end0:
.L_simem_size_0:
called_computation_lowered:
.L_overlay_start_0:
0x88: {  	s2 =	sld [smem:$0x3FD9]  }
0x89: {  	s3 =	sld [smem:$0x3FFE];
	_ =	sdelay $0x1  }
0x8a: {  	s1 =	srdreg.scid  }
0x8b: {  	s0 =	sand.u32 $0x1, s1  }
0x8c: {  	s17 =	sshll.u32 s0, $0xA;
	s2 =	sadd.s32 s3, s2  }
0x8d: {  	s2 =	sadd.s32 s2, s17  }
0x8e: {  	[smem:$0x3FC6] =	sst s2  }
0x8f: {  	_ = 	snop  }
0x90: {  	s2 =	sld [smem:$0x3FC9]  }
0x91: {  	s18 =	sld [smem:$0x3FD0];
	(tm) =	ssettm $0x1  }
0x92: {  	s4 =	sld [smem:$0x3FFB];
	_ =	sdelay $0x3  }
0x93: {  	_ =	strace s4  }
0x94: {  	s4 =	sld [smem:$0x3FFC];
	_ =	sdelay $0x3  }
0x95: {  	_ =	strace s4  }
0x96: {  	s4 =	sld [smem:$0x3FFD];
	_ =	sdelay $0x3  }
0x97: {  	_ =	strace s4  }
0x98: {  	_ =	strace $0x8FFFFFFF  }
0x99: {  	s19 =	sld [smem:$0x3FDB];
	_ =	sdelay $0x1  }
0x9a: {  	s5 =	simm.s32 $_scs_section_size  }
0x9b: {  	s6 =	simm.s32 $_size__tile_overlayer_lowered;
	s7 =	simm.s32 $_tile_overlayer_lowered  }
0x9c: {  	s22 =	simm.s32 $0x1BFF;
	s21 =	sshll.u32 s7, $0x1;
	s4 =	sadd.s32 s5, s19  }
0x9d: {  	s8 =	simm.s32 $0x0;
	s20 =	sshll.u32 s6, $0x1;
	s6 =	sadd.s32 s21, s4  }
0x9e: {  	[timem:s8], [sflag:s22] =	dma.local [hbm:s6], s20  }
0x9f: {  	_ =	swait.ge [sflag:s22], s20  }
0xa0: {  	s5 =	ssub.s32 $0x0, s20;
	[sflag:s22] =	ssyncset.done $0x0  }
0xa1: {  	[sflag:s22] =	ssyncadd.s32 s5;
	_ =	sdelay $0x1  }
0xa2: {  	s23 =	simm.s32 $0x1B8B  }
0xa3: {  	_ =	swait.ge [sflag:s23], $0x1  }
0xa4: {  	[sflag:s23] =	ssyncset.done $0x0  }
0xa5: {  	s25 =	simm.s32 $0x1B8E;
	s24 =	sld [smem:$0x3FFE];
	[sflag:s23] =	ssyncadd.s32 $0xFFFFFFFF  }
0xa6: {  	s26 =	simm.s32 $execute0_lowered;
	[smem:$0x3FD2] =	sst s25  }
0xa7: {  	s6 =	sshll.u32 s26, $0x1;
	_ =	strace $0x80000046;
	[dreg:$0x1] =	wrdreg $0xFFFFFFFF  }
0xa8: {  	s28 =	simm.s32 $_size_execute0_lowered;
	s4 =	sadd.s32 s4, s6;
	[dreg:$0x0] =	wrdreg $0x0  }
0xa9: {  	s6 =	sshll.u32 s28, $0x1;
	[dreg:$0x2] =	wrdreg s4  }
0xaa: {  	[dreg:$0x3] =	wrdreg s6  }
0xab: {  	[dreg:$0x4] =	wrdreg $0xC0  }
0xac: {  	_ =	task [dreg:s8], $0x5FFFF  }
0xad: {  	[dreg:$0x1] =	wrdreg $0xFFFFFFFF  }
0xae: {  	[dreg:$0x0] =	wrdreg $0x60  }
0xaf: {  	[dreg:$0x2] =	wrdreg s2  }
0xb0: {  	[dreg:$0x3] =	wrdreg s24  }
0xb1: {  	[dreg:$0x4] =	wrdreg s18  }
0xb2: {  	[dreg:$0x5] =	wrdreg $0x62000  }
0xb3: {  	[dreg:$0x6] =	wrdreg $0x9  }
0xb4: {  	_ =	task.clear_ibuf [dreg:s8], $0x7FFFF;
	_ =	strace $0x90000046  }
0xb5: {  	s29 =	simm.s32 $0x9;
	_ =	strace $0x80000048  }
0xb6: {  	_ =	swait.ge [sflag:s29], $0x1  }
0xb7: {  	[sflag:s29] =	ssyncadd.s32 $0xFFFFFFFF  }
0xb8: {  	_ =	strace $0x90000048  }
0xb9: {  	_ =	sfence  }
0xba: {  	s30 =	sld [smem:$0x0];
	_ =	sdelay $0x2  }
0xbb: {  	s31 =	sshll.u32 s1, $0xD;
	s1 =	sshrl.u32 s1, $0x2  }
0xbc: {  	s3 =	sand.u32 $0x4000, s31;
	s1 =	sadd.s32 s1, s30  }
0xbd: {  	s0 =	sor.u32 s3, s0;
	s1 =	sshll.u32 s1, $0x11  }
0xbe: {  	s0 =	sor.u32 s1, s0  }
0xbf: {  	s0 =	sadd.s32 $0x8F2B, s0  }
0xc0: {  	[sflag:s0] =	ssyncadd.remote.s32 $0x1  }
0xc1: {  	_ =	sfence.sel $0xFFFF  }
0xc2: {  	[dreg:$0x0] =	wrdreg $0xFFFFFFFF;
	(pc) =	sbr.abs _section_cstart, $3  }
0xc3: {  	[dreg:$0x1] =	wrdreg $0xFFFFFFFF  }
0xc4: {  	_ =	task.clear_ibuf [dreg:s8], $0x2FFFF;
	_ =	strace $0x9FFFFFFF  }
0xc5: {  	(tm) =	ssettm $0x7FFFFFFF  }
tec
execute0_lowered:
.L_overlay_start_1:
0x0: {  	(tag) =	ssettag $0x1  }
0x1: {  	s2 =	rddreg [dreg:$0x0]  }
0x2: {  	s0 =	srdreg.scid;
	s1 =	rddreg [dreg:$0x1]  }
0x3: {  	s6 =	stileid.u32;
	s4 =	rddreg [dreg:$0x3]  }
0x4: {  	s0 =	sand.u32 $0x1, s0;
	s3 =	sshll.u32 s6, $0x1;
	s8 =	sadd.s32 $0x400, s1  }
0x5: {  	s19 =	sshll.u32 s6, $0x10;
	s11 =	sadd.s32 $0x800, s2;
	s12 =	sadd.s32 $0x1000, s2  }
0x6: {  	s5 =	ssub.s32 $0x2, s0;
	s3 =	sor.u32 s0, s3;
	s1 =	sadd.s32 s19, s4  }
0x7: {  	s18 =	sshrl.u32 s5, $0x1;
	s9 =	sshll.u32 s3, $0x10;
	s10 =	sshll.u32 s3, $0x3  }
0x8: {  	s21 =	sshll.u32 s3, $0x9;
	s19 =	sshllo.u32 s3, $0x3;
	s0 =	ssub.s32 s5, s18  }
0x9: {  	s20 =	sadd.s32 s2, s9;
	s4 =	sor.u32 $0x1, s10;
	s5 =	sadd.s32 s8, s21  }
0xa: {  	s22 =	sadd.s32 s9, s11;
	s6 =	sor.u32 $0x3, s10;
	[dreg:$0x5] =	wrdreg s20  }
0xb: {  	s7 =	sor.u32 $0x4, s10;
	s15 =	sor.u32 $0x6, s10;
	[dreg:$0x6] =	wrdreg s5  }
0xc: {  	[dreg:$0x7] =	wrdreg s22;
	s23 =	sshll.u32 s4, $0x6;
	s20 =	sadd.s32 s9, s12  }
0xd: {  	s14 =	sshll.u32 s7, $0x6;
	s5 =	sadd.s32 s8, s23;
	[dreg:$0xf] =	wrdreg s20  }
0xe: {  	s21 =	sshll.u32 s4, $0xD;
	s25 =	sadd.s32 s8, s14;
	[dreg:$0x8] =	wrdreg s5  }
0xf: {  	s24 =	sshll.u32 s6, $0x6;
	s22 =	sadd.s32 s2, s21;
	[dreg:$0xb] =	wrdreg s25  }
0x10: {  	s23 =	sadd.s32 s21, s11;
	s5 =	sor.u32 $0x2, s10;
	[dreg:$0x11] =	wrdreg s22  }
0x11: {  	[dreg:$0x12] =	wrdreg s23;
	s25 =	sadd.s32 s21, s12;
	s22 =	sshll.u32 s7, $0xD  }
0x12: {  	s13 =	sshll.u32 s5, $0x6;
	[dreg:$0x13] =	wrdreg s25;
	s23 =	sadd.s32 s2, s22  }
0x13: {  	s17 =	sshll.u32 s15, $0x6;
	s13 =	sadd.s32 s8, s13;
	[dreg:$0x1d] =	wrdreg s23  }
0x14: {  	[dreg:$0x9] =	wrdreg s13;
	s13 =	sadd.s32 s8, s24;
	s24 =	sshll.u32 s5, $0xD  }
0x15: {  	[dreg:$0xa] =	wrdreg s13;
	s13 =	sor.u32 $0x5, s10;
	s10 =	sadd.s32 s8, s17  }
0x16: {  	s14 =	sadd.s32 s24, s11;
	s17 =	sshll.u32 s6, $0xD;
	[dreg:$0xd] =	wrdreg s10  }
0x17: {  	s26 =	sshll.u32 s13, $0x6;
	[dreg:$0x16] =	wrdreg s14;
	s20 =	sadd.s32 s17, s11  }
0x18: {  	s18 =	sshll.u32 s19, $0x6;
	s16 =	sadd.s32 s8, s26;
	[dreg:$0x1a] =	wrdreg s20  }
0x19: {  	s8 =	sadd.s32 s8, s18;
	[dreg:$0xc] =	wrdreg s16  }
0x1a: {  	s26 =	sadd.s32 s2, s24;
	[dreg:$0xe] =	wrdreg s8  }
0x1b: {  	s18 =	sadd.s32 s2, s17;
	[dreg:$0x15] =	wrdreg s26  }
0x1c: {  	s16 =	sadd.s32 s24, s12;
	[dreg:$0x19] =	wrdreg s18  }
0x1d: {  	s25 =	sshll.u32 s13, $0xD;
	s26 =	sadd.s32 s22, s12;
	[dreg:$0x17] =	wrdreg s16  }
0x1e: {  	s20 =	sshll.u32 s15, $0xD;
	s18 =	sadd.s32 s25, s12;
	[dreg:$0x1f] =	wrdreg s26  }
0x1f: {  	s8 =	sadd.s32 $0x1800, s2;
	s23 =	sadd.s32 s20, s12;
	[smem:$0x7F0] =	sst s18  }
0x20: {  	s9 =	sadd.s32 s9, s8;
	[smem:$0x7F4] =	sst s23  }
0x21: {  	s10 =	sadd.s32 s24, s8;
	[dreg:$0x10] =	wrdreg s9  }
0x22: {  	s24 =	sadd.s32 s22, s11;
	[dreg:$0x18] =	wrdreg s10  }
0x23: {  	s16 =	sadd.s32 s2, s25;
	[dreg:$0x1e] =	wrdreg s24  }
0x24: {  	s30 =	simm.s32 $0x4200;
	s31 =	simm.s32 $0x4000;
	[smem:$0x7EE] =	sst s16  }
0x25: {  	s28 =	sadd.s32 $0xC000, s1;
	s9 =	sadd.s32 s21, s8;
	s16 =	rddreg [dreg:$0x2]  }
0x26: {  	s29 =	sadd.s32 $0xE000, s1;
	s21 =	sadd.s32 s17, s12;
	[dreg:$0x14] =	wrdreg s9  }
0x27: {  	s14 =	sshll.u32 s4, $0xC;
	s10 =	sadd.s32 s25, s8;
	[dreg:$0x1b] =	wrdreg s21  }
0x28: {  	s4 =	simm.s32 $0x80;
	s9 =	sadd.s32 s17, s8;
	[smem:$0x7F1] =	sst s10  }
0x29: {  	s23 =	sshll.u32 s7, $0xC;
	s17 =	sadd.s32 s25, s11;
	[dreg:$0x1c] =	wrdreg s9  }
0x2a: {  	s24 =	sshll.u32 s19, $0xD;
	s21 =	sadd.s32 s2, s20;
	[smem:$0x7EF] =	sst s17  }
0x2b: {  	s7 =	simm.s32 $0x4180;
	s2 =	sadd.s32 s2, s24;
	[smem:$0x7F2] =	sst s21  }
0x2c: {  	s25 =	sadd.s32 s24, s11;
	s10 =	simm.s32 $0x0;
	[smem:$0x7F6] =	sst s2  }
0x2d: {  	s26 =	sadd.s32 s24, s12;
	s12 =	sshll.u32 s3, $0xF;
	[smem:$0x7F7] =	sst s25  }
0x2e: {  	s3 =	simm.s32 $0x1;
	s9 =	sadd.s32 s22, s8;
	[smem:$0x7F8] =	sst s26  }
0x2f: {  	s22 =	sadd.s32 s20, s11;
	s11 =	sadd.s32 s24, s8;
	[smem:$0x7FF] =	sst s10  }
0x30: {  	s2 =	sadd.s32 s16, s12;
	s21 =	sshll.u32 s5, $0xC;
	s17 =	sadd.s32 s16, s23  }
0x31: {  	s24 =	sshll.u32 s13, $0xC;
	s25 =	sshll.u32 s15, $0xC;
	[smem:$0x7ED] =	sst s9  }
0x32: {  	s26 =	sshll.u32 s19, $0xC;
	s23 =	sadd.s32 $0x4000, s1;
	[smem:$0x7F3] =	sst s22  }
0x33: {  	s5 =	simm.s32 $0x4080;
	s9 =	sadd.s32 s20, s8;
	[smem:$0x7F9] =	sst s11  }
0x34: {  	[smem:$0x7FA] =	sst s2;
	s20 =	sadd.s32 s16, s14;
	s2 =	sadd.s32 s16, s21  }
0x35: {  	s22 =	sshll.u32 s6, $0xC;
	s18 =	sadd.s32 s16, s24;
	s19 =	sadd.s32 s16, s25  }
0x36: {  	s21 =	smax.u32 s0, $0x1;
	s24 =	sadd.s32 $0x6000, s1;
	s25 =	sadd.s32 $0x8000, s1  }
0x37: {  	s0 =	simm.s32 $0x5;
	s6 =	simm.s32 $0x4100;
	[smem:$0x7F5] =	sst s9  }
0x38: {  	s8 =	simm.s32 $0x3;
	s11 =	simm.s32 $0x0;
	[smem:$0x7FB] =	sst s20  }
0x39: {  	[smem:$0x7FC] =	sst s2;
	s2 =	sadd.s32 s16, s22;
	s20 =	sadd.s32 s16, s26  }
0x3a: {  	s22 =	sadd.s32 $0x2000, s1;
	s26 =	sadd.s32 $0xA000, s1;
	[smem:$0x7FD] =	sst s2  }
0x3b: {  	v0 =	vimm.f32 $0.0e+00;
	s9 =	simm.s32 $0x4;
	s2 =	simm.s32 $0x2;
	_ =	strace $0x80000047  }
.LBB2_1:
0x3c: {  	s12 =	simm.s32 $0x0;
	s13 =	simm.s32 $0x200  }
.LBB2_2:
0x3d: {  	p0 =	sne.s32 s13, $0x7E00;
	[tilespmem:s12+$0x4270] =	vst v0  }
0x3e: {  	[tilespmem:s12+$0x4200] =	vst v0  }
0x3f: {  	[tilespmem:s12+$0x4210] =	vst v0  }
.Ltmp0:
0x40: {  	[tilespmem:s12+$0x4220] =	vst v0;
	(pc) =	sbr.rel @p0 .LBB2_2-.Ltmp0, $4  }
0x41: {  	[tilespmem:s12+$0x4230] =	vst v0  }
0x42: {  	[tilespmem:s12+$0x4240] =	vst v0  }
0x43: {  	[tilespmem:s12+$0x4250] =	vst v0  }
0x44: {  	[tilespmem:s12+$0x4260] =	vst v0;
	s12 =	sshra.s32 s13, $0x2;
	s13 =	sadd.s32 $0x200, s13  }
0x45: {  	[tilespmem:s12+$0x4270] =	vst v0  }
0x46: {  	[tilespmem:s12+$0x4200] =	vst v0  }
0x47: {  	[tilespmem:s12+$0x4210] =	vst v0  }
0x48: {  	[tilespmem:s12+$0x4220] =	vst v0  }
0x49: {  	[tilespmem:s12+$0x4230] =	vst v0  }
0x4a: {  	[tilespmem:s12+$0x4240] =	vst v0  }
0x4b: {  	[tilespmem:s12+$0x4250] =	vst v0  }
0x4c: {  	[tilespmem:s12+$0x4260] =	vst v0  }
0x4d: {  	[spmem:s1] =	stream.linear.scatter [tilespmem:s30], [sflag:$0x1], $0x2000, $0x38;
	[tilespmem:$0x16200] =	vst v63  }
0x4e: {  	_ = 	snop  }
0x4f: {  	[spmem:s22] =	stream.linear.scatter [tilespmem:s30], [sflag:$0x1], $0x2000, $0x38;
	[tilespmem:$0x16200] =	vst v63  }
0x50: {  	_ = 	snop  }
0x51: {  	[spmem:s23] =	stream.linear.scatter [tilespmem:s30], [sflag:$0x1], $0x2000, $0x38;
	[tilespmem:$0x16200] =	vst v63  }
0x52: {  	_ = 	snop  }
0x53: {  	[spmem:s24] =	stream.linear.scatter [tilespmem:s30], [sflag:$0x1], $0x2000, $0x38;
	[tilespmem:$0x16200] =	vst v63  }
0x54: {  	s14 =	rddreg [dreg:$0x5]  }
0x55: {  	[tilespmem:s10], [sflag:$0x2] =	stream.linear.gather [hbm4b:s14+s10], $0x4000, $0x38;
	[tilespmem:$0x16200] =	vst v63  }
0x56: {  	s15 =	rddreg [dreg:$0x6]  }
0x57: {  	[tilespmem:s31], [sflag:$0x5] =	stream.linear.gather [hbm4b:s15+s10], $0x200, $0x38;
	[tilespmem:$0x16200] =	vst v63  }
0x58: {  	_ =	swait.ge [sflag:s0], $0x200  }
0x59: {  	[sflag:s0] =	ssyncset.done $0x0  }
0x5a: {  	[sflag:s0] =	ssyncadd.s32 $0xFFFFFE00  }
0x5b: {  	_ =	swait.ge [sflag:s2], $0x4000  }
0x5c: {  	[sflag:s2] =	ssyncset.done $0x0  }
0x5d: {  	[sflag:s2] =	ssyncadd.s32 $0xFFFFC000  }
0x5e: {  	_ =	swait.ge [sflag:s3], $0x2000  }
0x5f: {  	[sflag:s3] =	ssyncset.done $0x0  }
0x60: {  	[sflag:s3] =	ssyncadd.s32 $0xFFFFE000  }
0x61: {  	_ =	swait.ge [sflag:s3], $0x2000  }
0x62: {  	[sflag:s3] =	ssyncset.done $0x0  }
0x63: {  	[sflag:s3] =	ssyncadd.s32 $0xFFFFE000  }
0x64: {  	_ =	swait.ge [sflag:s3], $0x2000  }
0x65: {  	[sflag:s3] =	ssyncset.done $0x0  }
0x66: {  	[sflag:s3] =	ssyncadd.s32 $0xFFFFE000  }
0x67: {  	_ =	swait.ge [sflag:s3], $0x2000  }
0x68: {  	[sflag:s3] =	ssyncset.done $0x0  }
0x69: {  	[sflag:s3] =	ssyncadd.s32 $0xFFFFE000  }
0x6a: {  	[spmem:s1] =	stream.indirect.scatter.add.f32 [tilespmem:s10], [sflag:$0x5], $0x80, s31, s4, $0xb8;
	[tilespmem:$0x16200] =	vst v63  }
0x6b: {  	_ =	swait.ge [sflag:s0], $0x4000  }
0x6c: {  	[sflag:s0] =	ssyncset.done $0x0  }
0x6d: {  	s16 =	rddreg [dreg:$0x7];
	[sflag:s0] =	ssyncadd.s32 $0xFFFFC000  }
0x6e: {  	[tilespmem:s10], [sflag:$0x5] =	stream.linear.gather [hbm4b:s16+s10], $0x4000, $0x38;
	[tilespmem:$0x16200] =	vst v63  }
0x6f: {  	_ =	swait.ge [sflag:s0], $0x4000  }
0x70: {  	[sflag:s0] =	ssyncset.done $0x0  }
0x71: {  	[sflag:s0] =	ssyncadd.s32 $0xFFFFC000  }
0x72: {  	[spmem:s1] =	stream.indirect.scatter.add.f32 [tilespmem:s10], [sflag:$0x5], $0x80, s5, s4, $0xb8;
	[tilespmem:$0x16200] =	vst v63  }
0x73: {  	_ =	swait.ge [sflag:s0], $0x4000  }
0x74: {  	[sflag:s0] =	ssyncset.done $0x0  }
0x75: {  	s13 =	rddreg [dreg:$0xf];
	[sflag:s0] =	ssyncadd.s32 $0xFFFFC000  }
0x76: {  	[tilespmem:s10], [sflag:$0x5] =	stream.linear.gather [hbm4b:s13+s10], $0x4000, $0x38;
	[tilespmem:$0x16200] =	vst v63  }
0x77: {  	_ =	swait.ge [sflag:s0], $0x4000  }
0x78: {  	[sflag:s0] =	ssyncset.done $0x0  }
0x79: {  	[sflag:s0] =	ssyncadd.s32 $0xFFFFC000  }
0x7a: {  	[spmem:s1] =	stream.indirect.scatter.add.f32 [tilespmem:s10], [sflag:$0x5], $0x80, s6, s4, $0xb8;
	[tilespmem:$0x16200] =	vst v63  }
0x7b: {  	_ =	swait.ge [sflag:s0], $0x4000  }
0x7c: {  	[sflag:s0] =	ssyncset.done $0x0  }
0x7d: {  	s14 =	rddreg [dreg:$0x10];
	[sflag:s0] =	ssyncadd.s32 $0xFFFFC000  }
0x7e: {  	[tilespmem:s10], [sflag:$0x5] =	stream.linear.gather [hbm4b:s14+s10], $0x4000, $0x38;
	[tilespmem:$0x16200] =	vst v63  }
0x7f: {  	_ =	swait.ge [sflag:s0], $0x4000  }
0x80: {  	[sflag:s0] =	ssyncset.done $0x0  }
0x81: {  	[sflag:s0] =	ssyncadd.s32 $0xFFFFC000  }
0x82: {  	[spmem:s1] =	stream.indirect.scatter.add.f32 [tilespmem:s10], [sflag:$0x5], $0x80, s7, s4, $0xb8;
	[tilespmem:$0x16200] =	vst v63  }
0x83: {  	_ =	swait.ge [sflag:s0], $0x4000  }
0x84: {  	[sflag:s0] =	ssyncset.done $0x0  }
0x85: {  	[sflag:s0] =	ssyncadd.s32 $0xFFFFC000  }
0x86: {  	[spmem:s1] =	stream.linear.scatter [tilespmem:s30], [sflag:$0x5], $0x80, $0x38;
	[tilespmem:$0x16200] =	vst v63  }
0x87: {  	_ =	swait.ge [sflag:s0], $0x80  }
0x88: {  	s15 =	stileid.u32;
	s14 =	sld [smem:$0x7FA]  }
0x89: {  	s12 =	sshll.u32 s15, $0x6;
	[sflag:s0] =	ssyncset.done $0x0  }
0x8a: {  	s15 =	sshrl.u32 s1, $0x3;
	s13 =	sor.u32 $0x1C03, s12;
	[sflag:s0] =	ssyncadd.s32 $0xFFFFFF80  }
0x8b: {  	[hbm:s14], [sflag:s13] =	dma.local [spmem:s15], $0x1000  }
0x8c: {  	[spmem:s25] =	stream.linear.scatter [tilespmem:s30], [sflag:$0x1], $0x2000, $0x38;
	[tilespmem:$0x16200] =	vst v63  }
0x8d: {  	_ = 	snop  }
0x8e: {  	[spmem:s26] =	stream.linear.scatter [tilespmem:s30], [sflag:$0x1], $0x2000, $0x38;
	[tilespmem:$0x16200] =	vst v63  }
0x8f: {  	_ = 	snop  }
0x90: {  	[spmem:s28] =	stream.linear.scatter [tilespmem:s30], [sflag:$0x1], $0x2000, $0x38;
	[tilespmem:$0x16200] =	vst v63  }
0x91: {  	_ = 	snop  }
0x92: {  	[spmem:s29] =	stream.linear.scatter [tilespmem:s30], [sflag:$0x1], $0x2000, $0x38;
	[tilespmem:$0x16200] =	vst v63  }
0x93: {  	s14 =	rddreg [dreg:$0x11]  }
0x94: {  	[tilespmem:s10], [sflag:$0x2] =	stream.linear.gather [hbm4b:s14+s10], $0x4000, $0x38;
	[tilespmem:$0x16200] =	vst v63  }
0x95: {  	s16 =	rddreg [dreg:$0x8]  }
0x96: {  	[tilespmem:s31], [sflag:$0x5] =	stream.linear.gather [hbm4b:s16+s10], $0x200, $0x38;
	[tilespmem:$0x16200] =	vst v63  }
0x97: {  	_ =	swait.ge [sflag:s0], $0x200  }
0x98: {  	[sflag:s0] =	ssyncset.done $0x0  }
0x99: {  	[sflag:s0] =	ssyncadd.s32 $0xFFFFFE00  }
0x9a: {  	_ =	swait.ge [sflag:s2], $0x4000  }
0x9b: {  	[sflag:s2] =	ssyncset.done $0x0  }
0x9c: {  	[sflag:s2] =	ssyncadd.s32 $0xFFFFC000  }
0x9d: {  	_ =	swait.ge [sflag:s3], $0x2000  }
0x9e: {  	[sflag:s3] =	ssyncset.done $0x0  }
0x9f: {  	[sflag:s3] =	ssyncadd.s32 $0xFFFFE000  }
0xa0: {  	_ =	swait.ge [sflag:s3], $0x2000  }
0xa1: {  	[sflag:s3] =	ssyncset.done $0x0  }
0xa2: {  	[sflag:s3] =	ssyncadd.s32 $0xFFFFE000  }
0xa3: {  	_ =	swait.ge [sflag:s3], $0x2000  }
0xa4: {  	[sflag:s3] =	ssyncset.done $0x0  }
0xa5: {  	[sflag:s3] =	ssyncadd.s32 $0xFFFFE000  }
0xa6: {  	_ =	swait.ge [sflag:s3], $0x2000  }
0xa7: {  	[sflag:s3] =	ssyncset.done $0x0  }
0xa8: {  	[sflag:s3] =	ssyncadd.s32 $0xFFFFE000  }
0xa9: {  	[spmem:s25] =	stream.indirect.scatter.add.f32 [tilespmem:s10], [sflag:$0x5], $0x80, s31, s4, $0xb8;
	[tilespmem:$0x16200] =	vst v63  }
0xaa: {  	_ =	swait.ge [sflag:s0], $0x4000  }
0xab: {  	[sflag:s0] =	ssyncset.done $0x0  }
0xac: {  	s16 =	rddreg [dreg:$0x12];
	[sflag:s0] =	ssyncadd.s32 $0xFFFFC000  }
0xad: {  	[tilespmem:s10], [sflag:$0x5] =	stream.linear.gather [hbm4b:s16+s10], $0x4000, $0x38;
	[tilespmem:$0x16200] =	vst v63  }
0xae: {  	_ =	swait.ge [sflag:s0], $0x4000  }
0xaf: {  	[sflag:s0] =	ssyncset.done $0x0  }
0xb0: {  	[sflag:s0] =	ssyncadd.s32 $0xFFFFC000  }
0xb1: {  	[spmem:s25] =	stream.indirect.scatter.add.f32 [tilespmem:s10], [sflag:$0x5], $0x80, s5, s4, $0xb8;
	[tilespmem:$0x16200] =	vst v63  }
0xb2: {  	_ =	swait.ge [sflag:s0], $0x4000  }
0xb3: {  	[sflag:s0] =	ssyncset.done $0x0  }
0xb4: {  	s16 =	rddreg [dreg:$0x13];
	[sflag:s0] =	ssyncadd.s32 $0xFFFFC000  }
0xb5: {  	[tilespmem:s10], [sflag:$0x5] =	stream.linear.gather [hbm4b:s16+s10], $0x4000, $0x38;
	[tilespmem:$0x16200] =	vst v63  }
0xb6: {  	_ =	swait.ge [sflag:s0], $0x4000  }
0xb7: {  	[sflag:s0] =	ssyncset.done $0x0  }
0xb8: {  	[sflag:s0] =	ssyncadd.s32 $0xFFFFC000  }
0xb9: {  	[spmem:s25] =	stream.indirect.scatter.add.f32 [tilespmem:s10], [sflag:$0x5], $0x80, s6, s4, $0xb8;
	[tilespmem:$0x16200] =	vst v63  }
0xba: {  	_ =	swait.ge [sflag:s0], $0x4000  }
0xbb: {  	[sflag:s0] =	ssyncset.done $0x0  }
0xbc: {  	s16 =	rddreg [dreg:$0x14];
	[sflag:s0] =	ssyncadd.s32 $0xFFFFC000  }
0xbd: {  	[tilespmem:s10], [sflag:$0x5] =	stream.linear.gather [hbm4b:s16+s10], $0x4000, $0x38;
	[tilespmem:$0x16200] =	vst v63  }
0xbe: {  	_ =	swait.ge [sflag:s0], $0x4000  }
0xbf: {  	[sflag:s0] =	ssyncset.done $0x0  }
0xc0: {  	[sflag:s0] =	ssyncadd.s32 $0xFFFFC000  }
0xc1: {  	[spmem:s25] =	stream.indirect.scatter.add.f32 [tilespmem:s10], [sflag:$0x5], $0x80, s7, s4, $0xb8;
	[tilespmem:$0x16200] =	vst v63  }
0xc2: {  	_ =	swait.ge [sflag:s0], $0x4000  }
0xc3: {  	[sflag:s0] =	ssyncset.done $0x0  }
0xc4: {  	[sflag:s0] =	ssyncadd.s32 $0xFFFFC000  }
0xc5: {  	[spmem:s25] =	stream.linear.scatter [tilespmem:s30], [sflag:$0x5], $0x80, $0x38;
	[tilespmem:$0x16200] =	vst v63  }
0xc6: {  	_ =	swait.ge [sflag:s0], $0x80  }
0xc7: {  	s16 =	sld [smem:$0x7FB]  }
0xc8: {  	[sflag:s0] =	ssyncset.done $0x0  }
0xc9: {  	s12 =	sor.u32 $0x1C04, s12;
	s14 =	sshrl.u32 s25, $0x3;
	[sflag:s0] =	ssyncadd.s32 $0xFFFFFF80  }
0xca: {  	[hbm:s16], [sflag:s12] =	dma.local [spmem:s14], $0x1000  }
0xcb: {  	_ =	swait.ge [sflag:s8], $0x1000  }
0xcc: {  	[sflag:s8] =	ssyncset.done $0x0  }
0xcd: {  	[sflag:s8] =	ssyncadd.s32 $0xFFFFF000  }
0xce: {  	[spmem:s1] =	stream.linear.scatter [tilespmem:s30], [sflag:$0x1], $0x2000, $0x38;
	[tilespmem:$0x16200] =	vst v63  }
0xcf: {  	_ = 	snop  }
0xd0: {  	[spmem:s22] =	stream.linear.scatter [tilespmem:s30], [sflag:$0x1], $0x2000, $0x38;
	[tilespmem:$0x16200] =	vst v63  }
0xd1: {  	_ = 	snop  }
0xd2: {  	[spmem:s23] =	stream.linear.scatter [tilespmem:s30], [sflag:$0x1], $0x2000, $0x38;
	[tilespmem:$0x16200] =	vst v63  }
0xd3: {  	_ = 	snop  }
0xd4: {  	[spmem:s24] =	stream.linear.scatter [tilespmem:s30], [sflag:$0x1], $0x2000, $0x38;
	[tilespmem:$0x16200] =	vst v63  }
0xd5: {  	s16 =	rddreg [dreg:$0x15]  }
0xd6: {  	[tilespmem:s10], [sflag:$0x2] =	stream.linear.gather [hbm4b:s16+s10], $0x4000, $0x38;
	[tilespmem:$0x16200] =	vst v63  }
0xd7: {  	s16 =	rddreg [dreg:$0x9]  }
0xd8: {  	[tilespmem:s31], [sflag:$0x5] =	stream.linear.gather [hbm4b:s16+s10], $0x200, $0x38;
	[tilespmem:$0x16200] =	vst v63  }
0xd9: {  	_ =	swait.ge [sflag:s0], $0x200  }
0xda: {  	[sflag:s0] =	ssyncset.done $0x0  }
0xdb: {  	[sflag:s0] =	ssyncadd.s32 $0xFFFFFE00  }
0xdc: {  	_ =	swait.ge [sflag:s2], $0x4000  }
0xdd: {  	[sflag:s2] =	ssyncset.done $0x0  }
0xde: {  	[sflag:s2] =	ssyncadd.s32 $0xFFFFC000  }
0xdf: {  	_ =	swait.ge [sflag:s3], $0x2000  }
0xe0: {  	[sflag:s3] =	ssyncset.done $0x0  }
0xe1: {  	[sflag:s3] =	ssyncadd.s32 $0xFFFFE000  }
0xe2: {  	_ =	swait.ge [sflag:s3], $0x2000  }
0xe3: {  	[sflag:s3] =	ssyncset.done $0x0  }
0xe4: {  	[sflag:s3] =	ssyncadd.s32 $0xFFFFE000  }
0xe5: {  	_ =	swait.ge [sflag:s3], $0x2000  }
0xe6: {  	[sflag:s3] =	ssyncset.done $0x0  }
0xe7: {  	[sflag:s3] =	ssyncadd.s32 $0xFFFFE000  }
0xe8: {  	_ =	swait.ge [sflag:s3], $0x2000  }
0xe9: {  	[sflag:s3] =	ssyncset.done $0x0  }
0xea: {  	[sflag:s3] =	ssyncadd.s32 $0xFFFFE000  }
0xeb: {  	[spmem:s1] =	stream.indirect.scatter.add.f32 [tilespmem:s10], [sflag:$0x5], $0x80, s31, s4, $0xb8;
	[tilespmem:$0x16200] =	vst v63  }
0xec: {  	_ =	swait.ge [sflag:s0], $0x4000  }
0xed: {  	[sflag:s0] =	ssyncset.done $0x0  }
0xee: {  	s16 =	rddreg [dreg:$0x16];
	[sflag:s0] =	ssyncadd.s32 $0xFFFFC000  }
0xef: {  	[tilespmem:s10], [sflag:$0x5] =	stream.linear.gather [hbm4b:s16+s10], $0x4000, $0x38;
	[tilespmem:$0x16200] =	vst v63  }
0xf0: {  	_ =	swait.ge [sflag:s0], $0x4000  }
0xf1: {  	[sflag:s0] =	ssyncset.done $0x0  }
0xf2: {  	[sflag:s0] =	ssyncadd.s32 $0xFFFFC000  }
0xf3: {  	[spmem:s1] =	stream.indirect.scatter.add.f32 [tilespmem:s10], [sflag:$0x5], $0x80, s5, s4, $0xb8;
	[tilespmem:$0x16200] =	vst v63  }
0xf4: {  	_ =	swait.ge [sflag:s0], $0x4000  }
0xf5: {  	[sflag:s0] =	ssyncset.done $0x0  }
0xf6: {  	s16 =	rddreg [dreg:$0x17];
	[sflag:s0] =	ssyncadd.s32 $0xFFFFC000  }
0xf7: {  	[tilespmem:s10], [sflag:$0x5] =	stream.linear.gather [hbm4b:s16+s10], $0x4000, $0x38;
	[tilespmem:$0x16200] =	vst v63  }
0xf8: {  	_ =	swait.ge [sflag:s0], $0x4000  }
0xf9: {  	[sflag:s0] =	ssyncset.done $0x0  }
0xfa: {  	[sflag:s0] =	ssyncadd.s32 $0xFFFFC000  }
0xfb: {  	[spmem:s1] =	stream.indirect.scatter.add.f32 [tilespmem:s10], [sflag:$0x5], $0x80, s6, s4, $0xb8;
	[tilespmem:$0x16200] =	vst v63  }
0xfc: {  	_ =	swait.ge [sflag:s0], $0x4000  }
0xfd: {  	[sflag:s0] =	ssyncset.done $0x0  }
0xfe: {  	s16 =	rddreg [dreg:$0x18];
	[sflag:s0] =	ssyncadd.s32 $0xFFFFC000  }
0xff: {  	[tilespmem:s10], [sflag:$0x5] =	stream.linear.gather [hbm4b:s16+s10], $0x4000, $0x38;
	[tilespmem:$0x16200] =	vst v63  }
0x100: {  	_ =	swait.ge [sflag:s0], $0x4000  }
0x101: {  	[sflag:s0] =	ssyncset.done $0x0  }
0x102: {  	[sflag:s0] =	ssyncadd.s32 $0xFFFFC000  }
0x103: {  	[spmem:s1] =	stream.indirect.scatter.add.f32 [tilespmem:s10], [sflag:$0x5], $0x80, s7, s4, $0xb8;
	[tilespmem:$0x16200] =	vst v63  }
0x104: {  	_ =	swait.ge [sflag:s0], $0x4000  }
0x105: {  	[sflag:s0] =	ssyncset.done $0x0  }
0x106: {  	[sflag:s0] =	ssyncadd.s32 $0xFFFFC000  }
0x107: {  	[spmem:s1] =	stream.linear.scatter [tilespmem:s30], [sflag:$0x5], $0x80, $0x38;
	[tilespmem:$0x16200] =	vst v63  }
0x108: {  	_ =	swait.ge [sflag:s0], $0x80  }
0x109: {  	s16 =	sld [smem:$0x7FC]  }
0x10a: {  	[sflag:s0] =	ssyncset.done $0x0  }
0x10b: {  	[sflag:s0] =	ssyncadd.s32 $0xFFFFFF80  }
0x10c: {  	[hbm:s16], [sflag:s13] =	dma.local [spmem:s15], $0x1000  }
0x10d: {  	_ =	swait.ge [sflag:s9], $0x1000  }
0x10e: {  	[sflag:s9] =	ssyncset.done $0x0  }
0x10f: {  	[sflag:s9] =	ssyncadd.s32 $0xFFFFF000  }
0x110: {  	[spmem:s25] =	stream.linear.scatter [tilespmem:s30], [sflag:$0x1], $0x2000, $0x38;
	[tilespmem:$0x16200] =	vst v63  }
0x111: {  	_ = 	snop  }
0x112: {  	[spmem:s26] =	stream.linear.scatter [tilespmem:s30], [sflag:$0x1], $0x2000, $0x38;
	[tilespmem:$0x16200] =	vst v63  }
0x113: {  	_ = 	snop  }
0x114: {  	[spmem:s28] =	stream.linear.scatter [tilespmem:s30], [sflag:$0x1], $0x2000, $0x38;
	[tilespmem:$0x16200] =	vst v63  }
0x115: {  	_ = 	snop  }
0x116: {  	[spmem:s29] =	stream.linear.scatter [tilespmem:s30], [sflag:$0x1], $0x2000, $0x38;
	[tilespmem:$0x16200] =	vst v63  }
0x117: {  	s16 =	rddreg [dreg:$0x19]  }
0x118: {  	[tilespmem:s10], [sflag:$0x2] =	stream.linear.gather [hbm4b:s16+s10], $0x4000, $0x38;
	[tilespmem:$0x16200] =	vst v63  }
0x119: {  	s16 =	rddreg [dreg:$0xa]  }
0x11a: {  	[tilespmem:s31], [sflag:$0x5] =	stream.linear.gather [hbm4b:s16+s10], $0x200, $0x38;
	[tilespmem:$0x16200] =	vst v63  }
0x11b: {  	_ =	swait.ge [sflag:s0], $0x200  }
0x11c: {  	[sflag:s0] =	ssyncset.done $0x0  }
0x11d: {  	[sflag:s0] =	ssyncadd.s32 $0xFFFFFE00  }
0x11e: {  	_ =	swait.ge [sflag:s2], $0x4000  }
0x11f: {  	[sflag:s2] =	ssyncset.done $0x0  }
0x120: {  	[sflag:s2] =	ssyncadd.s32 $0xFFFFC000  }
0x121: {  	_ =	swait.ge [sflag:s3], $0x2000  }
0x122: {  	[sflag:s3] =	ssyncset.done $0x0  }
0x123: {  	[sflag:s3] =	ssyncadd.s32 $0xFFFFE000  }
0x124: {  	_ =	swait.ge [sflag:s3], $0x2000  }
0x125: {  	[sflag:s3] =	ssyncset.done $0x0  }
0x126: {  	[sflag:s3] =	ssyncadd.s32 $0xFFFFE000  }
0x127: {  	_ =	swait.ge [sflag:s3], $0x2000  }
0x128: {  	[sflag:s3] =	ssyncset.done $0x0  }
0x129: {  	[sflag:s3] =	ssyncadd.s32 $0xFFFFE000  }
0x12a: {  	_ =	swait.ge [sflag:s3], $0x2000  }
0x12b: {  	[sflag:s3] =	ssyncset.done $0x0  }
0x12c: {  	[sflag:s3] =	ssyncadd.s32 $0xFFFFE000  }
0x12d: {  	[spmem:s25] =	stream.indirect.scatter.add.f32 [tilespmem:s10], [sflag:$0x5], $0x80, s31, s4, $0xb8;
	[tilespmem:$0x16200] =	vst v63  }
0x12e: {  	_ =	swait.ge [sflag:s0], $0x4000  }
0x12f: {  	[sflag:s0] =	ssyncset.done $0x0  }
0x130: {  	s16 =	rddreg [dreg:$0x1a];
	[sflag:s0] =	ssyncadd.s32 $0xFFFFC000  }
0x131: {  	[tilespmem:s10], [sflag:$0x5] =	stream.linear.gather [hbm4b:s16+s10], $0x4000, $0x38;
	[tilespmem:$0x16200] =	vst v63  }
0x132: {  	_ =	swait.ge [sflag:s0], $0x4000  }
0x133: {  	[sflag:s0] =	ssyncset.done $0x0  }
0x134: {  	[sflag:s0] =	ssyncadd.s32 $0xFFFFC000  }
0x135: {  	[spmem:s25] =	stream.indirect.scatter.add.f32 [tilespmem:s10], [sflag:$0x5], $0x80, s5, s4, $0xb8;
	[tilespmem:$0x16200] =	vst v63  }
0x136: {  	_ =	swait.ge [sflag:s0], $0x4000  }
0x137: {  	[sflag:s0] =	ssyncset.done $0x0  }
0x138: {  	s16 =	rddreg [dreg:$0x1b];
	[sflag:s0] =	ssyncadd.s32 $0xFFFFC000  }
0x139: {  	[tilespmem:s10], [sflag:$0x5] =	stream.linear.gather [hbm4b:s16+s10], $0x4000, $0x38;
	[tilespmem:$0x16200] =	vst v63  }
0x13a: {  	_ =	swait.ge [sflag:s0], $0x4000  }
0x13b: {  	[sflag:s0] =	ssyncset.done $0x0  }
0x13c: {  	[sflag:s0] =	ssyncadd.s32 $0xFFFFC000  }
0x13d: {  	[spmem:s25] =	stream.indirect.scatter.add.f32 [tilespmem:s10], [sflag:$0x5], $0x80, s6, s4, $0xb8;
	[tilespmem:$0x16200] =	vst v63  }
0x13e: {  	_ =	swait.ge [sflag:s0], $0x4000  }
0x13f: {  	[sflag:s0] =	ssyncset.done $0x0  }
0x140: {  	s16 =	rddreg [dreg:$0x1c];
	[sflag:s0] =	ssyncadd.s32 $0xFFFFC000  }
0x141: {  	[tilespmem:s10], [sflag:$0x5] =	stream.linear.gather [hbm4b:s16+s10], $0x4000, $0x38;
	[tilespmem:$0x16200] =	vst v63  }
0x142: {  	_ =	swait.ge [sflag:s0], $0x4000  }
0x143: {  	[sflag:s0] =	ssyncset.done $0x0  }
0x144: {  	[sflag:s0] =	ssyncadd.s32 $0xFFFFC000  }
0x145: {  	[spmem:s25] =	stream.indirect.scatter.add.f32 [tilespmem:s10], [sflag:$0x5], $0x80, s7, s4, $0xb8;
	[tilespmem:$0x16200] =	vst v63  }
0x146: {  	_ =	swait.ge [sflag:s0], $0x4000  }
0x147: {  	[sflag:s0] =	ssyncset.done $0x0  }
0x148: {  	[sflag:s0] =	ssyncadd.s32 $0xFFFFC000  }
0x149: {  	[spmem:s25] =	stream.linear.scatter [tilespmem:s30], [sflag:$0x5], $0x80, $0x38;
	[tilespmem:$0x16200] =	vst v63  }
0x14a: {  	_ =	swait.ge [sflag:s0], $0x80  }
0x14b: {  	s16 =	sld [smem:$0x7FD]  }
0x14c: {  	[sflag:s0] =	ssyncset.done $0x0  }
0x14d: {  	[sflag:s0] =	ssyncadd.s32 $0xFFFFFF80  }
0x14e: {  	[hbm:s16], [sflag:s12] =	dma.local [spmem:s14], $0x1000  }
0x14f: {  	_ =	swait.ge [sflag:s8], $0x1000  }
0x150: {  	[sflag:s8] =	ssyncset.done $0x0  }
0x151: {  	[sflag:s8] =	ssyncadd.s32 $0xFFFFF000  }
0x152: {  	[spmem:s1] =	stream.linear.scatter [tilespmem:s30], [sflag:$0x1], $0x2000, $0x38;
	[tilespmem:$0x16200] =	vst v63  }
0x153: {  	_ = 	snop  }
0x154: {  	[spmem:s22] =	stream.linear.scatter [tilespmem:s30], [sflag:$0x1], $0x2000, $0x38;
	[tilespmem:$0x16200] =	vst v63  }
0x155: {  	_ = 	snop  }
0x156: {  	[spmem:s23] =	stream.linear.scatter [tilespmem:s30], [sflag:$0x1], $0x2000, $0x38;
	[tilespmem:$0x16200] =	vst v63  }
0x157: {  	_ = 	snop  }
0x158: {  	[spmem:s24] =	stream.linear.scatter [tilespmem:s30], [sflag:$0x1], $0x2000, $0x38;
	[tilespmem:$0x16200] =	vst v63  }
0x159: {  	s16 =	rddreg [dreg:$0x1d]  }
0x15a: {  	[tilespmem:s10], [sflag:$0x2] =	stream.linear.gather [hbm4b:s16+s10], $0x4000, $0x38;
	[tilespmem:$0x16200] =	vst v63  }
0x15b: {  	s16 =	rddreg [dreg:$0xb]  }
0x15c: {  	[tilespmem:s31], [sflag:$0x5] =	stream.linear.gather [hbm4b:s16+s10], $0x200, $0x38;
	[tilespmem:$0x16200] =	vst v63  }
0x15d: {  	_ =	swait.ge [sflag:s0], $0x200  }
0x15e: {  	[sflag:s0] =	ssyncset.done $0x0  }
0x15f: {  	[sflag:s0] =	ssyncadd.s32 $0xFFFFFE00  }
0x160: {  	_ =	swait.ge [sflag:s2], $0x4000  }
0x161: {  	[sflag:s2] =	ssyncset.done $0x0  }
0x162: {  	[sflag:s2] =	ssyncadd.s32 $0xFFFFC000  }
0x163: {  	_ =	swait.ge [sflag:s3], $0x2000  }
0x164: {  	[sflag:s3] =	ssyncset.done $0x0  }
0x165: {  	[sflag:s3] =	ssyncadd.s32 $0xFFFFE000  }
0x166: {  	_ =	swait.ge [sflag:s3], $0x2000  }
0x167: {  	[sflag:s3] =	ssyncset.done $0x0  }
0x168: {  	[sflag:s3] =	ssyncadd.s32 $0xFFFFE000  }
0x169: {  	_ =	swait.ge [sflag:s3], $0x2000  }
0x16a: {  	[sflag:s3] =	ssyncset.done $0x0  }
0x16b: {  	[sflag:s3] =	ssyncadd.s32 $0xFFFFE000  }
0x16c: {  	_ =	swait.ge [sflag:s3], $0x2000  }
0x16d: {  	[sflag:s3] =	ssyncset.done $0x0  }
0x16e: {  	[sflag:s3] =	ssyncadd.s32 $0xFFFFE000  }
0x16f: {  	[spmem:s1] =	stream.indirect.scatter.add.f32 [tilespmem:s10], [sflag:$0x5], $0x80, s31, s4, $0xb8;
	[tilespmem:$0x16200] =	vst v63  }
0x170: {  	_ =	swait.ge [sflag:s0], $0x4000  }
0x171: {  	[sflag:s0] =	ssyncset.done $0x0  }
0x172: {  	s16 =	rddreg [dreg:$0x1e];
	[sflag:s0] =	ssyncadd.s32 $0xFFFFC000  }
0x173: {  	[tilespmem:s10], [sflag:$0x5] =	stream.linear.gather [hbm4b:s16+s10], $0x4000, $0x38;
	[tilespmem:$0x16200] =	vst v63  }
0x174: {  	_ =	swait.ge [sflag:s0], $0x4000  }
0x175: {  	[sflag:s0] =	ssyncset.done $0x0  }
0x176: {  	[sflag:s0] =	ssyncadd.s32 $0xFFFFC000  }
0x177: {  	[spmem:s1] =	stream.indirect.scatter.add.f32 [tilespmem:s10], [sflag:$0x5], $0x80, s5, s4, $0xb8;
	[tilespmem:$0x16200] =	vst v63  }
0x178: {  	_ =	swait.ge [sflag:s0], $0x4000  }
0x179: {  	[sflag:s0] =	ssyncset.done $0x0  }
0x17a: {  	s16 =	rddreg [dreg:$0x1f];
	[sflag:s0] =	ssyncadd.s32 $0xFFFFC000  }
0x17b: {  	[tilespmem:s10], [sflag:$0x5] =	stream.linear.gather [hbm4b:s16+s10], $0x4000, $0x38;
	[tilespmem:$0x16200] =	vst v63  }
0x17c: {  	_ =	swait.ge [sflag:s0], $0x4000  }
0x17d: {  	[sflag:s0] =	ssyncset.done $0x0  }
0x17e: {  	[sflag:s0] =	ssyncadd.s32 $0xFFFFC000  }
0x17f: {  	[spmem:s1] =	stream.indirect.scatter.add.f32 [tilespmem:s10], [sflag:$0x5], $0x80, s6, s4, $0xb8;
	[tilespmem:$0x16200] =	vst v63  }
0x180: {  	_ =	swait.ge [sflag:s0], $0x4000  }
0x181: {  	s16 =	sld [smem:$0x7ED]  }
0x182: {  	[sflag:s0] =	ssyncset.done $0x0  }
0x183: {  	[sflag:s0] =	ssyncadd.s32 $0xFFFFC000  }
0x184: {  	[tilespmem:s10], [sflag:$0x5] =	stream.linear.gather [hbm4b:s16+s10], $0x4000, $0x38;
	[tilespmem:$0x16200] =	vst v63  }
0x185: {  	_ =	swait.ge [sflag:s0], $0x4000  }
0x186: {  	[sflag:s0] =	ssyncset.done $0x0  }
0x187: {  	[sflag:s0] =	ssyncadd.s32 $0xFFFFC000  }
0x188: {  	[spmem:s1] =	stream.indirect.scatter.add.f32 [tilespmem:s10], [sflag:$0x5], $0x80, s7, s4, $0xb8;
	[tilespmem:$0x16200] =	vst v63  }
0x189: {  	_ =	swait.ge [sflag:s0], $0x4000  }
0x18a: {  	[sflag:s0] =	ssyncset.done $0x0  }
0x18b: {  	[sflag:s0] =	ssyncadd.s32 $0xFFFFC000  }
0x18c: {  	[spmem:s1] =	stream.linear.scatter [tilespmem:s30], [sflag:$0x5], $0x80, $0x38;
	[tilespmem:$0x16200] =	vst v63  }
0x18d: {  	_ =	swait.ge [sflag:s0], $0x80  }
0x18e: {  	[sflag:s0] =	ssyncset.done $0x0  }
0x18f: {  	[sflag:s0] =	ssyncadd.s32 $0xFFFFFF80  }
0x190: {  	[hbm:s17], [sflag:s13] =	dma.local [spmem:s15], $0x1000  }
0x191: {  	_ =	swait.ge [sflag:s9], $0x1000  }
0x192: {  	[sflag:s9] =	ssyncset.done $0x0  }
0x193: {  	[sflag:s9] =	ssyncadd.s32 $0xFFFFF000  }
0x194: {  	[spmem:s25] =	stream.linear.scatter [tilespmem:s30], [sflag:$0x1], $0x2000, $0x38;
	[tilespmem:$0x16200] =	vst v63  }
0x195: {  	_ = 	snop  }
0x196: {  	[spmem:s26] =	stream.linear.scatter [tilespmem:s30], [sflag:$0x1], $0x2000, $0x38;
	[tilespmem:$0x16200] =	vst v63  }
0x197: {  	_ = 	snop  }
0x198: {  	[spmem:s28] =	stream.linear.scatter [tilespmem:s30], [sflag:$0x1], $0x2000, $0x38;
	[tilespmem:$0x16200] =	vst v63  }
0x199: {  	s16 =	sld [smem:$0x7EE]  }
0x19a: {  	[spmem:s29] =	stream.linear.scatter [tilespmem:s30], [sflag:$0x1], $0x2000, $0x38;
	[tilespmem:$0x16200] =	vst v63  }
0x19b: {  	_ = 	snop  }
0x19c: {  	[tilespmem:s10], [sflag:$0x2] =	stream.linear.gather [hbm4b:s16+s10], $0x4000, $0x38;
	[tilespmem:$0x16200] =	vst v63  }
0x19d: {  	s16 =	rddreg [dreg:$0xc]  }
0x19e: {  	[tilespmem:s31], [sflag:$0x5] =	stream.linear.gather [hbm4b:s16+s10], $0x200, $0x38;
	[tilespmem:$0x16200] =	vst v63  }
0x19f: {  	_ =	swait.ge [sflag:s0], $0x200  }
0x1a0: {  	[sflag:s0] =	ssyncset.done $0x0  }
0x1a1: {  	[sflag:s0] =	ssyncadd.s32 $0xFFFFFE00  }
0x1a2: {  	_ =	swait.ge [sflag:s2], $0x4000  }
0x1a3: {  	[sflag:s2] =	ssyncset.done $0x0  }
0x1a4: {  	[sflag:s2] =	ssyncadd.s32 $0xFFFFC000  }
0x1a5: {  	_ =	swait.ge [sflag:s3], $0x2000  }
0x1a6: {  	[sflag:s3] =	ssyncset.done $0x0  }
0x1a7: {  	[sflag:s3] =	ssyncadd.s32 $0xFFFFE000  }
0x1a8: {  	_ =	swait.ge [sflag:s3], $0x2000  }
0x1a9: {  	[sflag:s3] =	ssyncset.done $0x0  }
0x1aa: {  	[sflag:s3] =	ssyncadd.s32 $0xFFFFE000  }
0x1ab: {  	_ =	swait.ge [sflag:s3], $0x2000  }
0x1ac: {  	[sflag:s3] =	ssyncset.done $0x0  }
0x1ad: {  	[sflag:s3] =	ssyncadd.s32 $0xFFFFE000  }
0x1ae: {  	_ =	swait.ge [sflag:s3], $0x2000  }
0x1af: {  	[sflag:s3] =	ssyncset.done $0x0  }
0x1b0: {  	[sflag:s3] =	ssyncadd.s32 $0xFFFFE000  }
0x1b1: {  	[spmem:s25] =	stream.indirect.scatter.add.f32 [tilespmem:s10], [sflag:$0x5], $0x80, s31, s4, $0xb8;
	[tilespmem:$0x16200] =	vst v63  }
0x1b2: {  	_ =	swait.ge [sflag:s0], $0x4000  }
0x1b3: {  	s16 =	sld [smem:$0x7EF]  }
0x1b4: {  	[sflag:s0] =	ssyncset.done $0x0  }
0x1b5: {  	[sflag:s0] =	ssyncadd.s32 $0xFFFFC000  }
0x1b6: {  	[tilespmem:s10], [sflag:$0x5] =	stream.linear.gather [hbm4b:s16+s10], $0x4000, $0x38;
	[tilespmem:$0x16200] =	vst v63  }
0x1b7: {  	_ =	swait.ge [sflag:s0], $0x4000  }
0x1b8: {  	[sflag:s0] =	ssyncset.done $0x0  }
0x1b9: {  	[sflag:s0] =	ssyncadd.s32 $0xFFFFC000  }
0x1ba: {  	[spmem:s25] =	stream.indirect.scatter.add.f32 [tilespmem:s10], [sflag:$0x5], $0x80, s5, s4, $0xb8;
	[tilespmem:$0x16200] =	vst v63  }
0x1bb: {  	_ =	swait.ge [sflag:s0], $0x4000  }
0x1bc: {  	s16 =	sld [smem:$0x7F0]  }
0x1bd: {  	[sflag:s0] =	ssyncset.done $0x0  }
0x1be: {  	[sflag:s0] =	ssyncadd.s32 $0xFFFFC000  }
0x1bf: {  	[tilespmem:s10], [sflag:$0x5] =	stream.linear.gather [hbm4b:s16+s10], $0x4000, $0x38;
	[tilespmem:$0x16200] =	vst v63  }
0x1c0: {  	_ =	swait.ge [sflag:s0], $0x4000  }
0x1c1: {  	[sflag:s0] =	ssyncset.done $0x0  }
0x1c2: {  	[sflag:s0] =	ssyncadd.s32 $0xFFFFC000  }
0x1c3: {  	[spmem:s25] =	stream.indirect.scatter.add.f32 [tilespmem:s10], [sflag:$0x5], $0x80, s6, s4, $0xb8;
	[tilespmem:$0x16200] =	vst v63  }
0x1c4: {  	_ =	swait.ge [sflag:s0], $0x4000  }
0x1c5: {  	s16 =	sld [smem:$0x7F1]  }
0x1c6: {  	[sflag:s0] =	ssyncset.done $0x0  }
0x1c7: {  	[sflag:s0] =	ssyncadd.s32 $0xFFFFC000  }
0x1c8: {  	[tilespmem:s10], [sflag:$0x5] =	stream.linear.gather [hbm4b:s16+s10], $0x4000, $0x38;
	[tilespmem:$0x16200] =	vst v63  }
0x1c9: {  	_ =	swait.ge [sflag:s0], $0x4000  }
0x1ca: {  	[sflag:s0] =	ssyncset.done $0x0  }
0x1cb: {  	[sflag:s0] =	ssyncadd.s32 $0xFFFFC000  }
0x1cc: {  	[spmem:s25] =	stream.indirect.scatter.add.f32 [tilespmem:s10], [sflag:$0x5], $0x80, s7, s4, $0xb8;
	[tilespmem:$0x16200] =	vst v63  }
0x1cd: {  	_ =	swait.ge [sflag:s0], $0x4000  }
0x1ce: {  	[sflag:s0] =	ssyncset.done $0x0  }
0x1cf: {  	[sflag:s0] =	ssyncadd.s32 $0xFFFFC000  }
0x1d0: {  	[spmem:s25] =	stream.linear.scatter [tilespmem:s30], [sflag:$0x5], $0x80, $0x38;
	[tilespmem:$0x16200] =	vst v63  }
0x1d1: {  	_ =	swait.ge [sflag:s0], $0x80  }
0x1d2: {  	[sflag:s0] =	ssyncset.done $0x0  }
0x1d3: {  	[sflag:s0] =	ssyncadd.s32 $0xFFFFFF80  }
0x1d4: {  	[hbm:s18], [sflag:s12] =	dma.local [spmem:s14], $0x1000  }
0x1d5: {  	_ =	swait.ge [sflag:s8], $0x1000  }
0x1d6: {  	[sflag:s8] =	ssyncset.done $0x0  }
0x1d7: {  	[sflag:s8] =	ssyncadd.s32 $0xFFFFF000  }
0x1d8: {  	[spmem:s1] =	stream.linear.scatter [tilespmem:s30], [sflag:$0x1], $0x2000, $0x38;
	[tilespmem:$0x16200] =	vst v63  }
0x1d9: {  	_ = 	snop  }
0x1da: {  	[spmem:s22] =	stream.linear.scatter [tilespmem:s30], [sflag:$0x1], $0x2000, $0x38;
	[tilespmem:$0x16200] =	vst v63  }
0x1db: {  	_ = 	snop  }
0x1dc: {  	[spmem:s23] =	stream.linear.scatter [tilespmem:s30], [sflag:$0x1], $0x2000, $0x38;
	[tilespmem:$0x16200] =	vst v63  }
0x1dd: {  	s16 =	sld [smem:$0x7F2]  }
0x1de: {  	[spmem:s24] =	stream.linear.scatter [tilespmem:s30], [sflag:$0x1], $0x2000, $0x38;
	[tilespmem:$0x16200] =	vst v63  }
0x1df: {  	_ = 	snop  }
0x1e0: {  	[tilespmem:s10], [sflag:$0x2] =	stream.linear.gather [hbm4b:s16+s10], $0x4000, $0x38;
	[tilespmem:$0x16200] =	vst v63  }
0x1e1: {  	s16 =	rddreg [dreg:$0xd]  }
0x1e2: {  	[tilespmem:s31], [sflag:$0x5] =	stream.linear.gather [hbm4b:s16+s10], $0x200, $0x38;
	[tilespmem:$0x16200] =	vst v63  }
0x1e3: {  	_ =	swait.ge [sflag:s0], $0x200  }
0x1e4: {  	[sflag:s0] =	ssyncset.done $0x0  }
0x1e5: {  	[sflag:s0] =	ssyncadd.s32 $0xFFFFFE00  }
0x1e6: {  	_ =	swait.ge [sflag:s2], $0x4000  }
0x1e7: {  	[sflag:s2] =	ssyncset.done $0x0  }
0x1e8: {  	[sflag:s2] =	ssyncadd.s32 $0xFFFFC000  }
0x1e9: {  	_ =	swait.ge [sflag:s3], $0x2000  }
0x1ea: {  	[sflag:s3] =	ssyncset.done $0x0  }
0x1eb: {  	[sflag:s3] =	ssyncadd.s32 $0xFFFFE000  }
0x1ec: {  	_ =	swait.ge [sflag:s3], $0x2000  }
0x1ed: {  	[sflag:s3] =	ssyncset.done $0x0  }
0x1ee: {  	[sflag:s3] =	ssyncadd.s32 $0xFFFFE000  }
0x1ef: {  	_ =	swait.ge [sflag:s3], $0x2000  }
0x1f0: {  	[sflag:s3] =	ssyncset.done $0x0  }
0x1f1: {  	[sflag:s3] =	ssyncadd.s32 $0xFFFFE000  }
0x1f2: {  	_ =	swait.ge [sflag:s3], $0x2000  }
0x1f3: {  	[sflag:s3] =	ssyncset.done $0x0  }
0x1f4: {  	[sflag:s3] =	ssyncadd.s32 $0xFFFFE000  }
0x1f5: {  	[spmem:s1] =	stream.indirect.scatter.add.f32 [tilespmem:s10], [sflag:$0x5], $0x80, s31, s4, $0xb8;
	[tilespmem:$0x16200] =	vst v63  }
0x1f6: {  	_ =	swait.ge [sflag:s0], $0x4000  }
0x1f7: {  	s16 =	sld [smem:$0x7F3]  }
0x1f8: {  	[sflag:s0] =	ssyncset.done $0x0  }
0x1f9: {  	[sflag:s0] =	ssyncadd.s32 $0xFFFFC000  }
0x1fa: {  	[tilespmem:s10], [sflag:$0x5] =	stream.linear.gather [hbm4b:s16+s10], $0x4000, $0x38;
	[tilespmem:$0x16200] =	vst v63  }
0x1fb: {  	_ =	swait.ge [sflag:s0], $0x4000  }
0x1fc: {  	[sflag:s0] =	ssyncset.done $0x0  }
0x1fd: {  	[sflag:s0] =	ssyncadd.s32 $0xFFFFC000  }
0x1fe: {  	[spmem:s1] =	stream.indirect.scatter.add.f32 [tilespmem:s10], [sflag:$0x5], $0x80, s5, s4, $0xb8;
	[tilespmem:$0x16200] =	vst v63  }
0x1ff: {  	_ =	swait.ge [sflag:s0], $0x4000  }
0x200: {  	s16 =	sld [smem:$0x7F4]  }
0x201: {  	[sflag:s0] =	ssyncset.done $0x0  }
0x202: {  	[sflag:s0] =	ssyncadd.s32 $0xFFFFC000  }
0x203: {  	[tilespmem:s10], [sflag:$0x5] =	stream.linear.gather [hbm4b:s16+s10], $0x4000, $0x38;
	[tilespmem:$0x16200] =	vst v63  }
0x204: {  	_ =	swait.ge [sflag:s0], $0x4000  }
0x205: {  	[sflag:s0] =	ssyncset.done $0x0  }
0x206: {  	[sflag:s0] =	ssyncadd.s32 $0xFFFFC000  }
0x207: {  	[spmem:s1] =	stream.indirect.scatter.add.f32 [tilespmem:s10], [sflag:$0x5], $0x80, s6, s4, $0xb8;
	[tilespmem:$0x16200] =	vst v63  }
0x208: {  	_ =	swait.ge [sflag:s0], $0x4000  }
0x209: {  	s16 =	sld [smem:$0x7F5]  }
0x20a: {  	[sflag:s0] =	ssyncset.done $0x0  }
0x20b: {  	[sflag:s0] =	ssyncadd.s32 $0xFFFFC000  }
0x20c: {  	[tilespmem:s10], [sflag:$0x5] =	stream.linear.gather [hbm4b:s16+s10], $0x4000, $0x38;
	[tilespmem:$0x16200] =	vst v63  }
0x20d: {  	_ =	swait.ge [sflag:s0], $0x4000  }
0x20e: {  	[sflag:s0] =	ssyncset.done $0x0  }
0x20f: {  	[sflag:s0] =	ssyncadd.s32 $0xFFFFC000  }
0x210: {  	[spmem:s1] =	stream.indirect.scatter.add.f32 [tilespmem:s10], [sflag:$0x5], $0x80, s7, s4, $0xb8;
	[tilespmem:$0x16200] =	vst v63  }
0x211: {  	_ =	swait.ge [sflag:s0], $0x4000  }
0x212: {  	[sflag:s0] =	ssyncset.done $0x0  }
0x213: {  	[sflag:s0] =	ssyncadd.s32 $0xFFFFC000  }
0x214: {  	[spmem:s1] =	stream.linear.scatter [tilespmem:s30], [sflag:$0x5], $0x80, $0x38;
	[tilespmem:$0x16200] =	vst v63  }
0x215: {  	_ =	swait.ge [sflag:s0], $0x80  }
0x216: {  	[sflag:s0] =	ssyncset.done $0x0  }
0x217: {  	[sflag:s0] =	ssyncadd.s32 $0xFFFFFF80  }
0x218: {  	[hbm:s19], [sflag:s13] =	dma.local [spmem:s15], $0x1000  }
0x219: {  	_ =	swait.ge [sflag:s9], $0x1000  }
0x21a: {  	[sflag:s9] =	ssyncset.done $0x0  }
0x21b: {  	[sflag:s9] =	ssyncadd.s32 $0xFFFFF000  }
0x21c: {  	[spmem:s25] =	stream.linear.scatter [tilespmem:s30], [sflag:$0x1], $0x2000, $0x38;
	[tilespmem:$0x16200] =	vst v63  }
0x21d: {  	_ = 	snop  }
0x21e: {  	[spmem:s26] =	stream.linear.scatter [tilespmem:s30], [sflag:$0x1], $0x2000, $0x38;
	[tilespmem:$0x16200] =	vst v63  }
0x21f: {  	_ = 	snop  }
0x220: {  	[spmem:s28] =	stream.linear.scatter [tilespmem:s30], [sflag:$0x1], $0x2000, $0x38;
	[tilespmem:$0x16200] =	vst v63  }
0x221: {  	s16 =	sld [smem:$0x7F6]  }
0x222: {  	[spmem:s29] =	stream.linear.scatter [tilespmem:s30], [sflag:$0x1], $0x2000, $0x38;
	[tilespmem:$0x16200] =	vst v63  }
0x223: {  	_ = 	snop  }
0x224: {  	[tilespmem:s10], [sflag:$0x2] =	stream.linear.gather [hbm4b:s16+s10], $0x4000, $0x38;
	[tilespmem:$0x16200] =	vst v63  }
0x225: {  	s15 =	rddreg [dreg:$0xe]  }
0x226: {  	[tilespmem:s31], [sflag:$0x5] =	stream.linear.gather [hbm4b:s15+s10], $0x200, $0x38;
	[tilespmem:$0x16200] =	vst v63  }
0x227: {  	_ =	swait.ge [sflag:s0], $0x200  }
0x228: {  	[sflag:s0] =	ssyncset.done $0x0  }
0x229: {  	[sflag:s0] =	ssyncadd.s32 $0xFFFFFE00  }
0x22a: {  	_ =	swait.ge [sflag:s2], $0x4000  }
0x22b: {  	[sflag:s2] =	ssyncset.done $0x0  }
0x22c: {  	[sflag:s2] =	ssyncadd.s32 $0xFFFFC000  }
0x22d: {  	_ =	swait.ge [sflag:s3], $0x2000  }
0x22e: {  	[sflag:s3] =	ssyncset.done $0x0  }
0x22f: {  	[sflag:s3] =	ssyncadd.s32 $0xFFFFE000  }
0x230: {  	_ =	swait.ge [sflag:s3], $0x2000  }
0x231: {  	[sflag:s3] =	ssyncset.done $0x0  }
0x232: {  	[sflag:s3] =	ssyncadd.s32 $0xFFFFE000  }
0x233: {  	_ =	swait.ge [sflag:s3], $0x2000  }
0x234: {  	[sflag:s3] =	ssyncset.done $0x0  }
0x235: {  	[sflag:s3] =	ssyncadd.s32 $0xFFFFE000  }
0x236: {  	_ =	swait.ge [sflag:s3], $0x2000  }
0x237: {  	[sflag:s3] =	ssyncset.done $0x0  }
0x238: {  	[sflag:s3] =	ssyncadd.s32 $0xFFFFE000  }
0x239: {  	[spmem:s25] =	stream.indirect.scatter.add.f32 [tilespmem:s10], [sflag:$0x5], $0x80, s31, s4, $0xb8;
	[tilespmem:$0x16200] =	vst v63  }
0x23a: {  	_ =	swait.ge [sflag:s0], $0x4000  }
0x23b: {  	s16 =	sld [smem:$0x7F7]  }
0x23c: {  	[sflag:s0] =	ssyncset.done $0x0  }
0x23d: {  	[sflag:s0] =	ssyncadd.s32 $0xFFFFC000  }
0x23e: {  	[tilespmem:s10], [sflag:$0x5] =	stream.linear.gather [hbm4b:s16+s10], $0x4000, $0x38;
	[tilespmem:$0x16200] =	vst v63  }
0x23f: {  	_ =	swait.ge [sflag:s0], $0x4000  }
0x240: {  	[sflag:s0] =	ssyncset.done $0x0  }
0x241: {  	[sflag:s0] =	ssyncadd.s32 $0xFFFFC000  }
0x242: {  	[spmem:s25] =	stream.indirect.scatter.add.f32 [tilespmem:s10], [sflag:$0x5], $0x80, s5, s4, $0xb8;
	[tilespmem:$0x16200] =	vst v63  }
0x243: {  	_ =	swait.ge [sflag:s0], $0x4000  }
0x244: {  	s15 =	sld [smem:$0x7F8]  }
0x245: {  	[sflag:s0] =	ssyncset.done $0x0  }
0x246: {  	[sflag:s0] =	ssyncadd.s32 $0xFFFFC000  }
0x247: {  	[tilespmem:s10], [sflag:$0x5] =	stream.linear.gather [hbm4b:s15+s10], $0x4000, $0x38;
	[tilespmem:$0x16200] =	vst v63  }
0x248: {  	_ =	swait.ge [sflag:s0], $0x4000  }
0x249: {  	[sflag:s0] =	ssyncset.done $0x0  }
0x24a: {  	[sflag:s0] =	ssyncadd.s32 $0xFFFFC000  }
0x24b: {  	[spmem:s25] =	stream.indirect.scatter.add.f32 [tilespmem:s10], [sflag:$0x5], $0x80, s6, s4, $0xb8;
	[tilespmem:$0x16200] =	vst v63  }
0x24c: {  	_ =	swait.ge [sflag:s0], $0x4000  }
0x24d: {  	s16 =	sld [smem:$0x7F9]  }
0x24e: {  	[sflag:s0] =	ssyncset.done $0x0  }
0x24f: {  	[sflag:s0] =	ssyncadd.s32 $0xFFFFC000  }
0x250: {  	[tilespmem:s10], [sflag:$0x5] =	stream.linear.gather [hbm4b:s16+s10], $0x4000, $0x38;
	[tilespmem:$0x16200] =	vst v63  }
0x251: {  	_ =	swait.ge [sflag:s0], $0x4000  }
0x252: {  	[sflag:s0] =	ssyncset.done $0x0  }
0x253: {  	[sflag:s0] =	ssyncadd.s32 $0xFFFFC000  }
0x254: {  	[spmem:s25] =	stream.indirect.scatter.add.f32 [tilespmem:s10], [sflag:$0x5], $0x80, s7, s4, $0xb8;
	[tilespmem:$0x16200] =	vst v63  }
0x255: {  	_ =	swait.ge [sflag:s0], $0x4000  }
0x256: {  	[sflag:s0] =	ssyncset.done $0x0  }
0x257: {  	[sflag:s0] =	ssyncadd.s32 $0xFFFFC000  }
0x258: {  	[spmem:s25] =	stream.linear.scatter [tilespmem:s30], [sflag:$0x5], $0x80, $0x38;
	[tilespmem:$0x16200] =	vst v63  }
0x259: {  	_ =	swait.ge [sflag:s0], $0x80  }
0x25a: {  	[sflag:s0] =	ssyncset.done $0x0  }
0x25b: {  	s11 =	sadd.s32 $0x1, s11;
	[sflag:s0] =	ssyncadd.s32 $0xFFFFFF80  }
0x25c: {  	[hbm:s20], [sflag:s12] =	dma.local [spmem:s14], $0x1000  }
0x25d: {  	p0 =	sne.s32 s11, s21;
	_ =	swait.ge [sflag:s8], $0x1000  }
.Ltmp1:
0x25e: {  	[sflag:s8] =	ssyncset.done $0x0;
	(pc) =	sbr.rel @p0 .LBB2_1-.Ltmp1, $4  }
0x25f: {  	[sflag:s8] =	ssyncadd.s32 $0xFFFFF000  }
0x260: {  	_ =	swait.ge [sflag:s9], $0x1000  }
0x261: {  	[sflag:s9] =	ssyncset.done $0x0  }
0x262: {  	[sflag:s9] =	ssyncadd.s32 $0xFFFFF000  }
0x263: {  	_ =	sfence.sel $0x180000  }
0x264: {  	[bflag:$0x0] =	sbarrier.arrive $0xFFFF  }
0x265: {  	_ =	strace $0x90000047  }
0x266: {  	s0 =	stileid.u32;
	[bflag:$0x2] =	sbarrier.arrive $0xFFFF  }
0x267: {  	p0 =	sne.s32 s0, $0x0;
	s0 =	rddreg [dreg:$0x4]  }
0x268: {  	s0 =	sadd.s32 @!p0 $0x100000, s0  }
0x269: {  	[sflag:s0] =	ssyncadd.tile.s32 @!p0 $0x1;
	_ =	shalt  }
.Lfunc_end2:
_tile_overlayer_lowered:
.L_overlay_start_2:
0x26a: {  	(tag) =	ssettag $0x2  }
0x26b: {  	s0 =	rddreg [dreg:$0x0];
	s2 =	stileid.u32  }
0x26c: {  	s1 =	rddreg [dreg:$0x1];
	p0 =	sne.s32 s2, $0x0  }
0x26d: {  	s3 =	rddreg [dreg:$0x2];
	[bflag:$0x3] =	sbarrier.arrive $0xFFFF;
	s2 =	simm.s32 @!p0 $0x1C05  }
0x26e: {  	[timem:s3], [sflag:s2] =	dma.local @!p0 [hbm:s0], s1  }
0x26f: {  	s0 =	simm.s32 @!p0 $0x5  }
0x270: {  	_ =	swait.ge @!p0 [sflag:s0], s1  }
0x271: {  	s1 =	ssub.s32 @!p0 $0x0, s1;
	[sflag:s0] =	ssyncset.done @!p0 $0x0  }
0x272: {  	[sflag:s0] =	ssyncadd.s32 @!p0 s1  }
0x273: {  	[bflag:$0x3] =	sbarrier.arrive $0xFFFF  }
0x274: {  	_ =	shalt  }

</sc_bundles>
